<compile_context>
chip_gen: v7x
topology: tpu7x:2x2x1
jax: 0.10.2.dev20260603
libtpu: 0.0.44.dev20260713+nightly
codegen_flags: <defaults>
</compile_context>

<pallas_src>
import functools

import jax
import jax.numpy as jnp
from jax import lax
from jax.experimental import pallas as pl
from jax.experimental.pallas import tpu as pltpu
from jax.experimental.pallas import tpu_sc as plsc

_F32 = jnp.float32

_NC, _NS = 2, 16
_NW = _NC * _NS
_CH = 200
_K = 2
_NB = 3


def _sc_mesh():
    return plsc.VectorSubcoreMesh(core_axis_name="c", subcore_axis_name="s",
                                  num_cores=_NC, num_subcores=_NS)



def _proj_body(x_ref, wr_ref, ws_ref, out_ref):
    x = x_ref[...]
    v = x.shape[0]
    out_ref[pl.ds(0, v), :] = jnp.dot(x, wr_ref[...], preferred_element_type=_F32)
    out_ref[pl.ds(v, v), :] = jnp.dot(x, ws_ref[...], preferred_element_type=_F32)


def _proj_tables(nodes_flat, w0r, w0s):
    v, d = nodes_flat.shape
    return pl.pallas_call(
        _proj_body,
        out_shape=jax.ShapeDtypeStruct((2 * v, d), _F32),
    )(nodes_flat, w0r, w0s)


def _edge_body(x_ref, gr_ref, gs_ref, w0_ref, b0_ref, w1_ref, b1_ref,
               w2_ref, b2_ref, g_ref, be_ref, eo_ref, en_ref):
    x = x_ref[...]
    h = jnp.dot(x, w0_ref[...], preferred_element_type=_F32)
    h = jnp.maximum(h + gr_ref[...] + gs_ref[...] + b0_ref[...], 0.0)
    h = jnp.maximum(jnp.dot(h, w1_ref[...], preferred_element_type=_F32) + b1_ref[...], 0.0)
    o = jnp.dot(h, w2_ref[...], preferred_element_type=_F32) + b2_ref[...]
    m = jnp.mean(o, axis=-1, keepdims=True)
    dd = o - m
    var = jnp.mean(dd * dd, axis=-1, keepdims=True)
    o = dd * lax.rsqrt(var + 1e-5) * g_ref[...] + be_ref[...]
    eo_ref[...] = o
    en_ref[...] = x + o


def _edge_mlp(edges, row_off, ek, gr, gs, w0e, b0, w1, b1, w2, b2, g, be):
    d = edges.shape[1]
    bm = 2000
    grid = ek // bm
    boff = row_off // bm
    erow = pl.BlockSpec((bm, d), lambda i: (boff + i, 0))
    row = pl.BlockSpec((bm, d), lambda i: (i, 0))
    full = pl.BlockSpec((d, d), lambda i: (0, 0))
    vec = pl.BlockSpec((1, d), lambda i: (0, 0))
    return pl.pallas_call(
        _edge_body,
        grid=(grid,),
        in_specs=[erow, row, row, full, vec, full, vec, full, vec, vec, vec],
        out_specs=(row, row),
        out_shape=(jax.ShapeDtypeStruct((ek, d), _F32),
                   jax.ShapeDtypeStruct((ek, d), _F32)),
    )(edges, gr, gs, w0e, b0, w1, b1, w2, b2, g, be)


def _node_body(*refs):
    (x_ref, wa_ref, wn_ref, b0_ref, w1_ref, b1_ref,
     w2_ref, b2_ref, g_ref, bn_ref, out_ref) = refs[-11:]
    p_refs = refs[:-11]
    agg = p_refs[0][0] + p_refs[0][1]
    for pr in p_refs[1:]:
        agg = agg + pr[0] + pr[1]
    x = x_ref[...]
    h = (jnp.dot(agg, wa_ref[...], preferred_element_type=_F32)
         + jnp.dot(x, wn_ref[...], preferred_element_type=_F32) + b0_ref[...])
    h = jnp.maximum(h, 0.0)
    h = jnp.maximum(jnp.dot(h, w1_ref[...], preferred_element_type=_F32) + b1_ref[...], 0.0)
    o = jnp.dot(h, w2_ref[...], preferred_element_type=_F32) + b2_ref[...]
    m = jnp.mean(o, axis=-1, keepdims=True)
    dd = o - m
    var = jnp.mean(dd * dd, axis=-1, keepdims=True)
    o = dd * lax.rsqrt(var + 1e-5) * g_ref[...] + bn_ref[...]
    out_ref[...] = x + o


def _node_mlp(partials, nodes_flat, wa, wn, b0, w1, b1, w2, b2, g, bn):
    v, d = nodes_flat.shape
    bm = v // 8
    grid = v // bm
    prow = pl.BlockSpec((2, bm, d), lambda i: (0, i, 0))
    row = pl.BlockSpec((bm, d), lambda i: (i, 0))
    full = pl.BlockSpec((d, d), lambda i: (0, 0))
    vec = pl.BlockSpec((1, d), lambda i: (0, 0))
    return pl.pallas_call(
        _node_body,
        grid=(grid,),
        in_specs=[prow] * len(partials) + [row, full, full, vec, full, vec, full, vec, vec, vec],
        out_specs=row,
        out_shape=jax.ShapeDtypeStruct((v, d), _F32),
    )(*partials, nodes_flat, wa, wn, b0, w1, b1, w2, b2, g, bn)



def _gather(table, idx3d, ek):
    dp = table.shape[1]
    rpt = ek // _NW
    n_ch = rpt // _CH
    t_tot = 2 * n_ch
    n_grp = -(-t_tot // _NB)
    @functools.partial(
        pl.kernel, mesh=_sc_mesh(),
        out_type=(jax.ShapeDtypeStruct((ek, dp), _F32),
                  jax.ShapeDtypeStruct((ek, dp), _F32)),
        scratch_types=[pltpu.VMEM((_CH,), jnp.int32) for _ in range(_NB)]
        + [pltpu.VMEM((_CH, dp), _F32)] * _NB
        + [pltpu.SemaphoreType.DMA] * (3 * _NB),
    )
    def gather_k(table_hbm, idx_hbm, gr_hbm, gs_hbm, *rest):
        ibufs = rest[:_NB]
        bufs = rest[_NB:2 * _NB]
        isems = rest[2 * _NB:3 * _NB]
        gsems = rest[3 * _NB:4 * _NB]
        wsems = rest[4 * _NB:]
        wid = lax.axis_index("s") * _NC + lax.axis_index("c")
        base = wid * rpt

        def start_idx(j, b):
            pltpu.make_async_copy(idx_hbm.at[wid, j], ibufs[b], isems[b]).start()

        def start_gather(b):
            pltpu.make_async_copy(table_hbm.at[ibufs[b]], bufs[b], gsems[b]).start()

        def wait_idx(b):
            pltpu.make_async_copy(idx_hbm.at[wid, 0], ibufs[b], isems[b]).wait()

        def wait_gather(b):
            pltpu.make_async_copy(table_hbm.at[ibufs[b]], bufs[b], gsems[b]).wait()

        def wait_wb(b):
            pltpu.make_async_copy(bufs[b], gr_hbm.at[pl.ds(base, _CH)], wsems[b]).wait()

        for b in range(_NB):
            start_idx(b, b)
        for b in range(_NB):
            wait_idx(b)
            start_gather(b)

        def group(g, carry):
            for b in range(_NB):
                j = g * _NB + b
                jn = j + _NB

                @pl.when(j < t_tot)
                def _(j=j, b=b):
                    wait_gather(b)

                    @pl.when(j < n_ch)
                    def _():
                        pltpu.make_async_copy(
                            bufs[b], gr_hbm.at[pl.ds(base + j * _CH, _CH)], wsems[b]).start()

                    @pl.when(j >= n_ch)
                    def _():
                        pltpu.make_async_copy(
                            bufs[b], gs_hbm.at[pl.ds(base + (j - n_ch) * _CH, _CH)], wsems[b]).start()

                @pl.when(jn < t_tot)
                def _(jn=jn, b=b):
                    start_idx(jn, b)

            for b in range(_NB):
                jn = g * _NB + b + _NB

                @pl.when(jn < t_tot)
                def _(jn=jn, b=b):
                    wait_wb(b)
                    wait_idx(b)
                    start_gather(b)

            return carry

        lax.fori_loop(0, n_grp, group, 0)
        for b in range(_NB):
            wait_wb(b)

    return gather_k(table, idx3d)


def _scatter_add(eo, idx, zeros):
    e, d = eo.shape
    v = zeros.shape[0]
    rpt = e // _NW
    n_ch = rpt // _CH
    vpt = v // _NS

    @functools.partial(
        pl.kernel, mesh=_sc_mesh(),
        out_type=jax.ShapeDtypeStruct((_NC, v, d), _F32),
        scratch_types=[pltpu.VMEM((_CH,), jnp.int32) for _ in range(2)]
        + [pltpu.VMEM((_CH, d), _F32),
           pltpu.VMEM_SHARED((v, d), _F32)]
        + [pltpu.SemaphoreType.DMA] * 2,
    )
    def scatter_k(eo_hbm, idx_hbm, zeros_hbm, out_hbm, ib0, ib1, rows_v,
                  acc_sh, is0, is1):
        ibufs, isems = (ib0, ib1), (is0, is1)
        cid = lax.axis_index("c")
        sid = lax.axis_index("s")
        wid = sid * _NC + cid
        base = wid * rpt

        def start_idx(j, b):
            pltpu.make_async_copy(idx_hbm.at[pl.ds(base + j * _CH, _CH)],
                                  ibufs[b], isems[b]).start()

        def wait_idx(b):
            pltpu.make_async_copy(idx_hbm.at[pl.ds(base, _CH)],
                                  ibufs[b], isems[b]).wait()

        for b in range(2):
            start_idx(b, b)
        pltpu.sync_copy(zeros_hbm.at[pl.ds(sid * vpt, vpt)],
                        acc_sh.at[pl.ds(sid * vpt, vpt)])
        plsc.subcore_barrier()

        def group(g, carry):
            for b in range(2):
                j = g * 2 + b
                jn = j + 2

                @pl.when(j < n_ch)
                def _(j=j, jn=jn, b=b):
                    pltpu.sync_copy(eo_hbm.at[pl.ds(base + j * _CH, _CH)], rows_v)
                    wait_idx(b)
                    pltpu.sync_copy(rows_v, acc_sh.at[ibufs[b]], add=True)

                    @pl.when(jn < n_ch)
                    def _():
                        start_idx(jn, b)

            return carry

        lax.fori_loop(0, -(-n_ch // 2), group, 0)
        plsc.subcore_barrier()
        pltpu.sync_copy(acc_sh.at[pl.ds(sid * vpt, vpt)],
                        out_hbm.at[cid, pl.ds(sid * vpt, vpt)])

    return scatter_k(eo, idx, zeros)



def kernel(nodes, edges, neighbor_idxs, params):
    b, n, d = nodes.shape
    e = edges.shape[0]
    v = b * n
    vp = -(-v // 256) * 256
    ni = neighbor_idxs.astype(jnp.int32)
    flat_r = ni[:, 0] * n + ni[:, 1]
    flat_s = ni[:, 0] * n + ni[:, 2] + vp
    zeros = jnp.zeros((vp, d), _F32)
    x_nodes = jnp.zeros((vp, d), _F32).at[:v].set(nodes.reshape(v, d))
    x_edges = edges

    ek = e // _K
    n_ch_g = (ek // _NW) // _CH
    n_ch_s = (ek // _NW) // _CH
    idx_g, idx_s = [], []
    for k in range(_K):
        fr = lax.dynamic_slice_in_dim(flat_r, k * ek, ek)
        fs = lax.dynamic_slice_in_dim(flat_s, k * ek, ek)
        idx_g.append(jnp.concatenate([fr.reshape(_NW, n_ch_g, _CH),
                                      fs.reshape(_NW, n_ch_g, _CH)], axis=1))
        idx_s.append(fr)

    for layer in params:
        (w0, b0), (w1, b1), (w2, b2) = layer["edge_mlp"]
        g_e, be = layer["edge_ln"]
        w0e, w0r, w0s = w0[:d], w0[d:2 * d], w0[2 * d:]
        table = _proj_tables(x_nodes, w0r, w0s)
        partials, en_chunks = [], []
        for k in range(_K):
            gr, gs = _gather(table, idx_g[k], ek)
            if isinstance(x_edges, list):
                e_arr, off = x_edges[k], 0
            else:
                e_arr, off = x_edges, k * ek
            eo2, en = _edge_mlp(e_arr, off, ek, gr, gs, w0e, b0.reshape(1, d),
                                w1, b1.reshape(1, d), w2, b2.reshape(1, d),
                                g_e.reshape(1, d), be.reshape(1, d))
            en_chunks.append(en)
            partials.append(_scatter_add(eo2, idx_s[k], zeros))
        x_edges = en_chunks
        (wn0, nb0), (wn1, nb1), (wn2, nb2) = layer["node_mlp"]
        g_n, bn = layer["node_ln"]
        wa, wn = wn0[:d], wn0[d:]
        x_nodes = _node_mlp(partials, x_nodes, wa, wn, nb0.reshape(1, d), wn1,
                            nb1.reshape(1, d), wn2, nb2.reshape(1, d),
                            g_n.reshape(1, d), bn.reshape(1, d))

    return (x_nodes[:v].reshape(b, n, d),
            jnp.concatenate(x_edges, axis=0), neighbor_idxs)

# --- scband reference (transcript-rebuilt; emitter-appended) ---
"""Pipeline reference for scband-processor-2241972929028 (READ-ONLY COPY).

The authoritative reference and input builder live on the scoring server;
editing this copy changes nothing except your own understanding.
"""

import jax, jax.numpy as jnp
import numpy as np

N_LAYERS = 2
NODE_DIM = 128
EDGE_DIM = 128
HIDDEN = 128
N_HIDDEN = 2
B, N, E = 100, 100, 320000


def _init_mlp(key, in_dim, out_dim, hidden=HIDDEN, n_hidden=N_HIDDEN):
    dims = [in_dim] + [hidden] * n_hidden + [out_dim]
    params = []
    for i in range(len(dims) - 1):
        key, k1 = jax.random.split(key)
        W = jax.random.normal(k1, (dims[i], dims[i + 1]), jnp.float32) / np.sqrt(dims[i])
        b = jnp.zeros((dims[i + 1],), jnp.float32)
        params.append((W, b))
    return params


def setup_inputs(seed: int = 0):
    key = jax.random.key(seed)
    ks = jax.random.split(key, 4)
    nodes = jax.random.normal(ks[0], (B, N, NODE_DIM), jnp.float32)
    edges = jax.random.normal(ks[1], (E, EDGE_DIM), jnp.float32)
    neighbor_idxs = jax.random.randint(ks[2], (E, 3), 0, N).astype(jnp.int64) if jax.config.jax_enable_x64 else jax.random.randint(ks[2], (E, 3), 0, N)
    params = []
    pk = ks[3]
    for _ in range(N_LAYERS):
        pk, k_e, k_n = jax.random.split(pk, 3)
        layer = {
            "edge_mlp": _init_mlp(k_e, EDGE_DIM + 2 * NODE_DIM, EDGE_DIM),
            "edge_ln": (jnp.ones((EDGE_DIM,), jnp.float32), jnp.zeros((EDGE_DIM,), jnp.float32)),
            "node_mlp": _init_mlp(k_n, EDGE_DIM + NODE_DIM, NODE_DIM),
            "node_ln": (jnp.ones((NODE_DIM,), jnp.float32), jnp.zeros((NODE_DIM,), jnp.float32)),
        }
        params.append(layer)
    return {"nodes": nodes, "edges": edges, "neighbor_idxs": neighbor_idxs, "params": params}


def _mlp(p, x):
    for W, b in p[:-1]:
        x = jax.nn.relu(x @ W + b)
    W, b = p[-1]
    return x @ W + b


def _ln(x, g, b, eps=1e-5):
    m = jnp.mean(x, axis=-1, keepdims=True)
    v = jnp.var(x, axis=-1, keepdims=True)
    return (x - m) / jnp.sqrt(v + eps) * g + b


def reference(nodes, edges, neighbor_idxs, params):
    Bn, Nn = nodes.shape[0], nodes.shape[1]
    scatter_index = neighbor_idxs[:, 0] * Nn + neighbor_idxs[:, 1]
    for layer in params:
        receivers = nodes[neighbor_idxs[:, 0], neighbor_idxs[:, 1]]
        senders = nodes[neighbor_idxs[:, 0], neighbor_idxs[:, 2]]
        edges_out = _ln(_mlp(layer["edge_mlp"], jnp.concatenate([edges, receivers, senders], axis=-1)), *layer["edge_ln"])
        agg = jnp.zeros((Bn * Nn, edges_out.shape[-1]), edges_out.dtype).at[scatter_index].add(edges_out)
        agg = agg.reshape(Bn, Nn, -1)
        nodes_out = _ln(_mlp(layer["node_mlp"], jnp.concatenate([agg, nodes], axis=-1)), *layer["node_ln"])
        edges = edges + edges_out
        nodes = nodes + nodes_out
    return (nodes, edges, neighbor_idxs)

if __name__ == "__main__":
    import jax
    _d = setup_inputs()
    print(jax.jit(kernel)(*tuple(_d.values())))

</pallas_src>

<mosaic_0001>
#map = affine_map<(d0, d1) -> (0, 0)>
#map1 = affine_map<(d0, d1) -> (0, 0, 0)>
module attributes {stable_mosaic.version = 14 : i64} {
  func.func @gather_k(%arg0: i32, %arg1: i32, %arg2: memref<20480x128xf32, #tpu.memory_space<hbm>>, %arg3: memref<32x50x200xi32, #tpu.memory_space<hbm>>, %arg4: memref<160000x128xf32, #tpu.memory_space<hbm>>, %arg5: memref<160000x128xf32, #tpu.memory_space<hbm>>, %arg6: memref<200xi32, #tpu.memory_space<vmem>>, %arg7: memref<200xi32, #tpu.memory_space<vmem>>, %arg8: memref<200xi32, #tpu.memory_space<vmem>>, %arg9: memref<200x128xf32, #tpu.memory_space<vmem>>, %arg10: memref<200x128xf32, #tpu.memory_space<vmem>>, %arg11: memref<200x128xf32, #tpu.memory_space<vmem>>, %arg12: memref<!tpu.dma_semaphore, #tpu.memory_space<semaphore_mem>>, %arg13: memref<!tpu.dma_semaphore, #tpu.memory_space<semaphore_mem>>, %arg14: memref<!tpu.dma_semaphore, #tpu.memory_space<semaphore_mem>>, %arg15: memref<!tpu.dma_semaphore, #tpu.memory_space<semaphore_mem>>, %arg16: memref<!tpu.dma_semaphore, #tpu.memory_space<semaphore_mem>>, %arg17: memref<!tpu.dma_semaphore, #tpu.memory_space<semaphore_mem>>, %arg18: memref<!tpu.dma_semaphore, #tpu.memory_space<semaphore_mem>>, %arg19: memref<!tpu.dma_semaphore, #tpu.memory_space<semaphore_mem>>, %arg20: memref<!tpu.dma_semaphore, #tpu.memory_space<semaphore_mem>>) attributes {dimension_semantics = [#tpu.dimension_semantics<core_parallel>, #tpu.dimension_semantics<subcore_parallel>], iteration_bounds = array<i64: 2, 16>, scalar_prefetch = 0 : i64, scratch_operands = 15 : i64, tpu.core_type = #tpu.core_type<sc_vector_subcore>, window_params = [{transform_indices = #map}, {transform_indices = #map1}, {transform_indices = #map}, {transform_indices = #map}]} {
    %mul3A = arith.constant 2 : i32
    %mul3A_0 = arith.muli %arg1, %mul3A : i32
    %add3A = arith.addi %mul3A_0, %arg0 : i32
    %mul3A_1 = arith.constant 5000 : i32
    %mul3A_2 = arith.muli %add3A, %mul3A_1 : i32
    %dma_start3A = arith.constant 0 : i32
    %dma_start3A_3 = arith.constant 0 : i32
    %dma_start3A_4 = tpu.memref_slice %arg3[%add3A, %dma_start3A, %dma_start3A_3] : memref<32x50x200xi32, #tpu.memory_space<hbm>> -> memref<1x1x200xi32, #tpu.memory_space<hbm>>
    %dma_start3A_5 = tpu.memref_squeeze %dma_start3A_4 : memref<1x1x200xi32, #tpu.memory_space<hbm>> -> memref<200xi32, #tpu.memory_space<hbm>>
    %dma_start3A_6 = arith.constant 0 : i32
    %dma_start3A_7 = tpu.memref_slice %arg3[%add3A, %dma_start3A, %dma_start3A_6] : memref<32x50x200xi32, #tpu.memory_space<hbm>> -> memref<1x1x200xi32, #tpu.memory_space<hbm>>
    %dma_start3A_8 = tpu.memref_squeeze %dma_start3A_7 : memref<1x1x200xi32, #tpu.memory_space<hbm>> -> memref<200xi32, #tpu.memory_space<hbm>>
    tpu.enqueue_dma source(%dma_start3A_8 : memref<200xi32, #tpu.memory_space<hbm>>) target(%arg6 : memref<200xi32, #tpu.memory_space<vmem>>) target_semaphore(%arg12 : memref<!tpu.dma_semaphore, #tpu.memory_space<semaphore_mem>>)
    %dma_start3A_9 = arith.constant 1 : i32
    %dma_start3A_10 = arith.constant 0 : i32
    %dma_start3A_11 = tpu.memref_slice %arg3[%add3A, %dma_start3A_9, %dma_start3A_10] : memref<32x50x200xi32, #tpu.memory_space<hbm>> -> memref<1x1x200xi32, #tpu.memory_space<hbm>>
    %dma_start3A_12 = tpu.memref_squeeze %dma_start3A_11 : memref<1x1x200xi32, #tpu.memory_space<hbm>> -> memref<200xi32, #tpu.memory_space<hbm>>
    %dma_start3A_13 = arith.constant 0 : i32
    %dma_start3A_14 = tpu.memref_slice %arg3[%add3A, %dma_start3A_9, %dma_start3A_13] : memref<32x50x200xi32, #tpu.memory_space<hbm>> -> memref<1x1x200xi32, #tpu.memory_space<hbm>>
    %dma_start3A_15 = tpu.memref_squeeze %dma_start3A_14 : memref<1x1x200xi32, #tpu.memory_space<hbm>> -> memref<200xi32, #tpu.memory_space<hbm>>
    tpu.enqueue_dma source(%dma_start3A_15 : memref<200xi32, #tpu.memory_space<hbm>>) target(%arg7 : memref<200xi32, #tpu.memory_space<vmem>>) target_semaphore(%arg13 : memref<!tpu.dma_semaphore, #tpu.memory_space<semaphore_mem>>)
    %dma_start3A_16 = arith.constant 2 : i32
    %dma_start3A_17 = arith.constant 0 : i32
    %dma_start3A_18 = tpu.memref_slice %arg3[%add3A, %dma_start3A_16, %dma_start3A_17] : memref<32x50x200xi32, #tpu.memory_space<hbm>> -> memref<1x1x200xi32, #tpu.memory_space<hbm>>
    %dma_start3A_19 = tpu.memref_squeeze %dma_start3A_18 : memref<1x1x200xi32, #tpu.memory_space<hbm>> -> memref<200xi32, #tpu.memory_space<hbm>>
    %dma_start3A_20 = arith.constant 0 : i32
    %dma_start3A_21 = tpu.memref_slice %arg3[%add3A, %dma_start3A_16, %dma_start3A_20] : memref<32x50x200xi32, #tpu.memory_space<hbm>> -> memref<1x1x200xi32, #tpu.memory_space<hbm>>
    %dma_start3A_22 = tpu.memref_squeeze %dma_start3A_21 : memref<1x1x200xi32, #tpu.memory_space<hbm>> -> memref<200xi32, #tpu.memory_space<hbm>>
    tpu.enqueue_dma source(%dma_start3A_22 : memref<200xi32, #tpu.memory_space<hbm>>) target(%arg8 : memref<200xi32, #tpu.memory_space<vmem>>) target_semaphore(%arg14 : memref<!tpu.dma_semaphore, #tpu.memory_space<semaphore_mem>>)
    %dma_wait3A = arith.constant 0 : i32
    %dma_wait3A_23 = arith.constant 0 : i32
    %dma_wait3A_24 = tpu.memref_slice %arg3[%add3A, %dma_wait3A, %dma_wait3A_23] : memref<32x50x200xi32, #tpu.memory_space<hbm>> -> memref<1x1x200xi32, #tpu.memory_space<hbm>>
    %dma_wait3A_25 = tpu.memref_squeeze %dma_wait3A_24 : memref<1x1x200xi32, #tpu.memory_space<hbm>> -> memref<200xi32, #tpu.memory_space<hbm>>
    %dma_wait3A_26 = arith.constant 0 : i32
    %dma_wait3A_27 = tpu.memref_slice %arg3[%add3A, %dma_wait3A, %dma_wait3A_26] : memref<32x50x200xi32, #tpu.memory_space<hbm>> -> memref<1x1x200xi32, #tpu.memory_space<hbm>>
    %dma_wait3A_28 = tpu.memref_squeeze %dma_wait3A_27 : memref<1x1x200xi32, #tpu.memory_space<hbm>> -> memref<200xi32, #tpu.memory_space<hbm>>
    tpu.wait_dma2 semaphore(%arg12 : memref<!tpu.dma_semaphore, #tpu.memory_space<semaphore_mem>>) src(%dma_wait3A_28 : memref<200xi32, #tpu.memory_space<hbm>>) dst(%arg6 : memref<200xi32, #tpu.memory_space<vmem>>)
    %dma_start3A_29 = arith.constant 0 : i32
    %dma_start3A_30 = arith.constant 0 : i32
    %dma_start3A_31 = tpu.memref_slice %arg2[%dma_start3A_29, %dma_start3A_30] : memref<20480x128xf32, #tpu.memory_space<hbm>> -> memref<20480x128xf32, #tpu.memory_space<hbm>>
    tpu.enqueue_indirect_dma source(%dma_start3A_31 : memref<20480x128xf32, #tpu.memory_space<hbm>>) target(%arg9 : memref<200x128xf32, #tpu.memory_space<vmem>>) offsets(%arg6 : memref<200xi32, #tpu.memory_space<vmem>>) semaphore(%arg15 : memref<!tpu.dma_semaphore, #tpu.memory_space<semaphore_mem>>)
    %dma_wait3A_32 = arith.constant 0 : i32
    %dma_wait3A_33 = arith.constant 0 : i32
    %dma_wait3A_34 = tpu.memref_slice %arg3[%add3A, %dma_wait3A_32, %dma_wait3A_33] : memref<32x50x200xi32, #tpu.memory_space<hbm>> -> memref<1x1x200xi32, #tpu.memory_space<hbm>>
    %dma_wait3A_35 = tpu.memref_squeeze %dma_wait3A_34 : memref<1x1x200xi32, #tpu.memory_space<hbm>> -> memref<200xi32, #tpu.memory_space<hbm>>
    %dma_wait3A_36 = arith.constant 0 : i32
    %dma_wait3A_37 = tpu.memref_slice %arg3[%add3A, %dma_wait3A_32, %dma_wait3A_36] : memref<32x50x200xi32, #tpu.memory_space<hbm>> -> memref<1x1x200xi32, #tpu.memory_space<hbm>>
    %dma_wait3A_38 = tpu.memref_squeeze %dma_wait3A_37 : memref<1x1x200xi32, #tpu.memory_space<hbm>> -> memref<200xi32, #tpu.memory_space<hbm>>
    tpu.wait_dma2 semaphore(%arg13 : memref<!tpu.dma_semaphore, #tpu.memory_space<semaphore_mem>>) src(%dma_wait3A_38 : memref<200xi32, #tpu.memory_space<hbm>>) dst(%arg7 : memref<200xi32, #tpu.memory_space<vmem>>)
    %dma_start3A_39 = arith.constant 0 : i32
    %dma_start3A_40 = arith.constant 0 : i32
    %dma_start3A_41 = tpu.memref_slice %arg2[%dma_start3A_39, %dma_start3A_40] : memref<20480x128xf32, #tpu.memory_space<hbm>> -> memref<20480x128xf32, #tpu.memory_space<hbm>>
    tpu.enqueue_indirect_dma source(%dma_start3A_41 : memref<20480x128xf32, #tpu.memory_space<hbm>>) target(%arg10 : memref<200x128xf32, #tpu.memory_space<vmem>>) offsets(%arg7 : memref<200xi32, #tpu.memory_space<vmem>>) semaphore(%arg16 : memref<!tpu.dma_semaphore, #tpu.memory_space<semaphore_mem>>)
    %dma_wait3A_42 = arith.constant 0 : i32
    %dma_wait3A_43 = arith.constant 0 : i32
    %dma_wait3A_44 = tpu.memref_slice %arg3[%add3A, %dma_wait3A_42, %dma_wait3A_43] : memref<32x50x200xi32, #tpu.memory_space<hbm>> -> memref<1x1x200xi32, #tpu.memory_space<hbm>>
    %dma_wait3A_45 = tpu.memref_squeeze %dma_wait3A_44 : memref<1x1x200xi32, #tpu.memory_space<hbm>> -> memref<200xi32, #tpu.memory_space<hbm>>
    %dma_wait3A_46 = arith.constant 0 : i32
    %dma_wait3A_47 = tpu.memref_slice %arg3[%add3A, %dma_wait3A_42, %dma_wait3A_46] : memref<32x50x200xi32, #tpu.memory_space<hbm>> -> memref<1x1x200xi32, #tpu.memory_space<hbm>>
    %dma_wait3A_48 = tpu.memref_squeeze %dma_wait3A_47 : memref<1x1x200xi32, #tpu.memory_space<hbm>> -> memref<200xi32, #tpu.memory_space<hbm>>
    tpu.wait_dma2 semaphore(%arg14 : memref<!tpu.dma_semaphore, #tpu.memory_space<semaphore_mem>>) src(%dma_wait3A_48 : memref<200xi32, #tpu.memory_space<hbm>>) dst(%arg8 : memref<200xi32, #tpu.memory_space<vmem>>)
    %dma_start3A_49 = arith.constant 0 : i32
    %dma_start3A_50 = arith.constant 0 : i32
    %dma_start3A_51 = tpu.memref_slice %arg2[%dma_start3A_49, %dma_start3A_50] : memref<20480x128xf32, #tpu.memory_space<hbm>> -> memref<20480x128xf32, #tpu.memory_space<hbm>>
    tpu.enqueue_indirect_dma source(%dma_start3A_51 : memref<20480x128xf32, #tpu.memory_space<hbm>>) target(%arg11 : memref<200x128xf32, #tpu.memory_space<vmem>>) offsets(%arg8 : memref<200xi32, #tpu.memory_space<vmem>>) semaphore(%arg17 : memref<!tpu.dma_semaphore, #tpu.memory_space<semaphore_mem>>)
    %scan3A = arith.constant 0 : i32
    %scan3A_52 = arith.constant 0 : i32
    %scan3A_53 = arith.constant 17 : i32
    %scan3A_54 = arith.addi %scan3A_52, %scan3A_53 : i32
    %scan3A_55 = arith.constant 1 : i32
    scf.for %scan3A_69 = %scan3A_52 to %scan3A_54 step %scan3A_55  : i32 {
      %mul3A_70 = arith.constant 3 : i32
      %mul3A_71 = arith.muli %scan3A_69, %mul3A_70 : i32
      %add3A_72 = arith.constant 0 : i32
      %add3A_73 = arith.addi %mul3A_71, %add3A_72 : i32
      %add3A_74 = arith.constant 3 : i32
      %add3A_75 = arith.addi %add3A_73, %add3A_74 : i32
      %lt3A = arith.constant 50 : i32
      %lt3A_76 = arith.cmpi slt, %add3A_73, %lt3A : i32
      %convert_element_type3A = arith.extui %lt3A_76 : i1 to i32
      %cond3A = arith.constant 0 : i32
      %cond3A_77 = arith.cmpi ne, %convert_element_type3A, %cond3A : i32
      scf.if %cond3A_77 {
        %dma_wait3A_148 = arith.constant 0 : i32
        %dma_wait3A_149 = arith.constant 0 : i32
        %dma_wait3A_150 = tpu.memref_slice %arg2[%dma_wait3A_148, %dma_wait3A_149] : memref<20480x128xf32, #tpu.memory_space<hbm>> -> memref<20480x128xf32, #tpu.memory_space<hbm>>
        tpu.wait_indirect_dma semaphore(%arg15 : memref<!tpu.dma_semaphore, #tpu.memory_space<semaphore_mem>>) src(%dma_wait3A_150 : memref<20480x128xf32, #tpu.memory_space<hbm>>) dst(%arg9 : memref<200x128xf32, #tpu.memory_space<vmem>>)
        %lt3A_151 = arith.constant 25 : i32
        %lt3A_152 = arith.cmpi slt, %add3A_73, %lt3A_151 : i32
        %convert_element_type3A_153 = arith.extui %lt3A_152 : i1 to i32
        %cond3A_154 = arith.constant 0 : i32
        %cond3A_155 = arith.cmpi ne, %convert_element_type3A_153, %cond3A_154 : i32
        scf.if %cond3A_155 {
          %mul3A_160 = arith.constant 200 : i32
          %mul3A_161 = arith.muli %add3A_73, %mul3A_160 : i32
          %add3A_162 = arith.addi %mul3A_2, %mul3A_161 : i32
          %dma_start3A_163 = arith.constant 0 : i32
          %dma_start3A_164 = tpu.memref_slice %arg4[%add3A_162, %dma_start3A_163] : memref<160000x128xf32, #tpu.memory_space<hbm>> -> memref<200x128xf32, #tpu.memory_space<hbm>>
          %dma_start3A_165 = arith.constant 0 : i32
          %dma_start3A_166 = tpu.memref_slice %arg4[%add3A_162, %dma_start3A_165] : memref<160000x128xf32, #tpu.memory_space<hbm>> -> memref<200x128xf32, #tpu.memory_space<hbm>>
          tpu.enqueue_dma source(%arg9 : memref<200x128xf32, #tpu.memory_space<vmem>>) target(%dma_start3A_166 : memref<200x128xf32, #tpu.memory_space<hbm>>) target_semaphore(%arg18 : memref<!tpu.dma_semaphore, #tpu.memory_space<semaphore_mem>>)
        } else {
        }
        %ge3A = arith.constant 25 : i32
        %ge3A_156 = arith.cmpi sge, %add3A_73, %ge3A : i32
        %convert_element_type3A_157 = arith.extui %ge3A_156 : i1 to i32
        %cond3A_158 = arith.constant 0 : i32
        %cond3A_159 = arith.cmpi ne, %convert_element_type3A_157, %cond3A_158 : i32
        scf.if %cond3A_159 {
          %sub3A = arith.constant 25 : i32
          %sub3A_160 = arith.subi %add3A_73, %sub3A : i32
          %mul3A_161 = arith.constant 200 : i32
          %mul3A_162 = arith.muli %sub3A_160, %mul3A_161 : i32
          %add3A_163 = arith.addi %mul3A_2, %mul3A_162 : i32
          %dma_start3A_164 = arith.constant 0 : i32
          %dma_start3A_165 = tpu.memref_slice %arg5[%add3A_163, %dma_start3A_164] : memref<160000x128xf32, #tpu.memory_space<hbm>> -> memref<200x128xf32, #tpu.memory_space<hbm>>
          %dma_start3A_166 = arith.constant 0 : i32
          %dma_start3A_167 = tpu.memref_slice %arg5[%add3A_163, %dma_start3A_166] : memref<160000x128xf32, #tpu.memory_space<hbm>> -> memref<200x128xf32, #tpu.memory_space<hbm>>
          tpu.enqueue_dma source(%arg9 : memref<200x128xf32, #tpu.memory_space<vmem>>) target(%dma_start3A_167 : memref<200x128xf32, #tpu.memory_space<hbm>>) target_semaphore(%arg18 : memref<!tpu.dma_semaphore, #tpu.memory_space<semaphore_mem>>)
        } else {
        }
      } else {
      }
      %lt3A_78 = arith.constant 50 : i32
      %lt3A_79 = arith.cmpi slt, %add3A_75, %lt3A_78 : i32
      %convert_element_type3A_80 = arith.extui %lt3A_79 : i1 to i32
      %cond3A_81 = arith.constant 0 : i32
      %cond3A_82 = arith.cmpi ne, %convert_element_type3A_80, %cond3A_81 : i32
      scf.if %cond3A_82 {
        %dma_start3A_148 = arith.constant 0 : i32
        %dma_start3A_149 = tpu.memref_slice %arg3[%add3A, %add3A_75, %dma_start3A_148] : memref<32x50x200xi32, #tpu.memory_space<hbm>> -> memref<1x1x200xi32, #tpu.memory_space<hbm>>
        %dma_start3A_150 = tpu.memref_squeeze %dma_start3A_149 : memref<1x1x200xi32, #tpu.memory_space<hbm>> -> memref<200xi32, #tpu.memory_space<hbm>>
        %dma_start3A_151 = arith.constant 0 : i32
        %dma_start3A_152 = tpu.memref_slice %arg3[%add3A, %add3A_75, %dma_start3A_151] : memref<32x50x200xi32, #tpu.memory_space<hbm>> -> memref<1x1x200xi32, #tpu.memory_space<hbm>>
        %dma_start3A_153 = tpu.memref_squeeze %dma_start3A_152 : memref<1x1x200xi32, #tpu.memory_space<hbm>> -> memref<200xi32, #tpu.memory_space<hbm>>
        tpu.enqueue_dma source(%dma_start3A_153 : memref<200xi32, #tpu.memory_space<hbm>>) target(%arg6 : memref<200xi32, #tpu.memory_space<vmem>>) target_semaphore(%arg12 : memref<!tpu.dma_semaphore, #tpu.memory_space<semaphore_mem>>)
      } else {
      }
      %mul3A_83 = arith.constant 3 : i32
      %mul3A_84 = arith.muli %scan3A_69, %mul3A_83 : i32
      %add3A_85 = arith.constant 1 : i32
      %add3A_86 = arith.addi %mul3A_84, %add3A_85 : i32
      %add3A_87 = arith.constant 3 : i32
      %add3A_88 = arith.addi %add3A_86, %add3A_87 : i32
      %lt3A_89 = arith.constant 50 : i32
      %lt3A_90 = arith.cmpi slt, %add3A_86, %lt3A_89 : i32
      %convert_element_type3A_91 = arith.extui %lt3A_90 : i1 to i32
      %cond3A_92 = arith.constant 0 : i32
      %cond3A_93 = arith.cmpi ne, %convert_element_type3A_91, %cond3A_92 : i32
      scf.if %cond3A_93 {
        %dma_wait3A_148 = arith.constant 0 : i32
        %dma_wait3A_149 = arith.constant 0 : i32
        %dma_wait3A_150 = tpu.memref_slice %arg2[%dma_wait3A_148, %dma_wait3A_149] : memref<20480x128xf32, #tpu.memory_space<hbm>> -> memref<20480x128xf32, #tpu.memory_space<hbm>>
        tpu.wait_indirect_dma semaphore(%arg16 : memref<!tpu.dma_semaphore, #tpu.memory_space<semaphore_mem>>) src(%dma_wait3A_150 : memref<20480x128xf32, #tpu.memory_space<hbm>>) dst(%arg10 : memref<200x128xf32, #tpu.memory_space<vmem>>)
        %lt3A_151 = arith.constant 25 : i32
        %lt3A_152 = arith.cmpi slt, %add3A_86, %lt3A_151 : i32
        %convert_element_type3A_153 = arith.extui %lt3A_152 : i1 to i32
        %cond3A_154 = arith.constant 0 : i32
        %cond3A_155 = arith.cmpi ne, %convert_element_type3A_153, %cond3A_154 : i32
        scf.if %cond3A_155 {
          %mul3A_160 = arith.constant 200 : i32
          %mul3A_161 = arith.muli %add3A_86, %mul3A_160 : i32
          %add3A_162 = arith.addi %mul3A_2, %mul3A_161 : i32
          %dma_start3A_163 = arith.constant 0 : i32
          %dma_start3A_164 = tpu.memref_slice %arg4[%add3A_162, %dma_start3A_163] : memref<160000x128xf32, #tpu.memory_space<hbm>> -> memref<200x128xf32, #tpu.memory_space<hbm>>
          %dma_start3A_165 = arith.constant 0 : i32
          %dma_start3A_166 = tpu.memref_slice %arg4[%add3A_162, %dma_start3A_165] : memref<160000x128xf32, #tpu.memory_space<hbm>> -> memref<200x128xf32, #tpu.memory_space<hbm>>
          tpu.enqueue_dma source(%arg10 : memref<200x128xf32, #tpu.memory_space<vmem>>) target(%dma_start3A_166 : memref<200x128xf32, #tpu.memory_space<hbm>>) target_semaphore(%arg19 : memref<!tpu.dma_semaphore, #tpu.memory_space<semaphore_mem>>)
        } else {
        }
        %ge3A = arith.constant 25 : i32
        %ge3A_156 = arith.cmpi sge, %add3A_86, %ge3A : i32
        %convert_element_type3A_157 = arith.extui %ge3A_156 : i1 to i32
        %cond3A_158 = arith.constant 0 : i32
        %cond3A_159 = arith.cmpi ne, %convert_element_type3A_157, %cond3A_158 : i32
        scf.if %cond3A_159 {
          %sub3A = arith.constant 25 : i32
          %sub3A_160 = arith.subi %add3A_86, %sub3A : i32
          %mul3A_161 = arith.constant 200 : i32
          %mul3A_162 = arith.muli %sub3A_160, %mul3A_161 : i32
          %add3A_163 = arith.addi %mul3A_2, %mul3A_162 : i32
          %dma_start3A_164 = arith.constant 0 : i32
          %dma_start3A_165 = tpu.memref_slice %arg5[%add3A_163, %dma_start3A_164] : memref<160000x128xf32, #tpu.memory_space<hbm>> -> memref<200x128xf32, #tpu.memory_space<hbm>>
          %dma_start3A_166 = arith.constant 0 : i32
          %dma_start3A_167 = tpu.memref_slice %arg5[%add3A_163, %dma_start3A_166] : memref<160000x128xf32, #tpu.memory_space<hbm>> -> memref<200x128xf32, #tpu.memory_space<hbm>>
          tpu.enqueue_dma source(%arg10 : memref<200x128xf32, #tpu.memory_space<vmem>>) target(%dma_start3A_167 : memref<200x128xf32, #tpu.memory_space<hbm>>) target_semaphore(%arg19 : memref<!tpu.dma_semaphore, #tpu.memory_space<semaphore_mem>>)
        } else {
        }
      } else {
      }
      %lt3A_94 = arith.constant 50 : i32
      %lt3A_95 = arith.cmpi slt, %add3A_88, %lt3A_94 : i32
      %convert_element_type3A_96 = arith.extui %lt3A_95 : i1 to i32
      %cond3A_97 = arith.constant 0 : i32
      %cond3A_98 = arith.cmpi ne, %convert_element_type3A_96, %cond3A_97 : i32
      scf.if %cond3A_98 {
        %dma_start3A_148 = arith.constant 0 : i32
        %dma_start3A_149 = tpu.memref_slice %arg3[%add3A, %add3A_88, %dma_start3A_148] : memref<32x50x200xi32, #tpu.memory_space<hbm>> -> memref<1x1x200xi32, #tpu.memory_space<hbm>>
        %dma_start3A_150 = tpu.memref_squeeze %dma_start3A_149 : memref<1x1x200xi32, #tpu.memory_space<hbm>> -> memref<200xi32, #tpu.memory_space<hbm>>
        %dma_start3A_151 = arith.constant 0 : i32
        %dma_start3A_152 = tpu.memref_slice %arg3[%add3A, %add3A_88, %dma_start3A_151] : memref<32x50x200xi32, #tpu.memory_space<hbm>> -> memref<1x1x200xi32, #tpu.memory_space<hbm>>
        %dma_start3A_153 = tpu.memref_squeeze %dma_start3A_152 : memref<1x1x200xi32, #tpu.memory_space<hbm>> -> memref<200xi32, #tpu.memory_space<hbm>>
        tpu.enqueue_dma source(%dma_start3A_153 : memref<200xi32, #tpu.memory_space<hbm>>) target(%arg7 : memref<200xi32, #tpu.memory_space<vmem>>) target_semaphore(%arg13 : memref<!tpu.dma_semaphore, #tpu.memory_space<semaphore_mem>>)
      } else {
      }
      %mul3A_99 = arith.constant 3 : i32
      %mul3A_100 = arith.muli %scan3A_69, %mul3A_99 : i32
      %add3A_101 = arith.constant 2 : i32
      %add3A_102 = arith.addi %mul3A_100, %add3A_101 : i32
      %add3A_103 = arith.constant 3 : i32
      %add3A_104 = arith.addi %add3A_102, %add3A_103 : i32
      %lt3A_105 = arith.constant 50 : i32
      %lt3A_106 = arith.cmpi slt, %add3A_102, %lt3A_105 : i32
      %convert_element_type3A_107 = arith.extui %lt3A_106 : i1 to i32
      %cond3A_108 = arith.constant 0 : i32
      %cond3A_109 = arith.cmpi ne, %convert_element_type3A_107, %cond3A_108 : i32
      scf.if %cond3A_109 {
        %dma_wait3A_148 = arith.constant 0 : i32
        %dma_wait3A_149 = arith.constant 0 : i32
        %dma_wait3A_150 = tpu.memref_slice %arg2[%dma_wait3A_148, %dma_wait3A_149] : memref<20480x128xf32, #tpu.memory_space<hbm>> -> memref<20480x128xf32, #tpu.memory_space<hbm>>
        tpu.wait_indirect_dma semaphore(%arg17 : memref<!tpu.dma_semaphore, #tpu.memory_space<semaphore_mem>>) src(%dma_wait3A_150 : memref<20480x128xf32, #tpu.memory_space<hbm>>) dst(%arg11 : memref<200x128xf32, #tpu.memory_space<vmem>>)
        %lt3A_151 = arith.constant 25 : i32
        %lt3A_152 = arith.cmpi slt, %add3A_102, %lt3A_151 : i32
        %convert_element_type3A_153 = arith.extui %lt3A_152 : i1 to i32
        %cond3A_154 = arith.constant 0 : i32
        %cond3A_155 = arith.cmpi ne, %convert_element_type3A_153, %cond3A_154 : i32
        scf.if %cond3A_155 {
          %mul3A_160 = arith.constant 200 : i32
          %mul3A_161 = arith.muli %add3A_102, %mul3A_160 : i32
          %add3A_162 = arith.addi %mul3A_2, %mul3A_161 : i32
          %dma_start3A_163 = arith.constant 0 : i32
          %dma_start3A_164 = tpu.memref_slice %arg4[%add3A_162, %dma_start3A_163] : memref<160000x128xf32, #tpu.memory_space<hbm>> -> memref<200x128xf32, #tpu.memory_space<hbm>>
          %dma_start3A_165 = arith.constant 0 : i32
          %dma_start3A_166 = tpu.memref_slice %arg4[%add3A_162, %dma_start3A_165] : memref<160000x128xf32, #tpu.memory_space<hbm>> -> memref<200x128xf32, #tpu.memory_space<hbm>>
          tpu.enqueue_dma source(%arg11 : memref<200x128xf32, #tpu.memory_space<vmem>>) target(%dma_start3A_166 : memref<200x128xf32, #tpu.memory_space<hbm>>) target_semaphore(%arg20 : memref<!tpu.dma_semaphore, #tpu.memory_space<semaphore_mem>>)
        } else {
        }
        %ge3A = arith.constant 25 : i32
        %ge3A_156 = arith.cmpi sge, %add3A_102, %ge3A : i32
        %convert_element_type3A_157 = arith.extui %ge3A_156 : i1 to i32
        %cond3A_158 = arith.constant 0 : i32
        %cond3A_159 = arith.cmpi ne, %convert_element_type3A_157, %cond3A_158 : i32
        scf.if %cond3A_159 {
          %sub3A = arith.constant 25 : i32
          %sub3A_160 = arith.subi %add3A_102, %sub3A : i32
          %mul3A_161 = arith.constant 200 : i32
          %mul3A_162 = arith.muli %sub3A_160, %mul3A_161 : i32
          %add3A_163 = arith.addi %mul3A_2, %mul3A_162 : i32
          %dma_start3A_164 = arith.constant 0 : i32
          %dma_start3A_165 = tpu.memref_slice %arg5[%add3A_163, %dma_start3A_164] : memref<160000x128xf32, #tpu.memory_space<hbm>> -> memref<200x128xf32, #tpu.memory_space<hbm>>
          %dma_start3A_166 = arith.constant 0 : i32
          %dma_start3A_167 = tpu.memref_slice %arg5[%add3A_163, %dma_start3A_166] : memref<160000x128xf32, #tpu.memory_space<hbm>> -> memref<200x128xf32, #tpu.memory_space<hbm>>
          tpu.enqueue_dma source(%arg11 : memref<200x128xf32, #tpu.memory_space<vmem>>) target(%dma_start3A_167 : memref<200x128xf32, #tpu.memory_space<hbm>>) target_semaphore(%arg20 : memref<!tpu.dma_semaphore, #tpu.memory_space<semaphore_mem>>)
        } else {
        }
      } else {
      }
      %lt3A_110 = arith.constant 50 : i32
      %lt3A_111 = arith.cmpi slt, %add3A_104, %lt3A_110 : i32
      %convert_element_type3A_112 = arith.extui %lt3A_111 : i1 to i32
      %cond3A_113 = arith.constant 0 : i32
      %cond3A_114 = arith.cmpi ne, %convert_element_type3A_112, %cond3A_113 : i32
      scf.if %cond3A_114 {
        %dma_start3A_148 = arith.constant 0 : i32
        %dma_start3A_149 = tpu.memref_slice %arg3[%add3A, %add3A_104, %dma_start3A_148] : memref<32x50x200xi32, #tpu.memory_space<hbm>> -> memref<1x1x200xi32, #tpu.memory_space<hbm>>
        %dma_start3A_150 = tpu.memref_squeeze %dma_start3A_149 : memref<1x1x200xi32, #tpu.memory_space<hbm>> -> memref<200xi32, #tpu.memory_space<hbm>>
        %dma_start3A_151 = arith.constant 0 : i32
        %dma_start3A_152 = tpu.memref_slice %arg3[%add3A, %add3A_104, %dma_start3A_151] : memref<32x50x200xi32, #tpu.memory_space<hbm>> -> memref<1x1x200xi32, #tpu.memory_space<hbm>>
        %dma_start3A_153 = tpu.memref_squeeze %dma_start3A_152 : memref<1x1x200xi32, #tpu.memory_space<hbm>> -> memref<200xi32, #tpu.memory_space<hbm>>
        tpu.enqueue_dma source(%dma_start3A_153 : memref<200xi32, #tpu.memory_space<hbm>>) target(%arg8 : memref<200xi32, #tpu.memory_space<vmem>>) target_semaphore(%arg14 : memref<!tpu.dma_semaphore, #tpu.memory_space<semaphore_mem>>)
      } else {
      }
      %mul3A_115 = arith.constant 3 : i32
      %mul3A_116 = arith.muli %scan3A_69, %mul3A_115 : i32
      %add3A_117 = arith.constant 0 : i32
      %add3A_118 = arith.addi %mul3A_116, %add3A_117 : i32
      %add3A_119 = arith.constant 3 : i32
      %add3A_120 = arith.addi %add3A_118, %add3A_119 : i32
      %lt3A_121 = arith.constant 50 : i32
      %lt3A_122 = arith.cmpi slt, %add3A_120, %lt3A_121 : i32
      %convert_element_type3A_123 = arith.extui %lt3A_122 : i1 to i32
      %cond3A_124 = arith.constant 0 : i32
      %cond3A_125 = arith.cmpi ne, %convert_element_type3A_123, %cond3A_124 : i32
      scf.if %cond3A_125 {
        %dma_wait3A_148 = arith.constant 0 : i32
        %dma_wait3A_149 = tpu.memref_slice %arg4[%mul3A_2, %dma_wait3A_148] : memref<160000x128xf32, #tpu.memory_space<hbm>> -> memref<200x128xf32, #tpu.memory_space<hbm>>
        %dma_wait3A_150 = arith.constant 0 : i32
        %dma_wait3A_151 = tpu.memref_slice %arg4[%mul3A_2, %dma_wait3A_150] : memref<160000x128xf32, #tpu.memory_space<hbm>> -> memref<200x128xf32, #tpu.memory_space<hbm>>
        tpu.wait_dma2 semaphore(%arg18 : memref<!tpu.dma_semaphore, #tpu.memory_space<semaphore_mem>>) src(%arg9 : memref<200x128xf32, #tpu.memory_space<vmem>>) dst(%dma_wait3A_151 : memref<200x128xf32, #tpu.memory_space<hbm>>)
        %dma_wait3A_152 = arith.constant 0 : i32
        %dma_wait3A_153 = arith.constant 0 : i32
        %dma_wait3A_154 = tpu.memref_slice %arg3[%add3A, %dma_wait3A_152, %dma_wait3A_153] : memref<32x50x200xi32, #tpu.memory_space<hbm>> -> memref<1x1x200xi32, #tpu.memory_space<hbm>>
        %dma_wait3A_155 = tpu.memref_squeeze %dma_wait3A_154 : memref<1x1x200xi32, #tpu.memory_space<hbm>> -> memref<200xi32, #tpu.memory_space<hbm>>
        %dma_wait3A_156 = arith.constant 0 : i32
        %dma_wait3A_157 = tpu.memref_slice %arg3[%add3A, %dma_wait3A_152, %dma_wait3A_156] : memref<32x50x200xi32, #tpu.memory_space<hbm>> -> memref<1x1x200xi32, #tpu.memory_space<hbm>>
        %dma_wait3A_158 = tpu.memref_squeeze %dma_wait3A_157 : memref<1x1x200xi32, #tpu.memory_space<hbm>> -> memref<200xi32, #tpu.memory_space<hbm>>
        tpu.wait_dma2 semaphore(%arg12 : memref<!tpu.dma_semaphore, #tpu.memory_space<semaphore_mem>>) src(%dma_wait3A_158 : memref<200xi32, #tpu.memory_space<hbm>>) dst(%arg6 : memref<200xi32, #tpu.memory_space<vmem>>)
        %dma_start3A_159 = arith.constant 0 : i32
        %dma_start3A_160 = arith.constant 0 : i32
        %dma_start3A_161 = tpu.memref_slice %arg2[%dma_start3A_159, %dma_start3A_160] : memref<20480x128xf32, #tpu.memory_space<hbm>> -> memref<20480x128xf32, #tpu.memory_space<hbm>>
        tpu.enqueue_indirect_dma source(%dma_start3A_161 : memref<20480x128xf32, #tpu.memory_space<hbm>>) target(%arg9 : memref<200x128xf32, #tpu.memory_space<vmem>>) offsets(%arg6 : memref<200xi32, #tpu.memory_space<vmem>>) semaphore(%arg15 : memref<!tpu.dma_semaphore, #tpu.memory_space<semaphore_mem>>)
      } else {
      }
      %mul3A_126 = arith.constant 3 : i32
      %mul3A_127 = arith.muli %scan3A_69, %mul3A_126 : i32
      %add3A_128 = arith.constant 1 : i32
      %add3A_129 = arith.addi %mul3A_127, %add3A_128 : i32
      %add3A_130 = arith.constant 3 : i32
      %add3A_131 = arith.addi %add3A_129, %add3A_130 : i32
      %lt3A_132 = arith.constant 50 : i32
      %lt3A_133 = arith.cmpi slt, %add3A_131, %lt3A_132 : i32
      %convert_element_type3A_134 = arith.extui %lt3A_133 : i1 to i32
      %cond3A_135 = arith.constant 0 : i32
      %cond3A_136 = arith.cmpi ne, %convert_element_type3A_134, %cond3A_135 : i32
      scf.if %cond3A_136 {
        %dma_wait3A_148 = arith.constant 0 : i32
        %dma_wait3A_149 = tpu.memref_slice %arg4[%mul3A_2, %dma_wait3A_148] : memref<160000x128xf32, #tpu.memory_space<hbm>> -> memref<200x128xf32, #tpu.memory_space<hbm>>
        %dma_wait3A_150 = arith.constant 0 : i32
        %dma_wait3A_151 = tpu.memref_slice %arg4[%mul3A_2, %dma_wait3A_150] : memref<160000x128xf32, #tpu.memory_space<hbm>> -> memref<200x128xf32, #tpu.memory_space<hbm>>
        tpu.wait_dma2 semaphore(%arg19 : memref<!tpu.dma_semaphore, #tpu.memory_space<semaphore_mem>>) src(%arg10 : memref<200x128xf32, #tpu.memory_space<vmem>>) dst(%dma_wait3A_151 : memref<200x128xf32, #tpu.memory_space<hbm>>)
        %dma_wait3A_152 = arith.constant 0 : i32
        %dma_wait3A_153 = arith.constant 0 : i32
        %dma_wait3A_154 = tpu.memref_slice %arg3[%add3A, %dma_wait3A_152, %dma_wait3A_153] : memref<32x50x200xi32, #tpu.memory_space<hbm>> -> memref<1x1x200xi32, #tpu.memory_space<hbm>>
        %dma_wait3A_155 = tpu.memref_squeeze %dma_wait3A_154 : memref<1x1x200xi32, #tpu.memory_space<hbm>> -> memref<200xi32, #tpu.memory_space<hbm>>
        %dma_wait3A_156 = arith.constant 0 : i32
        %dma_wait3A_157 = tpu.memref_slice %arg3[%add3A, %dma_wait3A_152, %dma_wait3A_156] : memref<32x50x200xi32, #tpu.memory_space<hbm>> -> memref<1x1x200xi32, #tpu.memory_space<hbm>>
        %dma_wait3A_158 = tpu.memref_squeeze %dma_wait3A_157 : memref<1x1x200xi32, #tpu.memory_space<hbm>> -> memref<200xi32, #tpu.memory_space<hbm>>
        tpu.wait_dma2 semaphore(%arg13 : memref<!tpu.dma_semaphore, #tpu.memory_space<semaphore_mem>>) src(%dma_wait3A_158 : memref<200xi32, #tpu.memory_space<hbm>>) dst(%arg7 : memref<200xi32, #tpu.memory_space<vmem>>)
        %dma_start3A_159 = arith.constant 0 : i32
        %dma_start3A_160 = arith.constant 0 : i32
        %dma_start3A_161 = tpu.memref_slice %arg2[%dma_start3A_159, %dma_start3A_160] : memref<20480x128xf32, #tpu.memory_space<hbm>> -> memref<20480x128xf32, #tpu.memory_space<hbm>>
        tpu.enqueue_indirect_dma source(%dma_start3A_161 : memref<20480x128xf32, #tpu.memory_space<hbm>>) target(%arg10 : memref<200x128xf32, #tpu.memory_space<vmem>>) offsets(%arg7 : memref<200xi32, #tpu.memory_space<vmem>>) semaphore(%arg16 : memref<!tpu.dma_semaphore, #tpu.memory_space<semaphore_mem>>)
      } else {
      }
      %mul3A_137 = arith.constant 3 : i32
      %mul3A_138 = arith.muli %scan3A_69, %mul3A_137 : i32
      %add3A_139 = arith.constant 2 : i32
      %add3A_140 = arith.addi %mul3A_138, %add3A_139 : i32
      %add3A_141 = arith.constant 3 : i32
      %add3A_142 = arith.addi %add3A_140, %add3A_141 : i32
      %lt3A_143 = arith.constant 50 : i32
      %lt3A_144 = arith.cmpi slt, %add3A_142, %lt3A_143 : i32
      %convert_element_type3A_145 = arith.extui %lt3A_144 : i1 to i32
      %cond3A_146 = arith.constant 0 : i32
      %cond3A_147 = arith.cmpi ne, %convert_element_type3A_145, %cond3A_146 : i32
      scf.if %cond3A_147 {
        %dma_wait3A_148 = arith.constant 0 : i32
        %dma_wait3A_149 = tpu.memref_slice %arg4[%mul3A_2, %dma_wait3A_148] : memref<160000x128xf32, #tpu.memory_space<hbm>> -> memref<200x128xf32, #tpu.memory_space<hbm>>
        %dma_wait3A_150 = arith.constant 0 : i32
        %dma_wait3A_151 = tpu.memref_slice %arg4[%mul3A_2, %dma_wait3A_150] : memref<160000x128xf32, #tpu.memory_space<hbm>> -> memref<200x128xf32, #tpu.memory_space<hbm>>
        tpu.wait_dma2 semaphore(%arg20 : memref<!tpu.dma_semaphore, #tpu.memory_space<semaphore_mem>>) src(%arg11 : memref<200x128xf32, #tpu.memory_space<vmem>>) dst(%dma_wait3A_151 : memref<200x128xf32, #tpu.memory_space<hbm>>)
        %dma_wait3A_152 = arith.constant 0 : i32
        %dma_wait3A_153 = arith.constant 0 : i32
        %dma_wait3A_154 = tpu.memref_slice %arg3[%add3A, %dma_wait3A_152, %dma_wait3A_153] : memref<32x50x200xi32, #tpu.memory_space<hbm>> -> memref<1x1x200xi32, #tpu.memory_space<hbm>>
        %dma_wait3A_155 = tpu.memref_squeeze %dma_wait3A_154 : memref<1x1x200xi32, #tpu.memory_space<hbm>> -> memref<200xi32, #tpu.memory_space<hbm>>
        %dma_wait3A_156 = arith.constant 0 : i32
        %dma_wait3A_157 = tpu.memref_slice %arg3[%add3A, %dma_wait3A_152, %dma_wait3A_156] : memref<32x50x200xi32, #tpu.memory_space<hbm>> -> memref<1x1x200xi32, #tpu.memory_space<hbm>>
        %dma_wait3A_158 = tpu.memref_squeeze %dma_wait3A_157 : memref<1x1x200xi32, #tpu.memory_space<hbm>> -> memref<200xi32, #tpu.memory_space<hbm>>
        tpu.wait_dma2 semaphore(%arg14 : memref<!tpu.dma_semaphore, #tpu.memory_space<semaphore_mem>>) src(%dma_wait3A_158 : memref<200xi32, #tpu.memory_space<hbm>>) dst(%arg8 : memref<200xi32, #tpu.memory_space<vmem>>)
        %dma_start3A_159 = arith.constant 0 : i32
        %dma_start3A_160 = arith.constant 0 : i32
        %dma_start3A_161 = tpu.memref_slice %arg2[%dma_start3A_159, %dma_start3A_160] : memref<20480x128xf32, #tpu.memory_space<hbm>> -> memref<20480x128xf32, #tpu.memory_space<hbm>>
        tpu.enqueue_indirect_dma source(%dma_start3A_161 : memref<20480x128xf32, #tpu.memory_space<hbm>>) target(%arg11 : memref<200x128xf32, #tpu.memory_space<vmem>>) offsets(%arg8 : memref<200xi32, #tpu.memory_space<vmem>>) semaphore(%arg17 : memref<!tpu.dma_semaphore, #tpu.memory_space<semaphore_mem>>)
      } else {
      }
    }
    %scan3A_56 = arith.constant 17 : i32
    %dma_wait3A_57 = arith.constant 0 : i32
    %dma_wait3A_58 = tpu.memref_slice %arg4[%mul3A_2, %dma_wait3A_57] : memref<160000x128xf32, #tpu.memory_space<hbm>> -> memref<200x128xf32, #tpu.memory_space<hbm>>
    %dma_wait3A_59 = arith.constant 0 : i32
    %dma_wait3A_60 = tpu.memref_slice %arg4[%mul3A_2, %dma_wait3A_59] : memref<160000x128xf32, #tpu.memory_space<hbm>> -> memref<200x128xf32, #tpu.memory_space<hbm>>
    tpu.wait_dma2 semaphore(%arg18 : memref<!tpu.dma_semaphore, #tpu.memory_space<semaphore_mem>>) src(%arg9 : memref<200x128xf32, #tpu.memory_space<vmem>>) dst(%dma_wait3A_60 : memref<200x128xf32, #tpu.memory_space<hbm>>)
    %dma_wait3A_61 = arith.constant 0 : i32
    %dma_wait3A_62 = tpu.memref_slice %arg4[%mul3A_2, %dma_wait3A_61] : memref<160000x128xf32, #tpu.memory_space<hbm>> -> memref<200x128xf32, #tpu.memory_space<hbm>>
    %dma_wait3A_63 = arith.constant 0 : i32
    %dma_wait3A_64 = tpu.memref_slice %arg4[%mul3A_2, %dma_wait3A_63] : memref<160000x128xf32, #tpu.memory_space<hbm>> -> memref<200x128xf32, #tpu.memory_space<hbm>>
    tpu.wait_dma2 semaphore(%arg19 : memref<!tpu.dma_semaphore, #tpu.memory_space<semaphore_mem>>) src(%arg10 : memref<200x128xf32, #tpu.memory_space<vmem>>) dst(%dma_wait3A_64 : memref<200x128xf32, #tpu.memory_space<hbm>>)
    %dma_wait3A_65 = arith.constant 0 : i32
    %dma_wait3A_66 = tpu.memref_slice %arg4[%mul3A_2, %dma_wait3A_65] : memref<160000x128xf32, #tpu.memory_space<hbm>> -> memref<200x128xf32, #tpu.memory_space<hbm>>
    %dma_wait3A_67 = arith.constant 0 : i32
    %dma_wait3A_68 = tpu.memref_slice %arg4[%mul3A_2, %dma_wait3A_67] : memref<160000x128xf32, #tpu.memory_space<hbm>> -> memref<200x128xf32, #tpu.memory_space<hbm>>
    tpu.wait_dma2 semaphore(%arg20 : memref<!tpu.dma_semaphore, #tpu.memory_space<semaphore_mem>>) src(%arg11 : memref<200x128xf32, #tpu.memory_space<vmem>>) dst(%dma_wait3A_68 : memref<200x128xf32, #tpu.memory_space<hbm>>)
    return
  }
}

#map = affine_map<(d0, d1) -> (0, 0)>
#map1 = affine_map<(d0, d1) -> (0, 0, 0)>
module attributes {stable_mosaic.version = 14 : i64} {
  func.func @gather_k(%arg0: i32, %arg1: i32, %arg2: memref<20480x128xf32, #tpu.memory_space<hbm>>, %arg3: memref<32x50x200xi32, #tpu.memory_space<hbm>>, %arg4: memref<160000x128xf32, #tpu.memory_space<hbm>>, %arg5: memref<160000x128xf32, #tpu.memory_space<hbm>>, %arg6: memref<200xi32, #tpu.memory_space<vmem>>, %arg7: memref<200xi32, #tpu.memory_space<vmem>>, %arg8: memref<200xi32, #tpu.memory_space<vmem>>, %arg9: memref<200x128xf32, #tpu.memory_space<vmem>>, %arg10: memref<200x128xf32, #tpu.memory_space<vmem>>, %arg11: memref<200x128xf32, #tpu.memory_space<vmem>>, %arg12: memref<!tpu.dma_semaphore, #tpu.memory_space<semaphore_mem>>, %arg13: memref<!tpu.dma_semaphore, #tpu.memory_space<semaphore_mem>>, %arg14: memref<!tpu.dma_semaphore, #tpu.memory_space<semaphore_mem>>, %arg15: memref<!tpu.dma_semaphore, #tpu.memory_space<semaphore_mem>>, %arg16: memref<!tpu.dma_semaphore, #tpu.memory_space<semaphore_mem>>, %arg17: memref<!tpu.dma_semaphore, #tpu.memory_space<semaphore_mem>>, %arg18: memref<!tpu.dma_semaphore, #tpu.memory_space<semaphore_mem>>, %arg19: memref<!tpu.dma_semaphore, #tpu.memory_space<semaphore_mem>>, %arg20: memref<!tpu.dma_semaphore, #tpu.memory_space<semaphore_mem>>) attributes {dimension_semantics = [#tpu.dimension_semantics<core_parallel>, #tpu.dimension_semantics<subcore_parallel>], iteration_bounds = array<i64: 2, 16>, scalar_prefetch = 0 : i64, scratch_operands = 15 : i64, tpu.core_type = #tpu.core_type<sc_vector_subcore>, window_params = [{transform_indices = #map}, {transform_indices = #map1}, {transform_indices = #map}, {transform_indices = #map}]} {
    %mul3A = arith.constant 2 : i32
    %mul3A_0 = arith.muli %arg1, %mul3A : i32
    %add3A = arith.addi %mul3A_0, %arg0 : i32
    %mul3A_1 = arith.constant 5000 : i32
    %mul3A_2 = arith.muli %add3A, %mul3A_1 : i32
    %dma_start3A = arith.constant 0 : i32
    %dma_start3A_3 = arith.constant 0 : i32
    %dma_start3A_4 = tpu.memref_slice %arg3[%add3A, %dma_start3A, %dma_start3A_3] : memref<32x50x200xi32, #tpu.memory_space<hbm>> -> memref<1x1x200xi32, #tpu.memory_space<hbm>>
    %dma_start3A_5 = tpu.memref_squeeze %dma_start3A_4 : memref<1x1x200xi32, #tpu.memory_space<hbm>> -> memref<200xi32, #tpu.memory_space<hbm>>
    %dma_start3A_6 = arith.constant 0 : i32
    %dma_start3A_7 = tpu.memref_slice %arg3[%add3A, %dma_start3A, %dma_start3A_6] : memref<32x50x200xi32, #tpu.memory_space<hbm>> -> memref<1x1x200xi32, #tpu.memory_space<hbm>>
    %dma_start3A_8 = tpu.memref_squeeze %dma_start3A_7 : memref<1x1x200xi32, #tpu.memory_space<hbm>> -> memref<200xi32, #tpu.memory_space<hbm>>
    tpu.enqueue_dma source(%dma_start3A_8 : memref<200xi32, #tpu.memory_space<hbm>>) target(%arg6 : memref<200xi32, #tpu.memory_space<vmem>>) target_semaphore(%arg12 : memref<!tpu.dma_semaphore, #tpu.memory_space<semaphore_mem>>)
    %dma_start3A_9 = arith.constant 1 : i32
    %dma_start3A_10 = arith.constant 0 : i32
    %dma_start3A_11 = tpu.memref_slice %arg3[%add3A, %dma_start3A_9, %dma_start3A_10] : memref<32x50x200xi32, #tpu.memory_space<hbm>> -> memref<1x1x200xi32, #tpu.memory_space<hbm>>
    %dma_start3A_12 = tpu.memref_squeeze %dma_start3A_11 : memref<1x1x200xi32, #tpu.memory_space<hbm>> -> memref<200xi32, #tpu.memory_space<hbm>>
    %dma_start3A_13 = arith.constant 0 : i32
    %dma_start3A_14 = tpu.memref_slice %arg3[%add3A, %dma_start3A_9, %dma_start3A_13] : memref<32x50x200xi32, #tpu.memory_space<hbm>> -> memref<1x1x200xi32, #tpu.memory_space<hbm>>
    %dma_start3A_15 = tpu.memref_squeeze %dma_start3A_14 : memref<1x1x200xi32, #tpu.memory_space<hbm>> -> memref<200xi32, #tpu.memory_space<hbm>>
    tpu.enqueue_dma source(%dma_start3A_15 : memref<200xi32, #tpu.memory_space<hbm>>) target(%arg7 : memref<200xi32, #tpu.memory_space<vmem>>) target_semaphore(%arg13 : memref<!tpu.dma_semaphore, #tpu.memory_space<semaphore_mem>>)
    %dma_start3A_16 = arith.constant 2 : i32
    %dma_start3A_17 = arith.constant 0 : i32
    %dma_start3A_18 = tpu.memref_slice %arg3[%add3A, %dma_start3A_16, %dma_start3A_17] : memref<32x50x200xi32, #tpu.memory_space<hbm>> -> memref<1x1x200xi32, #tpu.memory_space<hbm>>
    %dma_start3A_19 = tpu.memref_squeeze %dma_start3A_18 : memref<1x1x200xi32, #tpu.memory_space<hbm>> -> memref<200xi32, #tpu.memory_space<hbm>>
    %dma_start3A_20 = arith.constant 0 : i32
    %dma_start3A_21 = tpu.memref_slice %arg3[%add3A, %dma_start3A_16, %dma_start3A_20] : memref<32x50x200xi32, #tpu.memory_space<hbm>> -> memref<1x1x200xi32, #tpu.memory_space<hbm>>
    %dma_start3A_22 = tpu.memref_squeeze %dma_start3A_21 : memref<1x1x200xi32, #tpu.memory_space<hbm>> -> memref<200xi32, #tpu.memory_space<hbm>>
    tpu.enqueue_dma source(%dma_start3A_22 : memref<200xi32, #tpu.memory_space<hbm>>) target(%arg8 : memref<200xi32, #tpu.memory_space<vmem>>) target_semaphore(%arg14 : memref<!tpu.dma_semaphore, #tpu.memory_space<semaphore_mem>>)
    %dma_wait3A = arith.constant 0 : i32
    %dma_wait3A_23 = arith.constant 0 : i32
    %dma_wait3A_24 = tpu.memref_slice %arg3[%add3A, %dma_wait3A, %dma_wait3A_23] : memref<32x50x200xi32, #tpu.memory_space<hbm>> -> memref<1x1x200xi32, #tpu.memory_space<hbm>>
    %dma_wait3A_25 = tpu.memref_squeeze %dma_wait3A_24 : memref<1x1x200xi32, #tpu.memory_space<hbm>> -> memref<200xi32, #tpu.memory_space<hbm>>
    %dma_wait3A_26 = arith.constant 0 : i32
    %dma_wait3A_27 = tpu.memref_slice %arg3[%add3A, %dma_wait3A, %dma_wait3A_26] : memref<32x50x200xi32, #tpu.memory_space<hbm>> -> memref<1x1x200xi32, #tpu.memory_space<hbm>>
    %dma_wait3A_28 = tpu.memref_squeeze %dma_wait3A_27 : memref<1x1x200xi32, #tpu.memory_space<hbm>> -> memref<200xi32, #tpu.memory_space<hbm>>
    tpu.wait_dma2 semaphore(%arg12 : memref<!tpu.dma_semaphore, #tpu.memory_space<semaphore_mem>>) src(%dma_wait3A_28 : memref<200xi32, #tpu.memory_space<hbm>>) dst(%arg6 : memref<200xi32, #tpu.memory_space<vmem>>)
    %dma_start3A_29 = arith.constant 0 : i32
    %dma_start3A_30 = arith.constant 0 : i32
    %dma_start3A_31 = tpu.memref_slice %arg2[%dma_start3A_29, %dma_start3A_30] : memref<20480x128xf32, #tpu.memory_space<hbm>> -> memref<20480x128xf32, #tpu.memory_space<hbm>>
    tpu.enqueue_indirect_dma source(%dma_start3A_31 : memref<20480x128xf32, #tpu.memory_space<hbm>>) target(%arg9 : memref<200x128xf32, #tpu.memory_space<vmem>>) offsets(%arg6 : memref<200xi32, #tpu.memory_space<vmem>>) semaphore(%arg15 : memref<!tpu.dma_semaphore, #tpu.memory_space<semaphore_mem>>)
    %dma_wait3A_32 = arith.constant 0 : i32
    %dma_wait3A_33 = arith.constant 0 : i32
    %dma_wait3A_34 = tpu.memref_slice %arg3[%add3A, %dma_wait3A_32, %dma_wait3A_33] : memref<32x50x200xi32, #tpu.memory_space<hbm>> -> memref<1x1x200xi32, #tpu.memory_space<hbm>>
    %dma_wait3A_35 = tpu.memref_squeeze %dma_wait3A_34 : memref<1x1x200xi32, #tpu.memory_space<hbm>> -> memref<200xi32, #tpu.memory_space<hbm>>
    %dma_wait3A_36 = arith.constant 0 : i32
    %dma_wait3A_37 = tpu.memref_slice %arg3[%add3A, %dma_wait3A_32, %dma_wait3A_36] : memref<32x50x200xi32, #tpu.memory_space<hbm>> -> memref<1x1x200xi32, #tpu.memory_space<hbm>>
    %dma_wait3A_38 = tpu.memref_squeeze %dma_wait3A_37 : memref<1x1x200xi32, #tpu.memory_space<hbm>> -> memref<200xi32, #tpu.memory_space<hbm>>
    tpu.wait_dma2 semaphore(%arg13 : memref<!tpu.dma_semaphore, #tpu.memory_space<semaphore_mem>>) src(%dma_wait3A_38 : memref<200xi32, #tpu.memory_space<hbm>>) dst(%arg7 : memref<200xi32, #tpu.memory_space<vmem>>)
    %dma_start3A_39 = arith.constant 0 : i32
    %dma_start3A_40 = arith.constant 0 : i32
    %dma_start3A_41 = tpu.memref_slice %arg2[%dma_start3A_39, %dma_start3A_40] : memref<20480x128xf32, #tpu.memory_space<hbm>> -> memref<20480x128xf32, #tpu.memory_space<hbm>>
    tpu.enqueue_indirect_dma source(%dma_start3A_41 : memref<20480x128xf32, #tpu.memory_space<hbm>>) target(%arg10 : memref<200x128xf32, #tpu.memory_space<vmem>>) offsets(%arg7 : memref<200xi32, #tpu.memory_space<vmem>>) semaphore(%arg16 : memref<!tpu.dma_semaphore, #tpu.memory_space<semaphore_mem>>)
    %dma_wait3A_42 = arith.constant 0 : i32
    %dma_wait3A_43 = arith.constant 0 : i32
    %dma_wait3A_44 = tpu.memref_slice %arg3[%add3A, %dma_wait3A_42, %dma_wait3A_43] : memref<32x50x200xi32, #tpu.memory_space<hbm>> -> memref<1x1x200xi32, #tpu.memory_space<hbm>>
    %dma_wait3A_45 = tpu.memref_squeeze %dma_wait3A_44 : memref<1x1x200xi32, #tpu.memory_space<hbm>> -> memref<200xi32, #tpu.memory_space<hbm>>
    %dma_wait3A_46 = arith.constant 0 : i32
    %dma_wait3A_47 = tpu.memref_slice %arg3[%add3A, %dma_wait3A_42, %dma_wait3A_46] : memref<32x50x200xi32, #tpu.memory_space<hbm>> -> memref<1x1x200xi32, #tpu.memory_space<hbm>>
    %dma_wait3A_48 = tpu.memref_squeeze %dma_wait3A_47 : memref<1x1x200xi32, #tpu.memory_space<hbm>> -> memref<200xi32, #tpu.memory_space<hbm>>
    tpu.wait_dma2 semaphore(%arg14 : memref<!tpu.dma_semaphore, #tpu.memory_space<semaphore_mem>>) src(%dma_wait3A_48 : memref<200xi32, #tpu.memory_space<hbm>>) dst(%arg8 : memref<200xi32, #tpu.memory_space<vmem>>)
    %dma_start3A_49 = arith.constant 0 : i32
    %dma_start3A_50 = arith.constant 0 : i32
    %dma_start3A_51 = tpu.memref_slice %arg2[%dma_start3A_49, %dma_start3A_50] : memref<20480x128xf32, #tpu.memory_space<hbm>> -> memref<20480x128xf32, #tpu.memory_space<hbm>>
    tpu.enqueue_indirect_dma source(%dma_start3A_51 : memref<20480x128xf32, #tpu.memory_space<hbm>>) target(%arg11 : memref<200x128xf32, #tpu.memory_space<vmem>>) offsets(%arg8 : memref<200xi32, #tpu.memory_space<vmem>>) semaphore(%arg17 : memref<!tpu.dma_semaphore, #tpu.memory_space<semaphore_mem>>)
    %scan3A = arith.constant 0 : i32
    %scan3A_52 = arith.constant 0 : i32
    %scan3A_53 = arith.constant 17 : i32
    %scan3A_54 = arith.addi %scan3A_52, %scan3A_53 : i32
    %scan3A_55 = arith.constant 1 : i32
    scf.for %scan3A_69 = %scan3A_52 to %scan3A_54 step %scan3A_55  : i32 {
      %mul3A_70 = arith.constant 3 : i32
      %mul3A_71 = arith.muli %scan3A_69, %mul3A_70 : i32
      %add3A_72 = arith.constant 0 : i32
      %add3A_73 = arith.addi %mul3A_71, %add3A_72 : i32
      %add3A_74 = arith.constant 3 : i32
      %add3A_75 = arith.addi %add3A_73, %add3A_74 : i32
      %lt3A = arith.constant 50 : i32
      %lt3A_76 = arith.cmpi slt, %add3A_73, %lt3A : i32
      %convert_element_type3A = arith.extui %lt3A_76 : i1 to i32
      %cond3A = arith.constant 0 : i32
      %cond3A_77 = arith.cmpi ne, %convert_element_type3A, %cond3A : i32
      scf.if %cond3A_77 {
        %dma_wait3A_148 = arith.constant 0 : i32
        %dma_wait3A_149 = arith.constant 0 : i32
        %dma_wait3A_150 = tpu.memref_slice %arg2[%dma_wait3A_148, %dma_wait3A_149] : memref<20480x128xf32, #tpu.memory_space<hbm>> -> memref<20480x128xf32, #tpu.memory_space<hbm>>
        tpu.wait_indirect_dma semaphore(%arg15 : memref<!tpu.dma_semaphore, #tpu.memory_space<semaphore_mem>>) src(%dma_wait3A_150 : memref<20480x128xf32, #tpu.memory_space<hbm>>) dst(%arg9 : memref<200x128xf32, #tpu.memory_space<vmem>>)
        %lt3A_151 = arith.constant 25 : i32
        %lt3A_152 = arith.cmpi slt, %add3A_73, %lt3A_151 : i32
        %convert_element_type3A_153 = arith.extui %lt3A_152 : i1 to i32
        %cond3A_154 = arith.constant 0 : i32
        %cond3A_155 = arith.cmpi ne, %convert_element_type3A_153, %cond3A_154 : i32
        scf.if %cond3A_155 {
          %mul3A_160 = arith.constant 200 : i32
          %mul3A_161 = arith.muli %add3A_73, %mul3A_160 : i32
          %add3A_162 = arith.addi %mul3A_2, %mul3A_161 : i32
          %dma_start3A_163 = arith.constant 0 : i32
          %dma_start3A_164 = tpu.memref_slice %arg4[%add3A_162, %dma_start3A_163] : memref<160000x128xf32, #tpu.memory_space<hbm>> -> memref<200x128xf32, #tpu.memory_space<hbm>>
          %dma_start3A_165 = arith.constant 0 : i32
          %dma_start3A_166 = tpu.memref_slice %arg4[%add3A_162, %dma_start3A_165] : memref<160000x128xf32, #tpu.memory_space<hbm>> -> memref<200x128xf32, #tpu.memory_space<hbm>>
          tpu.enqueue_dma source(%arg9 : memref<200x128xf32, #tpu.memory_space<vmem>>) target(%dma_start3A_166 : memref<200x128xf32, #tpu.memory_space<hbm>>) target_semaphore(%arg18 : memref<!tpu.dma_semaphore, #tpu.memory_space<semaphore_mem>>)
        } else {
        }
        %ge3A = arith.constant 25 : i32
        %ge3A_156 = arith.cmpi sge, %add3A_73, %ge3A : i32
        %convert_element_type3A_157 = arith.extui %ge3A_156 : i1 to i32
        %cond3A_158 = arith.constant 0 : i32
        %cond3A_159 = arith.cmpi ne, %convert_element_type3A_157, %cond3A_158 : i32
        scf.if %cond3A_159 {
          %sub3A = arith.constant 25 : i32
          %sub3A_160 = arith.subi %add3A_73, %sub3A : i32
          %mul3A_161 = arith.constant 200 : i32
          %mul3A_162 = arith.muli %sub3A_160, %mul3A_161 : i32
          %add3A_163 = arith.addi %mul3A_2, %mul3A_162 : i32
          %dma_start3A_164 = arith.constant 0 : i32
          %dma_start3A_165 = tpu.memref_slice %arg5[%add3A_163, %dma_start3A_164] : memref<160000x128xf32, #tpu.memory_space<hbm>> -> memref<200x128xf32, #tpu.memory_space<hbm>>
          %dma_start3A_166 = arith.constant 0 : i32
          %dma_start3A_167 = tpu.memref_slice %arg5[%add3A_163, %dma_start3A_166] : memref<160000x128xf32, #tpu.memory_space<hbm>> -> memref<200x128xf32, #tpu.memory_space<hbm>>
          tpu.enqueue_dma source(%arg9 : memref<200x128xf32, #tpu.memory_space<vmem>>) target(%dma_start3A_167 : memref<200x128xf32, #tpu.memory_space<hbm>>) target_semaphore(%arg18 : memref<!tpu.dma_semaphore, #tpu.memory_space<semaphore_mem>>)
        } else {
        }
      } else {
      }
      %lt3A_78 = arith.constant 50 : i32
      %lt3A_79 = arith.cmpi slt, %add3A_75, %lt3A_78 : i32
      %convert_element_type3A_80 = arith.extui %lt3A_79 : i1 to i32
      %cond3A_81 = arith.constant 0 : i32
      %cond3A_82 = arith.cmpi ne, %convert_element_type3A_80, %cond3A_81 : i32
      scf.if %cond3A_82 {
        %dma_start3A_148 = arith.constant 0 : i32
        %dma_start3A_149 = tpu.memref_slice %arg3[%add3A, %add3A_75, %dma_start3A_148] : memref<32x50x200xi32, #tpu.memory_space<hbm>> -> memref<1x1x200xi32, #tpu.memory_space<hbm>>
        %dma_start3A_150 = tpu.memref_squeeze %dma_start3A_149 : memref<1x1x200xi32, #tpu.memory_space<hbm>> -> memref<200xi32, #tpu.memory_space<hbm>>
        %dma_start3A_151 = arith.constant 0 : i32
        %dma_start3A_152 = tpu.memref_slice %arg3[%add3A, %add3A_75, %dma_start3A_151] : memref<32x50x200xi32, #tpu.memory_space<hbm>> -> memref<1x1x200xi32, #tpu.memory_space<hbm>>
        %dma_start3A_153 = tpu.memref_squeeze %dma_start3A_152 : memref<1x1x200xi32, #tpu.memory_space<hbm>> -> memref<200xi32, #tpu.memory_space<hbm>>
        tpu.enqueue_dma source(%dma_start3A_153 : memref<200xi32, #tpu.memory_space<hbm>>) target(%arg6 : memref<200xi32, #tpu.memory_space<vmem>>) target_semaphore(%arg12 : memref<!tpu.dma_semaphore, #tpu.memory_space<semaphore_mem>>)
      } else {
      }
      %mul3A_83 = arith.constant 3 : i32
      %mul3A_84 = arith.muli %scan3A_69, %mul3A_83 : i32
      %add3A_85 = arith.constant 1 : i32
      %add3A_86 = arith.addi %mul3A_84, %add3A_85 : i32
      %add3A_87 = arith.constant 3 : i32
      %add3A_88 = arith.addi %add3A_86, %add3A_87 : i32
      %lt3A_89 = arith.constant 50 : i32
      %lt3A_90 = arith.cmpi slt, %add3A_86, %lt3A_89 : i32
      %convert_element_type3A_91 = arith.extui %lt3A_90 : i1 to i32
      %cond3A_92 = arith.constant 0 : i32
      %cond3A_93 = arith.cmpi ne, %convert_element_type3A_91, %cond3A_92 : i32
      scf.if %cond3A_93 {
        %dma_wait3A_148 = arith.constant 0 : i32
        %dma_wait3A_149 = arith.constant 0 : i32
        %dma_wait3A_150 = tpu.memref_slice %arg2[%dma_wait3A_148, %dma_wait3A_149] : memref<20480x128xf32, #tpu.memory_space<hbm>> -> memref<20480x128xf32, #tpu.memory_space<hbm>>
        tpu.wait_indirect_dma semaphore(%arg16 : memref<!tpu.dma_semaphore, #tpu.memory_space<semaphore_mem>>) src(%dma_wait3A_150 : memref<20480x128xf32, #tpu.memory_space<hbm>>) dst(%arg10 : memref<200x128xf32, #tpu.memory_space<vmem>>)
        %lt3A_151 = arith.constant 25 : i32
        %lt3A_152 = arith.cmpi slt, %add3A_86, %lt3A_151 : i32
        %convert_element_type3A_153 = arith.extui %lt3A_152 : i1 to i32
        %cond3A_154 = arith.constant 0 : i32
        %cond3A_155 = arith.cmpi ne, %convert_element_type3A_153, %cond3A_154 : i32
        scf.if %cond3A_155 {
          %mul3A_160 = arith.constant 200 : i32
          %mul3A_161 = arith.muli %add3A_86, %mul3A_160 : i32
          %add3A_162 = arith.addi %mul3A_2, %mul3A_161 : i32
          %dma_start3A_163 = arith.constant 0 : i32
          %dma_start3A_164 = tpu.memref_slice %arg4[%add3A_162, %dma_start3A_163] : memref<160000x128xf32, #tpu.memory_space<hbm>> -> memref<200x128xf32, #tpu.memory_space<hbm>>
          %dma_start3A_165 = arith.constant 0 : i32
          %dma_start3A_166 = tpu.memref_slice %arg4[%add3A_162, %dma_start3A_165] : memref<160000x128xf32, #tpu.memory_space<hbm>> -> memref<200x128xf32, #tpu.memory_space<hbm>>
          tpu.enqueue_dma source(%arg10 : memref<200x128xf32, #tpu.memory_space<vmem>>) target(%dma_start3A_166 : memref<200x128xf32, #tpu.memory_space<hbm>>) target_semaphore(%arg19 : memref<!tpu.dma_semaphore, #tpu.memory_space<semaphore_mem>>)
        } else {
        }
        %ge3A = arith.constant 25 : i32
        %ge3A_156 = arith.cmpi sge, %add3A_86, %ge3A : i32
        %convert_element_type3A_157 = arith.extui %ge3A_156 : i1 to i32
        %cond3A_158 = arith.constant 0 : i32
        %cond3A_159 = arith.cmpi ne, %convert_element_type3A_157, %cond3A_158 : i32
        scf.if %cond3A_159 {
          %sub3A = arith.constant 25 : i32
          %sub3A_160 = arith.subi %add3A_86, %sub3A : i32
          %mul3A_161 = arith.constant 200 : i32
          %mul3A_162 = arith.muli %sub3A_160, %mul3A_161 : i32
          %add3A_163 = arith.addi %mul3A_2, %mul3A_162 : i32
          %dma_start3A_164 = arith.constant 0 : i32
          %dma_start3A_165 = tpu.memref_slice %arg5[%add3A_163, %dma_start3A_164] : memref<160000x128xf32, #tpu.memory_space<hbm>> -> memref<200x128xf32, #tpu.memory_space<hbm>>
          %dma_start3A_166 = arith.constant 0 : i32
          %dma_start3A_167 = tpu.memref_slice %arg5[%add3A_163, %dma_start3A_166] : memref<160000x128xf32, #tpu.memory_space<hbm>> -> memref<200x128xf32, #tpu.memory_space<hbm>>
          tpu.enqueue_dma source(%arg10 : memref<200x128xf32, #tpu.memory_space<vmem>>) target(%dma_start3A_167 : memref<200x128xf32, #tpu.memory_space<hbm>>) target_semaphore(%arg19 : memref<!tpu.dma_semaphore, #tpu.memory_space<semaphore_mem>>)
        } else {
        }
      } else {
      }
      %lt3A_94 = arith.constant 50 : i32
      %lt3A_95 = arith.cmpi slt, %add3A_88, %lt3A_94 : i32
      %convert_element_type3A_96 = arith.extui %lt3A_95 : i1 to i32
      %cond3A_97 = arith.constant 0 : i32
      %cond3A_98 = arith.cmpi ne, %convert_element_type3A_96, %cond3A_97 : i32
      scf.if %cond3A_98 {
        %dma_start3A_148 = arith.constant 0 : i32
        %dma_start3A_149 = tpu.memref_slice %arg3[%add3A, %add3A_88, %dma_start3A_148] : memref<32x50x200xi32, #tpu.memory_space<hbm>> -> memref<1x1x200xi32, #tpu.memory_space<hbm>>
        %dma_start3A_150 = tpu.memref_squeeze %dma_start3A_149 : memref<1x1x200xi32, #tpu.memory_space<hbm>> -> memref<200xi32, #tpu.memory_space<hbm>>
        %dma_start3A_151 = arith.constant 0 : i32
        %dma_start3A_152 = tpu.memref_slice %arg3[%add3A, %add3A_88, %dma_start3A_151] : memref<32x50x200xi32, #tpu.memory_space<hbm>> -> memref<1x1x200xi32, #tpu.memory_space<hbm>>
        %dma_start3A_153 = tpu.memref_squeeze %dma_start3A_152 : memref<1x1x200xi32, #tpu.memory_space<hbm>> -> memref<200xi32, #tpu.memory_space<hbm>>
        tpu.enqueue_dma source(%dma_start3A_153 : memref<200xi32, #tpu.memory_space<hbm>>) target(%arg7 : memref<200xi32, #tpu.memory_space<vmem>>) target_semaphore(%arg13 : memref<!tpu.dma_semaphore, #tpu.memory_space<semaphore_mem>>)
      } else {
      }
      %mul3A_99 = arith.constant 3 : i32
      %mul3A_100 = arith.muli %scan3A_69, %mul3A_99 : i32
      %add3A_101 = arith.constant 2 : i32
      %add3A_102 = arith.addi %mul3A_100, %add3A_101 : i32
      %add3A_103 = arith.constant 3 : i32
      %add3A_104 = arith.addi %add3A_102, %add3A_103 : i32
      %lt3A_105 = arith.constant 50 : i32
      %lt3A_106 = arith.cmpi slt, %add3A_102, %lt3A_105 : i32
      %convert_element_type3A_107 = arith.extui %lt3A_106 : i1 to i32
      %cond3A_108 = arith.constant 0 : i32
      %cond3A_109 = arith.cmpi ne, %convert_element_type3A_107, %cond3A_108 : i32
      scf.if %cond3A_109 {
        %dma_wait3A_148 = arith.constant 0 : i32
        %dma_wait3A_149 = arith.constant 0 : i32
        %dma_wait3A_150 = tpu.memref_slice %arg2[%dma_wait3A_148, %dma_wait3A_149] : memref<20480x128xf32, #tpu.memory_space<hbm>> -> memref<20480x128xf32, #tpu.memory_space<hbm>>
        tpu.wait_indirect_dma semaphore(%arg17 : memref<!tpu.dma_semaphore, #tpu.memory_space<semaphore_mem>>) src(%dma_wait3A_150 : memref<20480x128xf32, #tpu.memory_space<hbm>>) dst(%arg11 : memref<200x128xf32, #tpu.memory_space<vmem>>)
        %lt3A_151 = arith.constant 25 : i32
        %lt3A_152 = arith.cmpi slt, %add3A_102, %lt3A_151 : i32
        %convert_element_type3A_153 = arith.extui %lt3A_152 : i1 to i32
        %cond3A_154 = arith.constant 0 : i32
        %cond3A_155 = arith.cmpi ne, %convert_element_type3A_153, %cond3A_154 : i32
        scf.if %cond3A_155 {
          %mul3A_160 = arith.constant 200 : i32
          %mul3A_161 = arith.muli %add3A_102, %mul3A_160 : i32
          %add3A_162 = arith.addi %mul3A_2, %mul3A_161 : i32
          %dma_start3A_163 = arith.constant 0 : i32
          %dma_start3A_164 = tpu.memref_slice %arg4[%add3A_162, %dma_start3A_163] : memref<160000x128xf32, #tpu.memory_space<hbm>> -> memref<200x128xf32, #tpu.memory_space<hbm>>
          %dma_start3A_165 = arith.constant 0 : i32
          %dma_start3A_166 = tpu.memref_slice %arg4[%add3A_162, %dma_start3A_165] : memref<160000x128xf32, #tpu.memory_space<hbm>> -> memref<200x128xf32, #tpu.memory_space<hbm>>
          tpu.enqueue_dma source(%arg11 : memref<200x128xf32, #tpu.memory_space<vmem>>) target(%dma_start3A_166 : memref<200x128xf32, #tpu.memory_space<hbm>>) target_semaphore(%arg20 : memref<!tpu.dma_semaphore, #tpu.memory_space<semaphore_mem>>)
        } else {
        }
        %ge3A = arith.constant 25 : i32
        %ge3A_156 = arith.cmpi sge, %add3A_102, %ge3A : i32
        %convert_element_type3A_157 = arith.extui %ge3A_156 : i1 to i32
        %cond3A_158 = arith.constant 0 : i32
        %cond3A_159 = arith.cmpi ne, %convert_element_type3A_157, %cond3A_158 : i32
        scf.if %cond3A_159 {
          %sub3A = arith.constant 25 : i32
          %sub3A_160 = arith.subi %add3A_102, %sub3A : i32
          %mul3A_161 = arith.constant 200 : i32
          %mul3A_162 = arith.muli %sub3A_160, %mul3A_161 : i32
          %add3A_163 = arith.addi %mul3A_2, %mul3A_162 : i32
          %dma_start3A_164 = arith.constant 0 : i32
          %dma_start3A_165 = tpu.memref_slice %arg5[%add3A_163, %dma_start3A_164] : memref<160000x128xf32, #tpu.memory_space<hbm>> -> memref<200x128xf32, #tpu.memory_space<hbm>>
          %dma_start3A_166 = arith.constant 0 : i32
          %dma_start3A_167 = tpu.memref_slice %arg5[%add3A_163, %dma_start3A_166] : memref<160000x128xf32, #tpu.memory_space<hbm>> -> memref<200x128xf32, #tpu.memory_space<hbm>>
          tpu.enqueue_dma source(%arg11 : memref<200x128xf32, #tpu.memory_space<vmem>>) target(%dma_start3A_167 : memref<200x128xf32, #tpu.memory_space<hbm>>) target_semaphore(%arg20 : memref<!tpu.dma_semaphore, #tpu.memory_space<semaphore_mem>>)
        } else {
        }
      } else {
      }
      %lt3A_110 = arith.constant 50 : i32
      %lt3A_111 = arith.cmpi slt, %add3A_104, %lt3A_110 : i32
      %convert_element_type3A_112 = arith.extui %lt3A_111 : i1 to i32
      %cond3A_113 = arith.constant 0 : i32
      %cond3A_114 = arith.cmpi ne, %convert_element_type3A_112, %cond3A_113 : i32
      scf.if %cond3A_114 {
        %dma_start3A_148 = arith.constant 0 : i32
        %dma_start3A_149 = tpu.memref_slice %arg3[%add3A, %add3A_104, %dma_start3A_148] : memref<32x50x200xi32, #tpu.memory_space<hbm>> -> memref<1x1x200xi32, #tpu.memory_space<hbm>>
        %dma_start3A_150 = tpu.memref_squeeze %dma_start3A_149 : memref<1x1x200xi32, #tpu.memory_space<hbm>> -> memref<200xi32, #tpu.memory_space<hbm>>
        %dma_start3A_151 = arith.constant 0 : i32
        %dma_start3A_152 = tpu.memref_slice %arg3[%add3A, %add3A_104, %dma_start3A_151] : memref<32x50x200xi32, #tpu.memory_space<hbm>> -> memref<1x1x200xi32, #tpu.memory_space<hbm>>
        %dma_start3A_153 = tpu.memref_squeeze %dma_start3A_152 : memref<1x1x200xi32, #tpu.memory_space<hbm>> -> memref<200xi32, #tpu.memory_space<hbm>>
        tpu.enqueue_dma source(%dma_start3A_153 : memref<200xi32, #tpu.memory_space<hbm>>) target(%arg8 : memref<200xi32, #tpu.memory_space<vmem>>) target_semaphore(%arg14 : memref<!tpu.dma_semaphore, #tpu.memory_space<semaphore_mem>>)
      } else {
      }
      %mul3A_115 = arith.constant 3 : i32
      %mul3A_116 = arith.muli %scan3A_69, %mul3A_115 : i32
      %add3A_117 = arith.constant 0 : i32
      %add3A_118 = arith.addi %mul3A_116, %add3A_117 : i32
      %add3A_119 = arith.constant 3 : i32
      %add3A_120 = arith.addi %add3A_118, %add3A_119 : i32
      %lt3A_121 = arith.constant 50 : i32
      %lt3A_122 = arith.cmpi slt, %add3A_120, %lt3A_121 : i32
      %convert_element_type3A_123 = arith.extui %lt3A_122 : i1 to i32
      %cond3A_124 = arith.constant 0 : i32
      %cond3A_125 = arith.cmpi ne, %convert_element_type3A_123, %cond3A_124 : i32
      scf.if %cond3A_125 {
        %dma_wait3A_148 = arith.constant 0 : i32
        %dma_wait3A_149 = tpu.memref_slice %arg4[%mul3A_2, %dma_wait3A_148] : memref<160000x128xf32, #tpu.memory_space<hbm>> -> memref<200x128xf32, #tpu.memory_space<hbm>>
        %dma_wait3A_150 = arith.constant 0 : i32
        %dma_wait3A_151 = tpu.memref_slice %arg4[%mul3A_2, %dma_wait3A_150] : memref<160000x128xf32, #tpu.memory_space<hbm>> -> memref<200x128xf32, #tpu.memory_space<hbm>>
        tpu.wait_dma2 semaphore(%arg18 : memref<!tpu.dma_semaphore, #tpu.memory_space<semaphore_mem>>) src(%arg9 : memref<200x128xf32, #tpu.memory_space<vmem>>) dst(%dma_wait3A_151 : memref<200x128xf32, #tpu.memory_space<hbm>>)
        %dma_wait3A_152 = arith.constant 0 : i32
        %dma_wait3A_153 = arith.constant 0 : i32
        %dma_wait3A_154 = tpu.memref_slice %arg3[%add3A, %dma_wait3A_152, %dma_wait3A_153] : memref<32x50x200xi32, #tpu.memory_space<hbm>> -> memref<1x1x200xi32, #tpu.memory_space<hbm>>
        %dma_wait3A_155 = tpu.memref_squeeze %dma_wait3A_154 : memref<1x1x200xi32, #tpu.memory_space<hbm>> -> memref<200xi32, #tpu.memory_space<hbm>>
        %dma_wait3A_156 = arith.constant 0 : i32
        %dma_wait3A_157 = tpu.memref_slice %arg3[%add3A, %dma_wait3A_152, %dma_wait3A_156] : memref<32x50x200xi32, #tpu.memory_space<hbm>> -> memref<1x1x200xi32, #tpu.memory_space<hbm>>
        %dma_wait3A_158 = tpu.memref_squeeze %dma_wait3A_157 : memref<1x1x200xi32, #tpu.memory_space<hbm>> -> memref<200xi32, #tpu.memory_space<hbm>>
        tpu.wait_dma2 semaphore(%arg12 : memref<!tpu.dma_semaphore, #tpu.memory_space<semaphore_mem>>) src(%dma_wait3A_158 : memref<200xi32, #tpu.memory_space<hbm>>) dst(%arg6 : memref<200xi32, #tpu.memory_space<vmem>>)
        %dma_start3A_159 = arith.constant 0 : i32
        %dma_start3A_160 = arith.constant 0 : i32
        %dma_start3A_161 = tpu.memref_slice %arg2[%dma_start3A_159, %dma_start3A_160] : memref<20480x128xf32, #tpu.memory_space<hbm>> -> memref<20480x128xf32, #tpu.memory_space<hbm>>
        tpu.enqueue_indirect_dma source(%dma_start3A_161 : memref<20480x128xf32, #tpu.memory_space<hbm>>) target(%arg9 : memref<200x128xf32, #tpu.memory_space<vmem>>) offsets(%arg6 : memref<200xi32, #tpu.memory_space<vmem>>) semaphore(%arg15 : memref<!tpu.dma_semaphore, #tpu.memory_space<semaphore_mem>>)
      } else {
      }
      %mul3A_126 = arith.constant 3 : i32
      %mul3A_127 = arith.muli %scan3A_69, %mul3A_126 : i32
      %add3A_128 = arith.constant 1 : i32
      %add3A_129 = arith.addi %mul3A_127, %add3A_128 : i32
      %add3A_130 = arith.constant 3 : i32
      %add3A_131 = arith.addi %add3A_129, %add3A_130 : i32
      %lt3A_132 = arith.constant 50 : i32
      %lt3A_133 = arith.cmpi slt, %add3A_131, %lt3A_132 : i32
      %convert_element_type3A_134 = arith.extui %lt3A_133 : i1 to i32
      %cond3A_135 = arith.constant 0 : i32
      %cond3A_136 = arith.cmpi ne, %convert_element_type3A_134, %cond3A_135 : i32
      scf.if %cond3A_136 {
        %dma_wait3A_148 = arith.constant 0 : i32
        %dma_wait3A_149 = tpu.memref_slice %arg4[%mul3A_2, %dma_wait3A_148] : memref<160000x128xf32, #tpu.memory_space<hbm>> -> memref<200x128xf32, #tpu.memory_space<hbm>>
        %dma_wait3A_150 = arith.constant 0 : i32
        %dma_wait3A_151 = tpu.memref_slice %arg4[%mul3A_2, %dma_wait3A_150] : memref<160000x128xf32, #tpu.memory_space<hbm>> -> memref<200x128xf32, #tpu.memory_space<hbm>>
        tpu.wait_dma2 semaphore(%arg19 : memref<!tpu.dma_semaphore, #tpu.memory_space<semaphore_mem>>) src(%arg10 : memref<200x128xf32, #tpu.memory_space<vmem>>) dst(%dma_wait3A_151 : memref<200x128xf32, #tpu.memory_space<hbm>>)
        %dma_wait3A_152 = arith.constant 0 : i32
        %dma_wait3A_153 = arith.constant 0 : i32
        %dma_wait3A_154 = tpu.memref_slice %arg3[%add3A, %dma_wait3A_152, %dma_wait3A_153] : memref<32x50x200xi32, #tpu.memory_space<hbm>> -> memref<1x1x200xi32, #tpu.memory_space<hbm>>
        %dma_wait3A_155 = tpu.memref_squeeze %dma_wait3A_154 : memref<1x1x200xi32, #tpu.memory_space<hbm>> -> memref<200xi32, #tpu.memory_space<hbm>>
        %dma_wait3A_156 = arith.constant 0 : i32
        %dma_wait3A_157 = tpu.memref_slice %arg3[%add3A, %dma_wait3A_152, %dma_wait3A_156] : memref<32x50x200xi32, #tpu.memory_space<hbm>> -> memref<1x1x200xi32, #tpu.memory_space<hbm>>
        %dma_wait3A_158 = tpu.memref_squeeze %dma_wait3A_157 : memref<1x1x200xi32, #tpu.memory_space<hbm>> -> memref<200xi32, #tpu.memory_space<hbm>>
        tpu.wait_dma2 semaphore(%arg13 : memref<!tpu.dma_semaphore, #tpu.memory_space<semaphore_mem>>) src(%dma_wait3A_158 : memref<200xi32, #tpu.memory_space<hbm>>) dst(%arg7 : memref<200xi32, #tpu.memory_space<vmem>>)
        %dma_start3A_159 = arith.constant 0 : i32
        %dma_start3A_160 = arith.constant 0 : i32
        %dma_start3A_161 = tpu.memref_slice %arg2[%dma_start3A_159, %dma_start3A_160] : memref<20480x128xf32, #tpu.memory_space<hbm>> -> memref<20480x128xf32, #tpu.memory_space<hbm>>
        tpu.enqueue_indirect_dma source(%dma_start3A_161 : memref<20480x128xf32, #tpu.memory_space<hbm>>) target(%arg10 : memref<200x128xf32, #tpu.memory_space<vmem>>) offsets(%arg7 : memref<200xi32, #tpu.memory_space<vmem>>) semaphore(%arg16 : memref<!tpu.dma_semaphore, #tpu.memory_space<semaphore_mem>>)
      } else {
      }
      %mul3A_137 = arith.constant 3 : i32
      %mul3A_138 = arith.muli %scan3A_69, %mul3A_137 : i32
      %add3A_139 = arith.constant 2 : i32
      %add3A_140 = arith.addi %mul3A_138, %add3A_139 : i32
      %add3A_141 = arith.constant 3 : i32
      %add3A_142 = arith.addi %add3A_140, %add3A_141 : i32
      %lt3A_143 = arith.constant 50 : i32
      %lt3A_144 = arith.cmpi slt, %add3A_142, %lt3A_143 : i32
      %convert_element_type3A_145 = arith.extui %lt3A_144 : i1 to i32
      %cond3A_146 = arith.constant 0 : i32
      %cond3A_147 = arith.cmpi ne, %convert_element_type3A_145, %cond3A_146 : i32
      scf.if %cond3A_147 {
        %dma_wait3A_148 = arith.constant 0 : i32
        %dma_wait3A_149 = tpu.memref_slice %arg4[%mul3A_2, %dma_wait3A_148] : memref<160000x128xf32, #tpu.memory_space<hbm>> -> memref<200x128xf32, #tpu.memory_space<hbm>>
        %dma_wait3A_150 = arith.constant 0 : i32
        %dma_wait3A_151 = tpu.memref_slice %arg4[%mul3A_2, %dma_wait3A_150] : memref<160000x128xf32, #tpu.memory_space<hbm>> -> memref<200x128xf32, #tpu.memory_space<hbm>>
        tpu.wait_dma2 semaphore(%arg20 : memref<!tpu.dma_semaphore, #tpu.memory_space<semaphore_mem>>) src(%arg11 : memref<200x128xf32, #tpu.memory_space<vmem>>) dst(%dma_wait3A_151 : memref<200x128xf32, #tpu.memory_space<hbm>>)
        %dma_wait3A_152 = arith.constant 0 : i32
        %dma_wait3A_153 = arith.constant 0 : i32
        %dma_wait3A_154 = tpu.memref_slice %arg3[%add3A, %dma_wait3A_152, %dma_wait3A_153] : memref<32x50x200xi32, #tpu.memory_space<hbm>> -> memref<1x1x200xi32, #tpu.memory_space<hbm>>
        %dma_wait3A_155 = tpu.memref_squeeze %dma_wait3A_154 : memref<1x1x200xi32, #tpu.memory_space<hbm>> -> memref<200xi32, #tpu.memory_space<hbm>>
        %dma_wait3A_156 = arith.constant 0 : i32
        %dma_wait3A_157 = tpu.memref_slice %arg3[%add3A, %dma_wait3A_152, %dma_wait3A_156] : memref<32x50x200xi32, #tpu.memory_space<hbm>> -> memref<1x1x200xi32, #tpu.memory_space<hbm>>
        %dma_wait3A_158 = tpu.memref_squeeze %dma_wait3A_157 : memref<1x1x200xi32, #tpu.memory_space<hbm>> -> memref<200xi32, #tpu.memory_space<hbm>>
        tpu.wait_dma2 semaphore(%arg14 : memref<!tpu.dma_semaphore, #tpu.memory_space<semaphore_mem>>) src(%dma_wait3A_158 : memref<200xi32, #tpu.memory_space<hbm>>) dst(%arg8 : memref<200xi32, #tpu.memory_space<vmem>>)
        %dma_start3A_159 = arith.constant 0 : i32
        %dma_start3A_160 = arith.constant 0 : i32
        %dma_start3A_161 = tpu.memref_slice %arg2[%dma_start3A_159, %dma_start3A_160] : memref<20480x128xf32, #tpu.memory_space<hbm>> -> memref<20480x128xf32, #tpu.memory_space<hbm>>
        tpu.enqueue_indirect_dma source(%dma_start3A_161 : memref<20480x128xf32, #tpu.memory_space<hbm>>) target(%arg11 : memref<200x128xf32, #tpu.memory_space<vmem>>) offsets(%arg8 : memref<200xi32, #tpu.memory_space<vmem>>) semaphore(%arg17 : memref<!tpu.dma_semaphore, #tpu.memory_space<semaphore_mem>>)
      } else {
      }
    }
    %scan3A_56 = arith.constant 17 : i32
    %dma_wait3A_57 = arith.constant 0 : i32
    %dma_wait3A_58 = tpu.memref_slice %arg4[%mul3A_2, %dma_wait3A_57] : memref<160000x128xf32, #tpu.memory_space<hbm>> -> memref<200x128xf32, #tpu.memory_space<hbm>>
    %dma_wait3A_59 = arith.constant 0 : i32
    %dma_wait3A_60 = tpu.memref_slice %arg4[%mul3A_2, %dma_wait3A_59] : memref<160000x128xf32, #tpu.memory_space<hbm>> -> memref<200x128xf32, #tpu.memory_space<hbm>>
    tpu.wait_dma2 semaphore(%arg18 : memref<!tpu.dma_semaphore, #tpu.memory_space<semaphore_mem>>) src(%arg9 : memref<200x128xf32, #tpu.memory_space<vmem>>) dst(%dma_wait3A_60 : memref<200x128xf32, #tpu.memory_space<hbm>>)
    %dma_wait3A_61 = arith.constant 0 : i32
    %dma_wait3A_62 = tpu.memref_slice %arg4[%mul3A_2, %dma_wait3A_61] : memref<160000x128xf32, #tpu.memory_space<hbm>> -> memref<200x128xf32, #tpu.memory_space<hbm>>
    %dma_wait3A_63 = arith.constant 0 : i32
    %dma_wait3A_64 = tpu.memref_slice %arg4[%mul3A_2, %dma_wait3A_63] : memref<160000x128xf32, #tpu.memory_space<hbm>> -> memref<200x128xf32, #tpu.memory_space<hbm>>
    tpu.wait_dma2 semaphore(%arg19 : memref<!tpu.dma_semaphore, #tpu.memory_space<semaphore_mem>>) src(%arg10 : memref<200x128xf32, #tpu.memory_space<vmem>>) dst(%dma_wait3A_64 : memref<200x128xf32, #tpu.memory_space<hbm>>)
    %dma_wait3A_65 = arith.constant 0 : i32
    %dma_wait3A_66 = tpu.memref_slice %arg4[%mul3A_2, %dma_wait3A_65] : memref<160000x128xf32, #tpu.memory_space<hbm>> -> memref<200x128xf32, #tpu.memory_space<hbm>>
    %dma_wait3A_67 = arith.constant 0 : i32
    %dma_wait3A_68 = tpu.memref_slice %arg4[%mul3A_2, %dma_wait3A_67] : memref<160000x128xf32, #tpu.memory_space<hbm>> -> memref<200x128xf32, #tpu.memory_space<hbm>>
    tpu.wait_dma2 semaphore(%arg20 : memref<!tpu.dma_semaphore, #tpu.memory_space<semaphore_mem>>) src(%arg11 : memref<200x128xf32, #tpu.memory_space<vmem>>) dst(%dma_wait3A_68 : memref<200x128xf32, #tpu.memory_space<hbm>>)
    return
  }
}

#map = affine_map<(d0, d1) -> (0, 0)>
#map1 = affine_map<(d0, d1) -> (0)>
#map2 = affine_map<(d0, d1) -> (0, 0, 0)>
module attributes {stable_mosaic.version = 14 : i64} {
  func.func @scatter_k(%arg0: i32, %arg1: i32, %arg2: memref<160000x128xf32, #tpu.memory_space<hbm>>, %arg3: memref<160000xi32, #tpu.memory_space<hbm>>, %arg4: memref<10240x128xf32, #tpu.memory_space<hbm>>, %arg5: memref<2x10240x128xf32, #tpu.memory_space<hbm>>, %arg6: memref<200xi32, #tpu.memory_space<vmem>>, %arg7: memref<200xi32, #tpu.memory_space<vmem>>, %arg8: memref<200x128xf32, #tpu.memory_space<vmem>>, %arg9: memref<10240x128xf32, #tpu.memory_space<vmem_shared>>, %arg10: memref<!tpu.dma_semaphore, #tpu.memory_space<semaphore_mem>>, %arg11: memref<!tpu.dma_semaphore, #tpu.memory_space<semaphore_mem>>) attributes {dimension_semantics = [#tpu.dimension_semantics<core_parallel>, #tpu.dimension_semantics<subcore_parallel>], iteration_bounds = array<i64: 2, 16>, scalar_prefetch = 0 : i64, scratch_operands = 6 : i64, tpu.core_type = #tpu.core_type<sc_vector_subcore>, window_params = [{transform_indices = #map}, {transform_indices = #map1}, {transform_indices = #map}, {transform_indices = #map2}]} {
    %mul3A = arith.constant 2 : i32
    %mul3A_0 = arith.muli %arg1, %mul3A : i32
    %add3A = arith.addi %mul3A_0, %arg0 : i32
    %mul3A_1 = arith.constant 5000 : i32
    %mul3A_2 = arith.muli %add3A, %mul3A_1 : i32
    %add3A_3 = arith.constant 0 : i32
    %add3A_4 = arith.addi %mul3A_2, %add3A_3 : i32
    %dma_start3A = tpu.memref_slice %arg3[%add3A_4] : memref<160000xi32, #tpu.memory_space<hbm>> -> memref<200xi32, #tpu.memory_space<hbm>>
    %dma_start3A_5 = tpu.memref_slice %arg3[%add3A_4] : memref<160000xi32, #tpu.memory_space<hbm>> -> memref<200xi32, #tpu.memory_space<hbm>>
    tpu.enqueue_dma source(%dma_start3A_5 : memref<200xi32, #tpu.memory_space<hbm>>) target(%arg6 : memref<200xi32, #tpu.memory_space<vmem>>) target_semaphore(%arg10 : memref<!tpu.dma_semaphore, #tpu.memory_space<semaphore_mem>>)
    %add3A_6 = arith.constant 200 : i32
    %add3A_7 = arith.addi %mul3A_2, %add3A_6 : i32
    %dma_start3A_8 = tpu.memref_slice %arg3[%add3A_7] : memref<160000xi32, #tpu.memory_space<hbm>> -> memref<200xi32, #tpu.memory_space<hbm>>
    %dma_start3A_9 = tpu.memref_slice %arg3[%add3A_7] : memref<160000xi32, #tpu.memory_space<hbm>> -> memref<200xi32, #tpu.memory_space<hbm>>
    tpu.enqueue_dma source(%dma_start3A_9 : memref<200xi32, #tpu.memory_space<hbm>>) target(%arg7 : memref<200xi32, #tpu.memory_space<vmem>>) target_semaphore(%arg11 : memref<!tpu.dma_semaphore, #tpu.memory_space<semaphore_mem>>)
    %mul3A_10 = arith.constant 640 : i32
    %mul3A_11 = arith.muli %arg1, %mul3A_10 : i32
    %mul3A_12 = arith.constant 640 : i32
    %mul3A_13 = arith.muli %arg1, %mul3A_12 : i32
    "tpu.region"() ({
      %run_scoped3A = tpu.sem_alloc : memref<!tpu.dma_semaphore, #tpu.memory_space<semaphore_mem>>
      %dma_start3A_24 = arith.constant 0 : i32
      %dma_start3A_25 = tpu.memref_slice %arg9[%mul3A_13, %dma_start3A_24] : memref<10240x128xf32, #tpu.memory_space<vmem_shared>> -> memref<640x128xf32, #tpu.memory_space<vmem_shared>>
      %dma_start3A_26 = arith.constant 0 : i32
      %dma_start3A_27 = tpu.memref_slice %arg4[%mul3A_11, %dma_start3A_26] : memref<10240x128xf32, #tpu.memory_space<hbm>> -> memref<640x128xf32, #tpu.memory_space<hbm>>
      tpu.enqueue_dma source(%dma_start3A_27 : memref<640x128xf32, #tpu.memory_space<hbm>>) target(%dma_start3A_25 : memref<640x128xf32, #tpu.memory_space<vmem_shared>>) target_semaphore(%run_scoped3A : memref<!tpu.dma_semaphore, #tpu.memory_space<semaphore_mem>>)
      %dma_wait3A = arith.constant 0 : i32
      %dma_wait3A_28 = tpu.memref_slice %arg9[%mul3A_13, %dma_wait3A] : memref<10240x128xf32, #tpu.memory_space<vmem_shared>> -> memref<640x128xf32, #tpu.memory_space<vmem_shared>>
      %dma_wait3A_29 = arith.constant 0 : i32
      %dma_wait3A_30 = tpu.memref_slice %arg4[%mul3A_11, %dma_wait3A_29] : memref<10240x128xf32, #tpu.memory_space<hbm>> -> memref<640x128xf32, #tpu.memory_space<hbm>>
      tpu.wait_dma2 semaphore(%run_scoped3A : memref<!tpu.dma_semaphore, #tpu.memory_space<semaphore_mem>>) src(%dma_wait3A_30 : memref<640x128xf32, #tpu.memory_space<hbm>>) dst(%dma_wait3A_28 : memref<640x128xf32, #tpu.memory_space<vmem_shared>>)
      tpu.yield
    }) : () -> ()
    %barrier3A = arith.constant 0 : index
    tpu.barrier barrier_id(%barrier3A)
    %scan3A = arith.constant 0 : i32
    %scan3A_14 = arith.constant 0 : i32
    %scan3A_15 = arith.constant 13 : i32
    %scan3A_16 = arith.addi %scan3A_14, %scan3A_15 : i32
    %scan3A_17 = arith.constant 1 : i32
    scf.for %scan3A_24 = %scan3A_14 to %scan3A_16 step %scan3A_17  : i32 {
      %mul3A_25 = arith.constant 2 : i32
      %mul3A_26 = arith.muli %scan3A_24, %mul3A_25 : i32
      %add3A_27 = arith.constant 0 : i32
      %add3A_28 = arith.addi %mul3A_26, %add3A_27 : i32
      %add3A_29 = arith.constant 2 : i32
      %add3A_30 = arith.addi %add3A_28, %add3A_29 : i32
      %lt3A = arith.constant 25 : i32
      %lt3A_31 = arith.cmpi slt, %add3A_28, %lt3A : i32
      %convert_element_type3A = arith.extui %lt3A_31 : i1 to i32
      %cond3A = arith.constant 0 : i32
      %cond3A_32 = arith.cmpi ne, %convert_element_type3A, %cond3A : i32
      scf.if %cond3A_32 {
        %mul3A_44 = arith.constant 200 : i32
        %mul3A_45 = arith.muli %add3A_28, %mul3A_44 : i32
        %add3A_46 = arith.addi %mul3A_2, %mul3A_45 : i32
        "tpu.region"() ({
          %run_scoped3A = tpu.sem_alloc : memref<!tpu.dma_semaphore, #tpu.memory_space<semaphore_mem>>
          %dma_start3A_53 = arith.constant 0 : i32
          %dma_start3A_54 = tpu.memref_slice %arg2[%add3A_46, %dma_start3A_53] : memref<160000x128xf32, #tpu.memory_space<hbm>> -> memref<200x128xf32, #tpu.memory_space<hbm>>
          %dma_start3A_55 = arith.constant 0 : i32
          %dma_start3A_56 = tpu.memref_slice %arg2[%add3A_46, %dma_start3A_55] : memref<160000x128xf32, #tpu.memory_space<hbm>> -> memref<200x128xf32, #tpu.memory_space<hbm>>
          tpu.enqueue_dma source(%dma_start3A_56 : memref<200x128xf32, #tpu.memory_space<hbm>>) target(%arg8 : memref<200x128xf32, #tpu.memory_space<vmem>>) target_semaphore(%run_scoped3A : memref<!tpu.dma_semaphore, #tpu.memory_space<semaphore_mem>>)
          %dma_wait3A_57 = arith.constant 0 : i32
          %dma_wait3A_58 = tpu.memref_slice %arg2[%add3A_46, %dma_wait3A_57] : memref<160000x128xf32, #tpu.memory_space<hbm>> -> memref<200x128xf32, #tpu.memory_space<hbm>>
          %dma_wait3A_59 = arith.constant 0 : i32
          %dma_wait3A_60 = tpu.memref_slice %arg2[%add3A_46, %dma_wait3A_59] : memref<160000x128xf32, #tpu.memory_space<hbm>> -> memref<200x128xf32, #tpu.memory_space<hbm>>
          tpu.wait_dma2 semaphore(%run_scoped3A : memref<!tpu.dma_semaphore, #tpu.memory_space<semaphore_mem>>) src(%dma_wait3A_60 : memref<200x128xf32, #tpu.memory_space<hbm>>) dst(%arg8 : memref<200x128xf32, #tpu.memory_space<vmem>>)
          tpu.yield
        }) : () -> ()
        %dma_wait3A = tpu.memref_slice %arg3[%mul3A_2] : memref<160000xi32, #tpu.memory_space<hbm>> -> memref<200xi32, #tpu.memory_space<hbm>>
        %dma_wait3A_47 = tpu.memref_slice %arg3[%mul3A_2] : memref<160000xi32, #tpu.memory_space<hbm>> -> memref<200xi32, #tpu.memory_space<hbm>>
        tpu.wait_dma2 semaphore(%arg10 : memref<!tpu.dma_semaphore, #tpu.memory_space<semaphore_mem>>) src(%dma_wait3A_47 : memref<200xi32, #tpu.memory_space<hbm>>) dst(%arg6 : memref<200xi32, #tpu.memory_space<vmem>>)
        "tpu.region"() ({
          %run_scoped3A = tpu.sem_alloc : memref<!tpu.dma_semaphore, #tpu.memory_space<semaphore_mem>>
          %dma_start3A_53 = arith.constant 0 : i32
          %dma_start3A_54 = arith.constant 0 : i32
          %dma_start3A_55 = tpu.memref_slice %arg9[%dma_start3A_53, %dma_start3A_54] : memref<10240x128xf32, #tpu.memory_space<vmem_shared>> -> memref<10240x128xf32, #tpu.memory_space<vmem_shared>>
          tpu.enqueue_indirect_dma source(%arg8 : memref<200x128xf32, #tpu.memory_space<vmem>>) target(%dma_start3A_55 : memref<10240x128xf32, #tpu.memory_space<vmem_shared>>) offsets(%arg6 : memref<200xi32, #tpu.memory_space<vmem>>) semaphore(%run_scoped3A : memref<!tpu.dma_semaphore, #tpu.memory_space<semaphore_mem>>) {add = true}
          %dma_wait3A_56 = arith.constant 0 : i32
          %dma_wait3A_57 = arith.constant 0 : i32
          %dma_wait3A_58 = tpu.memref_slice %arg9[%dma_wait3A_56, %dma_wait3A_57] : memref<10240x128xf32, #tpu.memory_space<vmem_shared>> -> memref<10240x128xf32, #tpu.memory_space<vmem_shared>>
          tpu.wait_indirect_dma semaphore(%run_scoped3A : memref<!tpu.dma_semaphore, #tpu.memory_space<semaphore_mem>>) src(%arg8 : memref<200x128xf32, #tpu.memory_space<vmem>>) dst(%dma_wait3A_58 : memref<10240x128xf32, #tpu.memory_space<vmem_shared>>)
          tpu.yield
        }) : () -> ()
        %lt3A_48 = arith.constant 25 : i32
        %lt3A_49 = arith.cmpi slt, %add3A_30, %lt3A_48 : i32
        %convert_element_type3A_50 = arith.extui %lt3A_49 : i1 to i32
        %cond3A_51 = arith.constant 0 : i32
        %cond3A_52 = arith.cmpi ne, %convert_element_type3A_50, %cond3A_51 : i32
        scf.if %cond3A_52 {
          %mul3A_53 = arith.constant 200 : i32
          %mul3A_54 = arith.muli %add3A_30, %mul3A_53 : i32
          %add3A_55 = arith.addi %mul3A_2, %mul3A_54 : i32
          %dma_start3A_56 = tpu.memref_slice %arg3[%add3A_55] : memref<160000xi32, #tpu.memory_space<hbm>> -> memref<200xi32, #tpu.memory_space<hbm>>
          %dma_start3A_57 = tpu.memref_slice %arg3[%add3A_55] : memref<160000xi32, #tpu.memory_space<hbm>> -> memref<200xi32, #tpu.memory_space<hbm>>
          tpu.enqueue_dma source(%dma_start3A_57 : memref<200xi32, #tpu.memory_space<hbm>>) target(%arg6 : memref<200xi32, #tpu.memory_space<vmem>>) target_semaphore(%arg10 : memref<!tpu.dma_semaphore, #tpu.memory_space<semaphore_mem>>)
        } else {
        }
      } else {
      }
      %mul3A_33 = arith.constant 2 : i32
      %mul3A_34 = arith.muli %scan3A_24, %mul3A_33 : i32
      %add3A_35 = arith.constant 1 : i32
      %add3A_36 = arith.addi %mul3A_34, %add3A_35 : i32
      %add3A_37 = arith.constant 2 : i32
      %add3A_38 = arith.addi %add3A_36, %add3A_37 : i32
      %lt3A_39 = arith.constant 25 : i32
      %lt3A_40 = arith.cmpi slt, %add3A_36, %lt3A_39 : i32
      %convert_element_type3A_41 = arith.extui %lt3A_40 : i1 to i32
      %cond3A_42 = arith.constant 0 : i32
      %cond3A_43 = arith.cmpi ne, %convert_element_type3A_41, %cond3A_42 : i32
      scf.if %cond3A_43 {
        %mul3A_44 = arith.constant 200 : i32
        %mul3A_45 = arith.muli %add3A_36, %mul3A_44 : i32
        %add3A_46 = arith.addi %mul3A_2, %mul3A_45 : i32
        "tpu.region"() ({
          %run_scoped3A = tpu.sem_alloc : memref<!tpu.dma_semaphore, #tpu.memory_space<semaphore_mem>>
          %dma_start3A_53 = arith.constant 0 : i32
          %dma_start3A_54 = tpu.memref_slice %arg2[%add3A_46, %dma_start3A_53] : memref<160000x128xf32, #tpu.memory_space<hbm>> -> memref<200x128xf32, #tpu.memory_space<hbm>>
          %dma_start3A_55 = arith.constant 0 : i32
          %dma_start3A_56 = tpu.memref_slice %arg2[%add3A_46, %dma_start3A_55] : memref<160000x128xf32, #tpu.memory_space<hbm>> -> memref<200x128xf32, #tpu.memory_space<hbm>>
          tpu.enqueue_dma source(%dma_start3A_56 : memref<200x128xf32, #tpu.memory_space<hbm>>) target(%arg8 : memref<200x128xf32, #tpu.memory_space<vmem>>) target_semaphore(%run_scoped3A : memref<!tpu.dma_semaphore, #tpu.memory_space<semaphore_mem>>)
          %dma_wait3A_57 = arith.constant 0 : i32
          %dma_wait3A_58 = tpu.memref_slice %arg2[%add3A_46, %dma_wait3A_57] : memref<160000x128xf32, #tpu.memory_space<hbm>> -> memref<200x128xf32, #tpu.memory_space<hbm>>
          %dma_wait3A_59 = arith.constant 0 : i32
          %dma_wait3A_60 = tpu.memref_slice %arg2[%add3A_46, %dma_wait3A_59] : memref<160000x128xf32, #tpu.memory_space<hbm>> -> memref<200x128xf32, #tpu.memory_space<hbm>>
          tpu.wait_dma2 semaphore(%run_scoped3A : memref<!tpu.dma_semaphore, #tpu.memory_space<semaphore_mem>>) src(%dma_wait3A_60 : memref<200x128xf32, #tpu.memory_space<hbm>>) dst(%arg8 : memref<200x128xf32, #tpu.memory_space<vmem>>)
          tpu.yield
        }) : () -> ()
        %dma_wait3A = tpu.memref_slice %arg3[%mul3A_2] : memref<160000xi32, #tpu.memory_space<hbm>> -> memref<200xi32, #tpu.memory_space<hbm>>
        %dma_wait3A_47 = tpu.memref_slice %arg3[%mul3A_2] : memref<160000xi32, #tpu.memory_space<hbm>> -> memref<200xi32, #tpu.memory_space<hbm>>
        tpu.wait_dma2 semaphore(%arg11 : memref<!tpu.dma_semaphore, #tpu.memory_space<semaphore_mem>>) src(%dma_wait3A_47 : memref<200xi32, #tpu.memory_space<hbm>>) dst(%arg7 : memref<200xi32, #tpu.memory_space<vmem>>)
        "tpu.region"() ({
          %run_scoped3A = tpu.sem_alloc : memref<!tpu.dma_semaphore, #tpu.memory_space<semaphore_mem>>
          %dma_start3A_53 = arith.constant 0 : i32
          %dma_start3A_54 = arith.constant 0 : i32
          %dma_start3A_55 = tpu.memref_slice %arg9[%dma_start3A_53, %dma_start3A_54] : memref<10240x128xf32, #tpu.memory_space<vmem_shared>> -> memref<10240x128xf32, #tpu.memory_space<vmem_shared>>
          tpu.enqueue_indirect_dma source(%arg8 : memref<200x128xf32, #tpu.memory_space<vmem>>) target(%dma_start3A_55 : memref<10240x128xf32, #tpu.memory_space<vmem_shared>>) offsets(%arg7 : memref<200xi32, #tpu.memory_space<vmem>>) semaphore(%run_scoped3A : memref<!tpu.dma_semaphore, #tpu.memory_space<semaphore_mem>>) {add = true}
          %dma_wait3A_56 = arith.constant 0 : i32
          %dma_wait3A_57 = arith.constant 0 : i32
          %dma_wait3A_58 = tpu.memref_slice %arg9[%dma_wait3A_56, %dma_wait3A_57] : memref<10240x128xf32, #tpu.memory_space<vmem_shared>> -> memref<10240x128xf32, #tpu.memory_space<vmem_shared>>
          tpu.wait_indirect_dma semaphore(%run_scoped3A : memref<!tpu.dma_semaphore, #tpu.memory_space<semaphore_mem>>) src(%arg8 : memref<200x128xf32, #tpu.memory_space<vmem>>) dst(%dma_wait3A_58 : memref<10240x128xf32, #tpu.memory_space<vmem_shared>>)
          tpu.yield
        }) : () -> ()
        %lt3A_48 = arith.constant 25 : i32
        %lt3A_49 = arith.cmpi slt, %add3A_38, %lt3A_48 : i32
        %convert_element_type3A_50 = arith.extui %lt3A_49 : i1 to i32
        %cond3A_51 = arith.constant 0 : i32
        %cond3A_52 = arith.cmpi ne, %convert_element_type3A_50, %cond3A_51 : i32
        scf.if %cond3A_52 {
          %mul3A_53 = arith.constant 200 : i32
          %mul3A_54 = arith.muli %add3A_38, %mul3A_53 : i32
          %add3A_55 = arith.addi %mul3A_2, %mul3A_54 : i32
          %dma_start3A_56 = tpu.memref_slice %arg3[%add3A_55] : memref<160000xi32, #tpu.memory_space<hbm>> -> memref<200xi32, #tpu.memory_space<hbm>>
          %dma_start3A_57 = tpu.memref_slice %arg3[%add3A_55] : memref<160000xi32, #tpu.memory_space<hbm>> -> memref<200xi32, #tpu.memory_space<hbm>>
          tpu.enqueue_dma source(%dma_start3A_57 : memref<200xi32, #tpu.memory_space<hbm>>) target(%arg7 : memref<200xi32, #tpu.memory_space<vmem>>) target_semaphore(%arg11 : memref<!tpu.dma_semaphore, #tpu.memory_space<semaphore_mem>>)
        } else {
        }
      } else {
      }
    }
    %scan3A_18 = arith.constant 13 : i32
    %barrier3A_19 = arith.constant 0 : index
    tpu.barrier barrier_id(%barrier3A_19)
    %mul3A_20 = arith.constant 640 : i32
    %mul3A_21 = arith.muli %arg1, %mul3A_20 : i32
    %mul3A_22 = arith.constant 640 : i32
    %mul3A_23 = arith.muli %arg1, %mul3A_22 : i32
    "tpu.region"() ({
      %run_scoped3A = tpu.sem_alloc : memref<!tpu.dma_semaphore, #tpu.memory_space<semaphore_mem>>
      %dma_start3A_24 = arith.constant 0 : i32
      %dma_start3A_25 = tpu.memref_slice %arg5[%arg0, %mul3A_23, %dma_start3A_24] : memref<2x10240x128xf32, #tpu.memory_space<hbm>> -> memref<1x640x128xf32, #tpu.memory_space<hbm>>
      %dma_start3A_26 = tpu.memref_squeeze %dma_start3A_25 : memref<1x640x128xf32, #tpu.memory_space<hbm>> -> memref<640x128xf32, #tpu.memory_space<hbm>>
      %dma_start3A_27 = arith.constant 0 : i32
      %dma_start3A_28 = tpu.memref_slice %arg9[%mul3A_21, %dma_start3A_27] : memref<10240x128xf32, #tpu.memory_space<vmem_shared>> -> memref<640x128xf32, #tpu.memory_space<vmem_shared>>
      tpu.enqueue_dma source(%dma_start3A_28 : memref<640x128xf32, #tpu.memory_space<vmem_shared>>) target(%dma_start3A_26 : memref<640x128xf32, #tpu.memory_space<hbm>>) target_semaphore(%run_scoped3A : memref<!tpu.dma_semaphore, #tpu.memory_space<semaphore_mem>>)
      %dma_wait3A = arith.constant 0 : i32
      %dma_wait3A_29 = tpu.memref_slice %arg5[%arg0, %mul3A_23, %dma_wait3A] : memref<2x10240x128xf32, #tpu.memory_space<hbm>> -> memref<1x640x128xf32, #tpu.memory_space<hbm>>
      %dma_wait3A_30 = tpu.memref_squeeze %dma_wait3A_29 : memref<1x640x128xf32, #tpu.memory_space<hbm>> -> memref<640x128xf32, #tpu.memory_space<hbm>>
      %dma_wait3A_31 = arith.constant 0 : i32
      %dma_wait3A_32 = tpu.memref_slice %arg9[%mul3A_21, %dma_wait3A_31] : memref<10240x128xf32, #tpu.memory_space<vmem_shared>> -> memref<640x128xf32, #tpu.memory_space<vmem_shared>>
      tpu.wait_dma2 semaphore(%run_scoped3A : memref<!tpu.dma_semaphore, #tpu.memory_space<semaphore_mem>>) src(%dma_wait3A_32 : memref<640x128xf32, #tpu.memory_space<vmem_shared>>) dst(%dma_wait3A_30 : memref<640x128xf32, #tpu.memory_space<hbm>>)
      tpu.yield
    }) : () -> ()
    return
  }
}

#map = affine_map<(d0, d1) -> (0, 0)>
#map1 = affine_map<(d0, d1) -> (0)>
#map2 = affine_map<(d0, d1) -> (0, 0, 0)>
module attributes {stable_mosaic.version = 14 : i64} {
  func.func @scatter_k(%arg0: i32, %arg1: i32, %arg2: memref<160000x128xf32, #tpu.memory_space<hbm>>, %arg3: memref<160000xi32, #tpu.memory_space<hbm>>, %arg4: memref<10240x128xf32, #tpu.memory_space<hbm>>, %arg5: memref<2x10240x128xf32, #tpu.memory_space<hbm>>, %arg6: memref<200xi32, #tpu.memory_space<vmem>>, %arg7: memref<200xi32, #tpu.memory_space<vmem>>, %arg8: memref<200x128xf32, #tpu.memory_space<vmem>>, %arg9: memref<10240x128xf32, #tpu.memory_space<vmem_shared>>, %arg10: memref<!tpu.dma_semaphore, #tpu.memory_space<semaphore_mem>>, %arg11: memref<!tpu.dma_semaphore, #tpu.memory_space<semaphore_mem>>) attributes {dimension_semantics = [#tpu.dimension_semantics<core_parallel>, #tpu.dimension_semantics<subcore_parallel>], iteration_bounds = array<i64: 2, 16>, scalar_prefetch = 0 : i64, scratch_operands = 6 : i64, tpu.core_type = #tpu.core_type<sc_vector_subcore>, window_params = [{transform_indices = #map}, {transform_indices = #map1}, {transform_indices = #map}, {transform_indices = #map2}]} {
    %mul3A = arith.constant 2 : i32
    %mul3A_0 = arith.muli %arg1, %mul3A : i32
    %add3A = arith.addi %mul3A_0, %arg0 : i32
    %mul3A_1 = arith.constant 5000 : i32
    %mul3A_2 = arith.muli %add3A, %mul3A_1 : i32
    %add3A_3 = arith.constant 0 : i32
    %add3A_4 = arith.addi %mul3A_2, %add3A_3 : i32
    %dma_start3A = tpu.memref_slice %arg3[%add3A_4] : memref<160000xi32, #tpu.memory_space<hbm>> -> memref<200xi32, #tpu.memory_space<hbm>>
    %dma_start3A_5 = tpu.memref_slice %arg3[%add3A_4] : memref<160000xi32, #tpu.memory_space<hbm>> -> memref<200xi32, #tpu.memory_space<hbm>>
    tpu.enqueue_dma source(%dma_start3A_5 : memref<200xi32, #tpu.memory_space<hbm>>) target(%arg6 : memref<200xi32, #tpu.memory_space<vmem>>) target_semaphore(%arg10 : memref<!tpu.dma_semaphore, #tpu.memory_space<semaphore_mem>>)
    %add3A_6 = arith.constant 200 : i32
    %add3A_7 = arith.addi %mul3A_2, %add3A_6 : i32
    %dma_start3A_8 = tpu.memref_slice %arg3[%add3A_7] : memref<160000xi32, #tpu.memory_space<hbm>> -> memref<200xi32, #tpu.memory_space<hbm>>
    %dma_start3A_9 = tpu.memref_slice %arg3[%add3A_7] : memref<160000xi32, #tpu.memory_space<hbm>> -> memref<200xi32, #tpu.memory_space<hbm>>
    tpu.enqueue_dma source(%dma_start3A_9 : memref<200xi32, #tpu.memory_space<hbm>>) target(%arg7 : memref<200xi32, #tpu.memory_space<vmem>>) target_semaphore(%arg11 : memref<!tpu.dma_semaphore, #tpu.memory_space<semaphore_mem>>)
    %mul3A_10 = arith.constant 640 : i32
    %mul3A_11 = arith.muli %arg1, %mul3A_10 : i32
    %mul3A_12 = arith.constant 640 : i32
    %mul3A_13 = arith.muli %arg1, %mul3A_12 : i32
    "tpu.region"() ({
      %run_scoped3A = tpu.sem_alloc : memref<!tpu.dma_semaphore, #tpu.memory_space<semaphore_mem>>
      %dma_start3A_24 = arith.constant 0 : i32
      %dma_start3A_25 = tpu.memref_slice %arg9[%mul3A_13, %dma_start3A_24] : memref<10240x128xf32, #tpu.memory_space<vmem_shared>> -> memref<640x128xf32, #tpu.memory_space<vmem_shared>>
      %dma_start3A_26 = arith.constant 0 : i32
      %dma_start3A_27 = tpu.memref_slice %arg4[%mul3A_11, %dma_start3A_26] : memref<10240x128xf32, #tpu.memory_space<hbm>> -> memref<640x128xf32, #tpu.memory_space<hbm>>
      tpu.enqueue_dma source(%dma_start3A_27 : memref<640x128xf32, #tpu.memory_space<hbm>>) target(%dma_start3A_25 : memref<640x128xf32, #tpu.memory_space<vmem_shared>>) target_semaphore(%run_scoped3A : memref<!tpu.dma_semaphore, #tpu.memory_space<semaphore_mem>>)
      %dma_wait3A = arith.constant 0 : i32
      %dma_wait3A_28 = tpu.memref_slice %arg9[%mul3A_13, %dma_wait3A] : memref<10240x128xf32, #tpu.memory_space<vmem_shared>> -> memref<640x128xf32, #tpu.memory_space<vmem_shared>>
      %dma_wait3A_29 = arith.constant 0 : i32
      %dma_wait3A_30 = tpu.memref_slice %arg4[%mul3A_11, %dma_wait3A_29] : memref<10240x128xf32, #tpu.memory_space<hbm>> -> memref<640x128xf32, #tpu.memory_space<hbm>>
      tpu.wait_dma2 semaphore(%run_scoped3A : memref<!tpu.dma_semaphore, #tpu.memory_space<semaphore_mem>>) src(%dma_wait3A_30 : memref<640x128xf32, #tpu.memory_space<hbm>>) dst(%dma_wait3A_28 : memref<640x128xf32, #tpu.memory_space<vmem_shared>>)
      tpu.yield
    }) : () -> ()
    %barrier3A = arith.constant 0 : index
    tpu.barrier barrier_id(%barrier3A)
    %scan3A = arith.constant 0 : i32
    %scan3A_14 = arith.constant 0 : i32
    %scan3A_15 = arith.constant 13 : i32
    %scan3A_16 = arith.addi %scan3A_14, %scan3A_15 : i32
    %scan3A_17 = arith.constant 1 : i32
    scf.for %scan3A_24 = %scan3A_14 to %scan3A_16 step %scan3A_17  : i32 {
      %mul3A_25 = arith.constant 2 : i32
      %mul3A_26 = arith.muli %scan3A_24, %mul3A_25 : i32
      %add3A_27 = arith.constant 0 : i32
      %add3A_28 = arith.addi %mul3A_26, %add3A_27 : i32
      %add3A_29 = arith.constant 2 : i32
      %add3A_30 = arith.addi %add3A_28, %add3A_29 : i32
      %lt3A = arith.constant 25 : i32
      %lt3A_31 = arith.cmpi slt, %add3A_28, %lt3A : i32
      %convert_element_type3A = arith.extui %lt3A_31 : i1 to i32
      %cond3A = arith.constant 0 : i32
      %cond3A_32 = arith.cmpi ne, %convert_element_type3A, %cond3A : i32
      scf.if %cond3A_32 {
        %mul3A_44 = arith.constant 200 : i32
        %mul3A_45 = arith.muli %add3A_28, %mul3A_44 : i32
        %add3A_46 = arith.addi %mul3A_2, %mul3A_45 : i32
        "tpu.region"() ({
          %run_scoped3A = tpu.sem_alloc : memref<!tpu.dma_semaphore, #tpu.memory_space<semaphore_mem>>
          %dma_start3A_53 = arith.constant 0 : i32
          %dma_start3A_54 = tpu.memref_slice %arg2[%add3A_46, %dma_start3A_53] : memref<160000x128xf32, #tpu.memory_space<hbm>> -> memref<200x128xf32, #tpu.memory_space<hbm>>
          %dma_start3A_55 = arith.constant 0 : i32
          %dma_start3A_56 = tpu.memref_slice %arg2[%add3A_46, %dma_start3A_55] : memref<160000x128xf32, #tpu.memory_space<hbm>> -> memref<200x128xf32, #tpu.memory_space<hbm>>
          tpu.enqueue_dma source(%dma_start3A_56 : memref<200x128xf32, #tpu.memory_space<hbm>>) target(%arg8 : memref<200x128xf32, #tpu.memory_space<vmem>>) target_semaphore(%run_scoped3A : memref<!tpu.dma_semaphore, #tpu.memory_space<semaphore_mem>>)
          %dma_wait3A_57 = arith.constant 0 : i32
          %dma_wait3A_58 = tpu.memref_slice %arg2[%add3A_46, %dma_wait3A_57] : memref<160000x128xf32, #tpu.memory_space<hbm>> -> memref<200x128xf32, #tpu.memory_space<hbm>>
          %dma_wait3A_59 = arith.constant 0 : i32
          %dma_wait3A_60 = tpu.memref_slice %arg2[%add3A_46, %dma_wait3A_59] : memref<160000x128xf32, #tpu.memory_space<hbm>> -> memref<200x128xf32, #tpu.memory_space<hbm>>
          tpu.wait_dma2 semaphore(%run_scoped3A : memref<!tpu.dma_semaphore, #tpu.memory_space<semaphore_mem>>) src(%dma_wait3A_60 : memref<200x128xf32, #tpu.memory_space<hbm>>) dst(%arg8 : memref<200x128xf32, #tpu.memory_space<vmem>>)
          tpu.yield
        }) : () -> ()
        %dma_wait3A = tpu.memref_slice %arg3[%mul3A_2] : memref<160000xi32, #tpu.memory_space<hbm>> -> memref<200xi32, #tpu.memory_space<hbm>>
        %dma_wait3A_47 = tpu.memref_slice %arg3[%mul3A_2] : memref<160000xi32, #tpu.memory_space<hbm>> -> memref<200xi32, #tpu.memory_space<hbm>>
        tpu.wait_dma2 semaphore(%arg10 : memref<!tpu.dma_semaphore, #tpu.memory_space<semaphore_mem>>) src(%dma_wait3A_47 : memref<200xi32, #tpu.memory_space<hbm>>) dst(%arg6 : memref<200xi32, #tpu.memory_space<vmem>>)
        "tpu.region"() ({
          %run_scoped3A = tpu.sem_alloc : memref<!tpu.dma_semaphore, #tpu.memory_space<semaphore_mem>>
          %dma_start3A_53 = arith.constant 0 : i32
          %dma_start3A_54 = arith.constant 0 : i32
          %dma_start3A_55 = tpu.memref_slice %arg9[%dma_start3A_53, %dma_start3A_54] : memref<10240x128xf32, #tpu.memory_space<vmem_shared>> -> memref<10240x128xf32, #tpu.memory_space<vmem_shared>>
          tpu.enqueue_indirect_dma source(%arg8 : memref<200x128xf32, #tpu.memory_space<vmem>>) target(%dma_start3A_55 : memref<10240x128xf32, #tpu.memory_space<vmem_shared>>) offsets(%arg6 : memref<200xi32, #tpu.memory_space<vmem>>) semaphore(%run_scoped3A : memref<!tpu.dma_semaphore, #tpu.memory_space<semaphore_mem>>) {add = true}
          %dma_wait3A_56 = arith.constant 0 : i32
          %dma_wait3A_57 = arith.constant 0 : i32
          %dma_wait3A_58 = tpu.memref_slice %arg9[%dma_wait3A_56, %dma_wait3A_57] : memref<10240x128xf32, #tpu.memory_space<vmem_shared>> -> memref<10240x128xf32, #tpu.memory_space<vmem_shared>>
          tpu.wait_indirect_dma semaphore(%run_scoped3A : memref<!tpu.dma_semaphore, #tpu.memory_space<semaphore_mem>>) src(%arg8 : memref<200x128xf32, #tpu.memory_space<vmem>>) dst(%dma_wait3A_58 : memref<10240x128xf32, #tpu.memory_space<vmem_shared>>)
          tpu.yield
        }) : () -> ()
        %lt3A_48 = arith.constant 25 : i32
        %lt3A_49 = arith.cmpi slt, %add3A_30, %lt3A_48 : i32
        %convert_element_type3A_50 = arith.extui %lt3A_49 : i1 to i32
        %cond3A_51 = arith.constant 0 : i32
        %cond3A_52 = arith.cmpi ne, %convert_element_type3A_50, %cond3A_51 : i32
        scf.if %cond3A_52 {
          %mul3A_53 = arith.constant 200 : i32
          %mul3A_54 = arith.muli %add3A_30, %mul3A_53 : i32
          %add3A_55 = arith.addi %mul3A_2, %mul3A_54 : i32
          %dma_start3A_56 = tpu.memref_slice %arg3[%add3A_55] : memref<160000xi32, #tpu.memory_space<hbm>> -> memref<200xi32, #tpu.memory_space<hbm>>
          %dma_start3A_57 = tpu.memref_slice %arg3[%add3A_55] : memref<160000xi32, #tpu.memory_space<hbm>> -> memref<200xi32, #tpu.memory_space<hbm>>
          tpu.enqueue_dma source(%dma_start3A_57 : memref<200xi32, #tpu.memory_space<hbm>>) target(%arg6 : memref<200xi32, #tpu.memory_space<vmem>>) target_semaphore(%arg10 : memref<!tpu.dma_semaphore, #tpu.memory_space<semaphore_mem>>)
        } else {
        }
      } else {
      }
      %mul3A_33 = arith.constant 2 : i32
      %mul3A_34 = arith.muli %scan3A_24, %mul3A_33 : i32
      %add3A_35 = arith.constant 1 : i32
      %add3A_36 = arith.addi %mul3A_34, %add3A_35 : i32
      %add3A_37 = arith.constant 2 : i32
      %add3A_38 = arith.addi %add3A_36, %add3A_37 : i32
      %lt3A_39 = arith.constant 25 : i32
      %lt3A_40 = arith.cmpi slt, %add3A_36, %lt3A_39 : i32
      %convert_element_type3A_41 = arith.extui %lt3A_40 : i1 to i32
      %cond3A_42 = arith.constant 0 : i32
      %cond3A_43 = arith.cmpi ne, %convert_element_type3A_41, %cond3A_42 : i32
      scf.if %cond3A_43 {
        %mul3A_44 = arith.constant 200 : i32
        %mul3A_45 = arith.muli %add3A_36, %mul3A_44 : i32
        %add3A_46 = arith.addi %mul3A_2, %mul3A_45 : i32
        "tpu.region"() ({
          %run_scoped3A = tpu.sem_alloc : memref<!tpu.dma_semaphore, #tpu.memory_space<semaphore_mem>>
          %dma_start3A_53 = arith.constant 0 : i32
          %dma_start3A_54 = tpu.memref_slice %arg2[%add3A_46, %dma_start3A_53] : memref<160000x128xf32, #tpu.memory_space<hbm>> -> memref<200x128xf32, #tpu.memory_space<hbm>>
          %dma_start3A_55 = arith.constant 0 : i32
          %dma_start3A_56 = tpu.memref_slice %arg2[%add3A_46, %dma_start3A_55] : memref<160000x128xf32, #tpu.memory_space<hbm>> -> memref<200x128xf32, #tpu.memory_space<hbm>>
          tpu.enqueue_dma source(%dma_start3A_56 : memref<200x128xf32, #tpu.memory_space<hbm>>) target(%arg8 : memref<200x128xf32, #tpu.memory_space<vmem>>) target_semaphore(%run_scoped3A : memref<!tpu.dma_semaphore, #tpu.memory_space<semaphore_mem>>)
          %dma_wait3A_57 = arith.constant 0 : i32
          %dma_wait3A_58 = tpu.memref_slice %arg2[%add3A_46, %dma_wait3A_57] : memref<160000x128xf32, #tpu.memory_space<hbm>> -> memref<200x128xf32, #tpu.memory_space<hbm>>
          %dma_wait3A_59 = arith.constant 0 : i32
          %dma_wait3A_60 = tpu.memref_slice %arg2[%add3A_46, %dma_wait3A_59] : memref<160000x128xf32, #tpu.memory_space<hbm>> -> memref<200x128xf32, #tpu.memory_space<hbm>>
          tpu.wait_dma2 semaphore(%run_scoped3A : memref<!tpu.dma_semaphore, #tpu.memory_space<semaphore_mem>>) src(%dma_wait3A_60 : memref<200x128xf32, #tpu.memory_space<hbm>>) dst(%arg8 : memref<200x128xf32, #tpu.memory_space<vmem>>)
          tpu.yield
        }) : () -> ()
        %dma_wait3A = tpu.memref_slice %arg3[%mul3A_2] : memref<160000xi32, #tpu.memory_space<hbm>> -> memref<200xi32, #tpu.memory_space<hbm>>
        %dma_wait3A_47 = tpu.memref_slice %arg3[%mul3A_2] : memref<160000xi32, #tpu.memory_space<hbm>> -> memref<200xi32, #tpu.memory_space<hbm>>
        tpu.wait_dma2 semaphore(%arg11 : memref<!tpu.dma_semaphore, #tpu.memory_space<semaphore_mem>>) src(%dma_wait3A_47 : memref<200xi32, #tpu.memory_space<hbm>>) dst(%arg7 : memref<200xi32, #tpu.memory_space<vmem>>)
        "tpu.region"() ({
          %run_scoped3A = tpu.sem_alloc : memref<!tpu.dma_semaphore, #tpu.memory_space<semaphore_mem>>
          %dma_start3A_53 = arith.constant 0 : i32
          %dma_start3A_54 = arith.constant 0 : i32
          %dma_start3A_55 = tpu.memref_slice %arg9[%dma_start3A_53, %dma_start3A_54] : memref<10240x128xf32, #tpu.memory_space<vmem_shared>> -> memref<10240x128xf32, #tpu.memory_space<vmem_shared>>
          tpu.enqueue_indirect_dma source(%arg8 : memref<200x128xf32, #tpu.memory_space<vmem>>) target(%dma_start3A_55 : memref<10240x128xf32, #tpu.memory_space<vmem_shared>>) offsets(%arg7 : memref<200xi32, #tpu.memory_space<vmem>>) semaphore(%run_scoped3A : memref<!tpu.dma_semaphore, #tpu.memory_space<semaphore_mem>>) {add = true}
          %dma_wait3A_56 = arith.constant 0 : i32
          %dma_wait3A_57 = arith.constant 0 : i32
          %dma_wait3A_58 = tpu.memref_slice %arg9[%dma_wait3A_56, %dma_wait3A_57] : memref<10240x128xf32, #tpu.memory_space<vmem_shared>> -> memref<10240x128xf32, #tpu.memory_space<vmem_shared>>
          tpu.wait_indirect_dma semaphore(%run_scoped3A : memref<!tpu.dma_semaphore, #tpu.memory_space<semaphore_mem>>) src(%arg8 : memref<200x128xf32, #tpu.memory_space<vmem>>) dst(%dma_wait3A_58 : memref<10240x128xf32, #tpu.memory_space<vmem_shared>>)
          tpu.yield
        }) : () -> ()
        %lt3A_48 = arith.constant 25 : i32
        %lt3A_49 = arith.cmpi slt, %add3A_38, %lt3A_48 : i32
        %convert_element_type3A_50 = arith.extui %lt3A_49 : i1 to i32
        %cond3A_51 = arith.constant 0 : i32
        %cond3A_52 = arith.cmpi ne, %convert_element_type3A_50, %cond3A_51 : i32
        scf.if %cond3A_52 {
          %mul3A_53 = arith.constant 200 : i32
          %mul3A_54 = arith.muli %add3A_38, %mul3A_53 : i32
          %add3A_55 = arith.addi %mul3A_2, %mul3A_54 : i32
          %dma_start3A_56 = tpu.memref_slice %arg3[%add3A_55] : memref<160000xi32, #tpu.memory_space<hbm>> -> memref<200xi32, #tpu.memory_space<hbm>>
          %dma_start3A_57 = tpu.memref_slice %arg3[%add3A_55] : memref<160000xi32, #tpu.memory_space<hbm>> -> memref<200xi32, #tpu.memory_space<hbm>>
          tpu.enqueue_dma source(%dma_start3A_57 : memref<200xi32, #tpu.memory_space<hbm>>) target(%arg7 : memref<200xi32, #tpu.memory_space<vmem>>) target_semaphore(%arg11 : memref<!tpu.dma_semaphore, #tpu.memory_space<semaphore_mem>>)
        } else {
        }
      } else {
      }
    }
    %scan3A_18 = arith.constant 13 : i32
    %barrier3A_19 = arith.constant 0 : index
    tpu.barrier barrier_id(%barrier3A_19)
    %mul3A_20 = arith.constant 640 : i32
    %mul3A_21 = arith.muli %arg1, %mul3A_20 : i32
    %mul3A_22 = arith.constant 640 : i32
    %mul3A_23 = arith.muli %arg1, %mul3A_22 : i32
    "tpu.region"() ({
      %run_scoped3A = tpu.sem_alloc : memref<!tpu.dma_semaphore, #tpu.memory_space<semaphore_mem>>
      %dma_start3A_24 = arith.constant 0 : i32
      %dma_start3A_25 = tpu.memref_slice %arg5[%arg0, %mul3A_23, %dma_start3A_24] : memref<2x10240x128xf32, #tpu.memory_space<hbm>> -> memref<1x640x128xf32, #tpu.memory_space<hbm>>
      %dma_start3A_26 = tpu.memref_squeeze %dma_start3A_25 : memref<1x640x128xf32, #tpu.memory_space<hbm>> -> memref<640x128xf32, #tpu.memory_space<hbm>>
      %dma_start3A_27 = arith.constant 0 : i32
      %dma_start3A_28 = tpu.memref_slice %arg9[%mul3A_21, %dma_start3A_27] : memref<10240x128xf32, #tpu.memory_space<vmem_shared>> -> memref<640x128xf32, #tpu.memory_space<vmem_shared>>
      tpu.enqueue_dma source(%dma_start3A_28 : memref<640x128xf32, #tpu.memory_space<vmem_shared>>) target(%dma_start3A_26 : memref<640x128xf32, #tpu.memory_space<hbm>>) target_semaphore(%run_scoped3A : memref<!tpu.dma_semaphore, #tpu.memory_space<semaphore_mem>>)
      %dma_wait3A = arith.constant 0 : i32
      %dma_wait3A_29 = tpu.memref_slice %arg5[%arg0, %mul3A_23, %dma_wait3A] : memref<2x10240x128xf32, #tpu.memory_space<hbm>> -> memref<1x640x128xf32, #tpu.memory_space<hbm>>
      %dma_wait3A_30 = tpu.memref_squeeze %dma_wait3A_29 : memref<1x640x128xf32, #tpu.memory_space<hbm>> -> memref<640x128xf32, #tpu.memory_space<hbm>>
      %dma_wait3A_31 = arith.constant 0 : i32
      %dma_wait3A_32 = tpu.memref_slice %arg9[%mul3A_21, %dma_wait3A_31] : memref<10240x128xf32, #tpu.memory_space<vmem_shared>> -> memref<640x128xf32, #tpu.memory_space<vmem_shared>>
      tpu.wait_dma2 semaphore(%run_scoped3A : memref<!tpu.dma_semaphore, #tpu.memory_space<semaphore_mem>>) src(%dma_wait3A_32 : memref<640x128xf32, #tpu.memory_space<vmem_shared>>) dst(%dma_wait3A_30 : memref<640x128xf32, #tpu.memory_space<hbm>>)
      tpu.yield
    }) : () -> ()
    return
  }
}

#map = affine_map<(d0, d1) -> (0, 0)>
#map1 = affine_map<(d0, d1) -> (0, 0, 0)>
module attributes {stable_mosaic.version = 14 : i64} {
  func.func @gather_k(%arg0: i32, %arg1: i32, %arg2: memref<20480x128xf32, #tpu.memory_space<hbm>>, %arg3: memref<32x50x200xi32, #tpu.memory_space<hbm>>, %arg4: memref<160000x128xf32, #tpu.memory_space<hbm>>, %arg5: memref<160000x128xf32, #tpu.memory_space<hbm>>, %arg6: memref<200xi32, #tpu.memory_space<vmem>>, %arg7: memref<200xi32, #tpu.memory_space<vmem>>, %arg8: memref<200xi32, #tpu.memory_space<vmem>>, %arg9: memref<200x128xf32, #tpu.memory_space<vmem>>, %arg10: memref<200x128xf32, #tpu.memory_space<vmem>>, %arg11: memref<200x128xf32, #tpu.memory_space<vmem>>, %arg12: memref<!tpu.dma_semaphore, #tpu.memory_space<semaphore_mem>>, %arg13: memref<!tpu.dma_semaphore, #tpu.memory_space<semaphore_mem>>, %arg14: memref<!tpu.dma_semaphore, #tpu.memory_space<semaphore_mem>>, %arg15: memref<!tpu.dma_semaphore, #tpu.memory_space<semaphore_mem>>, %arg16: memref<!tpu.dma_semaphore, #tpu.memory_space<semaphore_mem>>, %arg17: memref<!tpu.dma_semaphore, #tpu.memory_space<semaphore_mem>>, %arg18: memref<!tpu.dma_semaphore, #tpu.memory_space<semaphore_mem>>, %arg19: memref<!tpu.dma_semaphore, #tpu.memory_space<semaphore_mem>>, %arg20: memref<!tpu.dma_semaphore, #tpu.memory_space<semaphore_mem>>) attributes {dimension_semantics = [#tpu.dimension_semantics<core_parallel>, #tpu.dimension_semantics<subcore_parallel>], iteration_bounds = array<i64: 2, 16>, scalar_prefetch = 0 : i64, scratch_operands = 15 : i64, tpu.core_type = #tpu.core_type<sc_vector_subcore>, window_params = [{transform_indices = #map}, {transform_indices = #map1}, {transform_indices = #map}, {transform_indices = #map}]} {
    %mul3A = arith.constant 2 : i32
    %mul3A_0 = arith.muli %arg1, %mul3A : i32
    %add3A = arith.addi %mul3A_0, %arg0 : i32
    %mul3A_1 = arith.constant 5000 : i32
    %mul3A_2 = arith.muli %add3A, %mul3A_1 : i32
    %dma_start3A = arith.constant 0 : i32
    %dma_start3A_3 = arith.constant 0 : i32
    %dma_start3A_4 = tpu.memref_slice %arg3[%add3A, %dma_start3A, %dma_start3A_3] : memref<32x50x200xi32, #tpu.memory_space<hbm>> -> memref<1x1x200xi32, #tpu.memory_space<hbm>>
    %dma_start3A_5 = tpu.memref_squeeze %dma_start3A_4 : memref<1x1x200xi32, #tpu.memory_space<hbm>> -> memref<200xi32, #tpu.memory_space<hbm>>
    %dma_start3A_6 = arith.constant 0 : i32
    %dma_start3A_7 = tpu.memref_slice %arg3[%add3A, %dma_start3A, %dma_start3A_6] : memref<32x50x200xi32, #tpu.memory_space<hbm>> -> memref<1x1x200xi32, #tpu.memory_space<hbm>>
    %dma_start3A_8 = tpu.memref_squeeze %dma_start3A_7 : memref<1x1x200xi32, #tpu.memory_space<hbm>> -> memref<200xi32, #tpu.memory_space<hbm>>
    tpu.enqueue_dma source(%dma_start3A_8 : memref<200xi32, #tpu.memory_space<hbm>>) target(%arg6 : memref<200xi32, #tpu.memory_space<vmem>>) target_semaphore(%arg12 : memref<!tpu.dma_semaphore, #tpu.memory_space<semaphore_mem>>)
    %dma_start3A_9 = arith.constant 1 : i32
    %dma_start3A_10 = arith.constant 0 : i32
    %dma_start3A_11 = tpu.memref_slice %arg3[%add3A, %dma_start3A_9, %dma_start3A_10] : memref<32x50x200xi32, #tpu.memory_space<hbm>> -> memref<1x1x200xi32, #tpu.memory_space<hbm>>
    %dma_start3A_12 = tpu.memref_squeeze %dma_start3A_11 : memref<1x1x200xi32, #tpu.memory_space<hbm>> -> memref<200xi32, #tpu.memory_space<hbm>>
    %dma_start3A_13 = arith.constant 0 : i32
    %dma_start3A_14 = tpu.memref_slice %arg3[%add3A, %dma_start3A_9, %dma_start3A_13] : memref<32x50x200xi32, #tpu.memory_space<hbm>> -> memref<1x1x200xi32, #tpu.memory_space<hbm>>
    %dma_start3A_15 = tpu.memref_squeeze %dma_start3A_14 : memref<1x1x200xi32, #tpu.memory_space<hbm>> -> memref<200xi32, #tpu.memory_space<hbm>>
    tpu.enqueue_dma source(%dma_start3A_15 : memref<200xi32, #tpu.memory_space<hbm>>) target(%arg7 : memref<200xi32, #tpu.memory_space<vmem>>) target_semaphore(%arg13 : memref<!tpu.dma_semaphore, #tpu.memory_space<semaphore_mem>>)
    %dma_start3A_16 = arith.constant 2 : i32
    %dma_start3A_17 = arith.constant 0 : i32
    %dma_start3A_18 = tpu.memref_slice %arg3[%add3A, %dma_start3A_16, %dma_start3A_17] : memref<32x50x200xi32, #tpu.memory_space<hbm>> -> memref<1x1x200xi32, #tpu.memory_space<hbm>>
    %dma_start3A_19 = tpu.memref_squeeze %dma_start3A_18 : memref<1x1x200xi32, #tpu.memory_space<hbm>> -> memref<200xi32, #tpu.memory_space<hbm>>
    %dma_start3A_20 = arith.constant 0 : i32
    %dma_start3A_21 = tpu.memref_slice %arg3[%add3A, %dma_start3A_16, %dma_start3A_20] : memref<32x50x200xi32, #tpu.memory_space<hbm>> -> memref<1x1x200xi32, #tpu.memory_space<hbm>>
    %dma_start3A_22 = tpu.memref_squeeze %dma_start3A_21 : memref<1x1x200xi32, #tpu.memory_space<hbm>> -> memref<200xi32, #tpu.memory_space<hbm>>
    tpu.enqueue_dma source(%dma_start3A_22 : memref<200xi32, #tpu.memory_space<hbm>>) target(%arg8 : memref<200xi32, #tpu.memory_space<vmem>>) target_semaphore(%arg14 : memref<!tpu.dma_semaphore, #tpu.memory_space<semaphore_mem>>)
    %dma_wait3A = arith.constant 0 : i32
    %dma_wait3A_23 = arith.constant 0 : i32
    %dma_wait3A_24 = tpu.memref_slice %arg3[%add3A, %dma_wait3A, %dma_wait3A_23] : memref<32x50x200xi32, #tpu.memory_space<hbm>> -> memref<1x1x200xi32, #tpu.memory_space<hbm>>
    %dma_wait3A_25 = tpu.memref_squeeze %dma_wait3A_24 : memref<1x1x200xi32, #tpu.memory_space<hbm>> -> memref<200xi32, #tpu.memory_space<hbm>>
    %dma_wait3A_26 = arith.constant 0 : i32
    %dma_wait3A_27 = tpu.memref_slice %arg3[%add3A, %dma_wait3A, %dma_wait3A_26] : memref<32x50x200xi32, #tpu.memory_space<hbm>> -> memref<1x1x200xi32, #tpu.memory_space<hbm>>
    %dma_wait3A_28 = tpu.memref_squeeze %dma_wait3A_27 : memref<1x1x200xi32, #tpu.memory_space<hbm>> -> memref<200xi32, #tpu.memory_space<hbm>>
    tpu.wait_dma2 semaphore(%arg12 : memref<!tpu.dma_semaphore, #tpu.memory_space<semaphore_mem>>) src(%dma_wait3A_28 : memref<200xi32, #tpu.memory_space<hbm>>) dst(%arg6 : memref<200xi32, #tpu.memory_space<vmem>>)
    %dma_start3A_29 = arith.constant 0 : i32
    %dma_start3A_30 = arith.constant 0 : i32
    %dma_start3A_31 = tpu.memref_slice %arg2[%dma_start3A_29, %dma_start3A_30] : memref<20480x128xf32, #tpu.memory_space<hbm>> -> memref<20480x128xf32, #tpu.memory_space<hbm>>
    tpu.enqueue_indirect_dma source(%dma_start3A_31 : memref<20480x128xf32, #tpu.memory_space<hbm>>) target(%arg9 : memref<200x128xf32, #tpu.memory_space<vmem>>) offsets(%arg6 : memref<200xi32, #tpu.memory_space<vmem>>) semaphore(%arg15 : memref<!tpu.dma_semaphore, #tpu.memory_space<semaphore_mem>>)
    %dma_wait3A_32 = arith.constant 0 : i32
    %dma_wait3A_33 = arith.constant 0 : i32
    %dma_wait3A_34 = tpu.memref_slice %arg3[%add3A, %dma_wait3A_32, %dma_wait3A_33] : memref<32x50x200xi32, #tpu.memory_space<hbm>> -> memref<1x1x200xi32, #tpu.memory_space<hbm>>
    %dma_wait3A_35 = tpu.memref_squeeze %dma_wait3A_34 : memref<1x1x200xi32, #tpu.memory_space<hbm>> -> memref<200xi32, #tpu.memory_space<hbm>>
    %dma_wait3A_36 = arith.constant 0 : i32
    %dma_wait3A_37 = tpu.memref_slice %arg3[%add3A, %dma_wait3A_32, %dma_wait3A_36] : memref<32x50x200xi32, #tpu.memory_space<hbm>> -> memref<1x1x200xi32, #tpu.memory_space<hbm>>
    %dma_wait3A_38 = tpu.memref_squeeze %dma_wait3A_37 : memref<1x1x200xi32, #tpu.memory_space<hbm>> -> memref<200xi32, #tpu.memory_space<hbm>>
    tpu.wait_dma2 semaphore(%arg13 : memref<!tpu.dma_semaphore, #tpu.memory_space<semaphore_mem>>) src(%dma_wait3A_38 : memref<200xi32, #tpu.memory_space<hbm>>) dst(%arg7 : memref<200xi32, #tpu.memory_space<vmem>>)
    %dma_start3A_39 = arith.constant 0 : i32
    %dma_start3A_40 = arith.constant 0 : i32
    %dma_start3A_41 = tpu.memref_slice %arg2[%dma_start3A_39, %dma_start3A_40] : memref<20480x128xf32, #tpu.memory_space<hbm>> -> memref<20480x128xf32, #tpu.memory_space<hbm>>
    tpu.enqueue_indirect_dma source(%dma_start3A_41 : memref<20480x128xf32, #tpu.memory_space<hbm>>) target(%arg10 : memref<200x128xf32, #tpu.memory_space<vmem>>) offsets(%arg7 : memref<200xi32, #tpu.memory_space<vmem>>) semaphore(%arg16 : memref<!tpu.dma_semaphore, #tpu.memory_space<semaphore_mem>>)
    %dma_wait3A_42 = arith.constant 0 : i32
    %dma_wait3A_43 = arith.constant 0 : i32
    %dma_wait3A_44 = tpu.memref_slice %arg3[%add3A, %dma_wait3A_42, %dma_wait3A_43] : memref<32x50x200xi32, #tpu.memory_space<hbm>> -> memref<1x1x200xi32, #tpu.memory_space<hbm>>
    %dma_wait3A_45 = tpu.memref_squeeze %dma_wait3A_44 : memref<1x1x200xi32, #tpu.memory_space<hbm>> -> memref<200xi32, #tpu.memory_space<hbm>>
    %dma_wait3A_46 = arith.constant 0 : i32
    %dma_wait3A_47 = tpu.memref_slice %arg3[%add3A, %dma_wait3A_42, %dma_wait3A_46] : memref<32x50x200xi32, #tpu.memory_space<hbm>> -> memref<1x1x200xi32, #tpu.memory_space<hbm>>
    %dma_wait3A_48 = tpu.memref_squeeze %dma_wait3A_47 : memref<1x1x200xi32, #tpu.memory_space<hbm>> -> memref<200xi32, #tpu.memory_space<hbm>>
    tpu.wait_dma2 semaphore(%arg14 : memref<!tpu.dma_semaphore, #tpu.memory_space<semaphore_mem>>) src(%dma_wait3A_48 : memref<200xi32, #tpu.memory_space<hbm>>) dst(%arg8 : memref<200xi32, #tpu.memory_space<vmem>>)
    %dma_start3A_49 = arith.constant 0 : i32
    %dma_start3A_50 = arith.constant 0 : i32
    %dma_start3A_51 = tpu.memref_slice %arg2[%dma_start3A_49, %dma_start3A_50] : memref<20480x128xf32, #tpu.memory_space<hbm>> -> memref<20480x128xf32, #tpu.memory_space<hbm>>
    tpu.enqueue_indirect_dma source(%dma_start3A_51 : memref<20480x128xf32, #tpu.memory_space<hbm>>) target(%arg11 : memref<200x128xf32, #tpu.memory_space<vmem>>) offsets(%arg8 : memref<200xi32, #tpu.memory_space<vmem>>) semaphore(%arg17 : memref<!tpu.dma_semaphore, #tpu.memory_space<semaphore_mem>>)
    %scan3A = arith.constant 0 : i32
    %scan3A_52 = arith.constant 0 : i32
    %scan3A_53 = arith.constant 17 : i32
    %scan3A_54 = arith.addi %scan3A_52, %scan3A_53 : i32
    %scan3A_55 = arith.constant 1 : i32
    scf.for %scan3A_69 = %scan3A_52 to %scan3A_54 step %scan3A_55  : i32 {
      %mul3A_70 = arith.constant 3 : i32
      %mul3A_71 = arith.muli %scan3A_69, %mul3A_70 : i32
      %add3A_72 = arith.constant 0 : i32
      %add3A_73 = arith.addi %mul3A_71, %add3A_72 : i32
      %add3A_74 = arith.constant 3 : i32
      %add3A_75 = arith.addi %add3A_73, %add3A_74 : i32
      %lt3A = arith.constant 50 : i32
      %lt3A_76 = arith.cmpi slt, %add3A_73, %lt3A : i32
      %convert_element_type3A = arith.extui %lt3A_76 : i1 to i32
      %cond3A = arith.constant 0 : i32
      %cond3A_77 = arith.cmpi ne, %convert_element_type3A, %cond3A : i32
      scf.if %cond3A_77 {
        %dma_wait3A_148 = arith.constant 0 : i32
        %dma_wait3A_149 = arith.constant 0 : i32
        %dma_wait3A_150 = tpu.memref_slice %arg2[%dma_wait3A_148, %dma_wait3A_149] : memref<20480x128xf32, #tpu.memory_space<hbm>> -> memref<20480x128xf32, #tpu.memory_space<hbm>>
        tpu.wait_indirect_dma semaphore(%arg15 : memref<!tpu.dma_semaphore, #tpu.memory_space<semaphore_mem>>) src(%dma_wait3A_150 : memref<20480x128xf32, #tpu.memory_space<hbm>>) dst(%arg9 : memref<200x128xf32, #tpu.memory_space<vmem>>)
        %lt3A_151 = arith.constant 25 : i32
        %lt3A_152 = arith.cmpi slt, %add3A_73, %lt3A_151 : i32
        %convert_element_type3A_153 = arith.extui %lt3A_152 : i1 to i32
        %cond3A_154 = arith.constant 0 : i32
        %cond3A_155 = arith.cmpi ne, %convert_element_type3A_153, %cond3A_154 : i32
        scf.if %cond3A_155 {
          %mul3A_160 = arith.constant 200 : i32
          %mul3A_161 = arith.muli %add3A_73, %mul3A_160 : i32
          %add3A_162 = arith.addi %mul3A_2, %mul3A_161 : i32
          %dma_start3A_163 = arith.constant 0 : i32
          %dma_start3A_164 = tpu.memref_slice %arg4[%add3A_162, %dma_start3A_163] : memref<160000x128xf32, #tpu.memory_space<hbm>> -> memref<200x128xf32, #tpu.memory_space<hbm>>
          %dma_start3A_165 = arith.constant 0 : i32
          %dma_start3A_166 = tpu.memref_slice %arg4[%add3A_162, %dma_start3A_165] : memref<160000x128xf32, #tpu.memory_space<hbm>> -> memref<200x128xf32, #tpu.memory_space<hbm>>
          tpu.enqueue_dma source(%arg9 : memref<200x128xf32, #tpu.memory_space<vmem>>) target(%dma_start3A_166 : memref<200x128xf32, #tpu.memory_space<hbm>>) target_semaphore(%arg18 : memref<!tpu.dma_semaphore, #tpu.memory_space<semaphore_mem>>)
        } else {
        }
        %ge3A = arith.constant 25 : i32
        %ge3A_156 = arith.cmpi sge, %add3A_73, %ge3A : i32
        %convert_element_type3A_157 = arith.extui %ge3A_156 : i1 to i32
        %cond3A_158 = arith.constant 0 : i32
        %cond3A_159 = arith.cmpi ne, %convert_element_type3A_157, %cond3A_158 : i32
        scf.if %cond3A_159 {
          %sub3A = arith.constant 25 : i32
          %sub3A_160 = arith.subi %add3A_73, %sub3A : i32
          %mul3A_161 = arith.constant 200 : i32
          %mul3A_162 = arith.muli %sub3A_160, %mul3A_161 : i32
          %add3A_163 = arith.addi %mul3A_2, %mul3A_162 : i32
          %dma_start3A_164 = arith.constant 0 : i32
          %dma_start3A_165 = tpu.memref_slice %arg5[%add3A_163, %dma_start3A_164] : memref<160000x128xf32, #tpu.memory_space<hbm>> -> memref<200x128xf32, #tpu.memory_space<hbm>>
          %dma_start3A_166 = arith.constant 0 : i32
          %dma_start3A_167 = tpu.memref_slice %arg5[%add3A_163, %dma_start3A_166] : memref<160000x128xf32, #tpu.memory_space<hbm>> -> memref<200x128xf32, #tpu.memory_space<hbm>>
          tpu.enqueue_dma source(%arg9 : memref<200x128xf32, #tpu.memory_space<vmem>>) target(%dma_start3A_167 : memref<200x128xf32, #tpu.memory_space<hbm>>) target_semaphore(%arg18 : memref<!tpu.dma_semaphore, #tpu.memory_space<semaphore_mem>>)
        } else {
        }
      } else {
      }
      %lt3A_78 = arith.constant 50 : i32
      %lt3A_79 = arith.cmpi slt, %add3A_75, %lt3A_78 : i32
      %convert_element_type3A_80 = arith.extui %lt3A_79 : i1 to i32
      %cond3A_81 = arith.constant 0 : i32
      %cond3A_82 = arith.cmpi ne, %convert_element_type3A_80, %cond3A_81 : i32
      scf.if %cond3A_82 {
        %dma_start3A_148 = arith.constant 0 : i32
        %dma_start3A_149 = tpu.memref_slice %arg3[%add3A, %add3A_75, %dma_start3A_148] : memref<32x50x200xi32, #tpu.memory_space<hbm>> -> memref<1x1x200xi32, #tpu.memory_space<hbm>>
        %dma_start3A_150 = tpu.memref_squeeze %dma_start3A_149 : memref<1x1x200xi32, #tpu.memory_space<hbm>> -> memref<200xi32, #tpu.memory_space<hbm>>
        %dma_start3A_151 = arith.constant 0 : i32
        %dma_start3A_152 = tpu.memref_slice %arg3[%add3A, %add3A_75, %dma_start3A_151] : memref<32x50x200xi32, #tpu.memory_space<hbm>> -> memref<1x1x200xi32, #tpu.memory_space<hbm>>
        %dma_start3A_153 = tpu.memref_squeeze %dma_start3A_152 : memref<1x1x200xi32, #tpu.memory_space<hbm>> -> memref<200xi32, #tpu.memory_space<hbm>>
        tpu.enqueue_dma source(%dma_start3A_153 : memref<200xi32, #tpu.memory_space<hbm>>) target(%arg6 : memref<200xi32, #tpu.memory_space<vmem>>) target_semaphore(%arg12 : memref<!tpu.dma_semaphore, #tpu.memory_space<semaphore_mem>>)
      } else {
      }
      %mul3A_83 = arith.constant 3 : i32
      %mul3A_84 = arith.muli %scan3A_69, %mul3A_83 : i32
      %add3A_85 = arith.constant 1 : i32
      %add3A_86 = arith.addi %mul3A_84, %add3A_85 : i32
      %add3A_87 = arith.constant 3 : i32
      %add3A_88 = arith.addi %add3A_86, %add3A_87 : i32
      %lt3A_89 = arith.constant 50 : i32
      %lt3A_90 = arith.cmpi slt, %add3A_86, %lt3A_89 : i32
      %convert_element_type3A_91 = arith.extui %lt3A_90 : i1 to i32
      %cond3A_92 = arith.constant 0 : i32
      %cond3A_93 = arith.cmpi ne, %convert_element_type3A_91, %cond3A_92 : i32
      scf.if %cond3A_93 {
        %dma_wait3A_148 = arith.constant 0 : i32
        %dma_wait3A_149 = arith.constant 0 : i32
        %dma_wait3A_150 = tpu.memref_slice %arg2[%dma_wait3A_148, %dma_wait3A_149] : memref<20480x128xf32, #tpu.memory_space<hbm>> -> memref<20480x128xf32, #tpu.memory_space<hbm>>
        tpu.wait_indirect_dma semaphore(%arg16 : memref<!tpu.dma_semaphore, #tpu.memory_space<semaphore_mem>>) src(%dma_wait3A_150 : memref<20480x128xf32, #tpu.memory_space<hbm>>) dst(%arg10 : memref<200x128xf32, #tpu.memory_space<vmem>>)
        %lt3A_151 = arith.constant 25 : i32
        %lt3A_152 = arith.cmpi slt, %add3A_86, %lt3A_151 : i32
        %convert_element_type3A_153 = arith.extui %lt3A_152 : i1 to i32
        %cond3A_154 = arith.constant 0 : i32
        %cond3A_155 = arith.cmpi ne, %convert_element_type3A_153, %cond3A_154 : i32
        scf.if %cond3A_155 {
          %mul3A_160 = arith.constant 200 : i32
          %mul3A_161 = arith.muli %add3A_86, %mul3A_160 : i32
          %add3A_162 = arith.addi %mul3A_2, %mul3A_161 : i32
          %dma_start3A_163 = arith.constant 0 : i32
          %dma_start3A_164 = tpu.memref_slice %arg4[%add3A_162, %dma_start3A_163] : memref<160000x128xf32, #tpu.memory_space<hbm>> -> memref<200x128xf32, #tpu.memory_space<hbm>>
          %dma_start3A_165 = arith.constant 0 : i32
          %dma_start3A_166 = tpu.memref_slice %arg4[%add3A_162, %dma_start3A_165] : memref<160000x128xf32, #tpu.memory_space<hbm>> -> memref<200x128xf32, #tpu.memory_space<hbm>>
          tpu.enqueue_dma source(%arg10 : memref<200x128xf32, #tpu.memory_space<vmem>>) target(%dma_start3A_166 : memref<200x128xf32, #tpu.memory_space<hbm>>) target_semaphore(%arg19 : memref<!tpu.dma_semaphore, #tpu.memory_space<semaphore_mem>>)
        } else {
        }
        %ge3A = arith.constant 25 : i32
        %ge3A_156 = arith.cmpi sge, %add3A_86, %ge3A : i32
        %convert_element_type3A_157 = arith.extui %ge3A_156 : i1 to i32
        %cond3A_158 = arith.constant 0 : i32
        %cond3A_159 = arith.cmpi ne, %convert_element_type3A_157, %cond3A_158 : i32
        scf.if %cond3A_159 {
          %sub3A = arith.constant 25 : i32
          %sub3A_160 = arith.subi %add3A_86, %sub3A : i32
          %mul3A_161 = arith.constant 200 : i32
          %mul3A_162 = arith.muli %sub3A_160, %mul3A_161 : i32
          %add3A_163 = arith.addi %mul3A_2, %mul3A_162 : i32
          %dma_start3A_164 = arith.constant 0 : i32
          %dma_start3A_165 = tpu.memref_slice %arg5[%add3A_163, %dma_start3A_164] : memref<160000x128xf32, #tpu.memory_space<hbm>> -> memref<200x128xf32, #tpu.memory_space<hbm>>
          %dma_start3A_166 = arith.constant 0 : i32
          %dma_start3A_167 = tpu.memref_slice %arg5[%add3A_163, %dma_start3A_166] : memref<160000x128xf32, #tpu.memory_space<hbm>> -> memref<200x128xf32, #tpu.memory_space<hbm>>
          tpu.enqueue_dma source(%arg10 : memref<200x128xf32, #tpu.memory_space<vmem>>) target(%dma_start3A_167 : memref<200x128xf32, #tpu.memory_space<hbm>>) target_semaphore(%arg19 : memref<!tpu.dma_semaphore, #tpu.memory_space<semaphore_mem>>)
        } else {
        }
      } else {
      }
      %lt3A_94 = arith.constant 50 : i32
      %lt3A_95 = arith.cmpi slt, %add3A_88, %lt3A_94 : i32
      %convert_element_type3A_96 = arith.extui %lt3A_95 : i1 to i32
      %cond3A_97 = arith.constant 0 : i32
      %cond3A_98 = arith.cmpi ne, %convert_element_type3A_96, %cond3A_97 : i32
      scf.if %cond3A_98 {
        %dma_start3A_148 = arith.constant 0 : i32
        %dma_start3A_149 = tpu.memref_slice %arg3[%add3A, %add3A_88, %dma_start3A_148] : memref<32x50x200xi32, #tpu.memory_space<hbm>> -> memref<1x1x200xi32, #tpu.memory_space<hbm>>
        %dma_start3A_150 = tpu.memref_squeeze %dma_start3A_149 : memref<1x1x200xi32, #tpu.memory_space<hbm>> -> memref<200xi32, #tpu.memory_space<hbm>>
        %dma_start3A_151 = arith.constant 0 : i32
        %dma_start3A_152 = tpu.memref_slice %arg3[%add3A, %add3A_88, %dma_start3A_151] : memref<32x50x200xi32, #tpu.memory_space<hbm>> -> memref<1x1x200xi32, #tpu.memory_space<hbm>>
        %dma_start3A_153 = tpu.memref_squeeze %dma_start3A_152 : memref<1x1x200xi32, #tpu.memory_space<hbm>> -> memref<200xi32, #tpu.memory_space<hbm>>
        tpu.enqueue_dma source(%dma_start3A_153 : memref<200xi32, #tpu.memory_space<hbm>>) target(%arg7 : memref<200xi32, #tpu.memory_space<vmem>>) target_semaphore(%arg13 : memref<!tpu.dma_semaphore, #tpu.memory_space<semaphore_mem>>)
      } else {
      }
      %mul3A_99 = arith.constant 3 : i32
      %mul3A_100 = arith.muli %scan3A_69, %mul3A_99 : i32
      %add3A_101 = arith.constant 2 : i32
      %add3A_102 = arith.addi %mul3A_100, %add3A_101 : i32
      %add3A_103 = arith.constant 3 : i32
      %add3A_104 = arith.addi %add3A_102, %add3A_103 : i32
      %lt3A_105 = arith.constant 50 : i32
      %lt3A_106 = arith.cmpi slt, %add3A_102, %lt3A_105 : i32
      %convert_element_type3A_107 = arith.extui %lt3A_106 : i1 to i32
      %cond3A_108 = arith.constant 0 : i32
      %cond3A_109 = arith.cmpi ne, %convert_element_type3A_107, %cond3A_108 : i32
      scf.if %cond3A_109 {
        %dma_wait3A_148 = arith.constant 0 : i32
        %dma_wait3A_149 = arith.constant 0 : i32
        %dma_wait3A_150 = tpu.memref_slice %arg2[%dma_wait3A_148, %dma_wait3A_149] : memref<20480x128xf32, #tpu.memory_space<hbm>> -> memref<20480x128xf32, #tpu.memory_space<hbm>>
        tpu.wait_indirect_dma semaphore(%arg17 : memref<!tpu.dma_semaphore, #tpu.memory_space<semaphore_mem>>) src(%dma_wait3A_150 : memref<20480x128xf32, #tpu.memory_space<hbm>>) dst(%arg11 : memref<200x128xf32, #tpu.memory_space<vmem>>)
        %lt3A_151 = arith.constant 25 : i32
        %lt3A_152 = arith.cmpi slt, %add3A_102, %lt3A_151 : i32
        %convert_element_type3A_153 = arith.extui %lt3A_152 : i1 to i32
        %cond3A_154 = arith.constant 0 : i32
        %cond3A_155 = arith.cmpi ne, %convert_element_type3A_153, %cond3A_154 : i32
        scf.if %cond3A_155 {
          %mul3A_160 = arith.constant 200 : i32
          %mul3A_161 = arith.muli %add3A_102, %mul3A_160 : i32
          %add3A_162 = arith.addi %mul3A_2, %mul3A_161 : i32
          %dma_start3A_163 = arith.constant 0 : i32
          %dma_start3A_164 = tpu.memref_slice %arg4[%add3A_162, %dma_start3A_163] : memref<160000x128xf32, #tpu.memory_space<hbm>> -> memref<200x128xf32, #tpu.memory_space<hbm>>
          %dma_start3A_165 = arith.constant 0 : i32
          %dma_start3A_166 = tpu.memref_slice %arg4[%add3A_162, %dma_start3A_165] : memref<160000x128xf32, #tpu.memory_space<hbm>> -> memref<200x128xf32, #tpu.memory_space<hbm>>
          tpu.enqueue_dma source(%arg11 : memref<200x128xf32, #tpu.memory_space<vmem>>) target(%dma_start3A_166 : memref<200x128xf32, #tpu.memory_space<hbm>>) target_semaphore(%arg20 : memref<!tpu.dma_semaphore, #tpu.memory_space<semaphore_mem>>)
        } else {
        }
        %ge3A = arith.constant 25 : i32
        %ge3A_156 = arith.cmpi sge, %add3A_102, %ge3A : i32
        %convert_element_type3A_157 = arith.extui %ge3A_156 : i1 to i32
        %cond3A_158 = arith.constant 0 : i32
        %cond3A_159 = arith.cmpi ne, %convert_element_type3A_157, %cond3A_158 : i32
        scf.if %cond3A_159 {
          %sub3A = arith.constant 25 : i32
          %sub3A_160 = arith.subi %add3A_102, %sub3A : i32
          %mul3A_161 = arith.constant 200 : i32
          %mul3A_162 = arith.muli %sub3A_160, %mul3A_161 : i32
          %add3A_163 = arith.addi %mul3A_2, %mul3A_162 : i32
          %dma_start3A_164 = arith.constant 0 : i32
          %dma_start3A_165 = tpu.memref_slice %arg5[%add3A_163, %dma_start3A_164] : memref<160000x128xf32, #tpu.memory_space<hbm>> -> memref<200x128xf32, #tpu.memory_space<hbm>>
          %dma_start3A_166 = arith.constant 0 : i32
          %dma_start3A_167 = tpu.memref_slice %arg5[%add3A_163, %dma_start3A_166] : memref<160000x128xf32, #tpu.memory_space<hbm>> -> memref<200x128xf32, #tpu.memory_space<hbm>>
          tpu.enqueue_dma source(%arg11 : memref<200x128xf32, #tpu.memory_space<vmem>>) target(%dma_start3A_167 : memref<200x128xf32, #tpu.memory_space<hbm>>) target_semaphore(%arg20 : memref<!tpu.dma_semaphore, #tpu.memory_space<semaphore_mem>>)
        } else {
        }
      } else {
      }
      %lt3A_110 = arith.constant 50 : i32
      %lt3A_111 = arith.cmpi slt, %add3A_104, %lt3A_110 : i32
      %convert_element_type3A_112 = arith.extui %lt3A_111 : i1 to i32
      %cond3A_113 = arith.constant 0 : i32
      %cond3A_114 = arith.cmpi ne, %convert_element_type3A_112, %cond3A_113 : i32
      scf.if %cond3A_114 {
        %dma_start3A_148 = arith.constant 0 : i32
        %dma_start3A_149 = tpu.memref_slice %arg3[%add3A, %add3A_104, %dma_start3A_148] : memref<32x50x200xi32, #tpu.memory_space<hbm>> -> memref<1x1x200xi32, #tpu.memory_space<hbm>>
        %dma_start3A_150 = tpu.memref_squeeze %dma_start3A_149 : memref<1x1x200xi32, #tpu.memory_space<hbm>> -> memref<200xi32, #tpu.memory_space<hbm>>
        %dma_start3A_151 = arith.constant 0 : i32
        %dma_start3A_152 = tpu.memref_slice %arg3[%add3A, %add3A_104, %dma_start3A_151] : memref<32x50x200xi32, #tpu.memory_space<hbm>> -> memref<1x1x200xi32, #tpu.memory_space<hbm>>
        %dma_start3A_153 = tpu.memref_squeeze %dma_start3A_152 : memref<1x1x200xi32, #tpu.memory_space<hbm>> -> memref<200xi32, #tpu.memory_space<hbm>>
        tpu.enqueue_dma source(%dma_start3A_153 : memref<200xi32, #tpu.memory_space<hbm>>) target(%arg8 : memref<200xi32, #tpu.memory_space<vmem>>) target_semaphore(%arg14 : memref<!tpu.dma_semaphore, #tpu.memory_space<semaphore_mem>>)
      } else {
      }
      %mul3A_115 = arith.constant 3 : i32
      %mul3A_116 = arith.muli %scan3A_69, %mul3A_115 : i32
      %add3A_117 = arith.constant 0 : i32
      %add3A_118 = arith.addi %mul3A_116, %add3A_117 : i32
      %add3A_119 = arith.constant 3 : i32
      %add3A_120 = arith.addi %add3A_118, %add3A_119 : i32
      %lt3A_121 = arith.constant 50 : i32
      %lt3A_122 = arith.cmpi slt, %add3A_120, %lt3A_121 : i32
      %convert_element_type3A_123 = arith.extui %lt3A_122 : i1 to i32
      %cond3A_124 = arith.constant 0 : i32
      %cond3A_125 = arith.cmpi ne, %convert_element_type3A_123, %cond3A_124 : i32
      scf.if %cond3A_125 {
        %dma_wait3A_148 = arith.constant 0 : i32
        %dma_wait3A_149 = tpu.memref_slice %arg4[%mul3A_2, %dma_wait3A_148] : memref<160000x128xf32, #tpu.memory_space<hbm>> -> memref<200x128xf32, #tpu.memory_space<hbm>>
        %dma_wait3A_150 = arith.constant 0 : i32
        %dma_wait3A_151 = tpu.memref_slice %arg4[%mul3A_2, %dma_wait3A_150] : memref<160000x128xf32, #tpu.memory_space<hbm>> -> memref<200x128xf32, #tpu.memory_space<hbm>>
        tpu.wait_dma2 semaphore(%arg18 : memref<!tpu.dma_semaphore, #tpu.memory_space<semaphore_mem>>) src(%arg9 : memref<200x128xf32, #tpu.memory_space<vmem>>) dst(%dma_wait3A_151 : memref<200x128xf32, #tpu.memory_space<hbm>>)
        %dma_wait3A_152 = arith.constant 0 : i32
        %dma_wait3A_153 = arith.constant 0 : i32
        %dma_wait3A_154 = tpu.memref_slice %arg3[%add3A, %dma_wait3A_152, %dma_wait3A_153] : memref<32x50x200xi32, #tpu.memory_space<hbm>> -> memref<1x1x200xi32, #tpu.memory_space<hbm>>
        %dma_wait3A_155 = tpu.memref_squeeze %dma_wait3A_154 : memref<1x1x200xi32, #tpu.memory_space<hbm>> -> memref<200xi32, #tpu.memory_space<hbm>>
        %dma_wait3A_156 = arith.constant 0 : i32
        %dma_wait3A_157 = tpu.memref_slice %arg3[%add3A, %dma_wait3A_152, %dma_wait3A_156] : memref<32x50x200xi32, #tpu.memory_space<hbm>> -> memref<1x1x200xi32, #tpu.memory_space<hbm>>
        %dma_wait3A_158 = tpu.memref_squeeze %dma_wait3A_157 : memref<1x1x200xi32, #tpu.memory_space<hbm>> -> memref<200xi32, #tpu.memory_space<hbm>>
        tpu.wait_dma2 semaphore(%arg12 : memref<!tpu.dma_semaphore, #tpu.memory_space<semaphore_mem>>) src(%dma_wait3A_158 : memref<200xi32, #tpu.memory_space<hbm>>) dst(%arg6 : memref<200xi32, #tpu.memory_space<vmem>>)
        %dma_start3A_159 = arith.constant 0 : i32
        %dma_start3A_160 = arith.constant 0 : i32
        %dma_start3A_161 = tpu.memref_slice %arg2[%dma_start3A_159, %dma_start3A_160] : memref<20480x128xf32, #tpu.memory_space<hbm>> -> memref<20480x128xf32, #tpu.memory_space<hbm>>
        tpu.enqueue_indirect_dma source(%dma_start3A_161 : memref<20480x128xf32, #tpu.memory_space<hbm>>) target(%arg9 : memref<200x128xf32, #tpu.memory_space<vmem>>) offsets(%arg6 : memref<200xi32, #tpu.memory_space<vmem>>) semaphore(%arg15 : memref<!tpu.dma_semaphore, #tpu.memory_space<semaphore_mem>>)
      } else {
      }
      %mul3A_126 = arith.constant 3 : i32
      %mul3A_127 = arith.muli %scan3A_69, %mul3A_126 : i32
      %add3A_128 = arith.constant 1 : i32
      %add3A_129 = arith.addi %mul3A_127, %add3A_128 : i32
      %add3A_130 = arith.constant 3 : i32
      %add3A_131 = arith.addi %add3A_129, %add3A_130 : i32
      %lt3A_132 = arith.constant 50 : i32
      %lt3A_133 = arith.cmpi slt, %add3A_131, %lt3A_132 : i32
      %convert_element_type3A_134 = arith.extui %lt3A_133 : i1 to i32
      %cond3A_135 = arith.constant 0 : i32
      %cond3A_136 = arith.cmpi ne, %convert_element_type3A_134, %cond3A_135 : i32
      scf.if %cond3A_136 {
        %dma_wait3A_148 = arith.constant 0 : i32
        %dma_wait3A_149 = tpu.memref_slice %arg4[%mul3A_2, %dma_wait3A_148] : memref<160000x128xf32, #tpu.memory_space<hbm>> -> memref<200x128xf32, #tpu.memory_space<hbm>>
        %dma_wait3A_150 = arith.constant 0 : i32
        %dma_wait3A_151 = tpu.memref_slice %arg4[%mul3A_2, %dma_wait3A_150] : memref<160000x128xf32, #tpu.memory_space<hbm>> -> memref<200x128xf32, #tpu.memory_space<hbm>>
        tpu.wait_dma2 semaphore(%arg19 : memref<!tpu.dma_semaphore, #tpu.memory_space<semaphore_mem>>) src(%arg10 : memref<200x128xf32, #tpu.memory_space<vmem>>) dst(%dma_wait3A_151 : memref<200x128xf32, #tpu.memory_space<hbm>>)
        %dma_wait3A_152 = arith.constant 0 : i32
        %dma_wait3A_153 = arith.constant 0 : i32
        %dma_wait3A_154 = tpu.memref_slice %arg3[%add3A, %dma_wait3A_152, %dma_wait3A_153] : memref<32x50x200xi32, #tpu.memory_space<hbm>> -> memref<1x1x200xi32, #tpu.memory_space<hbm>>
        %dma_wait3A_155 = tpu.memref_squeeze %dma_wait3A_154 : memref<1x1x200xi32, #tpu.memory_space<hbm>> -> memref<200xi32, #tpu.memory_space<hbm>>
        %dma_wait3A_156 = arith.constant 0 : i32
        %dma_wait3A_157 = tpu.memref_slice %arg3[%add3A, %dma_wait3A_152, %dma_wait3A_156] : memref<32x50x200xi32, #tpu.memory_space<hbm>> -> memref<1x1x200xi32, #tpu.memory_space<hbm>>
        %dma_wait3A_158 = tpu.memref_squeeze %dma_wait3A_157 : memref<1x1x200xi32, #tpu.memory_space<hbm>> -> memref<200xi32, #tpu.memory_space<hbm>>
        tpu.wait_dma2 semaphore(%arg13 : memref<!tpu.dma_semaphore, #tpu.memory_space<semaphore_mem>>) src(%dma_wait3A_158 : memref<200xi32, #tpu.memory_space<hbm>>) dst(%arg7 : memref<200xi32, #tpu.memory_space<vmem>>)
        %dma_start3A_159 = arith.constant 0 : i32
        %dma_start3A_160 = arith.constant 0 : i32
        %dma_start3A_161 = tpu.memref_slice %arg2[%dma_start3A_159, %dma_start3A_160] : memref<20480x128xf32, #tpu.memory_space<hbm>> -> memref<20480x128xf32, #tpu.memory_space<hbm>>
        tpu.enqueue_indirect_dma source(%dma_start3A_161 : memref<20480x128xf32, #tpu.memory_space<hbm>>) target(%arg10 : memref<200x128xf32, #tpu.memory_space<vmem>>) offsets(%arg7 : memref<200xi32, #tpu.memory_space<vmem>>) semaphore(%arg16 : memref<!tpu.dma_semaphore, #tpu.memory_space<semaphore_mem>>)
      } else {
      }
      %mul3A_137 = arith.constant 3 : i32
      %mul3A_138 = arith.muli %scan3A_69, %mul3A_137 : i32
      %add3A_139 = arith.constant 2 : i32
      %add3A_140 = arith.addi %mul3A_138, %add3A_139 : i32
      %add3A_141 = arith.constant 3 : i32
      %add3A_142 = arith.addi %add3A_140, %add3A_141 : i32
      %lt3A_143 = arith.constant 50 : i32
      %lt3A_144 = arith.cmpi slt, %add3A_142, %lt3A_143 : i32
      %convert_element_type3A_145 = arith.extui %lt3A_144 : i1 to i32
      %cond3A_146 = arith.constant 0 : i32
      %cond3A_147 = arith.cmpi ne, %convert_element_type3A_145, %cond3A_146 : i32
      scf.if %cond3A_147 {
        %dma_wait3A_148 = arith.constant 0 : i32
        %dma_wait3A_149 = tpu.memref_slice %arg4[%mul3A_2, %dma_wait3A_148] : memref<160000x128xf32, #tpu.memory_space<hbm>> -> memref<200x128xf32, #tpu.memory_space<hbm>>
        %dma_wait3A_150 = arith.constant 0 : i32
        %dma_wait3A_151 = tpu.memref_slice %arg4[%mul3A_2, %dma_wait3A_150] : memref<160000x128xf32, #tpu.memory_space<hbm>> -> memref<200x128xf32, #tpu.memory_space<hbm>>
        tpu.wait_dma2 semaphore(%arg20 : memref<!tpu.dma_semaphore, #tpu.memory_space<semaphore_mem>>) src(%arg11 : memref<200x128xf32, #tpu.memory_space<vmem>>) dst(%dma_wait3A_151 : memref<200x128xf32, #tpu.memory_space<hbm>>)
        %dma_wait3A_152 = arith.constant 0 : i32
        %dma_wait3A_153 = arith.constant 0 : i32
        %dma_wait3A_154 = tpu.memref_slice %arg3[%add3A, %dma_wait3A_152, %dma_wait3A_153] : memref<32x50x200xi32, #tpu.memory_space<hbm>> -> memref<1x1x200xi32, #tpu.memory_space<hbm>>
        %dma_wait3A_155 = tpu.memref_squeeze %dma_wait3A_154 : memref<1x1x200xi32, #tpu.memory_space<hbm>> -> memref<200xi32, #tpu.memory_space<hbm>>
        %dma_wait3A_156 = arith.constant 0 : i32
        %dma_wait3A_157 = tpu.memref_slice %arg3[%add3A, %dma_wait3A_152, %dma_wait3A_156] : memref<32x50x200xi32, #tpu.memory_space<hbm>> -> memref<1x1x200xi32, #tpu.memory_space<hbm>>
        %dma_wait3A_158 = tpu.memref_squeeze %dma_wait3A_157 : memref<1x1x200xi32, #tpu.memory_space<hbm>> -> memref<200xi32, #tpu.memory_space<hbm>>
        tpu.wait_dma2 semaphore(%arg14 : memref<!tpu.dma_semaphore, #tpu.memory_space<semaphore_mem>>) src(%dma_wait3A_158 : memref<200xi32, #tpu.memory_space<hbm>>) dst(%arg8 : memref<200xi32, #tpu.memory_space<vmem>>)
        %dma_start3A_159 = arith.constant 0 : i32
        %dma_start3A_160 = arith.constant 0 : i32
        %dma_start3A_161 = tpu.memref_slice %arg2[%dma_start3A_159, %dma_start3A_160] : memref<20480x128xf32, #tpu.memory_space<hbm>> -> memref<20480x128xf32, #tpu.memory_space<hbm>>
        tpu.enqueue_indirect_dma source(%dma_start3A_161 : memref<20480x128xf32, #tpu.memory_space<hbm>>) target(%arg11 : memref<200x128xf32, #tpu.memory_space<vmem>>) offsets(%arg8 : memref<200xi32, #tpu.memory_space<vmem>>) semaphore(%arg17 : memref<!tpu.dma_semaphore, #tpu.memory_space<semaphore_mem>>)
      } else {
      }
    }
    %scan3A_56 = arith.constant 17 : i32
    %dma_wait3A_57 = arith.constant 0 : i32
    %dma_wait3A_58 = tpu.memref_slice %arg4[%mul3A_2, %dma_wait3A_57] : memref<160000x128xf32, #tpu.memory_space<hbm>> -> memref<200x128xf32, #tpu.memory_space<hbm>>
    %dma_wait3A_59 = arith.constant 0 : i32
    %dma_wait3A_60 = tpu.memref_slice %arg4[%mul3A_2, %dma_wait3A_59] : memref<160000x128xf32, #tpu.memory_space<hbm>> -> memref<200x128xf32, #tpu.memory_space<hbm>>
    tpu.wait_dma2 semaphore(%arg18 : memref<!tpu.dma_semaphore, #tpu.memory_space<semaphore_mem>>) src(%arg9 : memref<200x128xf32, #tpu.memory_space<vmem>>) dst(%dma_wait3A_60 : memref<200x128xf32, #tpu.memory_space<hbm>>)
    %dma_wait3A_61 = arith.constant 0 : i32
    %dma_wait3A_62 = tpu.memref_slice %arg4[%mul3A_2, %dma_wait3A_61] : memref<160000x128xf32, #tpu.memory_space<hbm>> -> memref<200x128xf32, #tpu.memory_space<hbm>>
    %dma_wait3A_63 = arith.constant 0 : i32
    %dma_wait3A_64 = tpu.memref_slice %arg4[%mul3A_2, %dma_wait3A_63] : memref<160000x128xf32, #tpu.memory_space<hbm>> -> memref<200x128xf32, #tpu.memory_space<hbm>>
    tpu.wait_dma2 semaphore(%arg19 : memref<!tpu.dma_semaphore, #tpu.memory_space<semaphore_mem>>) src(%arg10 : memref<200x128xf32, #tpu.memory_space<vmem>>) dst(%dma_wait3A_64 : memref<200x128xf32, #tpu.memory_space<hbm>>)
    %dma_wait3A_65 = arith.constant 0 : i32
    %dma_wait3A_66 = tpu.memref_slice %arg4[%mul3A_2, %dma_wait3A_65] : memref<160000x128xf32, #tpu.memory_space<hbm>> -> memref<200x128xf32, #tpu.memory_space<hbm>>
    %dma_wait3A_67 = arith.constant 0 : i32
    %dma_wait3A_68 = tpu.memref_slice %arg4[%mul3A_2, %dma_wait3A_67] : memref<160000x128xf32, #tpu.memory_space<hbm>> -> memref<200x128xf32, #tpu.memory_space<hbm>>
    tpu.wait_dma2 semaphore(%arg20 : memref<!tpu.dma_semaphore, #tpu.memory_space<semaphore_mem>>) src(%arg11 : memref<200x128xf32, #tpu.memory_space<vmem>>) dst(%dma_wait3A_68 : memref<200x128xf32, #tpu.memory_space<hbm>>)
    return
  }
}

#map = affine_map<(d0, d1) -> (0, 0)>
#map1 = affine_map<(d0, d1) -> (0, 0, 0)>
module attributes {stable_mosaic.version = 14 : i64} {
  func.func @gather_k(%arg0: i32, %arg1: i32, %arg2: memref<20480x128xf32, #tpu.memory_space<hbm>>, %arg3: memref<32x50x200xi32, #tpu.memory_space<hbm>>, %arg4: memref<160000x128xf32, #tpu.memory_space<hbm>>, %arg5: memref<160000x128xf32, #tpu.memory_space<hbm>>, %arg6: memref<200xi32, #tpu.memory_space<vmem>>, %arg7: memref<200xi32, #tpu.memory_space<vmem>>, %arg8: memref<200xi32, #tpu.memory_space<vmem>>, %arg9: memref<200x128xf32, #tpu.memory_space<vmem>>, %arg10: memref<200x128xf32, #tpu.memory_space<vmem>>, %arg11: memref<200x128xf32, #tpu.memory_space<vmem>>, %arg12: memref<!tpu.dma_semaphore, #tpu.memory_space<semaphore_mem>>, %arg13: memref<!tpu.dma_semaphore, #tpu.memory_space<semaphore_mem>>, %arg14: memref<!tpu.dma_semaphore, #tpu.memory_space<semaphore_mem>>, %arg15: memref<!tpu.dma_semaphore, #tpu.memory_space<semaphore_mem>>, %arg16: memref<!tpu.dma_semaphore, #tpu.memory_space<semaphore_mem>>, %arg17: memref<!tpu.dma_semaphore, #tpu.memory_space<semaphore_mem>>, %arg18: memref<!tpu.dma_semaphore, #tpu.memory_space<semaphore_mem>>, %arg19: memref<!tpu.dma_semaphore, #tpu.memory_space<semaphore_mem>>, %arg20: memref<!tpu.dma_semaphore, #tpu.memory_space<semaphore_mem>>) attributes {dimension_semantics = [#tpu.dimension_semantics<core_parallel>, #tpu.dimension_semantics<subcore_parallel>], iteration_bounds = array<i64: 2, 16>, scalar_prefetch = 0 : i64, scratch_operands = 15 : i64, tpu.core_type = #tpu.core_type<sc_vector_subcore>, window_params = [{transform_indices = #map}, {transform_indices = #map1}, {transform_indices = #map}, {transform_indices = #map}]} {
    %mul3A = arith.constant 2 : i32
    %mul3A_0 = arith.muli %arg1, %mul3A : i32
    %add3A = arith.addi %mul3A_0, %arg0 : i32
    %mul3A_1 = arith.constant 5000 : i32
    %mul3A_2 = arith.muli %add3A, %mul3A_1 : i32
    %dma_start3A = arith.constant 0 : i32
    %dma_start3A_3 = arith.constant 0 : i32
    %dma_start3A_4 = tpu.memref_slice %arg3[%add3A, %dma_start3A, %dma_start3A_3] : memref<32x50x200xi32, #tpu.memory_space<hbm>> -> memref<1x1x200xi32, #tpu.memory_space<hbm>>
    %dma_start3A_5 = tpu.memref_squeeze %dma_start3A_4 : memref<1x1x200xi32, #tpu.memory_space<hbm>> -> memref<200xi32, #tpu.memory_space<hbm>>
    %dma_start3A_6 = arith.constant 0 : i32
    %dma_start3A_7 = tpu.memref_slice %arg3[%add3A, %dma_start3A, %dma_start3A_6] : memref<32x50x200xi32, #tpu.memory_space<hbm>> -> memref<1x1x200xi32, #tpu.memory_space<hbm>>
    %dma_start3A_8 = tpu.memref_squeeze %dma_start3A_7 : memref<1x1x200xi32, #tpu.memory_space<hbm>> -> memref<200xi32, #tpu.memory_space<hbm>>
    tpu.enqueue_dma source(%dma_start3A_8 : memref<200xi32, #tpu.memory_space<hbm>>) target(%arg6 : memref<200xi32, #tpu.memory_space<vmem>>) target_semaphore(%arg12 : memref<!tpu.dma_semaphore, #tpu.memory_space<semaphore_mem>>)
    %dma_start3A_9 = arith.constant 1 : i32
    %dma_start3A_10 = arith.constant 0 : i32
    %dma_start3A_11 = tpu.memref_slice %arg3[%add3A, %dma_start3A_9, %dma_start3A_10] : memref<32x50x200xi32, #tpu.memory_space<hbm>> -> memref<1x1x200xi32, #tpu.memory_space<hbm>>
    %dma_start3A_12 = tpu.memref_squeeze %dma_start3A_11 : memref<1x1x200xi32, #tpu.memory_space<hbm>> -> memref<200xi32, #tpu.memory_space<hbm>>
    %dma_start3A_13 = arith.constant 0 : i32
    %dma_start3A_14 = tpu.memref_slice %arg3[%add3A, %dma_start3A_9, %dma_start3A_13] : memref<32x50x200xi32, #tpu.memory_space<hbm>> -> memref<1x1x200xi32, #tpu.memory_space<hbm>>
    %dma_start3A_15 = tpu.memref_squeeze %dma_start3A_14 : memref<1x1x200xi32, #tpu.memory_space<hbm>> -> memref<200xi32, #tpu.memory_space<hbm>>
    tpu.enqueue_dma source(%dma_start3A_15 : memref<200xi32, #tpu.memory_space<hbm>>) target(%arg7 : memref<200xi32, #tpu.memory_space<vmem>>) target_semaphore(%arg13 : memref<!tpu.dma_semaphore, #tpu.memory_space<semaphore_mem>>)
    %dma_start3A_16 = arith.constant 2 : i32
    %dma_start3A_17 = arith.constant 0 : i32
    %dma_start3A_18 = tpu.memref_slice %arg3[%add3A, %dma_start3A_16, %dma_start3A_17] : memref<32x50x200xi32, #tpu.memory_space<hbm>> -> memref<1x1x200xi32, #tpu.memory_space<hbm>>
    %dma_start3A_19 = tpu.memref_squeeze %dma_start3A_18 : memref<1x1x200xi32, #tpu.memory_space<hbm>> -> memref<200xi32, #tpu.memory_space<hbm>>
    %dma_start3A_20 = arith.constant 0 : i32
    %dma_start3A_21 = tpu.memref_slice %arg3[%add3A, %dma_start3A_16, %dma_start3A_20] : memref<32x50x200xi32, #tpu.memory_space<hbm>> -> memref<1x1x200xi32, #tpu.memory_space<hbm>>
    %dma_start3A_22 = tpu.memref_squeeze %dma_start3A_21 : memref<1x1x200xi32, #tpu.memory_space<hbm>> -> memref<200xi32, #tpu.memory_space<hbm>>
    tpu.enqueue_dma source(%dma_start3A_22 : memref<200xi32, #tpu.memory_space<hbm>>) target(%arg8 : memref<200xi32, #tpu.memory_space<vmem>>) target_semaphore(%arg14 : memref<!tpu.dma_semaphore, #tpu.memory_space<semaphore_mem>>)
    %dma_wait3A = arith.constant 0 : i32
    %dma_wait3A_23 = arith.constant 0 : i32
    %dma_wait3A_24 = tpu.memref_slice %arg3[%add3A, %dma_wait3A, %dma_wait3A_23] : memref<32x50x200xi32, #tpu.memory_space<hbm>> -> memref<1x1x200xi32, #tpu.memory_space<hbm>>
    %dma_wait3A_25 = tpu.memref_squeeze %dma_wait3A_24 : memref<1x1x200xi32, #tpu.memory_space<hbm>> -> memref<200xi32, #tpu.memory_space<hbm>>
    %dma_wait3A_26 = arith.constant 0 : i32
    %dma_wait3A_27 = tpu.memref_slice %arg3[%add3A, %dma_wait3A, %dma_wait3A_26] : memref<32x50x200xi32, #tpu.memory_space<hbm>> -> memref<1x1x200xi32, #tpu.memory_space<hbm>>
    %dma_wait3A_28 = tpu.memref_squeeze %dma_wait3A_27 : memref<1x1x200xi32, #tpu.memory_space<hbm>> -> memref<200xi32, #tpu.memory_space<hbm>>
    tpu.wait_dma2 semaphore(%arg12 : memref<!tpu.dma_semaphore, #tpu.memory_space<semaphore_mem>>) src(%dma_wait3A_28 : memref<200xi32, #tpu.memory_space<hbm>>) dst(%arg6 : memref<200xi32, #tpu.memory_space<vmem>>)
    %dma_start3A_29 = arith.constant 0 : i32
    %dma_start3A_30 = arith.constant 0 : i32
    %dma_start3A_31 = tpu.memref_slice %arg2[%dma_start3A_29, %dma_start3A_30] : memref<20480x128xf32, #tpu.memory_space<hbm>> -> memref<20480x128xf32, #tpu.memory_space<hbm>>
    tpu.enqueue_indirect_dma source(%dma_start3A_31 : memref<20480x128xf32, #tpu.memory_space<hbm>>) target(%arg9 : memref<200x128xf32, #tpu.memory_space<vmem>>) offsets(%arg6 : memref<200xi32, #tpu.memory_space<vmem>>) semaphore(%arg15 : memref<!tpu.dma_semaphore, #tpu.memory_space<semaphore_mem>>)
    %dma_wait3A_32 = arith.constant 0 : i32
    %dma_wait3A_33 = arith.constant 0 : i32
    %dma_wait3A_34 = tpu.memref_slice %arg3[%add3A, %dma_wait3A_32, %dma_wait3A_33] : memref<32x50x200xi32, #tpu.memory_space<hbm>> -> memref<1x1x200xi32, #tpu.memory_space<hbm>>
    %dma_wait3A_35 = tpu.memref_squeeze %dma_wait3A_34 : memref<1x1x200xi32, #tpu.memory_space<hbm>> -> memref<200xi32, #tpu.memory_space<hbm>>
    %dma_wait3A_36 = arith.constant 0 : i32
    %dma_wait3A_37 = tpu.memref_slice %arg3[%add3A, %dma_wait3A_32, %dma_wait3A_36] : memref<32x50x200xi32, #tpu.memory_space<hbm>> -> memref<1x1x200xi32, #tpu.memory_space<hbm>>
    %dma_wait3A_38 = tpu.memref_squeeze %dma_wait3A_37 : memref<1x1x200xi32, #tpu.memory_space<hbm>> -> memref<200xi32, #tpu.memory_space<hbm>>
    tpu.wait_dma2 semaphore(%arg13 : memref<!tpu.dma_semaphore, #tpu.memory_space<semaphore_mem>>) src(%dma_wait3A_38 : memref<200xi32, #tpu.memory_space<hbm>>) dst(%arg7 : memref<200xi32, #tpu.memory_space<vmem>>)
    %dma_start3A_39 = arith.constant 0 : i32
    %dma_start3A_40 = arith.constant 0 : i32
    %dma_start3A_41 = tpu.memref_slice %arg2[%dma_start3A_39, %dma_start3A_40] : memref<20480x128xf32, #tpu.memory_space<hbm>> -> memref<20480x128xf32, #tpu.memory_space<hbm>>
    tpu.enqueue_indirect_dma source(%dma_start3A_41 : memref<20480x128xf32, #tpu.memory_space<hbm>>) target(%arg10 : memref<200x128xf32, #tpu.memory_space<vmem>>) offsets(%arg7 : memref<200xi32, #tpu.memory_space<vmem>>) semaphore(%arg16 : memref<!tpu.dma_semaphore, #tpu.memory_space<semaphore_mem>>)
    %dma_wait3A_42 = arith.constant 0 : i32
    %dma_wait3A_43 = arith.constant 0 : i32
    %dma_wait3A_44 = tpu.memref_slice %arg3[%add3A, %dma_wait3A_42, %dma_wait3A_43] : memref<32x50x200xi32, #tpu.memory_space<hbm>> -> memref<1x1x200xi32, #tpu.memory_space<hbm>>
    %dma_wait3A_45 = tpu.memref_squeeze %dma_wait3A_44 : memref<1x1x200xi32, #tpu.memory_space<hbm>> -> memref<200xi32, #tpu.memory_space<hbm>>
    %dma_wait3A_46 = arith.constant 0 : i32
    %dma_wait3A_47 = tpu.memref_slice %arg3[%add3A, %dma_wait3A_42, %dma_wait3A_46] : memref<32x50x200xi32, #tpu.memory_space<hbm>> -> memref<1x1x200xi32, #tpu.memory_space<hbm>>
    %dma_wait3A_48 = tpu.memref_squeeze %dma_wait3A_47 : memref<1x1x200xi32, #tpu.memory_space<hbm>> -> memref<200xi32, #tpu.memory_space<hbm>>
    tpu.wait_dma2 semaphore(%arg14 : memref<!tpu.dma_semaphore, #tpu.memory_space<semaphore_mem>>) src(%dma_wait3A_48 : memref<200xi32, #tpu.memory_space<hbm>>) dst(%arg8 : memref<200xi32, #tpu.memory_space<vmem>>)
    %dma_start3A_49 = arith.constant 0 : i32
    %dma_start3A_50 = arith.constant 0 : i32
    %dma_start3A_51 = tpu.memref_slice %arg2[%dma_start3A_49, %dma_start3A_50] : memref<20480x128xf32, #tpu.memory_space<hbm>> -> memref<20480x128xf32, #tpu.memory_space<hbm>>
    tpu.enqueue_indirect_dma source(%dma_start3A_51 : memref<20480x128xf32, #tpu.memory_space<hbm>>) target(%arg11 : memref<200x128xf32, #tpu.memory_space<vmem>>) offsets(%arg8 : memref<200xi32, #tpu.memory_space<vmem>>) semaphore(%arg17 : memref<!tpu.dma_semaphore, #tpu.memory_space<semaphore_mem>>)
    %scan3A = arith.constant 0 : i32
    %scan3A_52 = arith.constant 0 : i32
    %scan3A_53 = arith.constant 17 : i32
    %scan3A_54 = arith.addi %scan3A_52, %scan3A_53 : i32
    %scan3A_55 = arith.constant 1 : i32
    scf.for %scan3A_69 = %scan3A_52 to %scan3A_54 step %scan3A_55  : i32 {
      %mul3A_70 = arith.constant 3 : i32
      %mul3A_71 = arith.muli %scan3A_69, %mul3A_70 : i32
      %add3A_72 = arith.constant 0 : i32
      %add3A_73 = arith.addi %mul3A_71, %add3A_72 : i32
      %add3A_74 = arith.constant 3 : i32
      %add3A_75 = arith.addi %add3A_73, %add3A_74 : i32
      %lt3A = arith.constant 50 : i32
      %lt3A_76 = arith.cmpi slt, %add3A_73, %lt3A : i32
      %convert_element_type3A = arith.extui %lt3A_76 : i1 to i32
      %cond3A = arith.constant 0 : i32
      %cond3A_77 = arith.cmpi ne, %convert_element_type3A, %cond3A : i32
      scf.if %cond3A_77 {
        %dma_wait3A_148 = arith.constant 0 : i32
        %dma_wait3A_149 = arith.constant 0 : i32
        %dma_wait3A_150 = tpu.memref_slice %arg2[%dma_wait3A_148, %dma_wait3A_149] : memref<20480x128xf32, #tpu.memory_space<hbm>> -> memref<20480x128xf32, #tpu.memory_space<hbm>>
        tpu.wait_indirect_dma semaphore(%arg15 : memref<!tpu.dma_semaphore, #tpu.memory_space<semaphore_mem>>) src(%dma_wait3A_150 : memref<20480x128xf32, #tpu.memory_space<hbm>>) dst(%arg9 : memref<200x128xf32, #tpu.memory_space<vmem>>)
        %lt3A_151 = arith.constant 25 : i32
        %lt3A_152 = arith.cmpi slt, %add3A_73, %lt3A_151 : i32
        %convert_element_type3A_153 = arith.extui %lt3A_152 : i1 to i32
        %cond3A_154 = arith.constant 0 : i32
        %cond3A_155 = arith.cmpi ne, %convert_element_type3A_153, %cond3A_154 : i32
        scf.if %cond3A_155 {
          %mul3A_160 = arith.constant 200 : i32
          %mul3A_161 = arith.muli %add3A_73, %mul3A_160 : i32
          %add3A_162 = arith.addi %mul3A_2, %mul3A_161 : i32
          %dma_start3A_163 = arith.constant 0 : i32
          %dma_start3A_164 = tpu.memref_slice %arg4[%add3A_162, %dma_start3A_163] : memref<160000x128xf32, #tpu.memory_space<hbm>> -> memref<200x128xf32, #tpu.memory_space<hbm>>
          %dma_start3A_165 = arith.constant 0 : i32
          %dma_start3A_166 = tpu.memref_slice %arg4[%add3A_162, %dma_start3A_165] : memref<160000x128xf32, #tpu.memory_space<hbm>> -> memref<200x128xf32, #tpu.memory_space<hbm>>
          tpu.enqueue_dma source(%arg9 : memref<200x128xf32, #tpu.memory_space<vmem>>) target(%dma_start3A_166 : memref<200x128xf32, #tpu.memory_space<hbm>>) target_semaphore(%arg18 : memref<!tpu.dma_semaphore, #tpu.memory_space<semaphore_mem>>)
        } else {
        }
        %ge3A = arith.constant 25 : i32
        %ge3A_156 = arith.cmpi sge, %add3A_73, %ge3A : i32
        %convert_element_type3A_157 = arith.extui %ge3A_156 : i1 to i32
        %cond3A_158 = arith.constant 0 : i32
        %cond3A_159 = arith.cmpi ne, %convert_element_type3A_157, %cond3A_158 : i32
        scf.if %cond3A_159 {
          %sub3A = arith.constant 25 : i32
          %sub3A_160 = arith.subi %add3A_73, %sub3A : i32
          %mul3A_161 = arith.constant 200 : i32
          %mul3A_162 = arith.muli %sub3A_160, %mul3A_161 : i32
          %add3A_163 = arith.addi %mul3A_2, %mul3A_162 : i32
          %dma_start3A_164 = arith.constant 0 : i32
          %dma_start3A_165 = tpu.memref_slice %arg5[%add3A_163, %dma_start3A_164] : memref<160000x128xf32, #tpu.memory_space<hbm>> -> memref<200x128xf32, #tpu.memory_space<hbm>>
          %dma_start3A_166 = arith.constant 0 : i32
          %dma_start3A_167 = tpu.memref_slice %arg5[%add3A_163, %dma_start3A_166] : memref<160000x128xf32, #tpu.memory_space<hbm>> -> memref<200x128xf32, #tpu.memory_space<hbm>>
          tpu.enqueue_dma source(%arg9 : memref<200x128xf32, #tpu.memory_space<vmem>>) target(%dma_start3A_167 : memref<200x128xf32, #tpu.memory_space<hbm>>) target_semaphore(%arg18 : memref<!tpu.dma_semaphore, #tpu.memory_space<semaphore_mem>>)
        } else {
        }
      } else {
      }
      %lt3A_78 = arith.constant 50 : i32
      %lt3A_79 = arith.cmpi slt, %add3A_75, %lt3A_78 : i32
      %convert_element_type3A_80 = arith.extui %lt3A_79 : i1 to i32
      %cond3A_81 = arith.constant 0 : i32
      %cond3A_82 = arith.cmpi ne, %convert_element_type3A_80, %cond3A_81 : i32
      scf.if %cond3A_82 {
        %dma_start3A_148 = arith.constant 0 : i32
        %dma_start3A_149 = tpu.memref_slice %arg3[%add3A, %add3A_75, %dma_start3A_148] : memref<32x50x200xi32, #tpu.memory_space<hbm>> -> memref<1x1x200xi32, #tpu.memory_space<hbm>>
        %dma_start3A_150 = tpu.memref_squeeze %dma_start3A_149 : memref<1x1x200xi32, #tpu.memory_space<hbm>> -> memref<200xi32, #tpu.memory_space<hbm>>
        %dma_start3A_151 = arith.constant 0 : i32
        %dma_start3A_152 = tpu.memref_slice %arg3[%add3A, %add3A_75, %dma_start3A_151] : memref<32x50x200xi32, #tpu.memory_space<hbm>> -> memref<1x1x200xi32, #tpu.memory_space<hbm>>
        %dma_start3A_153 = tpu.memref_squeeze %dma_start3A_152 : memref<1x1x200xi32, #tpu.memory_space<hbm>> -> memref<200xi32, #tpu.memory_space<hbm>>
        tpu.enqueue_dma source(%dma_start3A_153 : memref<200xi32, #tpu.memory_space<hbm>>) target(%arg6 : memref<200xi32, #tpu.memory_space<vmem>>) target_semaphore(%arg12 : memref<!tpu.dma_semaphore, #tpu.memory_space<semaphore_mem>>)
      } else {
      }
      %mul3A_83 = arith.constant 3 : i32
      %mul3A_84 = arith.muli %scan3A_69, %mul3A_83 : i32
      %add3A_85 = arith.constant 1 : i32
      %add3A_86 = arith.addi %mul3A_84, %add3A_85 : i32
      %add3A_87 = arith.constant 3 : i32
      %add3A_88 = arith.addi %add3A_86, %add3A_87 : i32
      %lt3A_89 = arith.constant 50 : i32
      %lt3A_90 = arith.cmpi slt, %add3A_86, %lt3A_89 : i32
      %convert_element_type3A_91 = arith.extui %lt3A_90 : i1 to i32
      %cond3A_92 = arith.constant 0 : i32
      %cond3A_93 = arith.cmpi ne, %convert_element_type3A_91, %cond3A_92 : i32
      scf.if %cond3A_93 {
        %dma_wait3A_148 = arith.constant 0 : i32
        %dma_wait3A_149 = arith.constant 0 : i32
        %dma_wait3A_150 = tpu.memref_slice %arg2[%dma_wait3A_148, %dma_wait3A_149] : memref<20480x128xf32, #tpu.memory_space<hbm>> -> memref<20480x128xf32, #tpu.memory_space<hbm>>
        tpu.wait_indirect_dma semaphore(%arg16 : memref<!tpu.dma_semaphore, #tpu.memory_space<semaphore_mem>>) src(%dma_wait3A_150 : memref<20480x128xf32, #tpu.memory_space<hbm>>) dst(%arg10 : memref<200x128xf32, #tpu.memory_space<vmem>>)
        %lt3A_151 = arith.constant 25 : i32
        %lt3A_152 = arith.cmpi slt, %add3A_86, %lt3A_151 : i32
        %convert_element_type3A_153 = arith.extui %lt3A_152 : i1 to i32
        %cond3A_154 = arith.constant 0 : i32
        %cond3A_155 = arith.cmpi ne, %convert_element_type3A_153, %cond3A_154 : i32
        scf.if %cond3A_155 {
          %mul3A_160 = arith.constant 200 : i32
          %mul3A_161 = arith.muli %add3A_86, %mul3A_160 : i32
          %add3A_162 = arith.addi %mul3A_2, %mul3A_161 : i32
          %dma_start3A_163 = arith.constant 0 : i32
          %dma_start3A_164 = tpu.memref_slice %arg4[%add3A_162, %dma_start3A_163] : memref<160000x128xf32, #tpu.memory_space<hbm>> -> memref<200x128xf32, #tpu.memory_space<hbm>>
          %dma_start3A_165 = arith.constant 0 : i32
          %dma_start3A_166 = tpu.memref_slice %arg4[%add3A_162, %dma_start3A_165] : memref<160000x128xf32, #tpu.memory_space<hbm>> -> memref<200x128xf32, #tpu.memory_space<hbm>>
          tpu.enqueue_dma source(%arg10 : memref<200x128xf32, #tpu.memory_space<vmem>>) target(%dma_start3A_166 : memref<200x128xf32, #tpu.memory_space<hbm>>) target_semaphore(%arg19 : memref<!tpu.dma_semaphore, #tpu.memory_space<semaphore_mem>>)
        } else {
        }
        %ge3A = arith.constant 25 : i32
        %ge3A_156 = arith.cmpi sge, %add3A_86, %ge3A : i32
        %convert_element_type3A_157 = arith.extui %ge3A_156 : i1 to i32
        %cond3A_158 = arith.constant 0 : i32
        %cond3A_159 = arith.cmpi ne, %convert_element_type3A_157, %cond3A_158 : i32
        scf.if %cond3A_159 {
          %sub3A = arith.constant 25 : i32
          %sub3A_160 = arith.subi %add3A_86, %sub3A : i32
          %mul3A_161 = arith.constant 200 : i32
          %mul3A_162 = arith.muli %sub3A_160, %mul3A_161 : i32
          %add3A_163 = arith.addi %mul3A_2, %mul3A_162 : i32
          %dma_start3A_164 = arith.constant 0 : i32
          %dma_start3A_165 = tpu.memref_slice %arg5[%add3A_163, %dma_start3A_164] : memref<160000x128xf32, #tpu.memory_space<hbm>> -> memref<200x128xf32, #tpu.memory_space<hbm>>
          %dma_start3A_166 = arith.constant 0 : i32
          %dma_start3A_167 = tpu.memref_slice %arg5[%add3A_163, %dma_start3A_166] : memref<160000x128xf32, #tpu.memory_space<hbm>> -> memref<200x128xf32, #tpu.memory_space<hbm>>
          tpu.enqueue_dma source(%arg10 : memref<200x128xf32, #tpu.memory_space<vmem>>) target(%dma_start3A_167 : memref<200x128xf32, #tpu.memory_space<hbm>>) target_semaphore(%arg19 : memref<!tpu.dma_semaphore, #tpu.memory_space<semaphore_mem>>)
        } else {
        }
      } else {
      }
      %lt3A_94 = arith.constant 50 : i32
      %lt3A_95 = arith.cmpi slt, %add3A_88, %lt3A_94 : i32
      %convert_element_type3A_96 = arith.extui %lt3A_95 : i1 to i32
      %cond3A_97 = arith.constant 0 : i32
      %cond3A_98 = arith.cmpi ne, %convert_element_type3A_96, %cond3A_97 : i32
      scf.if %cond3A_98 {
        %dma_start3A_148 = arith.constant 0 : i32
        %dma_start3A_149 = tpu.memref_slice %arg3[%add3A, %add3A_88, %dma_start3A_148] : memref<32x50x200xi32, #tpu.memory_space<hbm>> -> memref<1x1x200xi32, #tpu.memory_space<hbm>>
        %dma_start3A_150 = tpu.memref_squeeze %dma_start3A_149 : memref<1x1x200xi32, #tpu.memory_space<hbm>> -> memref<200xi32, #tpu.memory_space<hbm>>
        %dma_start3A_151 = arith.constant 0 : i32
        %dma_start3A_152 = tpu.memref_slice %arg3[%add3A, %add3A_88, %dma_start3A_151] : memref<32x50x200xi32, #tpu.memory_space<hbm>> -> memref<1x1x200xi32, #tpu.memory_space<hbm>>
        %dma_start3A_153 = tpu.memref_squeeze %dma_start3A_152 : memref<1x1x200xi32, #tpu.memory_space<hbm>> -> memref<200xi32, #tpu.memory_space<hbm>>
        tpu.enqueue_dma source(%dma_start3A_153 : memref<200xi32, #tpu.memory_space<hbm>>) target(%arg7 : memref<200xi32, #tpu.memory_space<vmem>>) target_semaphore(%arg13 : memref<!tpu.dma_semaphore, #tpu.memory_space<semaphore_mem>>)
      } else {
      }
      %mul3A_99 = arith.constant 3 : i32
      %mul3A_100 = arith.muli %scan3A_69, %mul3A_99 : i32
      %add3A_101 = arith.constant 2 : i32
      %add3A_102 = arith.addi %mul3A_100, %add3A_101 : i32
      %add3A_103 = arith.constant 3 : i32
      %add3A_104 = arith.addi %add3A_102, %add3A_103 : i32
      %lt3A_105 = arith.constant 50 : i32
      %lt3A_106 = arith.cmpi slt, %add3A_102, %lt3A_105 : i32
      %convert_element_type3A_107 = arith.extui %lt3A_106 : i1 to i32
      %cond3A_108 = arith.constant 0 : i32
      %cond3A_109 = arith.cmpi ne, %convert_element_type3A_107, %cond3A_108 : i32
      scf.if %cond3A_109 {
        %dma_wait3A_148 = arith.constant 0 : i32
        %dma_wait3A_149 = arith.constant 0 : i32
        %dma_wait3A_150 = tpu.memref_slice %arg2[%dma_wait3A_148, %dma_wait3A_149] : memref<20480x128xf32, #tpu.memory_space<hbm>> -> memref<20480x128xf32, #tpu.memory_space<hbm>>
        tpu.wait_indirect_dma semaphore(%arg17 : memref<!tpu.dma_semaphore, #tpu.memory_space<semaphore_mem>>) src(%dma_wait3A_150 : memref<20480x128xf32, #tpu.memory_space<hbm>>) dst(%arg11 : memref<200x128xf32, #tpu.memory_space<vmem>>)
        %lt3A_151 = arith.constant 25 : i32
        %lt3A_152 = arith.cmpi slt, %add3A_102, %lt3A_151 : i32
        %convert_element_type3A_153 = arith.extui %lt3A_152 : i1 to i32
        %cond3A_154 = arith.constant 0 : i32
        %cond3A_155 = arith.cmpi ne, %convert_element_type3A_153, %cond3A_154 : i32
        scf.if %cond3A_155 {
          %mul3A_160 = arith.constant 200 : i32
          %mul3A_161 = arith.muli %add3A_102, %mul3A_160 : i32
          %add3A_162 = arith.addi %mul3A_2, %mul3A_161 : i32
          %dma_start3A_163 = arith.constant 0 : i32
          %dma_start3A_164 = tpu.memref_slice %arg4[%add3A_162, %dma_start3A_163] : memref<160000x128xf32, #tpu.memory_space<hbm>> -> memref<200x128xf32, #tpu.memory_space<hbm>>
          %dma_start3A_165 = arith.constant 0 : i32
          %dma_start3A_166 = tpu.memref_slice %arg4[%add3A_162, %dma_start3A_165] : memref<160000x128xf32, #tpu.memory_space<hbm>> -> memref<200x128xf32, #tpu.memory_space<hbm>>
          tpu.enqueue_dma source(%arg11 : memref<200x128xf32, #tpu.memory_space<vmem>>) target(%dma_start3A_166 : memref<200x128xf32, #tpu.memory_space<hbm>>) target_semaphore(%arg20 : memref<!tpu.dma_semaphore, #tpu.memory_space<semaphore_mem>>)
        } else {
        }
        %ge3A = arith.constant 25 : i32
        %ge3A_156 = arith.cmpi sge, %add3A_102, %ge3A : i32
        %convert_element_type3A_157 = arith.extui %ge3A_156 : i1 to i32
        %cond3A_158 = arith.constant 0 : i32
        %cond3A_159 = arith.cmpi ne, %convert_element_type3A_157, %cond3A_158 : i32
        scf.if %cond3A_159 {
          %sub3A = arith.constant 25 : i32
          %sub3A_160 = arith.subi %add3A_102, %sub3A : i32
          %mul3A_161 = arith.constant 200 : i32
          %mul3A_162 = arith.muli %sub3A_160, %mul3A_161 : i32
          %add3A_163 = arith.addi %mul3A_2, %mul3A_162 : i32
          %dma_start3A_164 = arith.constant 0 : i32
          %dma_start3A_165 = tpu.memref_slice %arg5[%add3A_163, %dma_start3A_164] : memref<160000x128xf32, #tpu.memory_space<hbm>> -> memref<200x128xf32, #tpu.memory_space<hbm>>
          %dma_start3A_166 = arith.constant 0 : i32
          %dma_start3A_167 = tpu.memref_slice %arg5[%add3A_163, %dma_start3A_166] : memref<160000x128xf32, #tpu.memory_space<hbm>> -> memref<200x128xf32, #tpu.memory_space<hbm>>
          tpu.enqueue_dma source(%arg11 : memref<200x128xf32, #tpu.memory_space<vmem>>) target(%dma_start3A_167 : memref<200x128xf32, #tpu.memory_space<hbm>>) target_semaphore(%arg20 : memref<!tpu.dma_semaphore, #tpu.memory_space<semaphore_mem>>)
        } else {
        }
      } else {
      }
      %lt3A_110 = arith.constant 50 : i32
      %lt3A_111 = arith.cmpi slt, %add3A_104, %lt3A_110 : i32
      %convert_element_type3A_112 = arith.extui %lt3A_111 : i1 to i32
      %cond3A_113 = arith.constant 0 : i32
      %cond3A_114 = arith.cmpi ne, %convert_element_type3A_112, %cond3A_113 : i32
      scf.if %cond3A_114 {
        %dma_start3A_148 = arith.constant 0 : i32
        %dma_start3A_149 = tpu.memref_slice %arg3[%add3A, %add3A_104, %dma_start3A_148] : memref<32x50x200xi32, #tpu.memory_space<hbm>> -> memref<1x1x200xi32, #tpu.memory_space<hbm>>
        %dma_start3A_150 = tpu.memref_squeeze %dma_start3A_149 : memref<1x1x200xi32, #tpu.memory_space<hbm>> -> memref<200xi32, #tpu.memory_space<hbm>>
        %dma_start3A_151 = arith.constant 0 : i32
        %dma_start3A_152 = tpu.memref_slice %arg3[%add3A, %add3A_104, %dma_start3A_151] : memref<32x50x200xi32, #tpu.memory_space<hbm>> -> memref<1x1x200xi32, #tpu.memory_space<hbm>>
        %dma_start3A_153 = tpu.memref_squeeze %dma_start3A_152 : memref<1x1x200xi32, #tpu.memory_space<hbm>> -> memref<200xi32, #tpu.memory_space<hbm>>
        tpu.enqueue_dma source(%dma_start3A_153 : memref<200xi32, #tpu.memory_space<hbm>>) target(%arg8 : memref<200xi32, #tpu.memory_space<vmem>>) target_semaphore(%arg14 : memref<!tpu.dma_semaphore, #tpu.memory_space<semaphore_mem>>)
      } else {
      }
      %mul3A_115 = arith.constant 3 : i32
      %mul3A_116 = arith.muli %scan3A_69, %mul3A_115 : i32
      %add3A_117 = arith.constant 0 : i32
      %add3A_118 = arith.addi %mul3A_116, %add3A_117 : i32
      %add3A_119 = arith.constant 3 : i32
      %add3A_120 = arith.addi %add3A_118, %add3A_119 : i32
      %lt3A_121 = arith.constant 50 : i32
      %lt3A_122 = arith.cmpi slt, %add3A_120, %lt3A_121 : i32
      %convert_element_type3A_123 = arith.extui %lt3A_122 : i1 to i32
      %cond3A_124 = arith.constant 0 : i32
      %cond3A_125 = arith.cmpi ne, %convert_element_type3A_123, %cond3A_124 : i32
      scf.if %cond3A_125 {
        %dma_wait3A_148 = arith.constant 0 : i32
        %dma_wait3A_149 = tpu.memref_slice %arg4[%mul3A_2, %dma_wait3A_148] : memref<160000x128xf32, #tpu.memory_space<hbm>> -> memref<200x128xf32, #tpu.memory_space<hbm>>
        %dma_wait3A_150 = arith.constant 0 : i32
        %dma_wait3A_151 = tpu.memref_slice %arg4[%mul3A_2, %dma_wait3A_150] : memref<160000x128xf32, #tpu.memory_space<hbm>> -> memref<200x128xf32, #tpu.memory_space<hbm>>
        tpu.wait_dma2 semaphore(%arg18 : memref<!tpu.dma_semaphore, #tpu.memory_space<semaphore_mem>>) src(%arg9 : memref<200x128xf32, #tpu.memory_space<vmem>>) dst(%dma_wait3A_151 : memref<200x128xf32, #tpu.memory_space<hbm>>)
        %dma_wait3A_152 = arith.constant 0 : i32
        %dma_wait3A_153 = arith.constant 0 : i32
        %dma_wait3A_154 = tpu.memref_slice %arg3[%add3A, %dma_wait3A_152, %dma_wait3A_153] : memref<32x50x200xi32, #tpu.memory_space<hbm>> -> memref<1x1x200xi32, #tpu.memory_space<hbm>>
        %dma_wait3A_155 = tpu.memref_squeeze %dma_wait3A_154 : memref<1x1x200xi32, #tpu.memory_space<hbm>> -> memref<200xi32, #tpu.memory_space<hbm>>
        %dma_wait3A_156 = arith.constant 0 : i32
        %dma_wait3A_157 = tpu.memref_slice %arg3[%add3A, %dma_wait3A_152, %dma_wait3A_156] : memref<32x50x200xi32, #tpu.memory_space<hbm>> -> memref<1x1x200xi32, #tpu.memory_space<hbm>>
        %dma_wait3A_158 = tpu.memref_squeeze %dma_wait3A_157 : memref<1x1x200xi32, #tpu.memory_space<hbm>> -> memref<200xi32, #tpu.memory_space<hbm>>
        tpu.wait_dma2 semaphore(%arg12 : memref<!tpu.dma_semaphore, #tpu.memory_space<semaphore_mem>>) src(%dma_wait3A_158 : memref<200xi32, #tpu.memory_space<hbm>>) dst(%arg6 : memref<200xi32, #tpu.memory_space<vmem>>)
        %dma_start3A_159 = arith.constant 0 : i32
        %dma_start3A_160 = arith.constant 0 : i32
        %dma_start3A_161 = tpu.memref_slice %arg2[%dma_start3A_159, %dma_start3A_160] : memref<20480x128xf32, #tpu.memory_space<hbm>> -> memref<20480x128xf32, #tpu.memory_space<hbm>>
        tpu.enqueue_indirect_dma source(%dma_start3A_161 : memref<20480x128xf32, #tpu.memory_space<hbm>>) target(%arg9 : memref<200x128xf32, #tpu.memory_space<vmem>>) offsets(%arg6 : memref<200xi32, #tpu.memory_space<vmem>>) semaphore(%arg15 : memref<!tpu.dma_semaphore, #tpu.memory_space<semaphore_mem>>)
      } else {
      }
      %mul3A_126 = arith.constant 3 : i32
      %mul3A_127 = arith.muli %scan3A_69, %mul3A_126 : i32
      %add3A_128 = arith.constant 1 : i32
      %add3A_129 = arith.addi %mul3A_127, %add3A_128 : i32
      %add3A_130 = arith.constant 3 : i32
      %add3A_131 = arith.addi %add3A_129, %add3A_130 : i32
      %lt3A_132 = arith.constant 50 : i32
      %lt3A_133 = arith.cmpi slt, %add3A_131, %lt3A_132 : i32
      %convert_element_type3A_134 = arith.extui %lt3A_133 : i1 to i32
      %cond3A_135 = arith.constant 0 : i32
      %cond3A_136 = arith.cmpi ne, %convert_element_type3A_134, %cond3A_135 : i32
      scf.if %cond3A_136 {
        %dma_wait3A_148 = arith.constant 0 : i32
        %dma_wait3A_149 = tpu.memref_slice %arg4[%mul3A_2, %dma_wait3A_148] : memref<160000x128xf32, #tpu.memory_space<hbm>> -> memref<200x128xf32, #tpu.memory_space<hbm>>
        %dma_wait3A_150 = arith.constant 0 : i32
        %dma_wait3A_151 = tpu.memref_slice %arg4[%mul3A_2, %dma_wait3A_150] : memref<160000x128xf32, #tpu.memory_space<hbm>> -> memref<200x128xf32, #tpu.memory_space<hbm>>
        tpu.wait_dma2 semaphore(%arg19 : memref<!tpu.dma_semaphore, #tpu.memory_space<semaphore_mem>>) src(%arg10 : memref<200x128xf32, #tpu.memory_space<vmem>>) dst(%dma_wait3A_151 : memref<200x128xf32, #tpu.memory_space<hbm>>)
        %dma_wait3A_152 = arith.constant 0 : i32
        %dma_wait3A_153 = arith.constant 0 : i32
        %dma_wait3A_154 = tpu.memref_slice %arg3[%add3A, %dma_wait3A_152, %dma_wait3A_153] : memref<32x50x200xi32, #tpu.memory_space<hbm>> -> memref<1x1x200xi32, #tpu.memory_space<hbm>>
        %dma_wait3A_155 = tpu.memref_squeeze %dma_wait3A_154 : memref<1x1x200xi32, #tpu.memory_space<hbm>> -> memref<200xi32, #tpu.memory_space<hbm>>
        %dma_wait3A_156 = arith.constant 0 : i32
        %dma_wait3A_157 = tpu.memref_slice %arg3[%add3A, %dma_wait3A_152, %dma_wait3A_156] : memref<32x50x200xi32, #tpu.memory_space<hbm>> -> memref<1x1x200xi32, #tpu.memory_space<hbm>>
        %dma_wait3A_158 = tpu.memref_squeeze %dma_wait3A_157 : memref<1x1x200xi32, #tpu.memory_space<hbm>> -> memref<200xi32, #tpu.memory_space<hbm>>
        tpu.wait_dma2 semaphore(%arg13 : memref<!tpu.dma_semaphore, #tpu.memory_space<semaphore_mem>>) src(%dma_wait3A_158 : memref<200xi32, #tpu.memory_space<hbm>>) dst(%arg7 : memref<200xi32, #tpu.memory_space<vmem>>)
        %dma_start3A_159 = arith.constant 0 : i32
        %dma_start3A_160 = arith.constant 0 : i32
        %dma_start3A_161 = tpu.memref_slice %arg2[%dma_start3A_159, %dma_start3A_160] : memref<20480x128xf32, #tpu.memory_space<hbm>> -> memref<20480x128xf32, #tpu.memory_space<hbm>>
        tpu.enqueue_indirect_dma source(%dma_start3A_161 : memref<20480x128xf32, #tpu.memory_space<hbm>>) target(%arg10 : memref<200x128xf32, #tpu.memory_space<vmem>>) offsets(%arg7 : memref<200xi32, #tpu.memory_space<vmem>>) semaphore(%arg16 : memref<!tpu.dma_semaphore, #tpu.memory_space<semaphore_mem>>)
      } else {
      }
      %mul3A_137 = arith.constant 3 : i32
      %mul3A_138 = arith.muli %scan3A_69, %mul3A_137 : i32
      %add3A_139 = arith.constant 2 : i32
      %add3A_140 = arith.addi %mul3A_138, %add3A_139 : i32
      %add3A_141 = arith.constant 3 : i32
      %add3A_142 = arith.addi %add3A_140, %add3A_141 : i32
      %lt3A_143 = arith.constant 50 : i32
      %lt3A_144 = arith.cmpi slt, %add3A_142, %lt3A_143 : i32
      %convert_element_type3A_145 = arith.extui %lt3A_144 : i1 to i32
      %cond3A_146 = arith.constant 0 : i32
      %cond3A_147 = arith.cmpi ne, %convert_element_type3A_145, %cond3A_146 : i32
      scf.if %cond3A_147 {
        %dma_wait3A_148 = arith.constant 0 : i32
        %dma_wait3A_149 = tpu.memref_slice %arg4[%mul3A_2, %dma_wait3A_148] : memref<160000x128xf32, #tpu.memory_space<hbm>> -> memref<200x128xf32, #tpu.memory_space<hbm>>
        %dma_wait3A_150 = arith.constant 0 : i32
        %dma_wait3A_151 = tpu.memref_slice %arg4[%mul3A_2, %dma_wait3A_150] : memref<160000x128xf32, #tpu.memory_space<hbm>> -> memref<200x128xf32, #tpu.memory_space<hbm>>
        tpu.wait_dma2 semaphore(%arg20 : memref<!tpu.dma_semaphore, #tpu.memory_space<semaphore_mem>>) src(%arg11 : memref<200x128xf32, #tpu.memory_space<vmem>>) dst(%dma_wait3A_151 : memref<200x128xf32, #tpu.memory_space<hbm>>)
        %dma_wait3A_152 = arith.constant 0 : i32
        %dma_wait3A_153 = arith.constant 0 : i32
        %dma_wait3A_154 = tpu.memref_slice %arg3[%add3A, %dma_wait3A_152, %dma_wait3A_153] : memref<32x50x200xi32, #tpu.memory_space<hbm>> -> memref<1x1x200xi32, #tpu.memory_space<hbm>>
        %dma_wait3A_155 = tpu.memref_squeeze %dma_wait3A_154 : memref<1x1x200xi32, #tpu.memory_space<hbm>> -> memref<200xi32, #tpu.memory_space<hbm>>
        %dma_wait3A_156 = arith.constant 0 : i32
        %dma_wait3A_157 = tpu.memref_slice %arg3[%add3A, %dma_wait3A_152, %dma_wait3A_156] : memref<32x50x200xi32, #tpu.memory_space<hbm>> -> memref<1x1x200xi32, #tpu.memory_space<hbm>>
        %dma_wait3A_158 = tpu.memref_squeeze %dma_wait3A_157 : memref<1x1x200xi32, #tpu.memory_space<hbm>> -> memref<200xi32, #tpu.memory_space<hbm>>
        tpu.wait_dma2 semaphore(%arg14 : memref<!tpu.dma_semaphore, #tpu.memory_space<semaphore_mem>>) src(%dma_wait3A_158 : memref<200xi32, #tpu.memory_space<hbm>>) dst(%arg8 : memref<200xi32, #tpu.memory_space<vmem>>)
        %dma_start3A_159 = arith.constant 0 : i32
        %dma_start3A_160 = arith.constant 0 : i32
        %dma_start3A_161 = tpu.memref_slice %arg2[%dma_start3A_159, %dma_start3A_160] : memref<20480x128xf32, #tpu.memory_space<hbm>> -> memref<20480x128xf32, #tpu.memory_space<hbm>>
        tpu.enqueue_indirect_dma source(%dma_start3A_161 : memref<20480x128xf32, #tpu.memory_space<hbm>>) target(%arg11 : memref<200x128xf32, #tpu.memory_space<vmem>>) offsets(%arg8 : memref<200xi32, #tpu.memory_space<vmem>>) semaphore(%arg17 : memref<!tpu.dma_semaphore, #tpu.memory_space<semaphore_mem>>)
      } else {
      }
    }
    %scan3A_56 = arith.constant 17 : i32
    %dma_wait3A_57 = arith.constant 0 : i32
    %dma_wait3A_58 = tpu.memref_slice %arg4[%mul3A_2, %dma_wait3A_57] : memref<160000x128xf32, #tpu.memory_space<hbm>> -> memref<200x128xf32, #tpu.memory_space<hbm>>
    %dma_wait3A_59 = arith.constant 0 : i32
    %dma_wait3A_60 = tpu.memref_slice %arg4[%mul3A_2, %dma_wait3A_59] : memref<160000x128xf32, #tpu.memory_space<hbm>> -> memref<200x128xf32, #tpu.memory_space<hbm>>
    tpu.wait_dma2 semaphore(%arg18 : memref<!tpu.dma_semaphore, #tpu.memory_space<semaphore_mem>>) src(%arg9 : memref<200x128xf32, #tpu.memory_space<vmem>>) dst(%dma_wait3A_60 : memref<200x128xf32, #tpu.memory_space<hbm>>)
    %dma_wait3A_61 = arith.constant 0 : i32
    %dma_wait3A_62 = tpu.memref_slice %arg4[%mul3A_2, %dma_wait3A_61] : memref<160000x128xf32, #tpu.memory_space<hbm>> -> memref<200x128xf32, #tpu.memory_space<hbm>>
    %dma_wait3A_63 = arith.constant 0 : i32
    %dma_wait3A_64 = tpu.memref_slice %arg4[%mul3A_2, %dma_wait3A_63] : memref<160000x128xf32, #tpu.memory_space<hbm>> -> memref<200x128xf32, #tpu.memory_space<hbm>>
    tpu.wait_dma2 semaphore(%arg19 : memref<!tpu.dma_semaphore, #tpu.memory_space<semaphore_mem>>) src(%arg10 : memref<200x128xf32, #tpu.memory_space<vmem>>) dst(%dma_wait3A_64 : memref<200x128xf32, #tpu.memory_space<hbm>>)
    %dma_wait3A_65 = arith.constant 0 : i32
    %dma_wait3A_66 = tpu.memref_slice %arg4[%mul3A_2, %dma_wait3A_65] : memref<160000x128xf32, #tpu.memory_space<hbm>> -> memref<200x128xf32, #tpu.memory_space<hbm>>
    %dma_wait3A_67 = arith.constant 0 : i32
    %dma_wait3A_68 = tpu.memref_slice %arg4[%mul3A_2, %dma_wait3A_67] : memref<160000x128xf32, #tpu.memory_space<hbm>> -> memref<200x128xf32, #tpu.memory_space<hbm>>
    tpu.wait_dma2 semaphore(%arg20 : memref<!tpu.dma_semaphore, #tpu.memory_space<semaphore_mem>>) src(%arg11 : memref<200x128xf32, #tpu.memory_space<vmem>>) dst(%dma_wait3A_68 : memref<200x128xf32, #tpu.memory_space<hbm>>)
    return
  }
}

#map = affine_map<(d0, d1) -> (0, 0)>
#map1 = affine_map<(d0, d1) -> (0)>
#map2 = affine_map<(d0, d1) -> (0, 0, 0)>
module attributes {stable_mosaic.version = 14 : i64} {
  func.func @scatter_k(%arg0: i32, %arg1: i32, %arg2: memref<160000x128xf32, #tpu.memory_space<hbm>>, %arg3: memref<160000xi32, #tpu.memory_space<hbm>>, %arg4: memref<10240x128xf32, #tpu.memory_space<hbm>>, %arg5: memref<2x10240x128xf32, #tpu.memory_space<hbm>>, %arg6: memref<200xi32, #tpu.memory_space<vmem>>, %arg7: memref<200xi32, #tpu.memory_space<vmem>>, %arg8: memref<200x128xf32, #tpu.memory_space<vmem>>, %arg9: memref<10240x128xf32, #tpu.memory_space<vmem_shared>>, %arg10: memref<!tpu.dma_semaphore, #tpu.memory_space<semaphore_mem>>, %arg11: memref<!tpu.dma_semaphore, #tpu.memory_space<semaphore_mem>>) attributes {dimension_semantics = [#tpu.dimension_semantics<core_parallel>, #tpu.dimension_semantics<subcore_parallel>], iteration_bounds = array<i64: 2, 16>, scalar_prefetch = 0 : i64, scratch_operands = 6 : i64, tpu.core_type = #tpu.core_type<sc_vector_subcore>, window_params = [{transform_indices = #map}, {transform_indices = #map1}, {transform_indices = #map}, {transform_indices = #map2}]} {
    %mul3A = arith.constant 2 : i32
    %mul3A_0 = arith.muli %arg1, %mul3A : i32
    %add3A = arith.addi %mul3A_0, %arg0 : i32
    %mul3A_1 = arith.constant 5000 : i32
    %mul3A_2 = arith.muli %add3A, %mul3A_1 : i32
    %add3A_3 = arith.constant 0 : i32
    %add3A_4 = arith.addi %mul3A_2, %add3A_3 : i32
    %dma_start3A = tpu.memref_slice %arg3[%add3A_4] : memref<160000xi32, #tpu.memory_space<hbm>> -> memref<200xi32, #tpu.memory_space<hbm>>
    %dma_start3A_5 = tpu.memref_slice %arg3[%add3A_4] : memref<160000xi32, #tpu.memory_space<hbm>> -> memref<200xi32, #tpu.memory_space<hbm>>
    tpu.enqueue_dma source(%dma_start3A_5 : memref<200xi32, #tpu.memory_space<hbm>>) target(%arg6 : memref<200xi32, #tpu.memory_space<vmem>>) target_semaphore(%arg10 : memref<!tpu.dma_semaphore, #tpu.memory_space<semaphore_mem>>)
    %add3A_6 = arith.constant 200 : i32
    %add3A_7 = arith.addi %mul3A_2, %add3A_6 : i32
    %dma_start3A_8 = tpu.memref_slice %arg3[%add3A_7] : memref<160000xi32, #tpu.memory_space<hbm>> -> memref<200xi32, #tpu.memory_space<hbm>>
    %dma_start3A_9 = tpu.memref_slice %arg3[%add3A_7] : memref<160000xi32, #tpu.memory_space<hbm>> -> memref<200xi32, #tpu.memory_space<hbm>>
    tpu.enqueue_dma source(%dma_start3A_9 : memref<200xi32, #tpu.memory_space<hbm>>) target(%arg7 : memref<200xi32, #tpu.memory_space<vmem>>) target_semaphore(%arg11 : memref<!tpu.dma_semaphore, #tpu.memory_space<semaphore_mem>>)
    %mul3A_10 = arith.constant 640 : i32
    %mul3A_11 = arith.muli %arg1, %mul3A_10 : i32
    %mul3A_12 = arith.constant 640 : i32
    %mul3A_13 = arith.muli %arg1, %mul3A_12 : i32
    "tpu.region"() ({
      %run_scoped3A = tpu.sem_alloc : memref<!tpu.dma_semaphore, #tpu.memory_space<semaphore_mem>>
      %dma_start3A_24 = arith.constant 0 : i32
      %dma_start3A_25 = tpu.memref_slice %arg9[%mul3A_13, %dma_start3A_24] : memref<10240x128xf32, #tpu.memory_space<vmem_shared>> -> memref<640x128xf32, #tpu.memory_space<vmem_shared>>
      %dma_start3A_26 = arith.constant 0 : i32
      %dma_start3A_27 = tpu.memref_slice %arg4[%mul3A_11, %dma_start3A_26] : memref<10240x128xf32, #tpu.memory_space<hbm>> -> memref<640x128xf32, #tpu.memory_space<hbm>>
      tpu.enqueue_dma source(%dma_start3A_27 : memref<640x128xf32, #tpu.memory_space<hbm>>) target(%dma_start3A_25 : memref<640x128xf32, #tpu.memory_space<vmem_shared>>) target_semaphore(%run_scoped3A : memref<!tpu.dma_semaphore, #tpu.memory_space<semaphore_mem>>)
      %dma_wait3A = arith.constant 0 : i32
      %dma_wait3A_28 = tpu.memref_slice %arg9[%mul3A_13, %dma_wait3A] : memref<10240x128xf32, #tpu.memory_space<vmem_shared>> -> memref<640x128xf32, #tpu.memory_space<vmem_shared>>
      %dma_wait3A_29 = arith.constant 0 : i32
      %dma_wait3A_30 = tpu.memref_slice %arg4[%mul3A_11, %dma_wait3A_29] : memref<10240x128xf32, #tpu.memory_space<hbm>> -> memref<640x128xf32, #tpu.memory_space<hbm>>
      tpu.wait_dma2 semaphore(%run_scoped3A : memref<!tpu.dma_semaphore, #tpu.memory_space<semaphore_mem>>) src(%dma_wait3A_30 : memref<640x128xf32, #tpu.memory_space<hbm>>) dst(%dma_wait3A_28 : memref<640x128xf32, #tpu.memory_space<vmem_shared>>)
      tpu.yield
    }) : () -> ()
    %barrier3A = arith.constant 0 : index
    tpu.barrier barrier_id(%barrier3A)
    %scan3A = arith.constant 0 : i32
    %scan3A_14 = arith.constant 0 : i32
    %scan3A_15 = arith.constant 13 : i32
    %scan3A_16 = arith.addi %scan3A_14, %scan3A_15 : i32
    %scan3A_17 = arith.constant 1 : i32
    scf.for %scan3A_24 = %scan3A_14 to %scan3A_16 step %scan3A_17  : i32 {
      %mul3A_25 = arith.constant 2 : i32
      %mul3A_26 = arith.muli %scan3A_24, %mul3A_25 : i32
      %add3A_27 = arith.constant 0 : i32
      %add3A_28 = arith.addi %mul3A_26, %add3A_27 : i32
      %add3A_29 = arith.constant 2 : i32
      %add3A_30 = arith.addi %add3A_28, %add3A_29 : i32
      %lt3A = arith.constant 25 : i32
      %lt3A_31 = arith.cmpi slt, %add3A_28, %lt3A : i32
      %convert_element_type3A = arith.extui %lt3A_31 : i1 to i32
      %cond3A = arith.constant 0 : i32
      %cond3A_32 = arith.cmpi ne, %convert_element_type3A, %cond3A : i32
      scf.if %cond3A_32 {
        %mul3A_44 = arith.constant 200 : i32
        %mul3A_45 = arith.muli %add3A_28, %mul3A_44 : i32
        %add3A_46 = arith.addi %mul3A_2, %mul3A_45 : i32
        "tpu.region"() ({
          %run_scoped3A = tpu.sem_alloc : memref<!tpu.dma_semaphore, #tpu.memory_space<semaphore_mem>>
          %dma_start3A_53 = arith.constant 0 : i32
          %dma_start3A_54 = tpu.memref_slice %arg2[%add3A_46, %dma_start3A_53] : memref<160000x128xf32, #tpu.memory_space<hbm>> -> memref<200x128xf32, #tpu.memory_space<hbm>>
          %dma_start3A_55 = arith.constant 0 : i32
          %dma_start3A_56 = tpu.memref_slice %arg2[%add3A_46, %dma_start3A_55] : memref<160000x128xf32, #tpu.memory_space<hbm>> -> memref<200x128xf32, #tpu.memory_space<hbm>>
          tpu.enqueue_dma source(%dma_start3A_56 : memref<200x128xf32, #tpu.memory_space<hbm>>) target(%arg8 : memref<200x128xf32, #tpu.memory_space<vmem>>) target_semaphore(%run_scoped3A : memref<!tpu.dma_semaphore, #tpu.memory_space<semaphore_mem>>)
          %dma_wait3A_57 = arith.constant 0 : i32
          %dma_wait3A_58 = tpu.memref_slice %arg2[%add3A_46, %dma_wait3A_57] : memref<160000x128xf32, #tpu.memory_space<hbm>> -> memref<200x128xf32, #tpu.memory_space<hbm>>
          %dma_wait3A_59 = arith.constant 0 : i32
          %dma_wait3A_60 = tpu.memref_slice %arg2[%add3A_46, %dma_wait3A_59] : memref<160000x128xf32, #tpu.memory_space<hbm>> -> memref<200x128xf32, #tpu.memory_space<hbm>>
          tpu.wait_dma2 semaphore(%run_scoped3A : memref<!tpu.dma_semaphore, #tpu.memory_space<semaphore_mem>>) src(%dma_wait3A_60 : memref<200x128xf32, #tpu.memory_space<hbm>>) dst(%arg8 : memref<200x128xf32, #tpu.memory_space<vmem>>)
          tpu.yield
        }) : () -> ()
        %dma_wait3A = tpu.memref_slice %arg3[%mul3A_2] : memref<160000xi32, #tpu.memory_space<hbm>> -> memref<200xi32, #tpu.memory_space<hbm>>
        %dma_wait3A_47 = tpu.memref_slice %arg3[%mul3A_2] : memref<160000xi32, #tpu.memory_space<hbm>> -> memref<200xi32, #tpu.memory_space<hbm>>
        tpu.wait_dma2 semaphore(%arg10 : memref<!tpu.dma_semaphore, #tpu.memory_space<semaphore_mem>>) src(%dma_wait3A_47 : memref<200xi32, #tpu.memory_space<hbm>>) dst(%arg6 : memref<200xi32, #tpu.memory_space<vmem>>)
        "tpu.region"() ({
          %run_scoped3A = tpu.sem_alloc : memref<!tpu.dma_semaphore, #tpu.memory_space<semaphore_mem>>
          %dma_start3A_53 = arith.constant 0 : i32
          %dma_start3A_54 = arith.constant 0 : i32
          %dma_start3A_55 = tpu.memref_slice %arg9[%dma_start3A_53, %dma_start3A_54] : memref<10240x128xf32, #tpu.memory_space<vmem_shared>> -> memref<10240x128xf32, #tpu.memory_space<vmem_shared>>
          tpu.enqueue_indirect_dma source(%arg8 : memref<200x128xf32, #tpu.memory_space<vmem>>) target(%dma_start3A_55 : memref<10240x128xf32, #tpu.memory_space<vmem_shared>>) offsets(%arg6 : memref<200xi32, #tpu.memory_space<vmem>>) semaphore(%run_scoped3A : memref<!tpu.dma_semaphore, #tpu.memory_space<semaphore_mem>>) {add = true}
          %dma_wait3A_56 = arith.constant 0 : i32
          %dma_wait3A_57 = arith.constant 0 : i32
          %dma_wait3A_58 = tpu.memref_slice %arg9[%dma_wait3A_56, %dma_wait3A_57] : memref<10240x128xf32, #tpu.memory_space<vmem_shared>> -> memref<10240x128xf32, #tpu.memory_space<vmem_shared>>
          tpu.wait_indirect_dma semaphore(%run_scoped3A : memref<!tpu.dma_semaphore, #tpu.memory_space<semaphore_mem>>) src(%arg8 : memref<200x128xf32, #tpu.memory_space<vmem>>) dst(%dma_wait3A_58 : memref<10240x128xf32, #tpu.memory_space<vmem_shared>>)
          tpu.yield
        }) : () -> ()
        %lt3A_48 = arith.constant 25 : i32
        %lt3A_49 = arith.cmpi slt, %add3A_30, %lt3A_48 : i32
        %convert_element_type3A_50 = arith.extui %lt3A_49 : i1 to i32
        %cond3A_51 = arith.constant 0 : i32
        %cond3A_52 = arith.cmpi ne, %convert_element_type3A_50, %cond3A_51 : i32
        scf.if %cond3A_52 {
          %mul3A_53 = arith.constant 200 : i32
          %mul3A_54 = arith.muli %add3A_30, %mul3A_53 : i32
          %add3A_55 = arith.addi %mul3A_2, %mul3A_54 : i32
          %dma_start3A_56 = tpu.memref_slice %arg3[%add3A_55] : memref<160000xi32, #tpu.memory_space<hbm>> -> memref<200xi32, #tpu.memory_space<hbm>>
          %dma_start3A_57 = tpu.memref_slice %arg3[%add3A_55] : memref<160000xi32, #tpu.memory_space<hbm>> -> memref<200xi32, #tpu.memory_space<hbm>>
          tpu.enqueue_dma source(%dma_start3A_57 : memref<200xi32, #tpu.memory_space<hbm>>) target(%arg6 : memref<200xi32, #tpu.memory_space<vmem>>) target_semaphore(%arg10 : memref<!tpu.dma_semaphore, #tpu.memory_space<semaphore_mem>>)
        } else {
        }
      } else {
      }
      %mul3A_33 = arith.constant 2 : i32
      %mul3A_34 = arith.muli %scan3A_24, %mul3A_33 : i32
      %add3A_35 = arith.constant 1 : i32
      %add3A_36 = arith.addi %mul3A_34, %add3A_35 : i32
      %add3A_37 = arith.constant 2 : i32
      %add3A_38 = arith.addi %add3A_36, %add3A_37 : i32
      %lt3A_39 = arith.constant 25 : i32
      %lt3A_40 = arith.cmpi slt, %add3A_36, %lt3A_39 : i32
      %convert_element_type3A_41 = arith.extui %lt3A_40 : i1 to i32
      %cond3A_42 = arith.constant 0 : i32
      %cond3A_43 = arith.cmpi ne, %convert_element_type3A_41, %cond3A_42 : i32
      scf.if %cond3A_43 {
        %mul3A_44 = arith.constant 200 : i32
        %mul3A_45 = arith.muli %add3A_36, %mul3A_44 : i32
        %add3A_46 = arith.addi %mul3A_2, %mul3A_45 : i32
        "tpu.region"() ({
          %run_scoped3A = tpu.sem_alloc : memref<!tpu.dma_semaphore, #tpu.memory_space<semaphore_mem>>
          %dma_start3A_53 = arith.constant 0 : i32
          %dma_start3A_54 = tpu.memref_slice %arg2[%add3A_46, %dma_start3A_53] : memref<160000x128xf32, #tpu.memory_space<hbm>> -> memref<200x128xf32, #tpu.memory_space<hbm>>
          %dma_start3A_55 = arith.constant 0 : i32
          %dma_start3A_56 = tpu.memref_slice %arg2[%add3A_46, %dma_start3A_55] : memref<160000x128xf32, #tpu.memory_space<hbm>> -> memref<200x128xf32, #tpu.memory_space<hbm>>
          tpu.enqueue_dma source(%dma_start3A_56 : memref<200x128xf32, #tpu.memory_space<hbm>>) target(%arg8 : memref<200x128xf32, #tpu.memory_space<vmem>>) target_semaphore(%run_scoped3A : memref<!tpu.dma_semaphore, #tpu.memory_space<semaphore_mem>>)
          %dma_wait3A_57 = arith.constant 0 : i32
          %dma_wait3A_58 = tpu.memref_slice %arg2[%add3A_46, %dma_wait3A_57] : memref<160000x128xf32, #tpu.memory_space<hbm>> -> memref<200x128xf32, #tpu.memory_space<hbm>>
          %dma_wait3A_59 = arith.constant 0 : i32
          %dma_wait3A_60 = tpu.memref_slice %arg2[%add3A_46, %dma_wait3A_59] : memref<160000x128xf32, #tpu.memory_space<hbm>> -> memref<200x128xf32, #tpu.memory_space<hbm>>
          tpu.wait_dma2 semaphore(%run_scoped3A : memref<!tpu.dma_semaphore, #tpu.memory_space<semaphore_mem>>) src(%dma_wait3A_60 : memref<200x128xf32, #tpu.memory_space<hbm>>) dst(%arg8 : memref<200x128xf32, #tpu.memory_space<vmem>>)
          tpu.yield
        }) : () -> ()
        %dma_wait3A = tpu.memref_slice %arg3[%mul3A_2] : memref<160000xi32, #tpu.memory_space<hbm>> -> memref<200xi32, #tpu.memory_space<hbm>>
        %dma_wait3A_47 = tpu.memref_slice %arg3[%mul3A_2] : memref<160000xi32, #tpu.memory_space<hbm>> -> memref<200xi32, #tpu.memory_space<hbm>>
        tpu.wait_dma2 semaphore(%arg11 : memref<!tpu.dma_semaphore, #tpu.memory_space<semaphore_mem>>) src(%dma_wait3A_47 : memref<200xi32, #tpu.memory_space<hbm>>) dst(%arg7 : memref<200xi32, #tpu.memory_space<vmem>>)
        "tpu.region"() ({
          %run_scoped3A = tpu.sem_alloc : memref<!tpu.dma_semaphore, #tpu.memory_space<semaphore_mem>>
          %dma_start3A_53 = arith.constant 0 : i32
          %dma_start3A_54 = arith.constant 0 : i32
          %dma_start3A_55 = tpu.memref_slice %arg9[%dma_start3A_53, %dma_start3A_54] : memref<10240x128xf32, #tpu.memory_space<vmem_shared>> -> memref<10240x128xf32, #tpu.memory_space<vmem_shared>>
          tpu.enqueue_indirect_dma source(%arg8 : memref<200x128xf32, #tpu.memory_space<vmem>>) target(%dma_start3A_55 : memref<10240x128xf32, #tpu.memory_space<vmem_shared>>) offsets(%arg7 : memref<200xi32, #tpu.memory_space<vmem>>) semaphore(%run_scoped3A : memref<!tpu.dma_semaphore, #tpu.memory_space<semaphore_mem>>) {add = true}
          %dma_wait3A_56 = arith.constant 0 : i32
          %dma_wait3A_57 = arith.constant 0 : i32
          %dma_wait3A_58 = tpu.memref_slice %arg9[%dma_wait3A_56, %dma_wait3A_57] : memref<10240x128xf32, #tpu.memory_space<vmem_shared>> -> memref<10240x128xf32, #tpu.memory_space<vmem_shared>>
          tpu.wait_indirect_dma semaphore(%run_scoped3A : memref<!tpu.dma_semaphore, #tpu.memory_space<semaphore_mem>>) src(%arg8 : memref<200x128xf32, #tpu.memory_space<vmem>>) dst(%dma_wait3A_58 : memref<10240x128xf32, #tpu.memory_space<vmem_shared>>)
          tpu.yield
        }) : () -> ()
        %lt3A_48 = arith.constant 25 : i32
        %lt3A_49 = arith.cmpi slt, %add3A_38, %lt3A_48 : i32
        %convert_element_type3A_50 = arith.extui %lt3A_49 : i1 to i32
        %cond3A_51 = arith.constant 0 : i32
        %cond3A_52 = arith.cmpi ne, %convert_element_type3A_50, %cond3A_51 : i32
        scf.if %cond3A_52 {
          %mul3A_53 = arith.constant 200 : i32
          %mul3A_54 = arith.muli %add3A_38, %mul3A_53 : i32
          %add3A_55 = arith.addi %mul3A_2, %mul3A_54 : i32
          %dma_start3A_56 = tpu.memref_slice %arg3[%add3A_55] : memref<160000xi32, #tpu.memory_space<hbm>> -> memref<200xi32, #tpu.memory_space<hbm>>
          %dma_start3A_57 = tpu.memref_slice %arg3[%add3A_55] : memref<160000xi32, #tpu.memory_space<hbm>> -> memref<200xi32, #tpu.memory_space<hbm>>
          tpu.enqueue_dma source(%dma_start3A_57 : memref<200xi32, #tpu.memory_space<hbm>>) target(%arg7 : memref<200xi32, #tpu.memory_space<vmem>>) target_semaphore(%arg11 : memref<!tpu.dma_semaphore, #tpu.memory_space<semaphore_mem>>)
        } else {
        }
      } else {
      }
    }
    %scan3A_18 = arith.constant 13 : i32
    %barrier3A_19 = arith.constant 0 : index
    tpu.barrier barrier_id(%barrier3A_19)
    %mul3A_20 = arith.constant 640 : i32
    %mul3A_21 = arith.muli %arg1, %mul3A_20 : i32
    %mul3A_22 = arith.constant 640 : i32
    %mul3A_23 = arith.muli %arg1, %mul3A_22 : i32
    "tpu.region"() ({
      %run_scoped3A = tpu.sem_alloc : memref<!tpu.dma_semaphore, #tpu.memory_space<semaphore_mem>>
      %dma_start3A_24 = arith.constant 0 : i32
      %dma_start3A_25 = tpu.memref_slice %arg5[%arg0, %mul3A_23, %dma_start3A_24] : memref<2x10240x128xf32, #tpu.memory_space<hbm>> -> memref<1x640x128xf32, #tpu.memory_space<hbm>>
      %dma_start3A_26 = tpu.memref_squeeze %dma_start3A_25 : memref<1x640x128xf32, #tpu.memory_space<hbm>> -> memref<640x128xf32, #tpu.memory_space<hbm>>
      %dma_start3A_27 = arith.constant 0 : i32
      %dma_start3A_28 = tpu.memref_slice %arg9[%mul3A_21, %dma_start3A_27] : memref<10240x128xf32, #tpu.memory_space<vmem_shared>> -> memref<640x128xf32, #tpu.memory_space<vmem_shared>>
      tpu.enqueue_dma source(%dma_start3A_28 : memref<640x128xf32, #tpu.memory_space<vmem_shared>>) target(%dma_start3A_26 : memref<640x128xf32, #tpu.memory_space<hbm>>) target_semaphore(%run_scoped3A : memref<!tpu.dma_semaphore, #tpu.memory_space<semaphore_mem>>)
      %dma_wait3A = arith.constant 0 : i32
      %dma_wait3A_29 = tpu.memref_slice %arg5[%arg0, %mul3A_23, %dma_wait3A] : memref<2x10240x128xf32, #tpu.memory_space<hbm>> -> memref<1x640x128xf32, #tpu.memory_space<hbm>>
      %dma_wait3A_30 = tpu.memref_squeeze %dma_wait3A_29 : memref<1x640x128xf32, #tpu.memory_space<hbm>> -> memref<640x128xf32, #tpu.memory_space<hbm>>
      %dma_wait3A_31 = arith.constant 0 : i32
      %dma_wait3A_32 = tpu.memref_slice %arg9[%mul3A_21, %dma_wait3A_31] : memref<10240x128xf32, #tpu.memory_space<vmem_shared>> -> memref<640x128xf32, #tpu.memory_space<vmem_shared>>
      tpu.wait_dma2 semaphore(%run_scoped3A : memref<!tpu.dma_semaphore, #tpu.memory_space<semaphore_mem>>) src(%dma_wait3A_32 : memref<640x128xf32, #tpu.memory_space<vmem_shared>>) dst(%dma_wait3A_30 : memref<640x128xf32, #tpu.memory_space<hbm>>)
      tpu.yield
    }) : () -> ()
    return
  }
}

#map = affine_map<(d0, d1) -> (0, 0)>
#map1 = affine_map<(d0, d1) -> (0)>
#map2 = affine_map<(d0, d1) -> (0, 0, 0)>
module attributes {stable_mosaic.version = 14 : i64} {
  func.func @scatter_k(%arg0: i32, %arg1: i32, %arg2: memref<160000x128xf32, #tpu.memory_space<hbm>>, %arg3: memref<160000xi32, #tpu.memory_space<hbm>>, %arg4: memref<10240x128xf32, #tpu.memory_space<hbm>>, %arg5: memref<2x10240x128xf32, #tpu.memory_space<hbm>>, %arg6: memref<200xi32, #tpu.memory_space<vmem>>, %arg7: memref<200xi32, #tpu.memory_space<vmem>>, %arg8: memref<200x128xf32, #tpu.memory_space<vmem>>, %arg9: memref<10240x128xf32, #tpu.memory_space<vmem_shared>>, %arg10: memref<!tpu.dma_semaphore, #tpu.memory_space<semaphore_mem>>, %arg11: memref<!tpu.dma_semaphore, #tpu.memory_space<semaphore_mem>>) attributes {dimension_semantics = [#tpu.dimension_semantics<core_parallel>, #tpu.dimension_semantics<subcore_parallel>], iteration_bounds = array<i64: 2, 16>, scalar_prefetch = 0 : i64, scratch_operands = 6 : i64, tpu.core_type = #tpu.core_type<sc_vector_subcore>, window_params = [{transform_indices = #map}, {transform_indices = #map1}, {transform_indices = #map}, {transform_indices = #map2}]} {
    %mul3A = arith.constant 2 : i32
    %mul3A_0 = arith.muli %arg1, %mul3A : i32
    %add3A = arith.addi %mul3A_0, %arg0 : i32
    %mul3A_1 = arith.constant 5000 : i32
    %mul3A_2 = arith.muli %add3A, %mul3A_1 : i32
    %add3A_3 = arith.constant 0 : i32
    %add3A_4 = arith.addi %mul3A_2, %add3A_3 : i32
    %dma_start3A = tpu.memref_slice %arg3[%add3A_4] : memref<160000xi32, #tpu.memory_space<hbm>> -> memref<200xi32, #tpu.memory_space<hbm>>
    %dma_start3A_5 = tpu.memref_slice %arg3[%add3A_4] : memref<160000xi32, #tpu.memory_space<hbm>> -> memref<200xi32, #tpu.memory_space<hbm>>
    tpu.enqueue_dma source(%dma_start3A_5 : memref<200xi32, #tpu.memory_space<hbm>>) target(%arg6 : memref<200xi32, #tpu.memory_space<vmem>>) target_semaphore(%arg10 : memref<!tpu.dma_semaphore, #tpu.memory_space<semaphore_mem>>)
    %add3A_6 = arith.constant 200 : i32
    %add3A_7 = arith.addi %mul3A_2, %add3A_6 : i32
    %dma_start3A_8 = tpu.memref_slice %arg3[%add3A_7] : memref<160000xi32, #tpu.memory_space<hbm>> -> memref<200xi32, #tpu.memory_space<hbm>>
    %dma_start3A_9 = tpu.memref_slice %arg3[%add3A_7] : memref<160000xi32, #tpu.memory_space<hbm>> -> memref<200xi32, #tpu.memory_space<hbm>>
    tpu.enqueue_dma source(%dma_start3A_9 : memref<200xi32, #tpu.memory_space<hbm>>) target(%arg7 : memref<200xi32, #tpu.memory_space<vmem>>) target_semaphore(%arg11 : memref<!tpu.dma_semaphore, #tpu.memory_space<semaphore_mem>>)
    %mul3A_10 = arith.constant 640 : i32
    %mul3A_11 = arith.muli %arg1, %mul3A_10 : i32
    %mul3A_12 = arith.constant 640 : i32
    %mul3A_13 = arith.muli %arg1, %mul3A_12 : i32
    "tpu.region"() ({
      %run_scoped3A = tpu.sem_alloc : memref<!tpu.dma_semaphore, #tpu.memory_space<semaphore_mem>>
      %dma_start3A_24 = arith.constant 0 : i32
      %dma_start3A_25 = tpu.memref_slice %arg9[%mul3A_13, %dma_start3A_24] : memref<10240x128xf32, #tpu.memory_space<vmem_shared>> -> memref<640x128xf32, #tpu.memory_space<vmem_shared>>
      %dma_start3A_26 = arith.constant 0 : i32
      %dma_start3A_27 = tpu.memref_slice %arg4[%mul3A_11, %dma_start3A_26] : memref<10240x128xf32, #tpu.memory_space<hbm>> -> memref<640x128xf32, #tpu.memory_space<hbm>>
      tpu.enqueue_dma source(%dma_start3A_27 : memref<640x128xf32, #tpu.memory_space<hbm>>) target(%dma_start3A_25 : memref<640x128xf32, #tpu.memory_space<vmem_shared>>) target_semaphore(%run_scoped3A : memref<!tpu.dma_semaphore, #tpu.memory_space<semaphore_mem>>)
      %dma_wait3A = arith.constant 0 : i32
      %dma_wait3A_28 = tpu.memref_slice %arg9[%mul3A_13, %dma_wait3A] : memref<10240x128xf32, #tpu.memory_space<vmem_shared>> -> memref<640x128xf32, #tpu.memory_space<vmem_shared>>
      %dma_wait3A_29 = arith.constant 0 : i32
      %dma_wait3A_30 = tpu.memref_slice %arg4[%mul3A_11, %dma_wait3A_29] : memref<10240x128xf32, #tpu.memory_space<hbm>> -> memref<640x128xf32, #tpu.memory_space<hbm>>
      tpu.wait_dma2 semaphore(%run_scoped3A : memref<!tpu.dma_semaphore, #tpu.memory_space<semaphore_mem>>) src(%dma_wait3A_30 : memref<640x128xf32, #tpu.memory_space<hbm>>) dst(%dma_wait3A_28 : memref<640x128xf32, #tpu.memory_space<vmem_shared>>)
      tpu.yield
    }) : () -> ()
    %barrier3A = arith.constant 0 : index
    tpu.barrier barrier_id(%barrier3A)
    %scan3A = arith.constant 0 : i32
    %scan3A_14 = arith.constant 0 : i32
    %scan3A_15 = arith.constant 13 : i32
    %scan3A_16 = arith.addi %scan3A_14, %scan3A_15 : i32
    %scan3A_17 = arith.constant 1 : i32
    scf.for %scan3A_24 = %scan3A_14 to %scan3A_16 step %scan3A_17  : i32 {
      %mul3A_25 = arith.constant 2 : i32
      %mul3A_26 = arith.muli %scan3A_24, %mul3A_25 : i32
      %add3A_27 = arith.constant 0 : i32
      %add3A_28 = arith.addi %mul3A_26, %add3A_27 : i32
      %add3A_29 = arith.constant 2 : i32
      %add3A_30 = arith.addi %add3A_28, %add3A_29 : i32
      %lt3A = arith.constant 25 : i32
      %lt3A_31 = arith.cmpi slt, %add3A_28, %lt3A : i32
      %convert_element_type3A = arith.extui %lt3A_31 : i1 to i32
      %cond3A = arith.constant 0 : i32
      %cond3A_32 = arith.cmpi ne, %convert_element_type3A, %cond3A : i32
      scf.if %cond3A_32 {
        %mul3A_44 = arith.constant 200 : i32
        %mul3A_45 = arith.muli %add3A_28, %mul3A_44 : i32
        %add3A_46 = arith.addi %mul3A_2, %mul3A_45 : i32
        "tpu.region"() ({
          %run_scoped3A = tpu.sem_alloc : memref<!tpu.dma_semaphore, #tpu.memory_space<semaphore_mem>>
          %dma_start3A_53 = arith.constant 0 : i32
          %dma_start3A_54 = tpu.memref_slice %arg2[%add3A_46, %dma_start3A_53] : memref<160000x128xf32, #tpu.memory_space<hbm>> -> memref<200x128xf32, #tpu.memory_space<hbm>>
          %dma_start3A_55 = arith.constant 0 : i32
          %dma_start3A_56 = tpu.memref_slice %arg2[%add3A_46, %dma_start3A_55] : memref<160000x128xf32, #tpu.memory_space<hbm>> -> memref<200x128xf32, #tpu.memory_space<hbm>>
          tpu.enqueue_dma source(%dma_start3A_56 : memref<200x128xf32, #tpu.memory_space<hbm>>) target(%arg8 : memref<200x128xf32, #tpu.memory_space<vmem>>) target_semaphore(%run_scoped3A : memref<!tpu.dma_semaphore, #tpu.memory_space<semaphore_mem>>)
          %dma_wait3A_57 = arith.constant 0 : i32
          %dma_wait3A_58 = tpu.memref_slice %arg2[%add3A_46, %dma_wait3A_57] : memref<160000x128xf32, #tpu.memory_space<hbm>> -> memref<200x128xf32, #tpu.memory_space<hbm>>
          %dma_wait3A_59 = arith.constant 0 : i32
          %dma_wait3A_60 = tpu.memref_slice %arg2[%add3A_46, %dma_wait3A_59] : memref<160000x128xf32, #tpu.memory_space<hbm>> -> memref<200x128xf32, #tpu.memory_space<hbm>>
          tpu.wait_dma2 semaphore(%run_scoped3A : memref<!tpu.dma_semaphore, #tpu.memory_space<semaphore_mem>>) src(%dma_wait3A_60 : memref<200x128xf32, #tpu.memory_space<hbm>>) dst(%arg8 : memref<200x128xf32, #tpu.memory_space<vmem>>)
          tpu.yield
        }) : () -> ()
        %dma_wait3A = tpu.memref_slice %arg3[%mul3A_2] : memref<160000xi32, #tpu.memory_space<hbm>> -> memref<200xi32, #tpu.memory_space<hbm>>
        %dma_wait3A_47 = tpu.memref_slice %arg3[%mul3A_2] : memref<160000xi32, #tpu.memory_space<hbm>> -> memref<200xi32, #tpu.memory_space<hbm>>
        tpu.wait_dma2 semaphore(%arg10 : memref<!tpu.dma_semaphore, #tpu.memory_space<semaphore_mem>>) src(%dma_wait3A_47 : memref<200xi32, #tpu.memory_space<hbm>>) dst(%arg6 : memref<200xi32, #tpu.memory_space<vmem>>)
        "tpu.region"() ({
          %run_scoped3A = tpu.sem_alloc : memref<!tpu.dma_semaphore, #tpu.memory_space<semaphore_mem>>
          %dma_start3A_53 = arith.constant 0 : i32
          %dma_start3A_54 = arith.constant 0 : i32
          %dma_start3A_55 = tpu.memref_slice %arg9[%dma_start3A_53, %dma_start3A_54] : memref<10240x128xf32, #tpu.memory_space<vmem_shared>> -> memref<10240x128xf32, #tpu.memory_space<vmem_shared>>
          tpu.enqueue_indirect_dma source(%arg8 : memref<200x128xf32, #tpu.memory_space<vmem>>) target(%dma_start3A_55 : memref<10240x128xf32, #tpu.memory_space<vmem_shared>>) offsets(%arg6 : memref<200xi32, #tpu.memory_space<vmem>>) semaphore(%run_scoped3A : memref<!tpu.dma_semaphore, #tpu.memory_space<semaphore_mem>>) {add = true}
          %dma_wait3A_56 = arith.constant 0 : i32
          %dma_wait3A_57 = arith.constant 0 : i32
          %dma_wait3A_58 = tpu.memref_slice %arg9[%dma_wait3A_56, %dma_wait3A_57] : memref<10240x128xf32, #tpu.memory_space<vmem_shared>> -> memref<10240x128xf32, #tpu.memory_space<vmem_shared>>
          tpu.wait_indirect_dma semaphore(%run_scoped3A : memref<!tpu.dma_semaphore, #tpu.memory_space<semaphore_mem>>) src(%arg8 : memref<200x128xf32, #tpu.memory_space<vmem>>) dst(%dma_wait3A_58 : memref<10240x128xf32, #tpu.memory_space<vmem_shared>>)
          tpu.yield
        }) : () -> ()
        %lt3A_48 = arith.constant 25 : i32
        %lt3A_49 = arith.cmpi slt, %add3A_30, %lt3A_48 : i32
        %convert_element_type3A_50 = arith.extui %lt3A_49 : i1 to i32
        %cond3A_51 = arith.constant 0 : i32
        %cond3A_52 = arith.cmpi ne, %convert_element_type3A_50, %cond3A_51 : i32
        scf.if %cond3A_52 {
          %mul3A_53 = arith.constant 200 : i32
          %mul3A_54 = arith.muli %add3A_30, %mul3A_53 : i32
          %add3A_55 = arith.addi %mul3A_2, %mul3A_54 : i32
          %dma_start3A_56 = tpu.memref_slice %arg3[%add3A_55] : memref<160000xi32, #tpu.memory_space<hbm>> -> memref<200xi32, #tpu.memory_space<hbm>>
          %dma_start3A_57 = tpu.memref_slice %arg3[%add3A_55] : memref<160000xi32, #tpu.memory_space<hbm>> -> memref<200xi32, #tpu.memory_space<hbm>>
          tpu.enqueue_dma source(%dma_start3A_57 : memref<200xi32, #tpu.memory_space<hbm>>) target(%arg6 : memref<200xi32, #tpu.memory_space<vmem>>) target_semaphore(%arg10 : memref<!tpu.dma_semaphore, #tpu.memory_space<semaphore_mem>>)
        } else {
        }
      } else {
      }
      %mul3A_33 = arith.constant 2 : i32
      %mul3A_34 = arith.muli %scan3A_24, %mul3A_33 : i32
      %add3A_35 = arith.constant 1 : i32
      %add3A_36 = arith.addi %mul3A_34, %add3A_35 : i32
      %add3A_37 = arith.constant 2 : i32
      %add3A_38 = arith.addi %add3A_36, %add3A_37 : i32
      %lt3A_39 = arith.constant 25 : i32
      %lt3A_40 = arith.cmpi slt, %add3A_36, %lt3A_39 : i32
      %convert_element_type3A_41 = arith.extui %lt3A_40 : i1 to i32
      %cond3A_42 = arith.constant 0 : i32
      %cond3A_43 = arith.cmpi ne, %convert_element_type3A_41, %cond3A_42 : i32
      scf.if %cond3A_43 {
        %mul3A_44 = arith.constant 200 : i32
        %mul3A_45 = arith.muli %add3A_36, %mul3A_44 : i32
        %add3A_46 = arith.addi %mul3A_2, %mul3A_45 : i32
        "tpu.region"() ({
          %run_scoped3A = tpu.sem_alloc : memref<!tpu.dma_semaphore, #tpu.memory_space<semaphore_mem>>
          %dma_start3A_53 = arith.constant 0 : i32
          %dma_start3A_54 = tpu.memref_slice %arg2[%add3A_46, %dma_start3A_53] : memref<160000x128xf32, #tpu.memory_space<hbm>> -> memref<200x128xf32, #tpu.memory_space<hbm>>
          %dma_start3A_55 = arith.constant 0 : i32
          %dma_start3A_56 = tpu.memref_slice %arg2[%add3A_46, %dma_start3A_55] : memref<160000x128xf32, #tpu.memory_space<hbm>> -> memref<200x128xf32, #tpu.memory_space<hbm>>
          tpu.enqueue_dma source(%dma_start3A_56 : memref<200x128xf32, #tpu.memory_space<hbm>>) target(%arg8 : memref<200x128xf32, #tpu.memory_space<vmem>>) target_semaphore(%run_scoped3A : memref<!tpu.dma_semaphore, #tpu.memory_space<semaphore_mem>>)
          %dma_wait3A_57 = arith.constant 0 : i32
          %dma_wait3A_58 = tpu.memref_slice %arg2[%add3A_46, %dma_wait3A_57] : memref<160000x128xf32, #tpu.memory_space<hbm>> -> memref<200x128xf32, #tpu.memory_space<hbm>>
          %dma_wait3A_59 = arith.constant 0 : i32
          %dma_wait3A_60 = tpu.memref_slice %arg2[%add3A_46, %dma_wait3A_59] : memref<160000x128xf32, #tpu.memory_space<hbm>> -> memref<200x128xf32, #tpu.memory_space<hbm>>
          tpu.wait_dma2 semaphore(%run_scoped3A : memref<!tpu.dma_semaphore, #tpu.memory_space<semaphore_mem>>) src(%dma_wait3A_60 : memref<200x128xf32, #tpu.memory_space<hbm>>) dst(%arg8 : memref<200x128xf32, #tpu.memory_space<vmem>>)
          tpu.yield
        }) : () -> ()
        %dma_wait3A = tpu.memref_slice %arg3[%mul3A_2] : memref<160000xi32, #tpu.memory_space<hbm>> -> memref<200xi32, #tpu.memory_space<hbm>>
        %dma_wait3A_47 = tpu.memref_slice %arg3[%mul3A_2] : memref<160000xi32, #tpu.memory_space<hbm>> -> memref<200xi32, #tpu.memory_space<hbm>>
        tpu.wait_dma2 semaphore(%arg11 : memref<!tpu.dma_semaphore, #tpu.memory_space<semaphore_mem>>) src(%dma_wait3A_47 : memref<200xi32, #tpu.memory_space<hbm>>) dst(%arg7 : memref<200xi32, #tpu.memory_space<vmem>>)
        "tpu.region"() ({
          %run_scoped3A = tpu.sem_alloc : memref<!tpu.dma_semaphore, #tpu.memory_space<semaphore_mem>>
          %dma_start3A_53 = arith.constant 0 : i32
          %dma_start3A_54 = arith.constant 0 : i32
          %dma_start3A_55 = tpu.memref_slice %arg9[%dma_start3A_53, %dma_start3A_54] : memref<10240x128xf32, #tpu.memory_space<vmem_shared>> -> memref<10240x128xf32, #tpu.memory_space<vmem_shared>>
          tpu.enqueue_indirect_dma source(%arg8 : memref<200x128xf32, #tpu.memory_space<vmem>>) target(%dma_start3A_55 : memref<10240x128xf32, #tpu.memory_space<vmem_shared>>) offsets(%arg7 : memref<200xi32, #tpu.memory_space<vmem>>) semaphore(%run_scoped3A : memref<!tpu.dma_semaphore, #tpu.memory_space<semaphore_mem>>) {add = true}
          %dma_wait3A_56 = arith.constant 0 : i32
          %dma_wait3A_57 = arith.constant 0 : i32
          %dma_wait3A_58 = tpu.memref_slice %arg9[%dma_wait3A_56, %dma_wait3A_57] : memref<10240x128xf32, #tpu.memory_space<vmem_shared>> -> memref<10240x128xf32, #tpu.memory_space<vmem_shared>>
          tpu.wait_indirect_dma semaphore(%run_scoped3A : memref<!tpu.dma_semaphore, #tpu.memory_space<semaphore_mem>>) src(%arg8 : memref<200x128xf32, #tpu.memory_space<vmem>>) dst(%dma_wait3A_58 : memref<10240x128xf32, #tpu.memory_space<vmem_shared>>)
          tpu.yield
        }) : () -> ()
        %lt3A_48 = arith.constant 25 : i32
        %lt3A_49 = arith.cmpi slt, %add3A_38, %lt3A_48 : i32
        %convert_element_type3A_50 = arith.extui %lt3A_49 : i1 to i32
        %cond3A_51 = arith.constant 0 : i32
        %cond3A_52 = arith.cmpi ne, %convert_element_type3A_50, %cond3A_51 : i32
        scf.if %cond3A_52 {
          %mul3A_53 = arith.constant 200 : i32
          %mul3A_54 = arith.muli %add3A_38, %mul3A_53 : i32
          %add3A_55 = arith.addi %mul3A_2, %mul3A_54 : i32
          %dma_start3A_56 = tpu.memref_slice %arg3[%add3A_55] : memref<160000xi32, #tpu.memory_space<hbm>> -> memref<200xi32, #tpu.memory_space<hbm>>
          %dma_start3A_57 = tpu.memref_slice %arg3[%add3A_55] : memref<160000xi32, #tpu.memory_space<hbm>> -> memref<200xi32, #tpu.memory_space<hbm>>
          tpu.enqueue_dma source(%dma_start3A_57 : memref<200xi32, #tpu.memory_space<hbm>>) target(%arg7 : memref<200xi32, #tpu.memory_space<vmem>>) target_semaphore(%arg11 : memref<!tpu.dma_semaphore, #tpu.memory_space<semaphore_mem>>)
        } else {
        }
      } else {
      }
    }
    %scan3A_18 = arith.constant 13 : i32
    %barrier3A_19 = arith.constant 0 : index
    tpu.barrier barrier_id(%barrier3A_19)
    %mul3A_20 = arith.constant 640 : i32
    %mul3A_21 = arith.muli %arg1, %mul3A_20 : i32
    %mul3A_22 = arith.constant 640 : i32
    %mul3A_23 = arith.muli %arg1, %mul3A_22 : i32
    "tpu.region"() ({
      %run_scoped3A = tpu.sem_alloc : memref<!tpu.dma_semaphore, #tpu.memory_space<semaphore_mem>>
      %dma_start3A_24 = arith.constant 0 : i32
      %dma_start3A_25 = tpu.memref_slice %arg5[%arg0, %mul3A_23, %dma_start3A_24] : memref<2x10240x128xf32, #tpu.memory_space<hbm>> -> memref<1x640x128xf32, #tpu.memory_space<hbm>>
      %dma_start3A_26 = tpu.memref_squeeze %dma_start3A_25 : memref<1x640x128xf32, #tpu.memory_space<hbm>> -> memref<640x128xf32, #tpu.memory_space<hbm>>
      %dma_start3A_27 = arith.constant 0 : i32
      %dma_start3A_28 = tpu.memref_slice %arg9[%mul3A_21, %dma_start3A_27] : memref<10240x128xf32, #tpu.memory_space<vmem_shared>> -> memref<640x128xf32, #tpu.memory_space<vmem_shared>>
      tpu.enqueue_dma source(%dma_start3A_28 : memref<640x128xf32, #tpu.memory_space<vmem_shared>>) target(%dma_start3A_26 : memref<640x128xf32, #tpu.memory_space<hbm>>) target_semaphore(%run_scoped3A : memref<!tpu.dma_semaphore, #tpu.memory_space<semaphore_mem>>)
      %dma_wait3A = arith.constant 0 : i32
      %dma_wait3A_29 = tpu.memref_slice %arg5[%arg0, %mul3A_23, %dma_wait3A] : memref<2x10240x128xf32, #tpu.memory_space<hbm>> -> memref<1x640x128xf32, #tpu.memory_space<hbm>>
      %dma_wait3A_30 = tpu.memref_squeeze %dma_wait3A_29 : memref<1x640x128xf32, #tpu.memory_space<hbm>> -> memref<640x128xf32, #tpu.memory_space<hbm>>
      %dma_wait3A_31 = arith.constant 0 : i32
      %dma_wait3A_32 = tpu.memref_slice %arg9[%mul3A_21, %dma_wait3A_31] : memref<10240x128xf32, #tpu.memory_space<vmem_shared>> -> memref<640x128xf32, #tpu.memory_space<vmem_shared>>
      tpu.wait_dma2 semaphore(%run_scoped3A : memref<!tpu.dma_semaphore, #tpu.memory_space<semaphore_mem>>) src(%dma_wait3A_32 : memref<640x128xf32, #tpu.memory_space<vmem_shared>>) dst(%dma_wait3A_30 : memref<640x128xf32, #tpu.memory_space<hbm>>)
      tpu.yield
    }) : () -> ()
    return
  }
}

module attributes {stable_mosaic.version = 14 : i64} {
  func.func @_proj_body(%arg0: memref<10240x128xf32, #tpu.memory_space<vmem>>, %arg1: memref<128x128xf32, #tpu.memory_space<vmem>>, %arg2: memref<128x128xf32, #tpu.memory_space<vmem>>, %arg3: memref<20480x128xf32, #tpu.memory_space<vmem>>) attributes {dimension_semantics = [], scalar_prefetch = 0 : i64, scratch_operands = 0 : i64, tpu.core_type = #tpu.core_type<tc>} {
    %get3A = arith.constant 0 : index
    %get3A_0 = arith.constant 0 : index
    %get3A_1 = vector.load %arg0[%get3A, %get3A_0] : memref<10240x128xf32, #tpu.memory_space<vmem>>, vector<10240x128xf32>
    %get3A_2 = arith.constant 0 : index
    %get3A_3 = arith.constant 0 : index
    %get3A_4 = vector.load %arg1[%get3A_2, %get3A_3] : memref<128x128xf32, #tpu.memory_space<vmem>>, vector<128x128xf32>
    %dot_general3A = arith.constant dense<0.000000e+00> : vector<10240x128xf32>
    %dot_general3A_5 = tpu.matmul %get3A_1, %get3A_4, %dot_general3A {dimension_numbers = #tpu.dot_dimension_numbers<[1], [0], [0], [1], [0, 0, 1, 1], [], []>, transpose_lhs_hint = false} : vector<10240x128xf32>, vector<128x128xf32>, vector<10240x128xf32> -> vector<10240x128xf32>
    %swap3A = arith.constant 0 : index
    %swap3A_6 = arith.constant 0 : index
    %swap3A_7 = vector.load %arg3[%swap3A, %swap3A_6] : memref<20480x128xf32, #tpu.memory_space<vmem>>, vector<10240x128xf32>
    tpu.vector_store %arg3[%swap3A, %swap3A_6], %dot_general3A_5 {strides = array<i32>} : memref<20480x128xf32, #tpu.memory_space<vmem>>, vector<10240x128xf32>,
    %get3A_8 = arith.constant 0 : index
    %get3A_9 = arith.constant 0 : index
    %get3A_10 = vector.load %arg2[%get3A_8, %get3A_9] : memref<128x128xf32, #tpu.memory_space<vmem>>, vector<128x128xf32>
    %dot_general3A_11 = arith.constant dense<0.000000e+00> : vector<10240x128xf32>
    %dot_general3A_12 = tpu.matmul %get3A_1, %get3A_10, %dot_general3A_11 {dimension_numbers = #tpu.dot_dimension_numbers<[1], [0], [0], [1], [0, 0, 1, 1], [], []>, transpose_lhs_hint = false} : vector<10240x128xf32>, vector<128x128xf32>, vector<10240x128xf32> -> vector<10240x128xf32>
    %swap3A_13 = arith.constant 10240 : index
    %swap3A_14 = arith.constant 0 : index
    %swap3A_15 = vector.load %arg3[%swap3A_13, %swap3A_14] : memref<20480x128xf32, #tpu.memory_space<vmem>>, vector<10240x128xf32>
    tpu.vector_store %arg3[%swap3A_13, %swap3A_14], %dot_general3A_12 {strides = array<i32>} : memref<20480x128xf32, #tpu.memory_space<vmem>>, vector<10240x128xf32>,
    return
  }
}

module attributes {stable_mosaic.version = 14 : i64} {
  func.func @_edge_body(%arg0: i32, %arg1: memref<2000x128xf32, #tpu.memory_space<vmem>>, %arg2: memref<2000x128xf32, #tpu.memory_space<vmem>>, %arg3: memref<2000x128xf32, #tpu.memory_space<vmem>>, %arg4: memref<128x128xf32, #tpu.memory_space<vmem>>, %arg5: memref<1x128xf32, #tpu.memory_space<vmem>>, %arg6: memref<128x128xf32, #tpu.memory_space<vmem>>, %arg7: memref<1x128xf32, #tpu.memory_space<vmem>>, %arg8: memref<128x128xf32, #tpu.memory_space<vmem>>, %arg9: memref<1x128xf32, #tpu.memory_space<vmem>>, %arg10: memref<1x128xf32, #tpu.memory_space<vmem>>, %arg11: memref<1x128xf32, #tpu.memory_space<vmem>>, %arg12: memref<2000x128xf32, #tpu.memory_space<vmem>>, %arg13: memref<2000x128xf32, #tpu.memory_space<vmem>>) attributes {dimension_semantics = [#tpu.dimension_semantics<arbitrary>], iteration_bounds = array<i64: 80>, scalar_prefetch = 0 : i64, scratch_operands = 0 : i64, tpu.core_type = #tpu.core_type<tc>, window_params = [{transform_indices = @transform_0, window_bounds = array<i64: 2000, 128>}, {transform_indices = @transform_1, window_bounds = array<i64: 2000, 128>}, {transform_indices = @transform_2, window_bounds = array<i64: 2000, 128>}, {pipeline_mode = #tpu.pipeline_mode<synchronous>, transform_indices = @transform_3, window_bounds = array<i64: 128, 128>}, {pipeline_mode = #tpu.pipeline_mode<synchronous>, transform_indices = @transform_4, window_bounds = array<i64: 1, 128>}, {pipeline_mode = #tpu.pipeline_mode<synchronous>, transform_indices = @transform_5, window_bounds = array<i64: 128, 128>}, {pipeline_mode = #tpu.pipeline_mode<synchronous>, transform_indices = @transform_6, window_bounds = array<i64: 1, 128>}, {pipeline_mode = #tpu.pipeline_mode<synchronous>, transform_indices = @transform_7, window_bounds = array<i64: 128, 128>}, {pipeline_mode = #tpu.pipeline_mode<synchronous>, transform_indices = @transform_8, window_bounds = array<i64: 1, 128>}, {pipeline_mode = #tpu.pipeline_mode<synchronous>, transform_indices = @transform_9, window_bounds = array<i64: 1, 128>}, {pipeline_mode = #tpu.pipeline_mode<synchronous>, transform_indices = @transform_10, window_bounds = array<i64: 1, 128>}, {transform_indices = @transform_11, window_bounds = array<i64: 2000, 128>}, {transform_indices = @transform_12, window_bounds = array<i64: 2000, 128>}]} {
    %get3A = arith.constant 0 : index
    %get3A_0 = arith.constant 0 : index
    %get3A_1 = vector.load %arg1[%get3A, %get3A_0] : memref<2000x128xf32, #tpu.memory_space<vmem>>, vector<2000x128xf32>
    %get3A_2 = arith.constant 0 : index
    %get3A_3 = arith.constant 0 : index
    %get3A_4 = vector.load %arg4[%get3A_2, %get3A_3] : memref<128x128xf32, #tpu.memory_space<vmem>>, vector<128x128xf32>
    %dot_general3A = arith.constant dense<0.000000e+00> : vector<2000x128xf32>
    %dot_general3A_5 = tpu.matmul %get3A_1, %get3A_4, %dot_general3A {dimension_numbers = #tpu.dot_dimension_numbers<[1], [0], [0], [1], [0, 0, 1, 1], [], []>, transpose_lhs_hint = false} : vector<2000x128xf32>, vector<128x128xf32>, vector<2000x128xf32> -> vector<2000x128xf32>
    %get3A_6 = arith.constant 0 : index
    %get3A_7 = arith.constant 0 : index
    %get3A_8 = vector.load %arg2[%get3A_6, %get3A_7] : memref<2000x128xf32, #tpu.memory_space<vmem>>, vector<2000x128xf32>
    %add3A = arith.addf %dot_general3A_5, %get3A_8 : vector<2000x128xf32>
    %get3A_9 = arith.constant 0 : index
    %get3A_10 = arith.constant 0 : index
    %get3A_11 = vector.load %arg3[%get3A_9, %get3A_10] : memref<2000x128xf32, #tpu.memory_space<vmem>>, vector<2000x128xf32>
    %add3A_12 = arith.addf %add3A, %get3A_11 : vector<2000x128xf32>
    %get3A_13 = arith.constant 0 : index
    %get3A_14 = arith.constant 0 : index
    %get3A_15 = vector.load %arg5[%get3A_13, %get3A_14] : memref<1x128xf32, #tpu.memory_space<vmem>>, vector<1x128xf32>
    %add3A_16 = vector.broadcast %get3A_15 : vector<1x128xf32> to vector<2000x128xf32>
    %add3A_17 = arith.addf %add3A_12, %add3A_16 : vector<2000x128xf32>
    %max3A = arith.constant 0.000000e+00 : f32
    %max3A_18 = vector.broadcast %max3A : f32 to vector<2000x128xf32>
    %max3A_19 = arith.maximumf %add3A_17, %max3A_18 : vector<2000x128xf32>
    %get3A_20 = arith.constant 0 : index
    %get3A_21 = arith.constant 0 : index
    %get3A_22 = vector.load %arg6[%get3A_20, %get3A_21] : memref<128x128xf32, #tpu.memory_space<vmem>>, vector<128x128xf32>
    %dot_general3A_23 = arith.constant dense<0.000000e+00> : vector<2000x128xf32>
    %dot_general3A_24 = tpu.matmul %max3A_19, %get3A_22, %dot_general3A_23 {dimension_numbers = #tpu.dot_dimension_numbers<[1], [0], [0], [1], [0, 0, 1, 1], [], []>, transpose_lhs_hint = false} : vector<2000x128xf32>, vector<128x128xf32>, vector<2000x128xf32> -> vector<2000x128xf32>
    %get3A_25 = arith.constant 0 : index
    %get3A_26 = arith.constant 0 : index
    %get3A_27 = vector.load %arg7[%get3A_25, %get3A_26] : memref<1x128xf32, #tpu.memory_space<vmem>>, vector<1x128xf32>
    %add3A_28 = vector.broadcast %get3A_27 : vector<1x128xf32> to vector<2000x128xf32>
    %add3A_29 = arith.addf %dot_general3A_24, %add3A_28 : vector<2000x128xf32>
    %max3A_30 = arith.constant 0.000000e+00 : f32
    %max3A_31 = vector.broadcast %max3A_30 : f32 to vector<2000x128xf32>
    %max3A_32 = arith.maximumf %add3A_29, %max3A_31 : vector<2000x128xf32>
    %get3A_33 = arith.constant 0 : index
    %get3A_34 = arith.constant 0 : index
    %get3A_35 = vector.load %arg8[%get3A_33, %get3A_34] : memref<128x128xf32, #tpu.memory_space<vmem>>, vector<128x128xf32>
    %dot_general3A_36 = arith.constant dense<0.000000e+00> : vector<2000x128xf32>
    %dot_general3A_37 = tpu.matmul %max3A_32, %get3A_35, %dot_general3A_36 {dimension_numbers = #tpu.dot_dimension_numbers<[1], [0], [0], [1], [0, 0, 1, 1], [], []>, transpose_lhs_hint = false} : vector<2000x128xf32>, vector<128x128xf32>, vector<2000x128xf32> -> vector<2000x128xf32>
    %get3A_38 = arith.constant 0 : index
    %get3A_39 = arith.constant 0 : index
    %get3A_40 = vector.load %arg9[%get3A_38, %get3A_39] : memref<1x128xf32, #tpu.memory_space<vmem>>, vector<1x128xf32>
    %add3A_41 = vector.broadcast %get3A_40 : vector<1x128xf32> to vector<2000x128xf32>
    %add3A_42 = arith.addf %dot_general3A_37, %add3A_41 : vector<2000x128xf32>
    %reduce_sum3A = arith.constant dense<0.000000e+00> : vector<2000xf32>
    %reduce_sum3A_43 = vector.multi_reduction <add>, %add3A_42, %reduce_sum3A [1] : vector<2000x128xf32> to vector<2000xf32>
    %broadcast_in_dim3A = vector.shape_cast %reduce_sum3A_43 : vector<2000xf32> to vector<2000x1xf32>
    %div3A = arith.constant 1.280000e+02 : f32
    %div3A_44 = vector.broadcast %div3A : f32 to vector<2000x1xf32>
    %div3A_45 = arith.divf %broadcast_in_dim3A, %div3A_44 : vector<2000x1xf32>
    %sub3A = vector.broadcast %div3A_45 : vector<2000x1xf32> to vector<2000x128xf32>
    %sub3A_46 = arith.subf %add3A_42, %sub3A : vector<2000x128xf32>
    %mul3A = arith.mulf %sub3A_46, %sub3A_46 : vector<2000x128xf32>
    %reduce_sum3A_47 = arith.constant dense<0.000000e+00> : vector<2000xf32>
    %reduce_sum3A_48 = vector.multi_reduction <add>, %mul3A, %reduce_sum3A_47 [1] : vector<2000x128xf32> to vector<2000xf32>
    %broadcast_in_dim3A_49 = vector.shape_cast %reduce_sum3A_48 : vector<2000xf32> to vector<2000x1xf32>
    %div3A_50 = arith.constant 1.280000e+02 : f32
    %div3A_51 = vector.broadcast %div3A_50 : f32 to vector<2000x1xf32>
    %div3A_52 = arith.divf %broadcast_in_dim3A_49, %div3A_51 : vector<2000x1xf32>
    %add3A_53 = arith.constant 9.99999974E-6 : f32
    %add3A_54 = vector.broadcast %add3A_53 : f32 to vector<2000x1xf32>
    %add3A_55 = arith.addf %div3A_52, %add3A_54 : vector<2000x1xf32>
    %rsqrt3A = math.rsqrt %add3A_55 : vector<2000x1xf32>
    %mul3A_56 = vector.broadcast %rsqrt3A : vector<2000x1xf32> to vector<2000x128xf32>
    %mul3A_57 = arith.mulf %sub3A_46, %mul3A_56 : vector<2000x128xf32>
    %get3A_58 = arith.constant 0 : index
    %get3A_59 = arith.constant 0 : index
    %get3A_60 = vector.load %arg10[%get3A_58, %get3A_59] : memref<1x128xf32, #tpu.memory_space<vmem>>, vector<1x128xf32>
    %mul3A_61 = vector.broadcast %get3A_60 : vector<1x128xf32> to vector<2000x128xf32>
    %mul3A_62 = arith.mulf %mul3A_57, %mul3A_61 : vector<2000x128xf32>
    %get3A_63 = arith.constant 0 : index
    %get3A_64 = arith.constant 0 : index
    %get3A_65 = vector.load %arg11[%get3A_63, %get3A_64] : memref<1x128xf32, #tpu.memory_space<vmem>>, vector<1x128xf32>
    %add3A_66 = vector.broadcast %get3A_65 : vector<1x128xf32> to vector<2000x128xf32>
    %add3A_67 = arith.addf %mul3A_62, %add3A_66 : vector<2000x128xf32>
    %swap3A = arith.constant 0 : index
    %swap3A_68 = arith.constant 0 : index
    %swap3A_69 = vector.load %arg12[%swap3A, %swap3A_68] : memref<2000x128xf32, #tpu.memory_space<vmem>>, vector<2000x128xf32>
    tpu.vector_store %arg12[%swap3A, %swap3A_68], %add3A_67 {strides = array<i32>} : memref<2000x128xf32, #tpu.memory_space<vmem>>, vector<2000x128xf32>,
    %add3A_70 = arith.addf %get3A_1, %add3A_67 : vector<2000x128xf32>
    %swap3A_71 = arith.constant 0 : index
    %swap3A_72 = arith.constant 0 : index
    %swap3A_73 = vector.load %arg13[%swap3A_71, %swap3A_72] : memref<2000x128xf32, #tpu.memory_space<vmem>>, vector<2000x128xf32>
    tpu.vector_store %arg13[%swap3A_71, %swap3A_72], %add3A_70 {strides = array<i32>} : memref<2000x128xf32, #tpu.memory_space<vmem>>, vector<2000x128xf32>,
    return
  }
  func.func @transform_0(%arg0: i32) -> (i32, i32) {
    %add3A = arith.constant 0 : i32
    %add3A_0 = arith.addi %add3A, %arg0 : i32
    %c0_i32 = arith.constant 0 : i32
    %c0_i32_1 = arith.constant 0 : i32
    return %add3A_0, %c0_i32 : i32, i32
  }
  func.func @transform_1(%arg0: i32) -> (i32, i32) {
    %c0_i32 = arith.constant 0 : i32
    %c0_i32_0 = arith.constant 0 : i32
    return %arg0, %c0_i32 : i32, i32
  }
  func.func @transform_2(%arg0: i32) -> (i32, i32) {
    %c0_i32 = arith.constant 0 : i32
    %c0_i32_0 = arith.constant 0 : i32
    return %arg0, %c0_i32 : i32, i32
  }
  func.func @transform_3(%arg0: i32) -> (i32, i32) {
    %c0_i32 = arith.constant 0 : i32
    %c0_i32_0 = arith.constant 0 : i32
    %c0_i32_1 = arith.constant 0 : i32
    return %c0_i32, %c0_i32_0 : i32, i32
  }
  func.func @transform_4(%arg0: i32) -> (i32, i32) {
    %c0_i32 = arith.constant 0 : i32
    %c0_i32_0 = arith.constant 0 : i32
    %c0_i32_1 = arith.constant 0 : i32
    return %c0_i32, %c0_i32_0 : i32, i32
  }
  func.func @transform_5(%arg0: i32) -> (i32, i32) {
    %c0_i32 = arith.constant 0 : i32
    %c0_i32_0 = arith.constant 0 : i32
    %c0_i32_1 = arith.constant 0 : i32
    return %c0_i32, %c0_i32_0 : i32, i32
  }
  func.func @transform_6(%arg0: i32) -> (i32, i32) {
    %c0_i32 = arith.constant 0 : i32
    %c0_i32_0 = arith.constant 0 : i32
    %c0_i32_1 = arith.constant 0 : i32
    return %c0_i32, %c0_i32_0 : i32, i32
  }
  func.func @transform_7(%arg0: i32) -> (i32, i32) {
    %c0_i32 = arith.constant 0 : i32
    %c0_i32_0 = arith.constant 0 : i32
    %c0_i32_1 = arith.constant 0 : i32
    return %c0_i32, %c0_i32_0 : i32, i32
  }
  func.func @transform_8(%arg0: i32) -> (i32, i32) {
    %c0_i32 = arith.constant 0 : i32
    %c0_i32_0 = arith.constant 0 : i32
    %c0_i32_1 = arith.constant 0 : i32
    return %c0_i32, %c0_i32_0 : i32, i32
  }
  func.func @transform_9(%arg0: i32) -> (i32, i32) {
    %c0_i32 = arith.constant 0 : i32
    %c0_i32_0 = arith.constant 0 : i32
    %c0_i32_1 = arith.constant 0 : i32
    return %c0_i32, %c0_i32_0 : i32, i32
  }
  func.func @transform_10(%arg0: i32) -> (i32, i32) {
    %c0_i32 = arith.constant 0 : i32
    %c0_i32_0 = arith.constant 0 : i32
    %c0_i32_1 = arith.constant 0 : i32
    return %c0_i32, %c0_i32_0 : i32, i32
  }
  func.func @transform_11(%arg0: i32) -> (i32, i32) {
    %c0_i32 = arith.constant 0 : i32
    %c0_i32_0 = arith.constant 0 : i32
    return %arg0, %c0_i32 : i32, i32
  }
  func.func @transform_12(%arg0: i32) -> (i32, i32) {
    %c0_i32 = arith.constant 0 : i32
    %c0_i32_0 = arith.constant 0 : i32
    return %arg0, %c0_i32 : i32, i32
  }
}

module attributes {stable_mosaic.version = 14 : i64} {
  func.func @_edge_body(%arg0: i32, %arg1: memref<2000x128xf32, #tpu.memory_space<vmem>>, %arg2: memref<2000x128xf32, #tpu.memory_space<vmem>>, %arg3: memref<2000x128xf32, #tpu.memory_space<vmem>>, %arg4: memref<128x128xf32, #tpu.memory_space<vmem>>, %arg5: memref<1x128xf32, #tpu.memory_space<vmem>>, %arg6: memref<128x128xf32, #tpu.memory_space<vmem>>, %arg7: memref<1x128xf32, #tpu.memory_space<vmem>>, %arg8: memref<128x128xf32, #tpu.memory_space<vmem>>, %arg9: memref<1x128xf32, #tpu.memory_space<vmem>>, %arg10: memref<1x128xf32, #tpu.memory_space<vmem>>, %arg11: memref<1x128xf32, #tpu.memory_space<vmem>>, %arg12: memref<2000x128xf32, #tpu.memory_space<vmem>>, %arg13: memref<2000x128xf32, #tpu.memory_space<vmem>>) attributes {dimension_semantics = [#tpu.dimension_semantics<arbitrary>], iteration_bounds = array<i64: 80>, scalar_prefetch = 0 : i64, scratch_operands = 0 : i64, tpu.core_type = #tpu.core_type<tc>, window_params = [{transform_indices = @transform_0, window_bounds = array<i64: 2000, 128>}, {transform_indices = @transform_1, window_bounds = array<i64: 2000, 128>}, {transform_indices = @transform_2, window_bounds = array<i64: 2000, 128>}, {pipeline_mode = #tpu.pipeline_mode<synchronous>, transform_indices = @transform_3, window_bounds = array<i64: 128, 128>}, {pipeline_mode = #tpu.pipeline_mode<synchronous>, transform_indices = @transform_4, window_bounds = array<i64: 1, 128>}, {pipeline_mode = #tpu.pipeline_mode<synchronous>, transform_indices = @transform_5, window_bounds = array<i64: 128, 128>}, {pipeline_mode = #tpu.pipeline_mode<synchronous>, transform_indices = @transform_6, window_bounds = array<i64: 1, 128>}, {pipeline_mode = #tpu.pipeline_mode<synchronous>, transform_indices = @transform_7, window_bounds = array<i64: 128, 128>}, {pipeline_mode = #tpu.pipeline_mode<synchronous>, transform_indices = @transform_8, window_bounds = array<i64: 1, 128>}, {pipeline_mode = #tpu.pipeline_mode<synchronous>, transform_indices = @transform_9, window_bounds = array<i64: 1, 128>}, {pipeline_mode = #tpu.pipeline_mode<synchronous>, transform_indices = @transform_10, window_bounds = array<i64: 1, 128>}, {transform_indices = @transform_11, window_bounds = array<i64: 2000, 128>}, {transform_indices = @transform_12, window_bounds = array<i64: 2000, 128>}]} {
    %get3A = arith.constant 0 : index
    %get3A_0 = arith.constant 0 : index
    %get3A_1 = vector.load %arg1[%get3A, %get3A_0] : memref<2000x128xf32, #tpu.memory_space<vmem>>, vector<2000x128xf32>
    %get3A_2 = arith.constant 0 : index
    %get3A_3 = arith.constant 0 : index
    %get3A_4 = vector.load %arg4[%get3A_2, %get3A_3] : memref<128x128xf32, #tpu.memory_space<vmem>>, vector<128x128xf32>
    %dot_general3A = arith.constant dense<0.000000e+00> : vector<2000x128xf32>
    %dot_general3A_5 = tpu.matmul %get3A_1, %get3A_4, %dot_general3A {dimension_numbers = #tpu.dot_dimension_numbers<[1], [0], [0], [1], [0, 0, 1, 1], [], []>, transpose_lhs_hint = false} : vector<2000x128xf32>, vector<128x128xf32>, vector<2000x128xf32> -> vector<2000x128xf32>
    %get3A_6 = arith.constant 0 : index
    %get3A_7 = arith.constant 0 : index
    %get3A_8 = vector.load %arg2[%get3A_6, %get3A_7] : memref<2000x128xf32, #tpu.memory_space<vmem>>, vector<2000x128xf32>
    %add3A = arith.addf %dot_general3A_5, %get3A_8 : vector<2000x128xf32>
    %get3A_9 = arith.constant 0 : index
    %get3A_10 = arith.constant 0 : index
    %get3A_11 = vector.load %arg3[%get3A_9, %get3A_10] : memref<2000x128xf32, #tpu.memory_space<vmem>>, vector<2000x128xf32>
    %add3A_12 = arith.addf %add3A, %get3A_11 : vector<2000x128xf32>
    %get3A_13 = arith.constant 0 : index
    %get3A_14 = arith.constant 0 : index
    %get3A_15 = vector.load %arg5[%get3A_13, %get3A_14] : memref<1x128xf32, #tpu.memory_space<vmem>>, vector<1x128xf32>
    %add3A_16 = vector.broadcast %get3A_15 : vector<1x128xf32> to vector<2000x128xf32>
    %add3A_17 = arith.addf %add3A_12, %add3A_16 : vector<2000x128xf32>
    %max3A = arith.constant 0.000000e+00 : f32
    %max3A_18 = vector.broadcast %max3A : f32 to vector<2000x128xf32>
    %max3A_19 = arith.maximumf %add3A_17, %max3A_18 : vector<2000x128xf32>
    %get3A_20 = arith.constant 0 : index
    %get3A_21 = arith.constant 0 : index
    %get3A_22 = vector.load %arg6[%get3A_20, %get3A_21] : memref<128x128xf32, #tpu.memory_space<vmem>>, vector<128x128xf32>
    %dot_general3A_23 = arith.constant dense<0.000000e+00> : vector<2000x128xf32>
    %dot_general3A_24 = tpu.matmul %max3A_19, %get3A_22, %dot_general3A_23 {dimension_numbers = #tpu.dot_dimension_numbers<[1], [0], [0], [1], [0, 0, 1, 1], [], []>, transpose_lhs_hint = false} : vector<2000x128xf32>, vector<128x128xf32>, vector<2000x128xf32> -> vector<2000x128xf32>
    %get3A_25 = arith.constant 0 : index
    %get3A_26 = arith.constant 0 : index
    %get3A_27 = vector.load %arg7[%get3A_25, %get3A_26] : memref<1x128xf32, #tpu.memory_space<vmem>>, vector<1x128xf32>
    %add3A_28 = vector.broadcast %get3A_27 : vector<1x128xf32> to vector<2000x128xf32>
    %add3A_29 = arith.addf %dot_general3A_24, %add3A_28 : vector<2000x128xf32>
    %max3A_30 = arith.constant 0.000000e+00 : f32
    %max3A_31 = vector.broadcast %max3A_30 : f32 to vector<2000x128xf32>
    %max3A_32 = arith.maximumf %add3A_29, %max3A_31 : vector<2000x128xf32>
    %get3A_33 = arith.constant 0 : index
    %get3A_34 = arith.constant 0 : index
    %get3A_35 = vector.load %arg8[%get3A_33, %get3A_34] : memref<128x128xf32, #tpu.memory_space<vmem>>, vector<128x128xf32>
    %dot_general3A_36 = arith.constant dense<0.000000e+00> : vector<2000x128xf32>
    %dot_general3A_37 = tpu.matmul %max3A_32, %get3A_35, %dot_general3A_36 {dimension_numbers = #tpu.dot_dimension_numbers<[1], [0], [0], [1], [0, 0, 1, 1], [], []>, transpose_lhs_hint = false} : vector<2000x128xf32>, vector<128x128xf32>, vector<2000x128xf32> -> vector<2000x128xf32>
    %get3A_38 = arith.constant 0 : index
    %get3A_39 = arith.constant 0 : index
    %get3A_40 = vector.load %arg9[%get3A_38, %get3A_39] : memref<1x128xf32, #tpu.memory_space<vmem>>, vector<1x128xf32>
    %add3A_41 = vector.broadcast %get3A_40 : vector<1x128xf32> to vector<2000x128xf32>
    %add3A_42 = arith.addf %dot_general3A_37, %add3A_41 : vector<2000x128xf32>
    %reduce_sum3A = arith.constant dense<0.000000e+00> : vector<2000xf32>
    %reduce_sum3A_43 = vector.multi_reduction <add>, %add3A_42, %reduce_sum3A [1] : vector<2000x128xf32> to vector<2000xf32>
    %broadcast_in_dim3A = vector.shape_cast %reduce_sum3A_43 : vector<2000xf32> to vector<2000x1xf32>
    %div3A = arith.constant 1.280000e+02 : f32
    %div3A_44 = vector.broadcast %div3A : f32 to vector<2000x1xf32>
    %div3A_45 = arith.divf %broadcast_in_dim3A, %div3A_44 : vector<2000x1xf32>
    %sub3A = vector.broadcast %div3A_45 : vector<2000x1xf32> to vector<2000x128xf32>
    %sub3A_46 = arith.subf %add3A_42, %sub3A : vector<2000x128xf32>
    %mul3A = arith.mulf %sub3A_46, %sub3A_46 : vector<2000x128xf32>
    %reduce_sum3A_47 = arith.constant dense<0.000000e+00> : vector<2000xf32>
    %reduce_sum3A_48 = vector.multi_reduction <add>, %mul3A, %reduce_sum3A_47 [1] : vector<2000x128xf32> to vector<2000xf32>
    %broadcast_in_dim3A_49 = vector.shape_cast %reduce_sum3A_48 : vector<2000xf32> to vector<2000x1xf32>
    %div3A_50 = arith.constant 1.280000e+02 : f32
    %div3A_51 = vector.broadcast %div3A_50 : f32 to vector<2000x1xf32>
    %div3A_52 = arith.divf %broadcast_in_dim3A_49, %div3A_51 : vector<2000x1xf32>
    %add3A_53 = arith.constant 9.99999974E-6 : f32
    %add3A_54 = vector.broadcast %add3A_53 : f32 to vector<2000x1xf32>
    %add3A_55 = arith.addf %div3A_52, %add3A_54 : vector<2000x1xf32>
    %rsqrt3A = math.rsqrt %add3A_55 : vector<2000x1xf32>
    %mul3A_56 = vector.broadcast %rsqrt3A : vector<2000x1xf32> to vector<2000x128xf32>
    %mul3A_57 = arith.mulf %sub3A_46, %mul3A_56 : vector<2000x128xf32>
    %get3A_58 = arith.constant 0 : index
    %get3A_59 = arith.constant 0 : index
    %get3A_60 = vector.load %arg10[%get3A_58, %get3A_59] : memref<1x128xf32, #tpu.memory_space<vmem>>, vector<1x128xf32>
    %mul3A_61 = vector.broadcast %get3A_60 : vector<1x128xf32> to vector<2000x128xf32>
    %mul3A_62 = arith.mulf %mul3A_57, %mul3A_61 : vector<2000x128xf32>
    %get3A_63 = arith.constant 0 : index
    %get3A_64 = arith.constant 0 : index
    %get3A_65 = vector.load %arg11[%get3A_63, %get3A_64] : memref<1x128xf32, #tpu.memory_space<vmem>>, vector<1x128xf32>
    %add3A_66 = vector.broadcast %get3A_65 : vector<1x128xf32> to vector<2000x128xf32>
    %add3A_67 = arith.addf %mul3A_62, %add3A_66 : vector<2000x128xf32>
    %swap3A = arith.constant 0 : index
    %swap3A_68 = arith.constant 0 : index
    %swap3A_69 = vector.load %arg12[%swap3A, %swap3A_68] : memref<2000x128xf32, #tpu.memory_space<vmem>>, vector<2000x128xf32>
    tpu.vector_store %arg12[%swap3A, %swap3A_68], %add3A_67 {strides = array<i32>} : memref<2000x128xf32, #tpu.memory_space<vmem>>, vector<2000x128xf32>,
    %add3A_70 = arith.addf %get3A_1, %add3A_67 : vector<2000x128xf32>
    %swap3A_71 = arith.constant 0 : index
    %swap3A_72 = arith.constant 0 : index
    %swap3A_73 = vector.load %arg13[%swap3A_71, %swap3A_72] : memref<2000x128xf32, #tpu.memory_space<vmem>>, vector<2000x128xf32>
    tpu.vector_store %arg13[%swap3A_71, %swap3A_72], %add3A_70 {strides = array<i32>} : memref<2000x128xf32, #tpu.memory_space<vmem>>, vector<2000x128xf32>,
    return
  }
  func.func @transform_0(%arg0: i32) -> (i32, i32) {
    %add3A = arith.constant 80 : i32
    %add3A_0 = arith.addi %add3A, %arg0 : i32
    %c0_i32 = arith.constant 0 : i32
    %c0_i32_1 = arith.constant 0 : i32
    return %add3A_0, %c0_i32 : i32, i32
  }
  func.func @transform_1(%arg0: i32) -> (i32, i32) {
    %c0_i32 = arith.constant 0 : i32
    %c0_i32_0 = arith.constant 0 : i32
    return %arg0, %c0_i32 : i32, i32
  }
  func.func @transform_2(%arg0: i32) -> (i32, i32) {
    %c0_i32 = arith.constant 0 : i32
    %c0_i32_0 = arith.constant 0 : i32
    return %arg0, %c0_i32 : i32, i32
  }
  func.func @transform_3(%arg0: i32) -> (i32, i32) {
    %c0_i32 = arith.constant 0 : i32
    %c0_i32_0 = arith.constant 0 : i32
    %c0_i32_1 = arith.constant 0 : i32
    return %c0_i32, %c0_i32_0 : i32, i32
  }
  func.func @transform_4(%arg0: i32) -> (i32, i32) {
    %c0_i32 = arith.constant 0 : i32
    %c0_i32_0 = arith.constant 0 : i32
    %c0_i32_1 = arith.constant 0 : i32
    return %c0_i32, %c0_i32_0 : i32, i32
  }
  func.func @transform_5(%arg0: i32) -> (i32, i32) {
    %c0_i32 = arith.constant 0 : i32
    %c0_i32_0 = arith.constant 0 : i32
    %c0_i32_1 = arith.constant 0 : i32
    return %c0_i32, %c0_i32_0 : i32, i32
  }
  func.func @transform_6(%arg0: i32) -> (i32, i32) {
    %c0_i32 = arith.constant 0 : i32
    %c0_i32_0 = arith.constant 0 : i32
    %c0_i32_1 = arith.constant 0 : i32
    return %c0_i32, %c0_i32_0 : i32, i32
  }
  func.func @transform_7(%arg0: i32) -> (i32, i32) {
    %c0_i32 = arith.constant 0 : i32
    %c0_i32_0 = arith.constant 0 : i32
    %c0_i32_1 = arith.constant 0 : i32
    return %c0_i32, %c0_i32_0 : i32, i32
  }
  func.func @transform_8(%arg0: i32) -> (i32, i32) {
    %c0_i32 = arith.constant 0 : i32
    %c0_i32_0 = arith.constant 0 : i32
    %c0_i32_1 = arith.constant 0 : i32
    return %c0_i32, %c0_i32_0 : i32, i32
  }
  func.func @transform_9(%arg0: i32) -> (i32, i32) {
    %c0_i32 = arith.constant 0 : i32
    %c0_i32_0 = arith.constant 0 : i32
    %c0_i32_1 = arith.constant 0 : i32
    return %c0_i32, %c0_i32_0 : i32, i32
  }
  func.func @transform_10(%arg0: i32) -> (i32, i32) {
    %c0_i32 = arith.constant 0 : i32
    %c0_i32_0 = arith.constant 0 : i32
    %c0_i32_1 = arith.constant 0 : i32
    return %c0_i32, %c0_i32_0 : i32, i32
  }
  func.func @transform_11(%arg0: i32) -> (i32, i32) {
    %c0_i32 = arith.constant 0 : i32
    %c0_i32_0 = arith.constant 0 : i32
    return %arg0, %c0_i32 : i32, i32
  }
  func.func @transform_12(%arg0: i32) -> (i32, i32) {
    %c0_i32 = arith.constant 0 : i32
    %c0_i32_0 = arith.constant 0 : i32
    return %arg0, %c0_i32 : i32, i32
  }
}

module attributes {stable_mosaic.version = 14 : i64} {
  func.func @_node_body(%arg0: i32, %arg1: memref<2x1280x128xf32, #tpu.memory_space<vmem>>, %arg2: memref<2x1280x128xf32, #tpu.memory_space<vmem>>, %arg3: memref<1280x128xf32, #tpu.memory_space<vmem>>, %arg4: memref<128x128xf32, #tpu.memory_space<vmem>>, %arg5: memref<128x128xf32, #tpu.memory_space<vmem>>, %arg6: memref<1x128xf32, #tpu.memory_space<vmem>>, %arg7: memref<128x128xf32, #tpu.memory_space<vmem>>, %arg8: memref<1x128xf32, #tpu.memory_space<vmem>>, %arg9: memref<128x128xf32, #tpu.memory_space<vmem>>, %arg10: memref<1x128xf32, #tpu.memory_space<vmem>>, %arg11: memref<1x128xf32, #tpu.memory_space<vmem>>, %arg12: memref<1x128xf32, #tpu.memory_space<vmem>>, %arg13: memref<1280x128xf32, #tpu.memory_space<vmem>>) attributes {dimension_semantics = [#tpu.dimension_semantics<arbitrary>], iteration_bounds = array<i64: 8>, scalar_prefetch = 0 : i64, scratch_operands = 0 : i64, tpu.core_type = #tpu.core_type<tc>, window_params = [{transform_indices = @transform_0, window_bounds = array<i64: 2, 1280, 128>}, {transform_indices = @transform_1, window_bounds = array<i64: 2, 1280, 128>}, {transform_indices = @transform_2, window_bounds = array<i64: 1280, 128>}, {pipeline_mode = #tpu.pipeline_mode<synchronous>, transform_indices = @transform_3, window_bounds = array<i64: 128, 128>}, {pipeline_mode = #tpu.pipeline_mode<synchronous>, transform_indices = @transform_4, window_bounds = array<i64: 128, 128>}, {pipeline_mode = #tpu.pipeline_mode<synchronous>, transform_indices = @transform_5, window_bounds = array<i64: 1, 128>}, {pipeline_mode = #tpu.pipeline_mode<synchronous>, transform_indices = @transform_6, window_bounds = array<i64: 128, 128>}, {pipeline_mode = #tpu.pipeline_mode<synchronous>, transform_indices = @transform_7, window_bounds = array<i64: 1, 128>}, {pipeline_mode = #tpu.pipeline_mode<synchronous>, transform_indices = @transform_8, window_bounds = array<i64: 128, 128>}, {pipeline_mode = #tpu.pipeline_mode<synchronous>, transform_indices = @transform_9, window_bounds = array<i64: 1, 128>}, {pipeline_mode = #tpu.pipeline_mode<synchronous>, transform_indices = @transform_10, window_bounds = array<i64: 1, 128>}, {pipeline_mode = #tpu.pipeline_mode<synchronous>, transform_indices = @transform_11, window_bounds = array<i64: 1, 128>}, {transform_indices = @transform_12, window_bounds = array<i64: 1280, 128>}]} {
    %get3A = arith.constant 0 : index
    %get3A_0 = arith.constant 0 : index
    %get3A_1 = arith.constant 0 : index
    %get3A_2 = vector.load %arg1[%get3A, %get3A_0, %get3A_1] : memref<2x1280x128xf32, #tpu.memory_space<vmem>>, vector<1x1280x128xf32>
    %get3A_3 = vector.shape_cast %get3A_2 : vector<1x1280x128xf32> to vector<1280x128xf32>
    %get3A_4 = arith.constant 1 : index
    %get3A_5 = arith.constant 0 : index
    %get3A_6 = arith.constant 0 : index
    %get3A_7 = vector.load %arg1[%get3A_4, %get3A_5, %get3A_6] : memref<2x1280x128xf32, #tpu.memory_space<vmem>>, vector<1x1280x128xf32>
    %get3A_8 = vector.shape_cast %get3A_7 : vector<1x1280x128xf32> to vector<1280x128xf32>
    %add3A = arith.addf %get3A_3, %get3A_8 : vector<1280x128xf32>
    %get3A_9 = arith.constant 0 : index
    %get3A_10 = arith.constant 0 : index
    %get3A_11 = arith.constant 0 : index
    %get3A_12 = vector.load %arg2[%get3A_9, %get3A_10, %get3A_11] : memref<2x1280x128xf32, #tpu.memory_space<vmem>>, vector<1x1280x128xf32>
    %get3A_13 = vector.shape_cast %get3A_12 : vector<1x1280x128xf32> to vector<1280x128xf32>
    %add3A_14 = arith.addf %add3A, %get3A_13 : vector<1280x128xf32>
    %get3A_15 = arith.constant 1 : index
    %get3A_16 = arith.constant 0 : index
    %get3A_17 = arith.constant 0 : index
    %get3A_18 = vector.load %arg2[%get3A_15, %get3A_16, %get3A_17] : memref<2x1280x128xf32, #tpu.memory_space<vmem>>, vector<1x1280x128xf32>
    %get3A_19 = vector.shape_cast %get3A_18 : vector<1x1280x128xf32> to vector<1280x128xf32>
    %add3A_20 = arith.addf %add3A_14, %get3A_19 : vector<1280x128xf32>
    %get3A_21 = arith.constant 0 : index
    %get3A_22 = arith.constant 0 : index
    %get3A_23 = vector.load %arg3[%get3A_21, %get3A_22] : memref<1280x128xf32, #tpu.memory_space<vmem>>, vector<1280x128xf32>
    %get3A_24 = arith.constant 0 : index
    %get3A_25 = arith.constant 0 : index
    %get3A_26 = vector.load %arg4[%get3A_24, %get3A_25] : memref<128x128xf32, #tpu.memory_space<vmem>>, vector<128x128xf32>
    %dot_general3A = arith.constant dense<0.000000e+00> : vector<1280x128xf32>
    %dot_general3A_27 = tpu.matmul %add3A_20, %get3A_26, %dot_general3A {dimension_numbers = #tpu.dot_dimension_numbers<[1], [0], [0], [1], [0, 0, 1, 1], [], []>, transpose_lhs_hint = false} : vector<1280x128xf32>, vector<128x128xf32>, vector<1280x128xf32> -> vector<1280x128xf32>
    %get3A_28 = arith.constant 0 : index
    %get3A_29 = arith.constant 0 : index
    %get3A_30 = vector.load %arg5[%get3A_28, %get3A_29] : memref<128x128xf32, #tpu.memory_space<vmem>>, vector<128x128xf32>
    %dot_general3A_31 = arith.constant dense<0.000000e+00> : vector<1280x128xf32>
    %dot_general3A_32 = tpu.matmul %get3A_23, %get3A_30, %dot_general3A_31 {dimension_numbers = #tpu.dot_dimension_numbers<[1], [0], [0], [1], [0, 0, 1, 1], [], []>, transpose_lhs_hint = false} : vector<1280x128xf32>, vector<128x128xf32>, vector<1280x128xf32> -> vector<1280x128xf32>
    %add3A_33 = arith.addf %dot_general3A_27, %dot_general3A_32 : vector<1280x128xf32>
    %get3A_34 = arith.constant 0 : index
    %get3A_35 = arith.constant 0 : index
    %get3A_36 = vector.load %arg6[%get3A_34, %get3A_35] : memref<1x128xf32, #tpu.memory_space<vmem>>, vector<1x128xf32>
    %add3A_37 = vector.broadcast %get3A_36 : vector<1x128xf32> to vector<1280x128xf32>
    %add3A_38 = arith.addf %add3A_33, %add3A_37 : vector<1280x128xf32>
    %max3A = arith.constant 0.000000e+00 : f32
    %max3A_39 = vector.broadcast %max3A : f32 to vector<1280x128xf32>
    %max3A_40 = arith.maximumf %add3A_38, %max3A_39 : vector<1280x128xf32>
    %get3A_41 = arith.constant 0 : index
    %get3A_42 = arith.constant 0 : index
    %get3A_43 = vector.load %arg7[%get3A_41, %get3A_42] : memref<128x128xf32, #tpu.memory_space<vmem>>, vector<128x128xf32>
    %dot_general3A_44 = arith.constant dense<0.000000e+00> : vector<1280x128xf32>
    %dot_general3A_45 = tpu.matmul %max3A_40, %get3A_43, %dot_general3A_44 {dimension_numbers = #tpu.dot_dimension_numbers<[1], [0], [0], [1], [0, 0, 1, 1], [], []>, transpose_lhs_hint = false} : vector<1280x128xf32>, vector<128x128xf32>, vector<1280x128xf32> -> vector<1280x128xf32>
    %get3A_46 = arith.constant 0 : index
    %get3A_47 = arith.constant 0 : index
    %get3A_48 = vector.load %arg8[%get3A_46, %get3A_47] : memref<1x128xf32, #tpu.memory_space<vmem>>, vector<1x128xf32>
    %add3A_49 = vector.broadcast %get3A_48 : vector<1x128xf32> to vector<1280x128xf32>
    %add3A_50 = arith.addf %dot_general3A_45, %add3A_49 : vector<1280x128xf32>
    %max3A_51 = arith.constant 0.000000e+00 : f32
    %max3A_52 = vector.broadcast %max3A_51 : f32 to vector<1280x128xf32>
    %max3A_53 = arith.maximumf %add3A_50, %max3A_52 : vector<1280x128xf32>
    %get3A_54 = arith.constant 0 : index
    %get3A_55 = arith.constant 0 : index
    %get3A_56 = vector.load %arg9[%get3A_54, %get3A_55] : memref<128x128xf32, #tpu.memory_space<vmem>>, vector<128x128xf32>
    %dot_general3A_57 = arith.constant dense<0.000000e+00> : vector<1280x128xf32>
    %dot_general3A_58 = tpu.matmul %max3A_53, %get3A_56, %dot_general3A_57 {dimension_numbers = #tpu.dot_dimension_numbers<[1], [0], [0], [1], [0, 0, 1, 1], [], []>, transpose_lhs_hint = false} : vector<1280x128xf32>, vector<128x128xf32>, vector<1280x128xf32> -> vector<1280x128xf32>
    %get3A_59 = arith.constant 0 : index
    %get3A_60 = arith.constant 0 : index
    %get3A_61 = vector.load %arg10[%get3A_59, %get3A_60] : memref<1x128xf32, #tpu.memory_space<vmem>>, vector<1x128xf32>
    %add3A_62 = vector.broadcast %get3A_61 : vector<1x128xf32> to vector<1280x128xf32>
    %add3A_63 = arith.addf %dot_general3A_58, %add3A_62 : vector<1280x128xf32>
    %reduce_sum3A = arith.constant dense<0.000000e+00> : vector<1280xf32>
    %reduce_sum3A_64 = vector.multi_reduction <add>, %add3A_63, %reduce_sum3A [1] : vector<1280x128xf32> to vector<1280xf32>
    %broadcast_in_dim3A = vector.shape_cast %reduce_sum3A_64 : vector<1280xf32> to vector<1280x1xf32>
    %div3A = arith.constant 1.280000e+02 : f32
    %div3A_65 = vector.broadcast %div3A : f32 to vector<1280x1xf32>
    %div3A_66 = arith.divf %broadcast_in_dim3A, %div3A_65 : vector<1280x1xf32>
    %sub3A = vector.broadcast %div3A_66 : vector<1280x1xf32> to vector<1280x128xf32>
    %sub3A_67 = arith.subf %add3A_63, %sub3A : vector<1280x128xf32>
    %mul3A = arith.mulf %sub3A_67, %sub3A_67 : vector<1280x128xf32>
    %reduce_sum3A_68 = arith.constant dense<0.000000e+00> : vector<1280xf32>
    %reduce_sum3A_69 = vector.multi_reduction <add>, %mul3A, %reduce_sum3A_68 [1] : vector<1280x128xf32> to vector<1280xf32>
    %broadcast_in_dim3A_70 = vector.shape_cast %reduce_sum3A_69 : vector<1280xf32> to vector<1280x1xf32>
    %div3A_71 = arith.constant 1.280000e+02 : f32
    %div3A_72 = vector.broadcast %div3A_71 : f32 to vector<1280x1xf32>
    %div3A_73 = arith.divf %broadcast_in_dim3A_70, %div3A_72 : vector<1280x1xf32>
    %add3A_74 = arith.constant 9.99999974E-6 : f32
    %add3A_75 = vector.broadcast %add3A_74 : f32 to vector<1280x1xf32>
    %add3A_76 = arith.addf %div3A_73, %add3A_75 : vector<1280x1xf32>
    %rsqrt3A = math.rsqrt %add3A_76 : vector<1280x1xf32>
    %mul3A_77 = vector.broadcast %rsqrt3A : vector<1280x1xf32> to vector<1280x128xf32>
    %mul3A_78 = arith.mulf %sub3A_67, %mul3A_77 : vector<1280x128xf32>
    %get3A_79 = arith.constant 0 : index
    %get3A_80 = arith.constant 0 : index
    %get3A_81 = vector.load %arg11[%get3A_79, %get3A_80] : memref<1x128xf32, #tpu.memory_space<vmem>>, vector<1x128xf32>
    %mul3A_82 = vector.broadcast %get3A_81 : vector<1x128xf32> to vector<1280x128xf32>
    %mul3A_83 = arith.mulf %mul3A_78, %mul3A_82 : vector<1280x128xf32>
    %get3A_84 = arith.constant 0 : index
    %get3A_85 = arith.constant 0 : index
    %get3A_86 = vector.load %arg12[%get3A_84, %get3A_85] : memref<1x128xf32, #tpu.memory_space<vmem>>, vector<1x128xf32>
    %add3A_87 = vector.broadcast %get3A_86 : vector<1x128xf32> to vector<1280x128xf32>
    %add3A_88 = arith.addf %mul3A_83, %add3A_87 : vector<1280x128xf32>
    %add3A_89 = arith.addf %get3A_23, %add3A_88 : vector<1280x128xf32>
    %swap3A = arith.constant 0 : index
    %swap3A_90 = arith.constant 0 : index
    %swap3A_91 = vector.load %arg13[%swap3A, %swap3A_90] : memref<1280x128xf32, #tpu.memory_space<vmem>>, vector<1280x128xf32>
    tpu.vector_store %arg13[%swap3A, %swap3A_90], %add3A_89 {strides = array<i32>} : memref<1280x128xf32, #tpu.memory_space<vmem>>, vector<1280x128xf32>,
    return
  }
  func.func @transform_0(%arg0: i32) -> (i32, i32, i32) {
    %c0_i32 = arith.constant 0 : i32
    %c0_i32_0 = arith.constant 0 : i32
    %c0_i32_1 = arith.constant 0 : i32
    return %c0_i32, %arg0, %c0_i32_0 : i32, i32, i32
  }
  func.func @transform_1(%arg0: i32) -> (i32, i32, i32) {
    %c0_i32 = arith.constant 0 : i32
    %c0_i32_0 = arith.constant 0 : i32
    %c0_i32_1 = arith.constant 0 : i32
    return %c0_i32, %arg0, %c0_i32_0 : i32, i32, i32
  }
  func.func @transform_2(%arg0: i32) -> (i32, i32) {
    %c0_i32 = arith.constant 0 : i32
    %c0_i32_0 = arith.constant 0 : i32
    return %arg0, %c0_i32 : i32, i32
  }
  func.func @transform_3(%arg0: i32) -> (i32, i32) {
    %c0_i32 = arith.constant 0 : i32
    %c0_i32_0 = arith.constant 0 : i32
    %c0_i32_1 = arith.constant 0 : i32
    return %c0_i32, %c0_i32_0 : i32, i32
  }
  func.func @transform_4(%arg0: i32) -> (i32, i32) {
    %c0_i32 = arith.constant 0 : i32
    %c0_i32_0 = arith.constant 0 : i32
    %c0_i32_1 = arith.constant 0 : i32
    return %c0_i32, %c0_i32_0 : i32, i32
  }
  func.func @transform_5(%arg0: i32) -> (i32, i32) {
    %c0_i32 = arith.constant 0 : i32
    %c0_i32_0 = arith.constant 0 : i32
    %c0_i32_1 = arith.constant 0 : i32
    return %c0_i32, %c0_i32_0 : i32, i32
  }
  func.func @transform_6(%arg0: i32) -> (i32, i32) {
    %c0_i32 = arith.constant 0 : i32
    %c0_i32_0 = arith.constant 0 : i32
    %c0_i32_1 = arith.constant 0 : i32
    return %c0_i32, %c0_i32_0 : i32, i32
  }
  func.func @transform_7(%arg0: i32) -> (i32, i32) {
    %c0_i32 = arith.constant 0 : i32
    %c0_i32_0 = arith.constant 0 : i32
    %c0_i32_1 = arith.constant 0 : i32
    return %c0_i32, %c0_i32_0 : i32, i32
  }
  func.func @transform_8(%arg0: i32) -> (i32, i32) {
    %c0_i32 = arith.constant 0 : i32
    %c0_i32_0 = arith.constant 0 : i32
    %c0_i32_1 = arith.constant 0 : i32
    return %c0_i32, %c0_i32_0 : i32, i32
  }
  func.func @transform_9(%arg0: i32) -> (i32, i32) {
    %c0_i32 = arith.constant 0 : i32
    %c0_i32_0 = arith.constant 0 : i32
    %c0_i32_1 = arith.constant 0 : i32
    return %c0_i32, %c0_i32_0 : i32, i32
  }
  func.func @transform_10(%arg0: i32) -> (i32, i32) {
    %c0_i32 = arith.constant 0 : i32
    %c0_i32_0 = arith.constant 0 : i32
    %c0_i32_1 = arith.constant 0 : i32
    return %c0_i32, %c0_i32_0 : i32, i32
  }
  func.func @transform_11(%arg0: i32) -> (i32, i32) {
    %c0_i32 = arith.constant 0 : i32
    %c0_i32_0 = arith.constant 0 : i32
    %c0_i32_1 = arith.constant 0 : i32
    return %c0_i32, %c0_i32_0 : i32, i32
  }
  func.func @transform_12(%arg0: i32) -> (i32, i32) {
    %c0_i32 = arith.constant 0 : i32
    %c0_i32_0 = arith.constant 0 : i32
    return %arg0, %c0_i32 : i32, i32
  }
}

module attributes {stable_mosaic.version = 14 : i64} {
  func.func @_edge_body(%arg0: i32, %arg1: memref<2000x128xf32, #tpu.memory_space<vmem>>, %arg2: memref<2000x128xf32, #tpu.memory_space<vmem>>, %arg3: memref<2000x128xf32, #tpu.memory_space<vmem>>, %arg4: memref<128x128xf32, #tpu.memory_space<vmem>>, %arg5: memref<1x128xf32, #tpu.memory_space<vmem>>, %arg6: memref<128x128xf32, #tpu.memory_space<vmem>>, %arg7: memref<1x128xf32, #tpu.memory_space<vmem>>, %arg8: memref<128x128xf32, #tpu.memory_space<vmem>>, %arg9: memref<1x128xf32, #tpu.memory_space<vmem>>, %arg10: memref<1x128xf32, #tpu.memory_space<vmem>>, %arg11: memref<1x128xf32, #tpu.memory_space<vmem>>, %arg12: memref<2000x128xf32, #tpu.memory_space<vmem>>, %arg13: memref<2000x128xf32, #tpu.memory_space<vmem>>) attributes {dimension_semantics = [#tpu.dimension_semantics<arbitrary>], iteration_bounds = array<i64: 80>, scalar_prefetch = 0 : i64, scratch_operands = 0 : i64, tpu.core_type = #tpu.core_type<tc>, window_params = [{transform_indices = @transform_0, window_bounds = array<i64: 2000, 128>}, {transform_indices = @transform_1, window_bounds = array<i64: 2000, 128>}, {transform_indices = @transform_2, window_bounds = array<i64: 2000, 128>}, {pipeline_mode = #tpu.pipeline_mode<synchronous>, transform_indices = @transform_3, window_bounds = array<i64: 128, 128>}, {pipeline_mode = #tpu.pipeline_mode<synchronous>, transform_indices = @transform_4, window_bounds = array<i64: 1, 128>}, {pipeline_mode = #tpu.pipeline_mode<synchronous>, transform_indices = @transform_5, window_bounds = array<i64: 128, 128>}, {pipeline_mode = #tpu.pipeline_mode<synchronous>, transform_indices = @transform_6, window_bounds = array<i64: 1, 128>}, {pipeline_mode = #tpu.pipeline_mode<synchronous>, transform_indices = @transform_7, window_bounds = array<i64: 128, 128>}, {pipeline_mode = #tpu.pipeline_mode<synchronous>, transform_indices = @transform_8, window_bounds = array<i64: 1, 128>}, {pipeline_mode = #tpu.pipeline_mode<synchronous>, transform_indices = @transform_9, window_bounds = array<i64: 1, 128>}, {pipeline_mode = #tpu.pipeline_mode<synchronous>, transform_indices = @transform_10, window_bounds = array<i64: 1, 128>}, {transform_indices = @transform_11, window_bounds = array<i64: 2000, 128>}, {transform_indices = @transform_12, window_bounds = array<i64: 2000, 128>}]} {
    %get3A = arith.constant 0 : index
    %get3A_0 = arith.constant 0 : index
    %get3A_1 = vector.load %arg1[%get3A, %get3A_0] : memref<2000x128xf32, #tpu.memory_space<vmem>>, vector<2000x128xf32>
    %get3A_2 = arith.constant 0 : index
    %get3A_3 = arith.constant 0 : index
    %get3A_4 = vector.load %arg4[%get3A_2, %get3A_3] : memref<128x128xf32, #tpu.memory_space<vmem>>, vector<128x128xf32>
    %dot_general3A = arith.constant dense<0.000000e+00> : vector<2000x128xf32>
    %dot_general3A_5 = tpu.matmul %get3A_1, %get3A_4, %dot_general3A {dimension_numbers = #tpu.dot_dimension_numbers<[1], [0], [0], [1], [0, 0, 1, 1], [], []>, transpose_lhs_hint = false} : vector<2000x128xf32>, vector<128x128xf32>, vector<2000x128xf32> -> vector<2000x128xf32>
    %get3A_6 = arith.constant 0 : index
    %get3A_7 = arith.constant 0 : index
    %get3A_8 = vector.load %arg2[%get3A_6, %get3A_7] : memref<2000x128xf32, #tpu.memory_space<vmem>>, vector<2000x128xf32>
    %add3A = arith.addf %dot_general3A_5, %get3A_8 : vector<2000x128xf32>
    %get3A_9 = arith.constant 0 : index
    %get3A_10 = arith.constant 0 : index
    %get3A_11 = vector.load %arg3[%get3A_9, %get3A_10] : memref<2000x128xf32, #tpu.memory_space<vmem>>, vector<2000x128xf32>
    %add3A_12 = arith.addf %add3A, %get3A_11 : vector<2000x128xf32>
    %get3A_13 = arith.constant 0 : index
    %get3A_14 = arith.constant 0 : index
    %get3A_15 = vector.load %arg5[%get3A_13, %get3A_14] : memref<1x128xf32, #tpu.memory_space<vmem>>, vector<1x128xf32>
    %add3A_16 = vector.broadcast %get3A_15 : vector<1x128xf32> to vector<2000x128xf32>
    %add3A_17 = arith.addf %add3A_12, %add3A_16 : vector<2000x128xf32>
    %max3A = arith.constant 0.000000e+00 : f32
    %max3A_18 = vector.broadcast %max3A : f32 to vector<2000x128xf32>
    %max3A_19 = arith.maximumf %add3A_17, %max3A_18 : vector<2000x128xf32>
    %get3A_20 = arith.constant 0 : index
    %get3A_21 = arith.constant 0 : index
    %get3A_22 = vector.load %arg6[%get3A_20, %get3A_21] : memref<128x128xf32, #tpu.memory_space<vmem>>, vector<128x128xf32>
    %dot_general3A_23 = arith.constant dense<0.000000e+00> : vector<2000x128xf32>
    %dot_general3A_24 = tpu.matmul %max3A_19, %get3A_22, %dot_general3A_23 {dimension_numbers = #tpu.dot_dimension_numbers<[1], [0], [0], [1], [0, 0, 1, 1], [], []>, transpose_lhs_hint = false} : vector<2000x128xf32>, vector<128x128xf32>, vector<2000x128xf32> -> vector<2000x128xf32>
    %get3A_25 = arith.constant 0 : index
    %get3A_26 = arith.constant 0 : index
    %get3A_27 = vector.load %arg7[%get3A_25, %get3A_26] : memref<1x128xf32, #tpu.memory_space<vmem>>, vector<1x128xf32>
    %add3A_28 = vector.broadcast %get3A_27 : vector<1x128xf32> to vector<2000x128xf32>
    %add3A_29 = arith.addf %dot_general3A_24, %add3A_28 : vector<2000x128xf32>
    %max3A_30 = arith.constant 0.000000e+00 : f32
    %max3A_31 = vector.broadcast %max3A_30 : f32 to vector<2000x128xf32>
    %max3A_32 = arith.maximumf %add3A_29, %max3A_31 : vector<2000x128xf32>
    %get3A_33 = arith.constant 0 : index
    %get3A_34 = arith.constant 0 : index
    %get3A_35 = vector.load %arg8[%get3A_33, %get3A_34] : memref<128x128xf32, #tpu.memory_space<vmem>>, vector<128x128xf32>
    %dot_general3A_36 = arith.constant dense<0.000000e+00> : vector<2000x128xf32>
    %dot_general3A_37 = tpu.matmul %max3A_32, %get3A_35, %dot_general3A_36 {dimension_numbers = #tpu.dot_dimension_numbers<[1], [0], [0], [1], [0, 0, 1, 1], [], []>, transpose_lhs_hint = false} : vector<2000x128xf32>, vector<128x128xf32>, vector<2000x128xf32> -> vector<2000x128xf32>
    %get3A_38 = arith.constant 0 : index
    %get3A_39 = arith.constant 0 : index
    %get3A_40 = vector.load %arg9[%get3A_38, %get3A_39] : memref<1x128xf32, #tpu.memory_space<vmem>>, vector<1x128xf32>
    %add3A_41 = vector.broadcast %get3A_40 : vector<1x128xf32> to vector<2000x128xf32>
    %add3A_42 = arith.addf %dot_general3A_37, %add3A_41 : vector<2000x128xf32>
    %reduce_sum3A = arith.constant dense<0.000000e+00> : vector<2000xf32>
    %reduce_sum3A_43 = vector.multi_reduction <add>, %add3A_42, %reduce_sum3A [1] : vector<2000x128xf32> to vector<2000xf32>
    %broadcast_in_dim3A = vector.shape_cast %reduce_sum3A_43 : vector<2000xf32> to vector<2000x1xf32>
    %div3A = arith.constant 1.280000e+02 : f32
    %div3A_44 = vector.broadcast %div3A : f32 to vector<2000x1xf32>
    %div3A_45 = arith.divf %broadcast_in_dim3A, %div3A_44 : vector<2000x1xf32>
    %sub3A = vector.broadcast %div3A_45 : vector<2000x1xf32> to vector<2000x128xf32>
    %sub3A_46 = arith.subf %add3A_42, %sub3A : vector<2000x128xf32>
    %mul3A = arith.mulf %sub3A_46, %sub3A_46 : vector<2000x128xf32>
    %reduce_sum3A_47 = arith.constant dense<0.000000e+00> : vector<2000xf32>
    %reduce_sum3A_48 = vector.multi_reduction <add>, %mul3A, %reduce_sum3A_47 [1] : vector<2000x128xf32> to vector<2000xf32>
    %broadcast_in_dim3A_49 = vector.shape_cast %reduce_sum3A_48 : vector<2000xf32> to vector<2000x1xf32>
    %div3A_50 = arith.constant 1.280000e+02 : f32
    %div3A_51 = vector.broadcast %div3A_50 : f32 to vector<2000x1xf32>
    %div3A_52 = arith.divf %broadcast_in_dim3A_49, %div3A_51 : vector<2000x1xf32>
    %add3A_53 = arith.constant 9.99999974E-6 : f32
    %add3A_54 = vector.broadcast %add3A_53 : f32 to vector<2000x1xf32>
    %add3A_55 = arith.addf %div3A_52, %add3A_54 : vector<2000x1xf32>
    %rsqrt3A = math.rsqrt %add3A_55 : vector<2000x1xf32>
    %mul3A_56 = vector.broadcast %rsqrt3A : vector<2000x1xf32> to vector<2000x128xf32>
    %mul3A_57 = arith.mulf %sub3A_46, %mul3A_56 : vector<2000x128xf32>
    %get3A_58 = arith.constant 0 : index
    %get3A_59 = arith.constant 0 : index
    %get3A_60 = vector.load %arg10[%get3A_58, %get3A_59] : memref<1x128xf32, #tpu.memory_space<vmem>>, vector<1x128xf32>
    %mul3A_61 = vector.broadcast %get3A_60 : vector<1x128xf32> to vector<2000x128xf32>
    %mul3A_62 = arith.mulf %mul3A_57, %mul3A_61 : vector<2000x128xf32>
    %get3A_63 = arith.constant 0 : index
    %get3A_64 = arith.constant 0 : index
    %get3A_65 = vector.load %arg11[%get3A_63, %get3A_64] : memref<1x128xf32, #tpu.memory_space<vmem>>, vector<1x128xf32>
    %add3A_66 = vector.broadcast %get3A_65 : vector<1x128xf32> to vector<2000x128xf32>
    %add3A_67 = arith.addf %mul3A_62, %add3A_66 : vector<2000x128xf32>
    %swap3A = arith.constant 0 : index
    %swap3A_68 = arith.constant 0 : index
    %swap3A_69 = vector.load %arg12[%swap3A, %swap3A_68] : memref<2000x128xf32, #tpu.memory_space<vmem>>, vector<2000x128xf32>
    tpu.vector_store %arg12[%swap3A, %swap3A_68], %add3A_67 {strides = array<i32>} : memref<2000x128xf32, #tpu.memory_space<vmem>>, vector<2000x128xf32>,
    %add3A_70 = arith.addf %get3A_1, %add3A_67 : vector<2000x128xf32>
    %swap3A_71 = arith.constant 0 : index
    %swap3A_72 = arith.constant 0 : index
    %swap3A_73 = vector.load %arg13[%swap3A_71, %swap3A_72] : memref<2000x128xf32, #tpu.memory_space<vmem>>, vector<2000x128xf32>
    tpu.vector_store %arg13[%swap3A_71, %swap3A_72], %add3A_70 {strides = array<i32>} : memref<2000x128xf32, #tpu.memory_space<vmem>>, vector<2000x128xf32>,
    return
  }
  func.func @transform_0(%arg0: i32) -> (i32, i32) {
    %add3A = arith.constant 0 : i32
    %add3A_0 = arith.addi %add3A, %arg0 : i32
    %c0_i32 = arith.constant 0 : i32
    %c0_i32_1 = arith.constant 0 : i32
    return %add3A_0, %c0_i32 : i32, i32
  }
  func.func @transform_1(%arg0: i32) -> (i32, i32) {
    %c0_i32 = arith.constant 0 : i32
    %c0_i32_0 = arith.constant 0 : i32
    return %arg0, %c0_i32 : i32, i32
  }
  func.func @transform_2(%arg0: i32) -> (i32, i32) {
    %c0_i32 = arith.constant 0 : i32
    %c0_i32_0 = arith.constant 0 : i32
    return %arg0, %c0_i32 : i32, i32
  }
  func.func @transform_3(%arg0: i32) -> (i32, i32) {
    %c0_i32 = arith.constant 0 : i32
    %c0_i32_0 = arith.constant 0 : i32
    %c0_i32_1 = arith.constant 0 : i32
    return %c0_i32, %c0_i32_0 : i32, i32
  }
  func.func @transform_4(%arg0: i32) -> (i32, i32) {
    %c0_i32 = arith.constant 0 : i32
    %c0_i32_0 = arith.constant 0 : i32
    %c0_i32_1 = arith.constant 0 : i32
    return %c0_i32, %c0_i32_0 : i32, i32
  }
  func.func @transform_5(%arg0: i32) -> (i32, i32) {
    %c0_i32 = arith.constant 0 : i32
    %c0_i32_0 = arith.constant 0 : i32
    %c0_i32_1 = arith.constant 0 : i32
    return %c0_i32, %c0_i32_0 : i32, i32
  }
  func.func @transform_6(%arg0: i32) -> (i32, i32) {
    %c0_i32 = arith.constant 0 : i32
    %c0_i32_0 = arith.constant 0 : i32
    %c0_i32_1 = arith.constant 0 : i32
    return %c0_i32, %c0_i32_0 : i32, i32
  }
  func.func @transform_7(%arg0: i32) -> (i32, i32) {
    %c0_i32 = arith.constant 0 : i32
    %c0_i32_0 = arith.constant 0 : i32
    %c0_i32_1 = arith.constant 0 : i32
    return %c0_i32, %c0_i32_0 : i32, i32
  }
  func.func @transform_8(%arg0: i32) -> (i32, i32) {
    %c0_i32 = arith.constant 0 : i32
    %c0_i32_0 = arith.constant 0 : i32
    %c0_i32_1 = arith.constant 0 : i32
    return %c0_i32, %c0_i32_0 : i32, i32
  }
  func.func @transform_9(%arg0: i32) -> (i32, i32) {
    %c0_i32 = arith.constant 0 : i32
    %c0_i32_0 = arith.constant 0 : i32
    %c0_i32_1 = arith.constant 0 : i32
    return %c0_i32, %c0_i32_0 : i32, i32
  }
  func.func @transform_10(%arg0: i32) -> (i32, i32) {
    %c0_i32 = arith.constant 0 : i32
    %c0_i32_0 = arith.constant 0 : i32
    %c0_i32_1 = arith.constant 0 : i32
    return %c0_i32, %c0_i32_0 : i32, i32
  }
  func.func @transform_11(%arg0: i32) -> (i32, i32) {
    %c0_i32 = arith.constant 0 : i32
    %c0_i32_0 = arith.constant 0 : i32
    return %arg0, %c0_i32 : i32, i32
  }
  func.func @transform_12(%arg0: i32) -> (i32, i32) {
    %c0_i32 = arith.constant 0 : i32
    %c0_i32_0 = arith.constant 0 : i32
    return %arg0, %c0_i32 : i32, i32
  }
}

</mosaic_0001>

<sc_bundles>
// kernel: kernel.18.cloned.1.call-start
scs
__scs_entry_jumppad:
0x0: {  	(pc) =	sbr.rel $0x88, $3  }
0x1: {  	(tag) =	ssettag $0x0;
	lr =	simm.s32 $0x1  }
0x2: {  	[smem:$0x3F7E] =	sst lr;
	_ =	strace $0xD0000000  }
0x3: {  	_ = 	snop  }
0x4: {  	_ = 	snop  }
0x5: {  	_ = 	snop  }
0x6: {  	_ = 	snop  }
0x7: {  	_ = 	snop  }
__scs_overlays_trampoline_lowered:
0x8: {  	[smem:$0x3F8D] =	sst s0  }
0x9: {  	[smem:$0x3F8E] =	sst s1  }
0xa: {  	[smem:$0x3F8F] =	sst s2  }
0xb: {  	[smem:$0x3F90] =	sst s3  }
0xc: {  	[smem:$0x3F91] =	sst s4  }
0xd: {  	[smem:$0x3F92] =	sst s5  }
0xe: {  	[smem:$0x3F93] =	sst s6  }
0xf: {  	[smem:$0x3F94] =	sst s7  }
0x10: {  	[smem:$0x3F95] =	sst s8  }
0x11: {  	[smem:$0x3F96] =	sst s9;
	s0 =	simm.s32 @!p0 $0x0  }
0x12: {  	s1 =	sld [smem:$0x3F7C];
	s0 =	simm.s32 @p0 $0x1  }
0x13: {  	[smem:$0x3F97] =	sst s0;
	s0 =	simm.s32 @!p1 $0x0  }
0x14: {  	s2 =	sld [smem:$0x3F7B];
	s0 =	simm.s32 @p1 $0x1  }
0x15: {  	[smem:$0x3F98] =	sst s0;
	s0 =	simm.s32 @!p2 $0x0  }
0x16: {  	s3 =	sld [smem:$0x3FDB];
	s0 =	simm.s32 @p2 $0x1  }
0x17: {  	s4 =	simm.s32 $0x1BF5;
	[smem:$0x3F9A] =	sst s0  }
0x18: {  	s0 =	sld [smem:$0x3F7D];
	_ =	swait.ge [sflag:s4], $0x0  }
0x19: {  	s7 =	sld [smem:$0x3F7E]  }
0x1a: {  	s8 =	sadd.s32 $0xFFFFE003, lr  }
0x1b: {  	s9 =	sadd.s32 $0xFFFFFEF7, lr;
	s5 =	simm.s32 $0xFFFFFFFF;
	p2 =	slt.u32 s8, $0xFFFFF086  }
0x1c: {  	p1 =	slt.u32 s9, $0xF7A;
	s5 =	simm.s32 @!p2 $0x0  }
0x1d: {  	s5 =	simm.s32 @p1 $0x1;
	p0 =	seq.s32 s7, s2  }
0x1e: {  	s7 =	smul.u32 @!p0 $0xF7A, s2;
	p2 =	seq.s32 @!p0 s5, $0x0  }
0x1f: {  	s9 =	smul.u32 $0xF7A, s1;
	s8 =	simm.s32 @!p0 $0x1BF5;
	p2 =	por !p2, p0  }
0x20: {  	[sflag:s8] =	ssyncset.s32 @!p0 $0xFFFFF086;
	s6 =	sadd.s32 @!p0 s3, s7;
	s7 =	simm.s32 @!p0 $0x108  }
0x21: {  	s3 =	sadd.s32 s3, s9;
	s6 =	sadd.s32 @!p0 $0x88, s6;
	s7 =	simm.s32 @p2 $0x1082  }
0x22: {  	[simem:s7], [sflag:s8] =	dma.local @!p0 [hbm:s6], $0xF7A  }
0x23: {  	s9 =	sor.u32 $0xD0000000, s2;
	s6 =	simm.s32 $0x108;
	_ =	swait.ge @!p0 [sflag:s8], $0x0  }
0x24: {  	s3 =	sadd.s32 $0x88, s3;
	s6 =	simm.s32 @!p1 $0x1082;
	[sflag:s4] =	ssyncset.s32 $0xFFFFF086  }
0x25: {  	[simem:s6], [sflag:s4] =	dma.local [hbm:s3], $0xF7A  }
0x26: {  	[smem:$0x3F7E] =	sst s1;
	(tag) =	ssettag s2;
	_ =	strace s9  }
0x27: {  	s1 =	sld [smem:$0x3F8E]  }
0x28: {  	s2 =	sld [smem:$0x3F8F]  }
0x29: {  	s4 =	sld [smem:$0x3F91]  }
0x2a: {  	p0 =	seq.s32 s5, $0x0;
	s5 =	sld [smem:$0x3F92]  }
0x2b: {  	s6 =	sld [smem:$0x3F93]  }
0x2c: {  	s7 =	sld [smem:$0x3F94]  }
0x2d: {  	s3 =	simm.s32 $0x108;
	s8 =	sld [smem:$0x3F95]  }
0x2e: {  	s3 =	simm.s32 @!p0 $0x1082;
	s9 =	sld [smem:$0x3F96]  }
0x2f: {  	lr =	sadd.s32 s0, s3;
	s0 =	sld [smem:$0x3F8D]  }
0x30: {  	s3 =	sld [smem:$0x3F90]  }
0x31: {  	[smem:$0x3F99] =	sst s10  }
0x32: {  	s10 =	sld [smem:$0x3F97];
	_ =	sdelay $0x3  }
0x33: {  	p0 =	seq.s32 s10, $0x1;
	s10 =	sld [smem:$0x3F99];
	_ =	sdelay $0x3  }
0x34: {  	[smem:$0x3F99] =	sst s10  }
0x35: {  	s10 =	sld [smem:$0x3F98];
	_ =	sdelay $0x3  }
0x36: {  	p1 =	seq.s32 s10, $0x1;
	s10 =	sld [smem:$0x3F99];
	_ =	sdelay $0x3  }
0x37: {  	[smem:$0x3F99] =	sst s10  }
0x38: {  	s10 =	sld [smem:$0x3F9A]  }
0x39: {  	_ = 	snop;
	(pc) =	sbr.ind lr, $3  }
0x3a: {  	_ = 	snop  }
0x3b: {  	_ = 	snop  }
0x3c: {  	p2 =	seq.s32 s10, $0x1;
	s10 =	sld [smem:$0x3F99]  }
0x3d: {  	_ =	shalt  }
0x3e: {  	_ =	shalt  }
0x3f: {  	_ =	shalt  }
0x40: {  	_ =	shalt  }
0x41: {  	_ =	shalt  }
0x42: {  	_ =	shalt  }
0x43: {  	_ =	shalt  }
0x44: {  	_ =	shalt  }
0x45: {  	_ =	shalt  }
0x46: {  	_ =	shalt  }
0x47: {  	_ =	shalt  }
0x48: {  	_ =	shalt  }
0x49: {  	_ =	shalt  }
0x4a: {  	_ =	shalt  }
0x4b: {  	_ =	shalt  }
0x4c: {  	_ =	shalt  }
0x4d: {  	_ =	shalt  }
0x4e: {  	_ =	shalt  }
0x4f: {  	_ =	shalt  }
0x50: {  	_ =	shalt  }
0x51: {  	_ =	shalt  }
0x52: {  	_ =	shalt  }
0x53: {  	_ =	shalt  }
0x54: {  	_ =	shalt  }
0x55: {  	_ =	shalt  }
0x56: {  	_ =	shalt  }
0x57: {  	_ =	shalt  }
0x58: {  	_ =	shalt  }
0x59: {  	_ =	shalt  }
0x5a: {  	_ =	shalt  }
0x5b: {  	_ =	shalt  }
0x5c: {  	_ =	shalt  }
0x5d: {  	_ =	shalt  }
0x5e: {  	_ =	shalt  }
0x5f: {  	_ =	shalt  }
0x60: {  	_ =	shalt  }
0x61: {  	_ =	shalt  }
0x62: {  	_ =	shalt  }
0x63: {  	_ =	shalt  }
0x64: {  	_ =	shalt  }
0x65: {  	_ =	shalt  }
0x66: {  	_ =	shalt  }
0x67: {  	_ =	shalt  }
0x68: {  	_ =	shalt  }
0x69: {  	_ =	shalt  }
0x6a: {  	_ =	shalt  }
0x6b: {  	_ =	shalt  }
0x6c: {  	_ =	shalt  }
0x6d: {  	_ =	shalt  }
0x6e: {  	_ =	shalt  }
0x6f: {  	_ =	shalt  }
0x70: {  	_ =	shalt  }
0x71: {  	_ =	shalt  }
0x72: {  	_ =	shalt  }
0x73: {  	_ =	shalt  }
0x74: {  	_ =	shalt  }
0x75: {  	_ =	shalt  }
0x76: {  	_ =	shalt  }
0x77: {  	_ =	shalt  }
0x78: {  	_ =	shalt  }
0x79: {  	_ =	shalt  }
0x7a: {  	_ =	shalt  }
0x7b: {  	_ =	shalt  }
0x7c: {  	_ =	shalt  }
0x7d: {  	_ =	shalt  }
0x7e: {  	_ =	shalt  }
0x7f: {  	_ =	shalt  }
0x80: {  	_ =	shalt  }
0x81: {  	_ =	shalt  }
0x82: {  	_ =	shalt  }
0x83: {  	_ =	shalt  }
0x84: {  	_ =	shalt  }
0x85: {  	_ =	shalt  }
0x86: {  	_ =	shalt  }
0x87: {  	_ =	shalt  }
.Lfunc_end0:
.L_simem_size_0:
called_computation_lowered:
.L_overlay_start_0:
0x88: {  	s2 =	sld [smem:$0x3FD9]  }
0x89: {  	s3 =	sld [smem:$0x3FFE];
	_ =	sdelay $0x1  }
0x8a: {  	s1 =	srdreg.scid  }
0x8b: {  	s0 =	sand.u32 $0x1, s1  }
0x8c: {  	s14 =	sshll.u32 s0, $0xA;
	s2 =	sadd.s32 s3, s2  }
0x8d: {  	s2 =	sadd.s32 s2, s14  }
0x8e: {  	[smem:$0x3FA5] =	sst s2  }
0x8f: {  	_ = 	snop  }
0x90: {  	s2 =	sld [smem:$0x3FD0];
	_ =	sdelay $0x2  }
0x91: {  	s15 =	simm.s32 $0xB;
	s4 =	simm.s32 $0x10  }
0x92: {  	[smem:s4], [sflag:s15] =	dma.local [hbm:s2], $0x1  }
0x93: {  	_ =	swait.eq [sflag:s15], $0x1  }
0x94: {  	[sflag:s15] =	ssyncset.done $0x0  }
0x95: {  	[sflag:s15] =	ssyncadd.s32 $0xFFFFFFFF  }
0x96: {  	s16 =	sld [smem:$0x12];
	(tm) =	ssettm $0x1  }
0x97: {  	s17 =	sld [smem:$0x3FFB];
	_ =	sdelay $0x3  }
0x98: {  	_ =	strace s17  }
0x99: {  	s3 =	sld [smem:$0x3FFC];
	_ =	sdelay $0x3  }
0x9a: {  	_ =	strace s3  }
0x9b: {  	s3 =	sld [smem:$0x3FFD];
	_ =	sdelay $0x3  }
0x9c: {  	_ =	strace s3  }
0x9d: {  	_ =	strace $0x8FFFFFFF  }
0x9e: {  	s18 =	sld [smem:$0x3FDB];
	_ =	sdelay $0x1  }
0x9f: {  	s19 =	simm.s32 $_scs_section_size  }
0xa0: {  	s5 =	simm.s32 $_size__tile_overlayer_lowered;
	s6 =	simm.s32 $_tile_overlayer_lowered  }
0xa1: {  	s22 =	simm.s32 $0x1BFF;
	s21 =	sshll.u32 s6, $0x1;
	s3 =	sadd.s32 s19, s18  }
0xa2: {  	s7 =	simm.s32 $0x0;
	s20 =	sshll.u32 s5, $0x1;
	s5 =	sadd.s32 s21, s3  }
0xa3: {  	[timem:s7], [sflag:s22] =	dma.local [hbm:s5], s20  }
0xa4: {  	_ =	swait.ge [sflag:s22], s20  }
0xa5: {  	s4 =	ssub.s32 $0x0, s20;
	[sflag:s22] =	ssyncset.done $0x0  }
0xa6: {  	[sflag:s22] =	ssyncadd.s32 s4;
	_ =	sdelay $0x1  }
0xa7: {  	s23 =	simm.s32 $0x1B8B  }
0xa8: {  	_ =	swait.ge [sflag:s23], $0x1  }
0xa9: {  	[sflag:s23] =	ssyncset.done $0x0  }
0xaa: {  	s25 =	simm.s32 $0x1B8E;
	s24 =	sld [smem:$0x3FFE];
	[sflag:s23] =	ssyncadd.s32 $0xFFFFFFFF  }
0xab: {  	s26 =	simm.s32 $execute0_lowered;
	[smem:$0x3FD2] =	sst s25  }
0xac: {  	s5 =	sshll.u32 s26, $0x1;
	_ =	strace $0x80000046;
	[dreg:$0x1] =	wrdreg $0xFFFFFFFF  }
0xad: {  	s28 =	simm.s32 $_size_execute0_lowered;
	s3 =	sadd.s32 s3, s5;
	[dreg:$0x0] =	wrdreg $0x0  }
0xae: {  	s5 =	sshll.u32 s28, $0x1;
	[dreg:$0x2] =	wrdreg s3  }
0xaf: {  	[dreg:$0x3] =	wrdreg s5  }
0xb0: {  	[dreg:$0x4] =	wrdreg $0xC0  }
0xb1: {  	_ =	task [dreg:s7], $0x5FFFF  }
0xb2: {  	[dreg:$0x1] =	wrdreg $0xFFFFFFFF  }
0xb3: {  	[dreg:$0x0] =	wrdreg $0x60  }
0xb4: {  	[dreg:$0x2] =	wrdreg s24  }
0xb5: {  	[dreg:$0x3] =	wrdreg s16  }
0xb6: {  	[dreg:$0x4] =	wrdreg $0x9  }
0xb7: {  	_ =	task.clear_ibuf [dreg:s7], $0x5FFFF;
	_ =	strace $0x90000046  }
0xb8: {  	s29 =	simm.s32 $0x9;
	_ =	strace $0x80000048  }
0xb9: {  	_ =	swait.ge [sflag:s29], $0x1  }
0xba: {  	[sflag:s29] =	ssyncadd.s32 $0xFFFFFFFF  }
0xbb: {  	_ =	strace $0x90000048  }
0xbc: {  	_ =	sfence  }
0xbd: {  	s30 =	sld [smem:$0x0];
	_ =	sdelay $0x2  }
0xbe: {  	s31 =	sshll.u32 s1, $0xD;
	s1 =	sshrl.u32 s1, $0x2  }
0xbf: {  	s3 =	sand.u32 $0x4000, s31;
	s1 =	sadd.s32 s1, s30  }
0xc0: {  	s0 =	sor.u32 s3, s0;
	s1 =	sshll.u32 s1, $0x11  }
0xc1: {  	s0 =	sor.u32 s1, s0  }
0xc2: {  	s0 =	sadd.s32 $0x8F2B, s0  }
0xc3: {  	[sflag:s0] =	ssyncadd.remote.s32 $0x1  }
0xc4: {  	_ =	sfence.sel $0xFFFF  }
0xc5: {  	[dreg:$0x0] =	wrdreg $0xFFFFFFFF;
	(pc) =	sbr.abs _section_cstart, $3  }
0xc6: {  	[dreg:$0x1] =	wrdreg $0xFFFFFFFF  }
0xc7: {  	_ =	task.clear_ibuf [dreg:s7], $0x2FFFF;
	_ =	strace $0x9FFFFFFF  }
0xc8: {  	(tm) =	ssettm $0x7FFFFFFF  }
0xc9: {  	_ =	shalt  }
tec
execute0_lowered:
.L_overlay_start_1:
0x0: {  	(tag) =	ssettag $0x1  }
0x1: {  	s0 =	rddreg [dreg:$0x0]  }
0x2: {  	s2 =	rddreg [dreg:$0x1];
	s3 =	simm.s32 $0x0;
	s1 =	srdreg.scid  }
0x3: {  	s12 =	stileid.u32;
	s15 =	simm.s32 $0x80;
	s16 =	simm.s32 $0x400  }
0x4: {  	s17 =	simm.s32 $0x100;
	s18 =	simm.s32 $0x200;
	s21 =	simm.s32 $0x300  }
0x5: {  	s28 =	simm.s32 $0x5;
	s29 =	simm.s32 $0x7;
	s30 =	simm.s32 $0x8  }
0x6: {  	s31 =	simm.s32 $0x9;
	[smem:$0x7FF] =	sst s3;
	s8 =	smul.u32 $0x27100, s12  }
0x7: {  	s1 =	sand.u32 $0x1, s1;
	s4 =	sshll.u32 s12, $0x1;
	s23 =	smul.u32 $0x2710, s12  }
0x8: {  	s5 =	sadd.s32 $0x8FC00, s0;
	s7 =	sadd.s32 $0x300C00, s0;
	s11 =	smul.u32 $0x13880, s1  }
0x9: {  	s6 =	sor.u32 s1, s4;
	s22 =	ssub.s32 $0x2, s1;
	s1 =	smul.u32 $0x1388, s1  }
0xa: {  	_ =	strace $0x80000047;
	s4 =	sadd.s32 $0x3FC00, s0;
	s6 =	smul.u32 $0x3800, s6  }
0xb: {  	s9 =	sshrl.u32 s22, $0x1;
	s25 =	sadd.s32 s8, s7;
	s8 =	sadd.s32 s8, s5  }
0xc: {  	s0 =	ssub.s32 s22, s9;
	s12 =	sadd.s32 s11, s25;
	s13 =	sadd.s32 s11, s8  }
0xd: {  	s26 =	sadd.s32 s1, s23;
	s23 =	simm.s32 $0x6700;
	s10 =	sshrl.u32 s6, $0x3  }
.Ltmp0:
0xe: {  	s0 =	smax.u32 s0, $0x1;
	[dreg:$0x7] =	wrdreg s26;
	(pc) =	sbr.rel .LBB2_1-.Ltmp0, $4  }
0xf: {  	s25 =	simm.s32 $0xCB00;
	s10 =	sadd.s32 s2, s10;
	[dreg:$0x6] =	wrdreg s0  }
0x10: {  	s1 =	simm.s32 $0x0;
	s24 =	sadd.s32 $0x10, s10;
	[dreg:$0x3] =	wrdreg s10  }
0x11: {  	s26 =	simm.s32 $0x4;
	s10 =	sadd.s32 $0x20, s10;
	[dreg:$0x4] =	wrdreg s24  }
0x12: {  	s0 =	simm.s32 $0x6;
	[dreg:$0x5] =	wrdreg s10;
	s24 =	simm.s32 $0x3  }
.LBB2_13:
0x13: {  	_ =	swait.ge [sflag:s29], $0x6400  }
0x14: {  	[sflag:s29] =	ssyncset.done $0x0  }
0x15: {  	[sflag:s29] =	ssyncadd.s32 $0xFFFF9C00  }
0x16: {  	_ =	swait.ge [sflag:s30], $0x6400  }
0x17: {  	[sflag:s30] =	ssyncset.done $0x0  }
0x18: {  	[sflag:s30] =	ssyncadd.s32 $0xFFFF9C00  }
0x19: {  	_ =	swait.ge [sflag:s31], $0x6400  }
0x1a: {  	s1 =	sadd.s32 $0x1, s1;
	s8 =	rddreg [dreg:$0x6]  }
0x1b: {  	p0 =	sne.s32 s1, s8  }
.Ltmp1:
0x1c: {  	_ = 	snop;
	(pc) =	sbr.rel @!p0 .LBB2_14-.Ltmp1, $3  }
0x1d: {  	_ =	sdelay $0x1  }
0x1e: {  	[sflag:s31] =	ssyncset.done $0x0  }
0x1f: {  	[sflag:s31] =	ssyncadd.s32 $0xFFFF9C00  }
.LBB2_1:
0x20: {  	s8 =	rddreg [dreg:$0x3]  }
0x21: {  	[tilespmem:s3], [sflag:$0x1] =	stream.strided.gather [hbm4b:s8+s15], $0x100, s16, s15, $0x38;
	[tilespmem:$0x12F00] =	vst v63  }
0x22: {  	s14 =	rddreg [dreg:$0x4]  }
0x23: {  	[tilespmem:s17], [sflag:$0x2] =	stream.strided.gather [hbm4b:s14+s15], $0x100, s16, s15, $0x38;
	[tilespmem:$0x12F00] =	vst v63  }
0x24: {  	s19 =	rddreg [dreg:$0x5];
	s20 =	simm.s32 $0x1  }
0x25: {  	[tilespmem:s18], [sflag:$0x3] =	stream.strided.gather [hbm4b:s19+s15], $0x100, s16, s15, $0x38;
	[tilespmem:$0x12F00] =	vst v63  }
0x26: {  	_ =	swait.ge [sflag:s20], $0x100  }
0x27: {  	[sflag:s20] =	ssyncset.done $0x0  }
0x28: {  	s22 =	simm.s32 $0xC8;
	s9 =	simm.s32 $0x2;
	[sflag:s20] =	ssyncadd.s32 $0xFFFFFF00  }
0x29: {  	[tilespmem:s21], [sflag:$0x4] =	stream.indirect.gather [hbm4b:s4+s22], $0x80, s3, s22, $0xb8;
	[tilespmem:$0x12F00] =	vst v63  }
0x2a: {  	_ =	swait.ge [sflag:s9], $0x100  }
0x2b: {  	[sflag:s9] =	ssyncset.done $0x0  }
0x2c: {  	[sflag:s9] =	ssyncadd.s32 $0xFFFFFF00  }
0x2d: {  	[tilespmem:s23], [sflag:$0x5] =	stream.indirect.gather [hbm4b:s4+s22], $0x80, s17, s22, $0xb8;
	[tilespmem:$0x12F00] =	vst v63  }
.Ltmp2:
0x2e: {  	_ = 	snop;
	(pc) =	sbr.rel .LBB2_2-.Ltmp2, $4  }
0x2f: {  	s10 =	simm.s32 $0x500;
	_ =	swait.ge [sflag:s24], $0x100  }
0x30: {  	s11 =	simm.s32 $0x0;
	s8 =	simm.s32 $0x0;
	[sflag:s24] =	ssyncset.done $0x0  }
0x31: {  	s9 =	simm.s32 $0x280;
	s14 =	rddreg [dreg:$0x7];
	[sflag:s24] =	ssyncadd.s32 $0xFFFFFF00  }
0x32: {  	[tilespmem:s25], [sflag:$0x6] =	stream.indirect.gather [hbm4b:s4+s22], $0x80, s18, s22, $0xb8;
	[tilespmem:$0x12F00] =	vst v63  }
.LBB2_8:
0x33: {  	s19 =	sadd.s32 s11, s13  }
0x34: {  	s19 =	sadd.s32 $0x1900, s19  }
0x35: {  	[hbm4b:s19+s3] =	stream.linear.scatter [tilespmem:s25], [sflag:$0x9], $0x6400, $0x38;
	[tilespmem:$0x12F00] =	vst v63  }
.LBB2_11:
0x36: {  	s19 =	sand.u32 $0x7800, s10  }
0x37: {  	s20 =	sand.u32 $0x380, s9;
	s19 =	sadd.s32 s6, s19  }
0x38: {  	s19 =	sor.u32 s20, s19  }
0x39: {  	s19 =	sshrl.u32 s19, $0x3  }
0x3a: {  	p1 =	por $0x1, $0x1;
	s19 =	sadd.s32 s2, s19  }
0x3b: {  	[tilespmem:s18], [sflag:$0x3] =	stream.strided.gather [hbm4b:s19+s15], $0x100, s16, s15, $0x38;
	[tilespmem:$0x12F00] =	vst v63  }
.LBB2_12:
0x3c: {  	s19 =	simm.s32 @!p0 $0x7  }
0x3d: {  	_ =	swait.ge @!p0 [sflag:s19], $0x6400  }
0x3e: {  	[sflag:s19] =	ssyncset.done @!p0 $0x0  }
0x3f: {  	[sflag:s19] =	ssyncadd.s32 @!p0 $0xFFFF9C00;
	s19 =	simm.s32 @!p0 $0x1  }
0x40: {  	_ =	swait.ge @!p0 [sflag:s19], $0x100  }
0x41: {  	s20 =	simm.s32 @!p0 $0x0;
	[sflag:s19] =	ssyncset.done @!p0 $0x0  }
0x42: {  	s22 =	simm.s32 @!p0 $0x300;
	[sflag:s19] =	ssyncadd.s32 @!p0 $0xFFFFFF00;
	s19 =	simm.s32 @!p0 $0xC8  }
0x43: {  	[tilespmem:s22], [sflag:$0x4] =	stream.indirect.gather @!p0 [hbm4b:s4+s19], $0x80, s20, s19, $0xb8;
	[tilespmem:$0x12F00] =	vst v63  }
0x44: {  	s20 =	simm.s32 @!p0 $0x8  }
0x45: {  	_ =	swait.ge @!p0 [sflag:s20], $0x6400  }
0x46: {  	[sflag:s20] =	ssyncset.done @!p0 $0x0  }
0x47: {  	[sflag:s20] =	ssyncadd.s32 @!p0 $0xFFFF9C00;
	s20 =	simm.s32 @!p0 $0x2  }
0x48: {  	_ =	swait.ge @!p0 [sflag:s20], $0x100  }
0x49: {  	[sflag:s20] =	ssyncset.done @!p0 $0x0  }
0x4a: {  	s22 =	simm.s32 @!p0 $0x6700;
	[sflag:s20] =	ssyncadd.s32 @!p0 $0xFFFFFF00;
	s20 =	simm.s32 @!p0 $0x100  }
0x4b: {  	[tilespmem:s22], [sflag:$0x5] =	stream.indirect.gather @!p0 [hbm4b:s4+s19], $0x80, s20, s19, $0xb8;
	[tilespmem:$0x12F00] =	vst v63  }
0x4c: {  	s19 =	simm.s32 @p1 $0x9  }
0x4d: {  	s11 =	sadd.s32 $0x2580, s11;
	_ =	swait.ge @p1 [sflag:s19], $0x6400  }
0x4e: {  	s8 =	sadd.s32 $0x1, s8;
	p0 =	sne.s32 s11, $0x27D80;
	[sflag:s19] =	ssyncset.done @p1 $0x0  }
.Ltmp3:
0x4f: {  	[sflag:s19] =	ssyncadd.s32 @p1 $0xFFFF9C00;
	s19 =	simm.s32 @p1 $0x3;
	(pc) =	sbr.rel @!p0 .LBB2_13-.Ltmp3, $4  }
0x50: {  	s14 =	sadd.s32 $0x258, s14;
	s9 =	sadd.s32 $0x180, s9;
	_ =	swait.ge @p1 [sflag:s19], $0x100  }
0x51: {  	s10 =	sadd.s32 $0x300, s10;
	s20 =	simm.s32 @p1 $0x200;
	[sflag:s19] =	ssyncset.done @p1 $0x0  }
0x52: {  	s22 =	simm.s32 @p1 $0xCB00;
	[sflag:s19] =	ssyncadd.s32 @p1 $0xFFFFFF00;
	s19 =	simm.s32 @p1 $0xC8  }
0x53: {  	[tilespmem:s22], [sflag:$0x6] =	stream.indirect.gather @p1 [hbm4b:s4+s19], $0x80, s20, s19, $0xb8;
	[tilespmem:$0x12F00] =	vst v63  }
.LBB2_2:
0x54: {  	p0 =	sgt.u32 s8, $0x8  }
.Ltmp4:
0x55: {  	_ = 	snop;
	(pc) =	sbr.rel @p0 .LBB2_4-.Ltmp4, $4  }
0x56: {  	_ = 	snop  }
0x57: {  	_ =	swait.ge [sflag:s26], $0x6400  }
0x58: {  	[sflag:s26] =	ssyncset.done $0x0  }
0x59: {  	[sflag:s26] =	ssyncadd.s32 $0xFFFF9C00  }
.Ltmp5:
0x5a: {  	(pc) =	sbr.rel .LBB2_5-.Ltmp5, $3  }
0x5b: {  	_ =	sdelay $0x1  }
0x5c: {  	s19 =	sadd.s32 s11, s13  }
0x5d: {  	[hbm4b:s19+s3] =	stream.linear.scatter [tilespmem:s21], [sflag:$0x7], $0x6400, $0x38;
	[tilespmem:$0x12F00] =	vst v63  }
.LBB2_4:
0x5e: {  	p1 =	seq.s32 s11, $0x25800  }
.Ltmp6:
0x5f: {  	_ = 	snop;
	(pc) =	sbr.rel @p1 .LBB2_6-.Ltmp6, $4  }
0x60: {  	_ = 	snop  }
0x61: {  	s19 =	sadd.s32 s11, s12  }
0x62: {  	p0 =	por $0x1, $0x1;
	s19 =	sadd.s32 $0xFFFEC780, s19  }
0x63: {  	[hbm4b:s19+s3] =	stream.linear.scatter [tilespmem:s21], [sflag:$0x7], $0x6400, $0x38;
	[tilespmem:$0x12F00] =	vst v63  }
.LBB2_5:
0x64: {  	s19 =	sadd.s32 $0xFFFFFE00, s10  }
0x65: {  	s20 =	sadd.s32 $0xFFFFFF00, s9;
	s19 =	sand.u32 $0xF800, s19  }
0x66: {  	s20 =	sand.u32 $0x380, s20;
	s19 =	sadd.s32 s6, s19  }
0x67: {  	s19 =	sor.u32 s20, s19  }
0x68: {  	s19 =	sshrl.u32 s19, $0x3  }
0x69: {  	p0 =	por $0x0, $0x0;
	s19 =	sadd.s32 s2, s19  }
0x6a: {  	[tilespmem:s3], [sflag:$0x1] =	stream.strided.gather [hbm4b:s19+s15], $0x100, s16, s15, $0x38;
	[tilespmem:$0x12F00] =	vst v63  }
.LBB2_6:
0x6b: {  	p1 =	sgt.u32 s8, $0x7;
	s19 =	simm.s32 $0xFFFFED40  }
.Ltmp7:
0x6c: {  	s19 =	simm.s32 @!p1 $0xC8;
	(pc) =	sbr.rel @p0 .LBB2_10-.Ltmp7, $4  }
0x6d: {  	_ =	swait.ge [sflag:s28], $0x6400;
	s20 =	smov.u32 s5;
	s19 =	sadd.s32 s14, s19  }
0x6e: {  	[sflag:s28] =	ssyncset.done $0x0;
	s20 =	smov.u32 @p1 s7;
	s19 =	sshll.u32 s19, $0x4  }
0x6f: {  	[sflag:s28] =	ssyncadd.s32 $0xFFFF9C00;
	s19 =	sadd.s32 s20, s19  }
0x70: {  	[hbm4b:s19+s3] =	stream.linear.scatter [tilespmem:s23], [sflag:$0x8], $0x6400, $0x38;
	[tilespmem:$0x12F00] =	vst v63  }
0x71: {  	s19 =	sadd.s32 $0xFFFFFF00, s10  }
0x72: {  	s20 =	sadd.s32 $0xFFFFFF80, s9;
	s19 =	sand.u32 $0xF800, s19  }
0x73: {  	s20 =	sand.u32 $0x380, s20;
	s19 =	sadd.s32 s6, s19  }
0x74: {  	s19 =	sor.u32 s20, s19  }
0x75: {  	s19 =	sshrl.u32 s19, $0x3  }
.Ltmp8:
0x76: {  	s19 =	sadd.s32 s2, s19;
	(pc) =	sbr.rel @!p1 .LBB2_8-.Ltmp8, $4  }
0x77: {  	[tilespmem:s17], [sflag:$0x2] =	stream.strided.gather [hbm4b:s19+s15], $0x100, s16, s15, $0x38;
	[tilespmem:$0x12F00] =	vst v63  }
0x78: {  	_ =	swait.ge [sflag:s0], $0x6400  }
0x79: {  	[sflag:s0] =	ssyncset.done $0x0  }
0x7a: {  	[sflag:s0] =	ssyncadd.s32 $0xFFFF9C00  }
0x7b: {  	s19 =	sadd.s32 s11, s12  }
0x7c: {  	s19 =	sadd.s32 $0xFFFEE080, s19  }
0x7d: {  	[hbm4b:s19+s3] =	stream.linear.scatter [tilespmem:s25], [sflag:$0x9], $0x6400, $0x38;
	[tilespmem:$0x12F00] =	vst v63  }
.LBB2_10:
0x7e: {  	p2 =	sgt.u32 s8, $0xE  }
.Ltmp9:
0x7f: {  	_ = 	snop;
	(pc) =	sbr.rel @p2 .LBB2_12-.Ltmp9, $4  }
.Ltmp10:
0x80: {  	_ = 	snop;
	(pc) =	sbr.rel @!p2 .LBB2_11-.Ltmp10, $4  }
0x81: {  	_ = 	snop  }
0x82: {  	_ = 	snop  }
0x83: {  	p1 =	por $0x0, $0x0  }
0x84: {  	_ = 	snop  }
.LBB2_14:
0x85: {  	_ =	sfence.sel $0x180000  }
0x86: {  	[bflag:$0x0] =	sbarrier.arrive $0xFFFF  }
0x87: {  	_ =	strace $0x90000047  }
0x88: {  	s0 =	stileid.u32;
	[bflag:$0x2] =	sbarrier.arrive $0xFFFF  }
0x89: {  	p0 =	sne.s32 s0, $0x0;
	s0 =	rddreg [dreg:$0x2]  }
0x8a: {  	s0 =	sadd.s32 @!p0 $0x100000, s0  }
0x8b: {  	[sflag:s0] =	ssyncadd.tile.s32 @!p0 $0x1;
	_ =	shalt  }
.Lfunc_end2:
_tile_overlayer_lowered:
.L_overlay_start_2:
0x8c: {  	(tag) =	ssettag $0x2  }
0x8d: {  	s0 =	rddreg [dreg:$0x0];
	s2 =	stileid.u32  }
0x8e: {  	s1 =	rddreg [dreg:$0x1];
	p0 =	sne.s32 s2, $0x0  }
0x8f: {  	s3 =	rddreg [dreg:$0x2];
	[bflag:$0x3] =	sbarrier.arrive $0xFFFF;
	s2 =	simm.s32 @!p0 $0x1C0A  }
0x90: {  	[timem:s3], [sflag:s2] =	dma.local @!p0 [hbm:s0], s1  }
0x91: {  	s0 =	simm.s32 @!p0 $0xA  }
0x92: {  	_ =	swait.ge @!p0 [sflag:s0], s1  }
0x93: {  	s1 =	ssub.s32 @!p0 $0x0, s1;
	[sflag:s0] =	ssyncset.done @!p0 $0x0  }
0x94: {  	[sflag:s0] =	ssyncadd.s32 @!p0 s1  }
0x95: {  	[bflag:$0x3] =	sbarrier.arrive $0xFFFF  }
0x96: {  	_ =	shalt  }

// kernel: kernel.21.cloned.1.call-start
scs
__scs_entry_jumppad:
0x0: {  	(pc) =	sbr.rel $0x88, $3  }
0x1: {  	(tag) =	ssettag $0x0;
	lr =	simm.s32 $0x1  }
0x2: {  	[smem:$0x3F7E] =	sst lr;
	_ =	strace $0xD0000000  }
0x3: {  	_ = 	snop  }
0x4: {  	_ = 	snop  }
0x5: {  	_ = 	snop  }
0x6: {  	_ = 	snop  }
0x7: {  	_ = 	snop  }
__scs_overlays_trampoline_lowered:
0x8: {  	[smem:$0x3F8D] =	sst s0  }
0x9: {  	[smem:$0x3F8E] =	sst s1  }
0xa: {  	[smem:$0x3F8F] =	sst s2  }
0xb: {  	[smem:$0x3F90] =	sst s3  }
0xc: {  	[smem:$0x3F91] =	sst s4  }
0xd: {  	[smem:$0x3F92] =	sst s5  }
0xe: {  	[smem:$0x3F93] =	sst s6  }
0xf: {  	[smem:$0x3F94] =	sst s7  }
0x10: {  	[smem:$0x3F95] =	sst s8  }
0x11: {  	[smem:$0x3F96] =	sst s9;
	s0 =	simm.s32 @!p0 $0x0  }
0x12: {  	s1 =	sld [smem:$0x3F7C];
	s0 =	simm.s32 @p0 $0x1  }
0x13: {  	[smem:$0x3F97] =	sst s0;
	s0 =	simm.s32 @!p1 $0x0  }
0x14: {  	s2 =	sld [smem:$0x3F7B];
	s0 =	simm.s32 @p1 $0x1  }
0x15: {  	[smem:$0x3F98] =	sst s0;
	s0 =	simm.s32 @!p2 $0x0  }
0x16: {  	s3 =	sld [smem:$0x3FDB];
	s0 =	simm.s32 @p2 $0x1  }
0x17: {  	s4 =	simm.s32 $0x1BF5;
	[smem:$0x3F9A] =	sst s0  }
0x18: {  	s0 =	sld [smem:$0x3F7D];
	_ =	swait.ge [sflag:s4], $0x0  }
0x19: {  	s7 =	sld [smem:$0x3F7E]  }
0x1a: {  	s8 =	sadd.s32 $0xFFFFE003, lr  }
0x1b: {  	s9 =	sadd.s32 $0xFFFFFEF7, lr;
	s5 =	simm.s32 $0xFFFFFFFF;
	p2 =	slt.u32 s8, $0xFFFFF086  }
0x1c: {  	p1 =	slt.u32 s9, $0xF7A;
	s5 =	simm.s32 @!p2 $0x0  }
0x1d: {  	s5 =	simm.s32 @p1 $0x1;
	p0 =	seq.s32 s7, s2  }
0x1e: {  	s7 =	smul.u32 @!p0 $0xF7A, s2;
	p2 =	seq.s32 @!p0 s5, $0x0  }
0x1f: {  	s9 =	smul.u32 $0xF7A, s1;
	s8 =	simm.s32 @!p0 $0x1BF5;
	p2 =	por !p2, p0  }
0x20: {  	[sflag:s8] =	ssyncset.s32 @!p0 $0xFFFFF086;
	s6 =	sadd.s32 @!p0 s3, s7;
	s7 =	simm.s32 @!p0 $0x108  }
0x21: {  	s3 =	sadd.s32 s3, s9;
	s6 =	sadd.s32 @!p0 $0x88, s6;
	s7 =	simm.s32 @p2 $0x1082  }
0x22: {  	[simem:s7], [sflag:s8] =	dma.local @!p0 [hbm:s6], $0xF7A  }
0x23: {  	s9 =	sor.u32 $0xD0000000, s2;
	s6 =	simm.s32 $0x108;
	_ =	swait.ge @!p0 [sflag:s8], $0x0  }
0x24: {  	s3 =	sadd.s32 $0x88, s3;
	s6 =	simm.s32 @!p1 $0x1082;
	[sflag:s4] =	ssyncset.s32 $0xFFFFF086  }
0x25: {  	[simem:s6], [sflag:s4] =	dma.local [hbm:s3], $0xF7A  }
0x26: {  	[smem:$0x3F7E] =	sst s1;
	(tag) =	ssettag s2;
	_ =	strace s9  }
0x27: {  	s1 =	sld [smem:$0x3F8E]  }
0x28: {  	s2 =	sld [smem:$0x3F8F]  }
0x29: {  	s4 =	sld [smem:$0x3F91]  }
0x2a: {  	p0 =	seq.s32 s5, $0x0;
	s5 =	sld [smem:$0x3F92]  }
0x2b: {  	s6 =	sld [smem:$0x3F93]  }
0x2c: {  	s7 =	sld [smem:$0x3F94]  }
0x2d: {  	s3 =	simm.s32 $0x108;
	s8 =	sld [smem:$0x3F95]  }
0x2e: {  	s3 =	simm.s32 @!p0 $0x1082;
	s9 =	sld [smem:$0x3F96]  }
0x2f: {  	lr =	sadd.s32 s0, s3;
	s0 =	sld [smem:$0x3F8D]  }
0x30: {  	s3 =	sld [smem:$0x3F90]  }
0x31: {  	[smem:$0x3F99] =	sst s10  }
0x32: {  	s10 =	sld [smem:$0x3F97];
	_ =	sdelay $0x3  }
0x33: {  	p0 =	seq.s32 s10, $0x1;
	s10 =	sld [smem:$0x3F99];
	_ =	sdelay $0x3  }
0x34: {  	[smem:$0x3F99] =	sst s10  }
0x35: {  	s10 =	sld [smem:$0x3F98];
	_ =	sdelay $0x3  }
0x36: {  	p1 =	seq.s32 s10, $0x1;
	s10 =	sld [smem:$0x3F99];
	_ =	sdelay $0x3  }
0x37: {  	[smem:$0x3F99] =	sst s10  }
0x38: {  	s10 =	sld [smem:$0x3F9A]  }
0x39: {  	_ = 	snop;
	(pc) =	sbr.ind lr, $3  }
0x3a: {  	_ = 	snop  }
0x3b: {  	_ = 	snop  }
0x3c: {  	p2 =	seq.s32 s10, $0x1;
	s10 =	sld [smem:$0x3F99]  }
0x3d: {  	_ =	shalt  }
0x3e: {  	_ =	shalt  }
0x3f: {  	_ =	shalt  }
0x40: {  	_ =	shalt  }
0x41: {  	_ =	shalt  }
0x42: {  	_ =	shalt  }
0x43: {  	_ =	shalt  }
0x44: {  	_ =	shalt  }
0x45: {  	_ =	shalt  }
0x46: {  	_ =	shalt  }
0x47: {  	_ =	shalt  }
0x48: {  	_ =	shalt  }
0x49: {  	_ =	shalt  }
0x4a: {  	_ =	shalt  }
0x4b: {  	_ =	shalt  }
0x4c: {  	_ =	shalt  }
0x4d: {  	_ =	shalt  }
0x4e: {  	_ =	shalt  }
0x4f: {  	_ =	shalt  }
0x50: {  	_ =	shalt  }
0x51: {  	_ =	shalt  }
0x52: {  	_ =	shalt  }
0x53: {  	_ =	shalt  }
0x54: {  	_ =	shalt  }
0x55: {  	_ =	shalt  }
0x56: {  	_ =	shalt  }
0x57: {  	_ =	shalt  }
0x58: {  	_ =	shalt  }
0x59: {  	_ =	shalt  }
0x5a: {  	_ =	shalt  }
0x5b: {  	_ =	shalt  }
0x5c: {  	_ =	shalt  }
0x5d: {  	_ =	shalt  }
0x5e: {  	_ =	shalt  }
0x5f: {  	_ =	shalt  }
0x60: {  	_ =	shalt  }
0x61: {  	_ =	shalt  }
0x62: {  	_ =	shalt  }
0x63: {  	_ =	shalt  }
0x64: {  	_ =	shalt  }
0x65: {  	_ =	shalt  }
0x66: {  	_ =	shalt  }
0x67: {  	_ =	shalt  }
0x68: {  	_ =	shalt  }
0x69: {  	_ =	shalt  }
0x6a: {  	_ =	shalt  }
0x6b: {  	_ =	shalt  }
0x6c: {  	_ =	shalt  }
0x6d: {  	_ =	shalt  }
0x6e: {  	_ =	shalt  }
0x6f: {  	_ =	shalt  }
0x70: {  	_ =	shalt  }
0x71: {  	_ =	shalt  }
0x72: {  	_ =	shalt  }
0x73: {  	_ =	shalt  }
0x74: {  	_ =	shalt  }
0x75: {  	_ =	shalt  }
0x76: {  	_ =	shalt  }
0x77: {  	_ =	shalt  }
0x78: {  	_ =	shalt  }
0x79: {  	_ =	shalt  }
0x7a: {  	_ =	shalt  }
0x7b: {  	_ =	shalt  }
0x7c: {  	_ =	shalt  }
0x7d: {  	_ =	shalt  }
0x7e: {  	_ =	shalt  }
0x7f: {  	_ =	shalt  }
0x80: {  	_ =	shalt  }
0x81: {  	_ =	shalt  }
0x82: {  	_ =	shalt  }
0x83: {  	_ =	shalt  }
0x84: {  	_ =	shalt  }
0x85: {  	_ =	shalt  }
0x86: {  	_ =	shalt  }
0x87: {  	_ =	shalt  }
.Lfunc_end0:
.L_simem_size_0:
called_computation.1_lowered:
.L_overlay_start_0:
0x88: {  	s2 =	sld [smem:$0x3FD9]  }
0x89: {  	s3 =	sld [smem:$0x3FFE];
	_ =	sdelay $0x1  }
0x8a: {  	s1 =	srdreg.scid  }
0x8b: {  	s0 =	sand.u32 $0x1, s1  }
0x8c: {  	s15 =	sshll.u32 s0, $0xA;
	s2 =	sadd.s32 s3, s2  }
0x8d: {  	s2 =	sadd.s32 s2, s15  }
0x8e: {  	[smem:$0x3FA5] =	sst s2  }
0x8f: {  	_ = 	snop  }
0x90: {  	s2 =	sld [smem:$0x3FD0];
	_ =	sdelay $0x2  }
0x91: {  	s4 =	simm.s32 $0xB;
	s16 =	simm.s32 $0x10  }
0x92: {  	[smem:s16], [sflag:s4] =	dma.local [hbm:s2], $0x1  }
0x93: {  	_ =	swait.eq [sflag:s4], $0x1  }
0x94: {  	[sflag:s4] =	ssyncset.done $0x0  }
0x95: {  	s17 =	sld [smem:$0x10];
	[sflag:s4] =	ssyncadd.s32 $0xFFFFFFFF  }
0x96: {  	s18 =	sld [smem:$0x11];
	(tm) =	ssettm $0x1  }
0x97: {  	s19 =	sld [smem:$0x3FFB];
	_ =	sdelay $0x3  }
0x98: {  	_ =	strace s19  }
0x99: {  	s2 =	sld [smem:$0x3FFC];
	_ =	sdelay $0x3  }
0x9a: {  	_ =	strace s2  }
0x9b: {  	s2 =	sld [smem:$0x3FFD];
	_ =	sdelay $0x3  }
0x9c: {  	_ =	strace s2  }
0x9d: {  	_ =	strace $0x8FFFFFFF  }
0x9e: {  	s20 =	sld [smem:$0x3FDB];
	_ =	sdelay $0x1  }
0x9f: {  	s5 =	simm.s32 $_scs_section_size  }
0xa0: {  	s6 =	simm.s32 $_size__tile_overlayer_lowered;
	s7 =	simm.s32 $_tile_overlayer_lowered  }
0xa1: {  	s8 =	simm.s32 $0x1BFF;
	s21 =	sshll.u32 s7, $0x1;
	s5 =	sadd.s32 s5, s20  }
0xa2: {  	s22 =	simm.s32 $0x0;
	s6 =	sshll.u32 s6, $0x1;
	s7 =	sadd.s32 s21, s5  }
0xa3: {  	[timem:s22], [sflag:s8] =	dma.local [hbm:s7], s6  }
0xa4: {  	_ =	swait.ge [sflag:s8], s6  }
0xa5: {  	s6 =	ssub.s32 $0x0, s6;
	[sflag:s8] =	ssyncset.done $0x0  }
0xa6: {  	[sflag:s8] =	ssyncadd.s32 s6;
	_ =	sdelay $0x1  }
0xa7: {  	s23 =	simm.s32 $0x1B8B  }
0xa8: {  	_ =	swait.ge [sflag:s23], $0x1  }
0xa9: {  	[sflag:s23] =	ssyncset.done $0x0  }
0xaa: {  	[sflag:s23] =	ssyncadd.s32 $0xFFFFFFFF  }
0xab: {  	s6 =	sld [smem:$0x0]  }
0xac: {  	s7 =	sand.u32 $0xFFFFFFFE, s1  }
0xad: {  	p0 =	sne.s32 s1, s7  }
0xae: {  	s7 =	sshll.u32 @p0 s7, $0xE  }
0xaf: {  	s7 =	sadd.s32 @p0 $0x11B8D, s7;
	s8 =	sshll.u32 @p0 s6, $0x11  }
0xb0: {  	s7 =	sor.u32 @p0 s8, s7  }
0xb1: {  	[sflag:s7] =	ssyncadd.remote.s32 @p0 $0x1;
	_ =	sdelay $0x1  }
0xb2: {  	s7 =	simm.s32 @p0 $0x1B8D  }
0xb3: {  	_ =	swait.eq @p0 [sflag:s7], $0x1  }
0xb4: {  	[sflag:s7] =	ssyncadd.s32 @p0 $0xFFFFFFFF  }
0xb5: {  	s8 =	sshll.u32 @!p0 s1, $0xE  }
0xb6: {  	s8 =	sor.u32 @!p0 $0x4000, s8;
	s7 =	simm.s32 @!p0 $0x1B8D  }
0xb7: {  	s6 =	sshll.u32 @!p0 s6, $0x11;
	s8 =	sadd.s32 @!p0 $0x11B8D, s8;
	_ =	swait.eq @!p0 [sflag:s7], $0x1  }
0xb8: {  	s6 =	sor.u32 @!p0 s6, s8;
	[sflag:s7] =	ssyncadd.s32 @!p0 $0xFFFFFFFF  }
0xb9: {  	s25 =	simm.s32 $0x1B8E;
	s24 =	sld [smem:$0x3FFE];
	[sflag:s6] =	ssyncadd.remote.s32 @!p0 $0x1  }
0xba: {  	s26 =	simm.s32 $execute0_lowered;
	[smem:$0x3FD2] =	sst s25  }
0xbb: {  	s7 =	sshll.u32 s26, $0x1;
	_ =	strace $0x8000004C;
	[dreg:$0x1] =	wrdreg $0xFFFFFFFF  }
0xbc: {  	s28 =	simm.s32 $_size_execute0_lowered;
	s5 =	sadd.s32 s5, s7;
	[dreg:$0x0] =	wrdreg $0x0  }
0xbd: {  	s7 =	sshll.u32 s28, $0x1;
	[dreg:$0x2] =	wrdreg s5  }
0xbe: {  	[dreg:$0x3] =	wrdreg s7  }
0xbf: {  	[dreg:$0x4] =	wrdreg $0xC0  }
0xc0: {  	_ =	task [dreg:s22], $0x5FFFF  }
0xc1: {  	[dreg:$0x1] =	wrdreg $0xFFFFFFFF  }
0xc2: {  	[dreg:$0x0] =	wrdreg $0x60  }
0xc3: {  	[dreg:$0x2] =	wrdreg s18  }
0xc4: {  	[dreg:$0x3] =	wrdreg s24  }
0xc5: {  	[dreg:$0x4] =	wrdreg s17  }
0xc6: {  	[dreg:$0x5] =	wrdreg $0x66000  }
0xc7: {  	[dreg:$0x6] =	wrdreg $0x9  }
0xc8: {  	_ =	task.clear_ibuf [dreg:s22], $0x7FFFF;
	_ =	strace $0x9000004C  }
0xc9: {  	s29 =	simm.s32 $0x9;
	_ =	strace $0x8000004E  }
0xca: {  	_ =	swait.ge [sflag:s29], $0x1  }
0xcb: {  	[sflag:s29] =	ssyncadd.s32 $0xFFFFFFFF  }
0xcc: {  	_ =	strace $0x9000004E  }
0xcd: {  	_ =	sfence  }
0xce: {  	s30 =	sld [smem:$0x0];
	_ =	sdelay $0x2  }
0xcf: {  	s31 =	sshll.u32 s1, $0xD;
	s1 =	sshrl.u32 s1, $0x2  }
0xd0: {  	s4 =	sand.u32 $0x4000, s31;
	s1 =	sadd.s32 s1, s30  }
0xd1: {  	s0 =	sor.u32 s4, s0;
	s1 =	sshll.u32 s1, $0x11  }
0xd2: {  	s0 =	sor.u32 s1, s0  }
0xd3: {  	s0 =	sadd.s32 $0x8F2B, s0  }
0xd4: {  	[sflag:s0] =	ssyncadd.remote.s32 $0x1  }
0xd5: {  	_ =	sfence.sel $0xFFFF  }
0xd6: {  	[dreg:$0x0] =	wrdreg $0xFFFFFFFF;
	(pc) =	sbr.abs _section_cstart, $3  }
0xd7: {  	[dreg:$0x1] =	wrdreg $0xFFFFFFFF  }
0xd8: {  	_ =	task.clear_ibuf [dreg:s22], $0x2FFFF;
	_ =	strace $0x9FFFFFFF  }
0xd9: {  	(tm) =	ssettm $0x7FFFFFFF  }
tec
execute0_lowered:
.L_overlay_start_1:
0x0: {  	(tag) =	ssettag $0x1  }
0x1: {  	s13 =	rddreg [dreg:$0x0]  }
0x2: {  	s5 =	rddreg [dreg:$0x1];
	s0 =	stileid.u32  }
0x3: {  	s1 =	srdreg.scid;
	s8 =	smul.u32 $0x14000, s0  }
0x4: {  	s7 =	rddreg [dreg:$0x2];
	s15 =	smul.u32 $0x50000, s0  }
0x5: {  	s2 =	rddreg [dreg:$0x3];
	s28 =	smul.u32 $0x2710, s0  }
0x6: {  	s3 =	simm.s32 $0x0;
	s12 =	sand.u32 $0x1, s1;
	s29 =	smul.u32 $0x27100, s0  }
0x7: {  	s1 =	rddreg [dreg:$0x4];
	s6 =	sshll.u32 s0, $0x1;
	s4 =	smul.u32 $0x140000, s12  }
0x8: {  	[smem:$0x7FF] =	sst s3;
	s26 =	sshll.u32 s0, $0x6;
	s17 =	smul.u32 $0x1388, s12  }
0x9: {  	s9 =	sor.u32 s12, s6;
	s20 =	ssub.s32 $0x2, s12;
	s18 =	smul.u32 $0x13880, s12  }
0xa: {  	_ =	strace $0x8000004D;
	s10 =	smul.u32 $0x1388, s9;
	s21 =	sshrl.u32 s20, $0x1  }
0xb: {  	s24 =	sshrl.u32 s15, $0x2;
	s25 =	smul.u32 $0x13880, s9;
	s30 =	sadd.s32 s29, s13  }
0xc: {  	s4 =	sadd.s32 s8, s4;
	s16 =	ssub.s32 s20, s21;
	s8 =	sshrl.u32 s8, $0x3  }
0xd: {  	s17 =	sadd.s32 s17, s28;
	s15 =	sadd.s32 s18, s30;
	s18 =	simm.s32 $0x100  }
0xe: {  	s20 =	simm.s32 $0x3;
	s21 =	simm.s32 $0x200;
	s19 =	sshrl.u32 s4, $0x3  }
0xf: {  	s4 =	sadd.s32 $0x12C00, s5;
	s14 =	sadd.s32 $0xC8, s10;
	s22 =	sshrl.u32 s10, $0x3  }
0x10: {  	s7 =	sadd.s32 s7, s8;
	s8 =	sor.u32 $0x1C03, s26;
	s10 =	smax.u32 s16, $0x1  }
0x11: {  	s31 =	sadd.s32 $0x258, s17;
	s15 =	sadd.s32 $0xC80, s15;
	s17 =	sadd.s32 $0x190, s17  }
0x12: {  	s11 =	sadd.s32 s19, s5;
	s23 =	sshrl.u32 s14, $0x3;
	s5 =	sadd.s32 s4, s22  }
0x13: {  	s19 =	sadd.s32 s24, s2;
	s14 =	sadd.s32 s13, s25;
	s16 =	sshrl.u32 s31, $0x3  }
0x14: {  	s22 =	simm.s32 $0x1;
	s24 =	simm.s32 $0x2;
	s25 =	simm.s32 $0x0  }
0x15: {  	s6 =	sadd.s32 s4, s23;
	s9 =	sadd.s32 $0x8FC00, s11;
	s11 =	sadd.s32 $0x12C00, s14  }
0x16: {  	s12 =	sadd.s32 $0x11300, s14;
	s13 =	sadd.s32 $0x258, s5;
	s14 =	sadd.s32 $0x11F80, s14  }
0x17: {  	s16 =	sadd.s32 s16, s4;
	s19 =	sshrl.u32 s19, $0x3;
	s23 =	simm.s32 $0xC8  }
.LBB2_1:
0x18: {  	[tilespmem:s3], [sflag:$0x1] =	stream.linear.gather [hbm4b:s5+s3], $0xC8, $0x38;
	[tilespmem:$0x1A600] =	vst v63  }
0x19: {  	_ = 	snop  }
0x1a: {  	[tilespmem:s18], [sflag:$0x2] =	stream.linear.gather [hbm4b:s6+s3], $0xC8, $0x38;
	[tilespmem:$0x1A600] =	vst v63  }
0x1b: {  	[spmem:s19], [sflag:s8] =	dma.local [hbm:s7], $0x2800  }
0x1c: {  	_ =	swait.ge [sflag:s20], $0x2800  }
0x1d: {  	[sflag:s20] =	ssyncset.done $0x0  }
0x1e: {  	[sflag:s20] =	ssyncadd.s32 $0xFFFFD800  }
0x1f: {  	s26 =	sadd.s32 $0xFFFFF380, s15;
	[bflag:$0x0] =	sbarrier.arrive $0xFFFF  }
0x20: {  	[tilespmem:s21], [sflag:$0x3] =	stream.linear.gather [hbm4b:s26+s3], $0x6400, $0x38;
	[tilespmem:$0x1A600] =	vst v63  }
0x21: {  	_ =	swait.ge [sflag:s20], $0x6400  }
0x22: {  	[sflag:s20] =	ssyncset.done $0x0  }
0x23: {  	[sflag:s20] =	ssyncadd.s32 $0xFFFF9C00  }
0x24: {  	_ =	swait.ge [sflag:s22], $0xC8  }
0x25: {  	[sflag:s22] =	ssyncset.done $0x0  }
0x26: {  	[sflag:s22] =	ssyncadd.s32 $0xFFFFFF38  }
0x27: {  	[spmem:s2] =	stream.indirect.scatter.add.f32 [tilespmem:s21], [sflag:$0x3], $0x80, s3, s23, $0xb8;
	[tilespmem:$0x1A600] =	vst v63  }
0x28: {  	_ =	swait.ge [sflag:s20], $0x6400  }
0x29: {  	s31 =	sshrl.u32 s17, $0x3;
	[sflag:s20] =	ssyncset.done $0x0  }
0x2a: {  	s26 =	sadd.s32 s4, s31;
	[sflag:s20] =	ssyncadd.s32 $0xFFFF9C00  }
0x2b: {  	[tilespmem:s3], [sflag:$0x1] =	stream.linear.gather [hbm4b:s26+s3], $0xC8, $0x38;
	[tilespmem:$0x1A600] =	vst v63  }
0x2c: {  	_ = 	snop  }
0x2d: {  	[tilespmem:s21], [sflag:$0x3] =	stream.linear.gather [hbm4b:s15+s3], $0x6400, $0x38;
	[tilespmem:$0x1A600] =	vst v63  }
0x2e: {  	_ =	swait.ge [sflag:s20], $0x6400  }
0x2f: {  	[sflag:s20] =	ssyncset.done $0x0  }
0x30: {  	[sflag:s20] =	ssyncadd.s32 $0xFFFF9C00  }
0x31: {  	_ =	swait.ge [sflag:s24], $0xC8  }
0x32: {  	[sflag:s24] =	ssyncset.done $0x0  }
0x33: {  	[sflag:s24] =	ssyncadd.s32 $0xFFFFFF38  }
0x34: {  	[spmem:s2] =	stream.indirect.scatter.add.f32 [tilespmem:s21], [sflag:$0x3], $0x80, s18, s23, $0xb8;
	[tilespmem:$0x1A600] =	vst v63  }
0x35: {  	_ =	swait.ge [sflag:s20], $0x6400  }
0x36: {  	s28 =	sadd.s32 $0x190, s17;
	s30 =	sadd.s32 $0x0, s16;
	[sflag:s20] =	ssyncset.done $0x0  }
0x37: {  	s29 =	sadd.s32 $0x1900, s15;
	s26 =	simm.s32 $0x32;
	[sflag:s20] =	ssyncadd.s32 $0xFFFF9C00  }
.LBB2_2:
0x38: {  	[tilespmem:s18], [sflag:$0x2] =	stream.linear.gather [hbm4b:s30+s3], $0xC8, $0x38;
	[tilespmem:$0x1A600] =	vst v63  }
0x39: {  	s30 =	smov.u32 s26  }
0x3a: {  	s31 =	sadd.s32 $0xFFFFF380, s29;
	p0 =	sne.s32 s26, $0x1F4;
	s26 =	sadd.s32 $0x32, s26  }
0x3b: {  	[tilespmem:s21], [sflag:$0x3] =	stream.linear.gather [hbm4b:s31+s3], $0x6400, $0x38;
	[tilespmem:$0x1A600] =	vst v63  }
0x3c: {  	_ =	swait.ge [sflag:s20], $0x6400  }
0x3d: {  	[sflag:s20] =	ssyncset.done $0x0  }
0x3e: {  	[sflag:s20] =	ssyncadd.s32 $0xFFFF9C00  }
0x3f: {  	_ =	swait.ge [sflag:s22], $0xC8  }
0x40: {  	[sflag:s22] =	ssyncset.done $0x0  }
0x41: {  	[sflag:s22] =	ssyncadd.s32 $0xFFFFFF38  }
0x42: {  	[spmem:s2] =	stream.indirect.scatter.add.f32 [tilespmem:s21], [sflag:$0x3], $0x80, s3, s23, $0xb8;
	[tilespmem:$0x1A600] =	vst v63  }
0x43: {  	_ =	swait.ge [sflag:s20], $0x6400  }
0x44: {  	s31 =	sshrl.u32 s28, $0x3;
	[sflag:s20] =	ssyncset.done $0x0  }
0x45: {  	s31 =	sadd.s32 s4, s31;
	[sflag:s20] =	ssyncadd.s32 $0xFFFF9C00  }
0x46: {  	[tilespmem:s3], [sflag:$0x1] =	stream.linear.gather [hbm4b:s31+s3], $0xC8, $0x38;
	[tilespmem:$0x1A600] =	vst v63  }
0x47: {  	_ = 	snop  }
0x48: {  	[tilespmem:s21], [sflag:$0x3] =	stream.linear.gather [hbm4b:s29+s3], $0x6400, $0x38;
	[tilespmem:$0x1A600] =	vst v63  }
0x49: {  	_ =	swait.ge [sflag:s20], $0x6400  }
0x4a: {  	[sflag:s20] =	ssyncset.done $0x0  }
0x4b: {  	[sflag:s20] =	ssyncadd.s32 $0xFFFF9C00  }
0x4c: {  	_ =	swait.ge [sflag:s24], $0xC8  }
0x4d: {  	[sflag:s24] =	ssyncset.done $0x0  }
.Ltmp0:
0x4e: {  	[sflag:s24] =	ssyncadd.s32 $0xFFFFFF38;
	(pc) =	sbr.rel @p0 .LBB2_2-.Ltmp0, $4  }
0x4f: {  	[spmem:s2] =	stream.indirect.scatter.add.f32 [tilespmem:s21], [sflag:$0x3], $0x80, s18, s23, $0xb8;
	[tilespmem:$0x1A600] =	vst v63  }
0x50: {  	_ =	swait.ge [sflag:s20], $0x6400  }
0x51: {  	s28 =	sadd.s32 $0x190, s28;
	[sflag:s20] =	ssyncset.done $0x0  }
0x52: {  	s30 =	sadd.s32 s30, s16;
	s29 =	sadd.s32 $0x1900, s29;
	[sflag:s20] =	ssyncadd.s32 $0xFFFF9C00  }
0x53: {  	[tilespmem:s18], [sflag:$0x2] =	stream.linear.gather [hbm4b:s30+s3], $0xC8, $0x38;
	[tilespmem:$0x1A600] =	vst v63  }
0x54: {  	_ = 	snop  }
0x55: {  	[tilespmem:s21], [sflag:$0x3] =	stream.linear.gather [hbm4b:s12+s3], $0x6400, $0x38;
	[tilespmem:$0x1A600] =	vst v63  }
0x56: {  	_ =	swait.ge [sflag:s20], $0x6400  }
0x57: {  	[sflag:s20] =	ssyncset.done $0x0  }
0x58: {  	[sflag:s20] =	ssyncadd.s32 $0xFFFF9C00  }
0x59: {  	_ =	swait.ge [sflag:s22], $0xC8  }
0x5a: {  	[sflag:s22] =	ssyncset.done $0x0  }
0x5b: {  	[sflag:s22] =	ssyncadd.s32 $0xFFFFFF38  }
0x5c: {  	[spmem:s2] =	stream.indirect.scatter.add.f32 [tilespmem:s21], [sflag:$0x3], $0x80, s3, s23, $0xb8;
	[tilespmem:$0x1A600] =	vst v63  }
0x5d: {  	_ =	swait.ge [sflag:s20], $0x6400  }
0x5e: {  	[sflag:s20] =	ssyncset.done $0x0  }
0x5f: {  	[sflag:s20] =	ssyncadd.s32 $0xFFFF9C00  }
0x60: {  	[tilespmem:s3], [sflag:$0x1] =	stream.linear.gather [hbm4b:s13+s3], $0xC8, $0x38;
	[tilespmem:$0x1A600] =	vst v63  }
0x61: {  	_ = 	snop  }
0x62: {  	[tilespmem:s21], [sflag:$0x3] =	stream.linear.gather [hbm4b:s14+s3], $0x6400, $0x38;
	[tilespmem:$0x1A600] =	vst v63  }
0x63: {  	_ =	swait.ge [sflag:s20], $0x6400  }
0x64: {  	[sflag:s20] =	ssyncset.done $0x0  }
0x65: {  	[sflag:s20] =	ssyncadd.s32 $0xFFFF9C00  }
0x66: {  	_ =	swait.ge [sflag:s24], $0xC8  }
0x67: {  	[sflag:s24] =	ssyncset.done $0x0  }
0x68: {  	[sflag:s24] =	ssyncadd.s32 $0xFFFFFF38  }
0x69: {  	[spmem:s2] =	stream.indirect.scatter.add.f32 [tilespmem:s21], [sflag:$0x3], $0x80, s18, s23, $0xb8;
	[tilespmem:$0x1A600] =	vst v63  }
0x6a: {  	_ =	swait.ge [sflag:s20], $0x6400  }
0x6b: {  	[sflag:s20] =	ssyncset.done $0x0  }
0x6c: {  	[sflag:s20] =	ssyncadd.s32 $0xFFFF9C00  }
0x6d: {  	[tilespmem:s21], [sflag:$0x3] =	stream.linear.gather [hbm4b:s11+s3], $0x6400, $0x38;
	[tilespmem:$0x1A600] =	vst v63  }
0x6e: {  	_ =	swait.ge [sflag:s20], $0x6400  }
0x6f: {  	[sflag:s20] =	ssyncset.done $0x0  }
0x70: {  	[sflag:s20] =	ssyncadd.s32 $0xFFFF9C00  }
0x71: {  	_ =	swait.ge [sflag:s22], $0xC8  }
0x72: {  	[sflag:s22] =	ssyncset.done $0x0  }
0x73: {  	[sflag:s22] =	ssyncadd.s32 $0xFFFFFF38  }
0x74: {  	[spmem:s2] =	stream.indirect.scatter.add.f32 [tilespmem:s21], [sflag:$0x3], $0x80, s3, s23, $0xb8;
	[tilespmem:$0x1A600] =	vst v63  }
0x75: {  	_ =	swait.ge [sflag:s20], $0x6400  }
0x76: {  	s25 =	sadd.s32 $0x1, s25;
	[sflag:s20] =	ssyncset.done $0x0  }
0x77: {  	p0 =	sne.s32 s25, s10;
	[sflag:s20] =	ssyncadd.s32 $0xFFFF9C00  }
.Ltmp1:
0x78: {  	[bflag:$0x0] =	sbarrier.arrive $0xFFFF;
	(pc) =	sbr.rel @p0 .LBB2_1-.Ltmp1, $4  }
0x79: {  	[hbm:s9], [sflag:s8] =	dma.local [spmem:s19], $0x2800  }
0x7a: {  	_ =	swait.ge [sflag:s20], $0x2800  }
0x7b: {  	[sflag:s20] =	ssyncset.done $0x0  }
0x7c: {  	[sflag:s20] =	ssyncadd.s32 $0xFFFFD800  }
0x7d: {  	_ =	sfence.sel $0x180000  }
0x7e: {  	[bflag:$0x0] =	sbarrier.arrive $0xFFFF  }
0x7f: {  	p0 =	sne.s32 s0, $0x0;
	_ =	strace $0x9000004D  }
0x80: {  	s0 =	sadd.s32 @!p0 $0x100000, s1;
	[bflag:$0x2] =	sbarrier.arrive $0xFFFF  }
0x81: {  	[sflag:s0] =	ssyncadd.tile.s32 @!p0 $0x1;
	_ =	shalt  }
.Lfunc_end2:
_tile_overlayer_lowered:
.L_overlay_start_2:
0x82: {  	(tag) =	ssettag $0x2  }
0x83: {  	s0 =	rddreg [dreg:$0x0];
	s2 =	stileid.u32  }
0x84: {  	s1 =	rddreg [dreg:$0x1];
	p0 =	sne.s32 s2, $0x0  }
0x85: {  	s3 =	rddreg [dreg:$0x2];
	[bflag:$0x3] =	sbarrier.arrive $0xFFFF;
	s2 =	simm.s32 @!p0 $0x1C03  }
0x86: {  	[timem:s3], [sflag:s2] =	dma.local @!p0 [hbm:s0], s1  }
0x87: {  	s0 =	simm.s32 @!p0 $0x3  }
0x88: {  	_ =	swait.ge @!p0 [sflag:s0], s1  }
0x89: {  	s1 =	ssub.s32 @!p0 $0x0, s1;
	[sflag:s0] =	ssyncset.done @!p0 $0x0  }
0x8a: {  	[sflag:s0] =	ssyncadd.s32 @!p0 s1  }
0x8b: {  	[bflag:$0x3] =	sbarrier.arrive $0xFFFF  }
0x8c: {  	_ =	shalt  }

// kernel: kernel.24.cloned.1.call-start
scs
__scs_entry_jumppad:
0x0: {  	(pc) =	sbr.rel $0x88, $3  }
0x1: {  	(tag) =	ssettag $0x0;
	lr =	simm.s32 $0x1  }
0x2: {  	[smem:$0x3F7E] =	sst lr;
	_ =	strace $0xD0000000  }
0x3: {  	_ = 	snop  }
0x4: {  	_ = 	snop  }
0x5: {  	_ = 	snop  }
0x6: {  	_ = 	snop  }
0x7: {  	_ = 	snop  }
__scs_overlays_trampoline_lowered:
0x8: {  	[smem:$0x3F8D] =	sst s0  }
0x9: {  	[smem:$0x3F8E] =	sst s1  }
0xa: {  	[smem:$0x3F8F] =	sst s2  }
0xb: {  	[smem:$0x3F90] =	sst s3  }
0xc: {  	[smem:$0x3F91] =	sst s4  }
0xd: {  	[smem:$0x3F92] =	sst s5  }
0xe: {  	[smem:$0x3F93] =	sst s6  }
0xf: {  	[smem:$0x3F94] =	sst s7  }
0x10: {  	[smem:$0x3F95] =	sst s8  }
0x11: {  	[smem:$0x3F96] =	sst s9;
	s0 =	simm.s32 @!p0 $0x0  }
0x12: {  	s1 =	sld [smem:$0x3F7C];
	s0 =	simm.s32 @p0 $0x1  }
0x13: {  	[smem:$0x3F97] =	sst s0;
	s0 =	simm.s32 @!p1 $0x0  }
0x14: {  	s2 =	sld [smem:$0x3F7B];
	s0 =	simm.s32 @p1 $0x1  }
0x15: {  	[smem:$0x3F98] =	sst s0;
	s0 =	simm.s32 @!p2 $0x0  }
0x16: {  	s3 =	sld [smem:$0x3FDB];
	s0 =	simm.s32 @p2 $0x1  }
0x17: {  	s4 =	simm.s32 $0x1BF5;
	[smem:$0x3F9A] =	sst s0  }
0x18: {  	s0 =	sld [smem:$0x3F7D];
	_ =	swait.ge [sflag:s4], $0x0  }
0x19: {  	s7 =	sld [smem:$0x3F7E]  }
0x1a: {  	s8 =	sadd.s32 $0xFFFFE003, lr  }
0x1b: {  	s9 =	sadd.s32 $0xFFFFFEF7, lr;
	s5 =	simm.s32 $0xFFFFFFFF;
	p2 =	slt.u32 s8, $0xFFFFF086  }
0x1c: {  	p1 =	slt.u32 s9, $0xF7A;
	s5 =	simm.s32 @!p2 $0x0  }
0x1d: {  	s5 =	simm.s32 @p1 $0x1;
	p0 =	seq.s32 s7, s2  }
0x1e: {  	s7 =	smul.u32 @!p0 $0xF7A, s2;
	p2 =	seq.s32 @!p0 s5, $0x0  }
0x1f: {  	s9 =	smul.u32 $0xF7A, s1;
	s8 =	simm.s32 @!p0 $0x1BF5;
	p2 =	por !p2, p0  }
0x20: {  	[sflag:s8] =	ssyncset.s32 @!p0 $0xFFFFF086;
	s6 =	sadd.s32 @!p0 s3, s7;
	s7 =	simm.s32 @!p0 $0x108  }
0x21: {  	s3 =	sadd.s32 s3, s9;
	s6 =	sadd.s32 @!p0 $0x88, s6;
	s7 =	simm.s32 @p2 $0x1082  }
0x22: {  	[simem:s7], [sflag:s8] =	dma.local @!p0 [hbm:s6], $0xF7A  }
0x23: {  	s9 =	sor.u32 $0xD0000000, s2;
	s6 =	simm.s32 $0x108;
	_ =	swait.ge @!p0 [sflag:s8], $0x0  }
0x24: {  	s3 =	sadd.s32 $0x88, s3;
	s6 =	simm.s32 @!p1 $0x1082;
	[sflag:s4] =	ssyncset.s32 $0xFFFFF086  }
0x25: {  	[simem:s6], [sflag:s4] =	dma.local [hbm:s3], $0xF7A  }
0x26: {  	[smem:$0x3F7E] =	sst s1;
	(tag) =	ssettag s2;
	_ =	strace s9  }
0x27: {  	s1 =	sld [smem:$0x3F8E]  }
0x28: {  	s2 =	sld [smem:$0x3F8F]  }
0x29: {  	s4 =	sld [smem:$0x3F91]  }
0x2a: {  	p0 =	seq.s32 s5, $0x0;
	s5 =	sld [smem:$0x3F92]  }
0x2b: {  	s6 =	sld [smem:$0x3F93]  }
0x2c: {  	s7 =	sld [smem:$0x3F94]  }
0x2d: {  	s3 =	simm.s32 $0x108;
	s8 =	sld [smem:$0x3F95]  }
0x2e: {  	s3 =	simm.s32 @!p0 $0x1082;
	s9 =	sld [smem:$0x3F96]  }
0x2f: {  	lr =	sadd.s32 s0, s3;
	s0 =	sld [smem:$0x3F8D]  }
0x30: {  	s3 =	sld [smem:$0x3F90]  }
0x31: {  	[smem:$0x3F99] =	sst s10  }
0x32: {  	s10 =	sld [smem:$0x3F97];
	_ =	sdelay $0x3  }
0x33: {  	p0 =	seq.s32 s10, $0x1;
	s10 =	sld [smem:$0x3F99];
	_ =	sdelay $0x3  }
0x34: {  	[smem:$0x3F99] =	sst s10  }
0x35: {  	s10 =	sld [smem:$0x3F98];
	_ =	sdelay $0x3  }
0x36: {  	p1 =	seq.s32 s10, $0x1;
	s10 =	sld [smem:$0x3F99];
	_ =	sdelay $0x3  }
0x37: {  	[smem:$0x3F99] =	sst s10  }
0x38: {  	s10 =	sld [smem:$0x3F9A]  }
0x39: {  	_ = 	snop;
	(pc) =	sbr.ind lr, $3  }
0x3a: {  	_ = 	snop  }
0x3b: {  	_ = 	snop  }
0x3c: {  	p2 =	seq.s32 s10, $0x1;
	s10 =	sld [smem:$0x3F99]  }
0x3d: {  	_ =	shalt  }
0x3e: {  	_ =	shalt  }
0x3f: {  	_ =	shalt  }
0x40: {  	_ =	shalt  }
0x41: {  	_ =	shalt  }
0x42: {  	_ =	shalt  }
0x43: {  	_ =	shalt  }
0x44: {  	_ =	shalt  }
0x45: {  	_ =	shalt  }
0x46: {  	_ =	shalt  }
0x47: {  	_ =	shalt  }
0x48: {  	_ =	shalt  }
0x49: {  	_ =	shalt  }
0x4a: {  	_ =	shalt  }
0x4b: {  	_ =	shalt  }
0x4c: {  	_ =	shalt  }
0x4d: {  	_ =	shalt  }
0x4e: {  	_ =	shalt  }
0x4f: {  	_ =	shalt  }
0x50: {  	_ =	shalt  }
0x51: {  	_ =	shalt  }
0x52: {  	_ =	shalt  }
0x53: {  	_ =	shalt  }
0x54: {  	_ =	shalt  }
0x55: {  	_ =	shalt  }
0x56: {  	_ =	shalt  }
0x57: {  	_ =	shalt  }
0x58: {  	_ =	shalt  }
0x59: {  	_ =	shalt  }
0x5a: {  	_ =	shalt  }
0x5b: {  	_ =	shalt  }
0x5c: {  	_ =	shalt  }
0x5d: {  	_ =	shalt  }
0x5e: {  	_ =	shalt  }
0x5f: {  	_ =	shalt  }
0x60: {  	_ =	shalt  }
0x61: {  	_ =	shalt  }
0x62: {  	_ =	shalt  }
0x63: {  	_ =	shalt  }
0x64: {  	_ =	shalt  }
0x65: {  	_ =	shalt  }
0x66: {  	_ =	shalt  }
0x67: {  	_ =	shalt  }
0x68: {  	_ =	shalt  }
0x69: {  	_ =	shalt  }
0x6a: {  	_ =	shalt  }
0x6b: {  	_ =	shalt  }
0x6c: {  	_ =	shalt  }
0x6d: {  	_ =	shalt  }
0x6e: {  	_ =	shalt  }
0x6f: {  	_ =	shalt  }
0x70: {  	_ =	shalt  }
0x71: {  	_ =	shalt  }
0x72: {  	_ =	shalt  }
0x73: {  	_ =	shalt  }
0x74: {  	_ =	shalt  }
0x75: {  	_ =	shalt  }
0x76: {  	_ =	shalt  }
0x77: {  	_ =	shalt  }
0x78: {  	_ =	shalt  }
0x79: {  	_ =	shalt  }
0x7a: {  	_ =	shalt  }
0x7b: {  	_ =	shalt  }
0x7c: {  	_ =	shalt  }
0x7d: {  	_ =	shalt  }
0x7e: {  	_ =	shalt  }
0x7f: {  	_ =	shalt  }
0x80: {  	_ =	shalt  }
0x81: {  	_ =	shalt  }
0x82: {  	_ =	shalt  }
0x83: {  	_ =	shalt  }
0x84: {  	_ =	shalt  }
0x85: {  	_ =	shalt  }
0x86: {  	_ =	shalt  }
0x87: {  	_ =	shalt  }
.Lfunc_end0:
.L_simem_size_0:
called_computation.2_lowered:
.L_overlay_start_0:
0x88: {  	s2 =	sld [smem:$0x3FD9]  }
0x89: {  	s3 =	sld [smem:$0x3FFE];
	_ =	sdelay $0x1  }
0x8a: {  	s1 =	srdreg.scid  }
0x8b: {  	s0 =	sand.u32 $0x1, s1  }
0x8c: {  	s17 =	sshll.u32 s0, $0xA;
	s2 =	sadd.s32 s3, s2  }
0x8d: {  	s2 =	sadd.s32 s2, s17  }
0x8e: {  	[smem:$0x3FA5] =	sst s2  }
0x8f: {  	_ = 	snop  }
0x90: {  	(tm) =	ssettm $0x1  }
0x91: {  	s18 =	sld [smem:$0x3FFB];
	_ =	sdelay $0x3  }
0x92: {  	_ =	strace s18  }
0x93: {  	s2 =	sld [smem:$0x3FFC];
	_ =	sdelay $0x3  }
0x94: {  	_ =	strace s2  }
0x95: {  	s2 =	sld [smem:$0x3FFD];
	_ =	sdelay $0x3  }
0x96: {  	_ =	strace s2  }
0x97: {  	_ =	strace $0x8FFFFFFF  }
0x98: {  	s19 =	sld [smem:$0x3FDB];
	_ =	sdelay $0x1  }
0x99: {  	s20 =	simm.s32 $_scs_section_size  }
0x9a: {  	s4 =	simm.s32 $_size__tile_overlayer_lowered;
	s5 =	simm.s32 $_tile_overlayer_lowered  }
0x9b: {  	s6 =	simm.s32 $0x1BFF;
	s21 =	sshll.u32 s5, $0x1;
	s3 =	sadd.s32 s20, s19  }
0x9c: {  	s22 =	simm.s32 $0x0;
	s4 =	sshll.u32 s4, $0x1;
	s5 =	sadd.s32 s21, s3  }
0x9d: {  	[timem:s22], [sflag:s6] =	dma.local [hbm:s5], s4  }
0x9e: {  	_ =	swait.ge [sflag:s6], s4  }
0x9f: {  	s4 =	ssub.s32 $0x0, s4;
	[sflag:s6] =	ssyncset.done $0x0  }
0xa0: {  	[sflag:s6] =	ssyncadd.s32 s4;
	_ =	sdelay $0x1  }
0xa1: {  	s23 =	simm.s32 $0x1B8B  }
0xa2: {  	_ =	swait.ge [sflag:s23], $0x1  }
0xa3: {  	[sflag:s23] =	ssyncset.done $0x0  }
0xa4: {  	[sflag:s23] =	ssyncadd.s32 $0xFFFFFFFF  }
0xa5: {  	s4 =	sld [smem:$0x0]  }
0xa6: {  	s5 =	sand.u32 $0xFFFFFFFE, s1  }
0xa7: {  	p0 =	sne.s32 s1, s5  }
0xa8: {  	s5 =	sshll.u32 @p0 s5, $0xE  }
0xa9: {  	s5 =	sadd.s32 @p0 $0x11B8D, s5;
	s6 =	sshll.u32 @p0 s4, $0x11  }
0xaa: {  	s5 =	sor.u32 @p0 s6, s5  }
0xab: {  	[sflag:s5] =	ssyncadd.remote.s32 @p0 $0x1;
	_ =	sdelay $0x1  }
0xac: {  	s5 =	simm.s32 @p0 $0x1B8D  }
0xad: {  	_ =	swait.eq @p0 [sflag:s5], $0x1  }
0xae: {  	[sflag:s5] =	ssyncadd.s32 @p0 $0xFFFFFFFF  }
0xaf: {  	s6 =	sshll.u32 @!p0 s1, $0xE  }
0xb0: {  	s6 =	sor.u32 @!p0 $0x4000, s6;
	s5 =	simm.s32 @!p0 $0x1B8D  }
0xb1: {  	s4 =	sshll.u32 @!p0 s4, $0x11;
	s6 =	sadd.s32 @!p0 $0x11B8D, s6;
	_ =	swait.eq @!p0 [sflag:s5], $0x1  }
0xb2: {  	s4 =	sor.u32 @!p0 s4, s6;
	[sflag:s5] =	ssyncadd.s32 @!p0 $0xFFFFFFFF  }
0xb3: {  	s25 =	simm.s32 $0x1B8E;
	s24 =	sld [smem:$0x3FFE];
	[sflag:s4] =	ssyncadd.remote.s32 @!p0 $0x1  }
0xb4: {  	s26 =	simm.s32 $execute0_lowered;
	[smem:$0x3FD2] =	sst s25  }
0xb5: {  	s5 =	sshll.u32 s26, $0x1;
	_ =	strace $0x80000049;
	[dreg:$0x1] =	wrdreg $0xFFFFFFFF  }
0xb6: {  	s28 =	simm.s32 $_size_execute0_lowered;
	s3 =	sadd.s32 s3, s5;
	[dreg:$0x0] =	wrdreg $0x0  }
0xb7: {  	s5 =	sshll.u32 s28, $0x1;
	[dreg:$0x2] =	wrdreg s3  }
0xb8: {  	[dreg:$0x3] =	wrdreg s5  }
0xb9: {  	[dreg:$0x4] =	wrdreg $0xC0  }
0xba: {  	_ =	task [dreg:s22], $0x5FFFF  }
0xbb: {  	[dreg:$0x1] =	wrdreg $0xFFFFFFFF  }
0xbc: {  	[dreg:$0x0] =	wrdreg $0x60  }
0xbd: {  	[dreg:$0x2] =	wrdreg s24  }
0xbe: {  	[dreg:$0x3] =	wrdreg $0xA  }
0xbf: {  	_ =	task.clear_ibuf [dreg:s22], $0x4FFFF;
	_ =	strace $0x90000049  }
0xc0: {  	s29 =	simm.s32 $0xA;
	_ =	strace $0x8000004B  }
0xc1: {  	_ =	swait.ge [sflag:s29], $0x1  }
0xc2: {  	[sflag:s29] =	ssyncadd.s32 $0xFFFFFFFF  }
0xc3: {  	_ =	strace $0x9000004B  }
0xc4: {  	_ =	sfence  }
0xc5: {  	s30 =	sld [smem:$0x0];
	_ =	sdelay $0x2  }
0xc6: {  	s31 =	sshll.u32 s1, $0xD;
	s1 =	sshrl.u32 s1, $0x2  }
0xc7: {  	s4 =	sand.u32 $0x4000, s31;
	s1 =	sadd.s32 s1, s30  }
0xc8: {  	s0 =	sor.u32 s4, s0;
	s1 =	sshll.u32 s1, $0x11  }
0xc9: {  	s0 =	sor.u32 s1, s0  }
0xca: {  	s0 =	sadd.s32 $0x8F2B, s0  }
0xcb: {  	[sflag:s0] =	ssyncadd.remote.s32 $0x1  }
0xcc: {  	_ =	sfence.sel $0xFFFF  }
0xcd: {  	[dreg:$0x0] =	wrdreg $0xFFFFFFFF;
	(pc) =	sbr.abs _section_cstart, $3  }
0xce: {  	[dreg:$0x1] =	wrdreg $0xFFFFFFFF  }
0xcf: {  	_ =	task.clear_ibuf [dreg:s22], $0x2FFFF;
	_ =	strace $0x9FFFFFFF  }
0xd0: {  	(tm) =	ssettm $0x7FFFFFFF  }
0xd1: {  	_ =	shalt  }
tec
execute0_lowered:
.L_overlay_start_1:
0x0: {  	(tag) =	ssettag $0x1  }
0x1: {  	s0 =	rddreg [dreg:$0x0]  }
0x2: {  	s2 =	simm.s32 $0x0;
	s1 =	srdreg.scid;
	s12 =	stileid.u32  }
0x3: {  	s15 =	simm.s32 $0x80;
	s16 =	simm.s32 $0x400;
	s17 =	simm.s32 $0x100  }
0x4: {  	s18 =	simm.s32 $0x200;
	s21 =	simm.s32 $0x300;
	s28 =	simm.s32 $0x5  }
0x5: {  	s29 =	simm.s32 $0x7;
	s30 =	simm.s32 $0x8;
	s31 =	simm.s32 $0x9  }
0x6: {  	[smem:$0x7FF] =	sst s2;
	s3 =	sadd.s32 $0x571C00, s0;
	s8 =	smul.u32 $0x27100, s12  }
0x7: {  	s1 =	sand.u32 $0x1, s1;
	s5 =	sadd.s32 $0x57FC00, s0;
	s23 =	smul.u32 $0x2710, s12  }
0x8: {  	s4 =	sshll.u32 s12, $0x1;
	s7 =	sadd.s32 $0x7F0C00, s0;
	s11 =	smul.u32 $0x13880, s1  }
0x9: {  	s6 =	sor.u32 s1, s4;
	s22 =	ssub.s32 $0x2, s1;
	s1 =	smul.u32 $0x1388, s1  }
0xa: {  	_ =	strace $0x8000004A;
	s4 =	sadd.s32 $0x3FC00, s0;
	s6 =	smul.u32 $0x3800, s6  }
0xb: {  	s9 =	sshrl.u32 s22, $0x1;
	s25 =	sadd.s32 s8, s7;
	s8 =	sadd.s32 s8, s5  }
0xc: {  	s0 =	ssub.s32 s22, s9;
	s12 =	sadd.s32 s11, s25;
	s13 =	sadd.s32 s11, s8  }
0xd: {  	s26 =	sadd.s32 s1, s23;
	s23 =	simm.s32 $0x6700;
	s10 =	sshrl.u32 s6, $0x3  }
.Ltmp0:
0xe: {  	s0 =	smax.u32 s0, $0x1;
	[dreg:$0x6] =	wrdreg s26;
	(pc) =	sbr.rel .LBB2_1-.Ltmp0, $4  }
0xf: {  	s25 =	simm.s32 $0xCB00;
	s10 =	sadd.s32 s3, s10;
	[dreg:$0x5] =	wrdreg s0  }
0x10: {  	s1 =	simm.s32 $0x0;
	s24 =	sadd.s32 $0x10, s10;
	[dreg:$0x2] =	wrdreg s10  }
0x11: {  	s26 =	simm.s32 $0x4;
	s10 =	sadd.s32 $0x20, s10;
	[dreg:$0x3] =	wrdreg s24  }
0x12: {  	s0 =	simm.s32 $0x6;
	[dreg:$0x4] =	wrdreg s10;
	s24 =	simm.s32 $0x3  }
.LBB2_13:
0x13: {  	_ =	swait.ge [sflag:s29], $0x6400  }
0x14: {  	[sflag:s29] =	ssyncset.done $0x0  }
0x15: {  	[sflag:s29] =	ssyncadd.s32 $0xFFFF9C00  }
0x16: {  	_ =	swait.ge [sflag:s30], $0x6400  }
0x17: {  	[sflag:s30] =	ssyncset.done $0x0  }
0x18: {  	[sflag:s30] =	ssyncadd.s32 $0xFFFF9C00  }
0x19: {  	_ =	swait.ge [sflag:s31], $0x6400  }
0x1a: {  	s1 =	sadd.s32 $0x1, s1;
	s8 =	rddreg [dreg:$0x5]  }
0x1b: {  	p0 =	sne.s32 s1, s8  }
.Ltmp1:
0x1c: {  	_ = 	snop;
	(pc) =	sbr.rel @!p0 .LBB2_14-.Ltmp1, $3  }
0x1d: {  	_ =	sdelay $0x1  }
0x1e: {  	[sflag:s31] =	ssyncset.done $0x0  }
0x1f: {  	[sflag:s31] =	ssyncadd.s32 $0xFFFF9C00  }
.LBB2_1:
0x20: {  	s8 =	rddreg [dreg:$0x2]  }
0x21: {  	[tilespmem:s2], [sflag:$0x1] =	stream.strided.gather [hbm4b:s8+s15], $0x100, s16, s15, $0x38;
	[tilespmem:$0x12F00] =	vst v63  }
0x22: {  	s14 =	rddreg [dreg:$0x3]  }
0x23: {  	[tilespmem:s17], [sflag:$0x2] =	stream.strided.gather [hbm4b:s14+s15], $0x100, s16, s15, $0x38;
	[tilespmem:$0x12F00] =	vst v63  }
0x24: {  	s19 =	rddreg [dreg:$0x4];
	s20 =	simm.s32 $0x1  }
0x25: {  	[tilespmem:s18], [sflag:$0x3] =	stream.strided.gather [hbm4b:s19+s15], $0x100, s16, s15, $0x38;
	[tilespmem:$0x12F00] =	vst v63  }
0x26: {  	_ =	swait.ge [sflag:s20], $0x100  }
0x27: {  	[sflag:s20] =	ssyncset.done $0x0  }
0x28: {  	s22 =	simm.s32 $0xC8;
	s9 =	simm.s32 $0x2;
	[sflag:s20] =	ssyncadd.s32 $0xFFFFFF00  }
0x29: {  	[tilespmem:s21], [sflag:$0x4] =	stream.indirect.gather [hbm4b:s4+s22], $0x80, s2, s22, $0xb8;
	[tilespmem:$0x12F00] =	vst v63  }
0x2a: {  	_ =	swait.ge [sflag:s9], $0x100  }
0x2b: {  	[sflag:s9] =	ssyncset.done $0x0  }
0x2c: {  	[sflag:s9] =	ssyncadd.s32 $0xFFFFFF00  }
0x2d: {  	[tilespmem:s23], [sflag:$0x5] =	stream.indirect.gather [hbm4b:s4+s22], $0x80, s17, s22, $0xb8;
	[tilespmem:$0x12F00] =	vst v63  }
.Ltmp2:
0x2e: {  	_ = 	snop;
	(pc) =	sbr.rel .LBB2_2-.Ltmp2, $4  }
0x2f: {  	s10 =	simm.s32 $0x500;
	_ =	swait.ge [sflag:s24], $0x100  }
0x30: {  	s11 =	simm.s32 $0x0;
	s8 =	simm.s32 $0x0;
	[sflag:s24] =	ssyncset.done $0x0  }
0x31: {  	s9 =	simm.s32 $0x280;
	s14 =	rddreg [dreg:$0x6];
	[sflag:s24] =	ssyncadd.s32 $0xFFFFFF00  }
0x32: {  	[tilespmem:s25], [sflag:$0x6] =	stream.indirect.gather [hbm4b:s4+s22], $0x80, s18, s22, $0xb8;
	[tilespmem:$0x12F00] =	vst v63  }
.LBB2_8:
0x33: {  	s19 =	sadd.s32 s11, s13  }
0x34: {  	s19 =	sadd.s32 $0x1900, s19  }
0x35: {  	[hbm4b:s19+s2] =	stream.linear.scatter [tilespmem:s25], [sflag:$0x9], $0x6400, $0x38;
	[tilespmem:$0x12F00] =	vst v63  }
.LBB2_11:
0x36: {  	s19 =	sand.u32 $0x7800, s10  }
0x37: {  	s20 =	sand.u32 $0x380, s9;
	s19 =	sadd.s32 s6, s19  }
0x38: {  	s19 =	sor.u32 s20, s19  }
0x39: {  	s19 =	sshrl.u32 s19, $0x3  }
0x3a: {  	p1 =	por $0x1, $0x1;
	s19 =	sadd.s32 s3, s19  }
0x3b: {  	[tilespmem:s18], [sflag:$0x3] =	stream.strided.gather [hbm4b:s19+s15], $0x100, s16, s15, $0x38;
	[tilespmem:$0x12F00] =	vst v63  }
.LBB2_12:
0x3c: {  	s19 =	simm.s32 @!p0 $0x7  }
0x3d: {  	_ =	swait.ge @!p0 [sflag:s19], $0x6400  }
0x3e: {  	[sflag:s19] =	ssyncset.done @!p0 $0x0  }
0x3f: {  	[sflag:s19] =	ssyncadd.s32 @!p0 $0xFFFF9C00;
	s19 =	simm.s32 @!p0 $0x1  }
0x40: {  	_ =	swait.ge @!p0 [sflag:s19], $0x100  }
0x41: {  	s20 =	simm.s32 @!p0 $0x0;
	[sflag:s19] =	ssyncset.done @!p0 $0x0  }
0x42: {  	s22 =	simm.s32 @!p0 $0x300;
	[sflag:s19] =	ssyncadd.s32 @!p0 $0xFFFFFF00;
	s19 =	simm.s32 @!p0 $0xC8  }
0x43: {  	[tilespmem:s22], [sflag:$0x4] =	stream.indirect.gather @!p0 [hbm4b:s4+s19], $0x80, s20, s19, $0xb8;
	[tilespmem:$0x12F00] =	vst v63  }
0x44: {  	s20 =	simm.s32 @!p0 $0x8  }
0x45: {  	_ =	swait.ge @!p0 [sflag:s20], $0x6400  }
0x46: {  	[sflag:s20] =	ssyncset.done @!p0 $0x0  }
0x47: {  	[sflag:s20] =	ssyncadd.s32 @!p0 $0xFFFF9C00;
	s20 =	simm.s32 @!p0 $0x2  }
0x48: {  	_ =	swait.ge @!p0 [sflag:s20], $0x100  }
0x49: {  	[sflag:s20] =	ssyncset.done @!p0 $0x0  }
0x4a: {  	s22 =	simm.s32 @!p0 $0x6700;
	[sflag:s20] =	ssyncadd.s32 @!p0 $0xFFFFFF00;
	s20 =	simm.s32 @!p0 $0x100  }
0x4b: {  	[tilespmem:s22], [sflag:$0x5] =	stream.indirect.gather @!p0 [hbm4b:s4+s19], $0x80, s20, s19, $0xb8;
	[tilespmem:$0x12F00] =	vst v63  }
0x4c: {  	s19 =	simm.s32 @p1 $0x9  }
0x4d: {  	s11 =	sadd.s32 $0x2580, s11;
	_ =	swait.ge @p1 [sflag:s19], $0x6400  }
0x4e: {  	s8 =	sadd.s32 $0x1, s8;
	p0 =	sne.s32 s11, $0x27D80;
	[sflag:s19] =	ssyncset.done @p1 $0x0  }
.Ltmp3:
0x4f: {  	[sflag:s19] =	ssyncadd.s32 @p1 $0xFFFF9C00;
	s19 =	simm.s32 @p1 $0x3;
	(pc) =	sbr.rel @!p0 .LBB2_13-.Ltmp3, $4  }
0x50: {  	s14 =	sadd.s32 $0x258, s14;
	s9 =	sadd.s32 $0x180, s9;
	_ =	swait.ge @p1 [sflag:s19], $0x100  }
0x51: {  	s10 =	sadd.s32 $0x300, s10;
	s20 =	simm.s32 @p1 $0x200;
	[sflag:s19] =	ssyncset.done @p1 $0x0  }
0x52: {  	s22 =	simm.s32 @p1 $0xCB00;
	[sflag:s19] =	ssyncadd.s32 @p1 $0xFFFFFF00;
	s19 =	simm.s32 @p1 $0xC8  }
0x53: {  	[tilespmem:s22], [sflag:$0x6] =	stream.indirect.gather @p1 [hbm4b:s4+s19], $0x80, s20, s19, $0xb8;
	[tilespmem:$0x12F00] =	vst v63  }
.LBB2_2:
0x54: {  	p0 =	sgt.u32 s8, $0x8  }
.Ltmp4:
0x55: {  	_ = 	snop;
	(pc) =	sbr.rel @p0 .LBB2_4-.Ltmp4, $4  }
0x56: {  	_ = 	snop  }
0x57: {  	_ =	swait.ge [sflag:s26], $0x6400  }
0x58: {  	[sflag:s26] =	ssyncset.done $0x0  }
0x59: {  	[sflag:s26] =	ssyncadd.s32 $0xFFFF9C00  }
.Ltmp5:
0x5a: {  	(pc) =	sbr.rel .LBB2_5-.Ltmp5, $3  }
0x5b: {  	_ =	sdelay $0x1  }
0x5c: {  	s19 =	sadd.s32 s11, s13  }
0x5d: {  	[hbm4b:s19+s2] =	stream.linear.scatter [tilespmem:s21], [sflag:$0x7], $0x6400, $0x38;
	[tilespmem:$0x12F00] =	vst v63  }
.LBB2_4:
0x5e: {  	p1 =	seq.s32 s11, $0x25800  }
.Ltmp6:
0x5f: {  	_ = 	snop;
	(pc) =	sbr.rel @p1 .LBB2_6-.Ltmp6, $4  }
0x60: {  	_ = 	snop  }
0x61: {  	s19 =	sadd.s32 s11, s12  }
0x62: {  	p0 =	por $0x1, $0x1;
	s19 =	sadd.s32 $0xFFFEC780, s19  }
0x63: {  	[hbm4b:s19+s2] =	stream.linear.scatter [tilespmem:s21], [sflag:$0x7], $0x6400, $0x38;
	[tilespmem:$0x12F00] =	vst v63  }
.LBB2_5:
0x64: {  	s19 =	sadd.s32 $0xFFFFFE00, s10  }
0x65: {  	s20 =	sadd.s32 $0xFFFFFF00, s9;
	s19 =	sand.u32 $0xF800, s19  }
0x66: {  	s20 =	sand.u32 $0x380, s20;
	s19 =	sadd.s32 s6, s19  }
0x67: {  	s19 =	sor.u32 s20, s19  }
0x68: {  	s19 =	sshrl.u32 s19, $0x3  }
0x69: {  	p0 =	por $0x0, $0x0;
	s19 =	sadd.s32 s3, s19  }
0x6a: {  	[tilespmem:s2], [sflag:$0x1] =	stream.strided.gather [hbm4b:s19+s15], $0x100, s16, s15, $0x38;
	[tilespmem:$0x12F00] =	vst v63  }
.LBB2_6:
0x6b: {  	p1 =	sgt.u32 s8, $0x7;
	s19 =	simm.s32 $0xFFFFED40  }
.Ltmp7:
0x6c: {  	s19 =	simm.s32 @!p1 $0xC8;
	(pc) =	sbr.rel @p0 .LBB2_10-.Ltmp7, $4  }
0x6d: {  	_ =	swait.ge [sflag:s28], $0x6400;
	s20 =	smov.u32 s5;
	s19 =	sadd.s32 s14, s19  }
0x6e: {  	[sflag:s28] =	ssyncset.done $0x0;
	s20 =	smov.u32 @p1 s7;
	s19 =	sshll.u32 s19, $0x4  }
0x6f: {  	[sflag:s28] =	ssyncadd.s32 $0xFFFF9C00;
	s19 =	sadd.s32 s20, s19  }
0x70: {  	[hbm4b:s19+s2] =	stream.linear.scatter [tilespmem:s23], [sflag:$0x8], $0x6400, $0x38;
	[tilespmem:$0x12F00] =	vst v63  }
0x71: {  	s19 =	sadd.s32 $0xFFFFFF00, s10  }
0x72: {  	s20 =	sadd.s32 $0xFFFFFF80, s9;
	s19 =	sand.u32 $0xF800, s19  }
0x73: {  	s20 =	sand.u32 $0x380, s20;
	s19 =	sadd.s32 s6, s19  }
0x74: {  	s19 =	sor.u32 s20, s19  }
0x75: {  	s19 =	sshrl.u32 s19, $0x3  }
.Ltmp8:
0x76: {  	s19 =	sadd.s32 s3, s19;
	(pc) =	sbr.rel @!p1 .LBB2_8-.Ltmp8, $4  }
0x77: {  	[tilespmem:s17], [sflag:$0x2] =	stream.strided.gather [hbm4b:s19+s15], $0x100, s16, s15, $0x38;
	[tilespmem:$0x12F00] =	vst v63  }
0x78: {  	_ =	swait.ge [sflag:s0], $0x6400  }
0x79: {  	[sflag:s0] =	ssyncset.done $0x0  }
0x7a: {  	[sflag:s0] =	ssyncadd.s32 $0xFFFF9C00  }
0x7b: {  	s19 =	sadd.s32 s11, s12  }
0x7c: {  	s19 =	sadd.s32 $0xFFFEE080, s19  }
0x7d: {  	[hbm4b:s19+s2] =	stream.linear.scatter [tilespmem:s25], [sflag:$0x9], $0x6400, $0x38;
	[tilespmem:$0x12F00] =	vst v63  }
.LBB2_10:
0x7e: {  	p2 =	sgt.u32 s8, $0xE  }
.Ltmp9:
0x7f: {  	_ = 	snop;
	(pc) =	sbr.rel @p2 .LBB2_12-.Ltmp9, $4  }
.Ltmp10:
0x80: {  	_ = 	snop;
	(pc) =	sbr.rel @!p2 .LBB2_11-.Ltmp10, $4  }
0x81: {  	_ = 	snop  }
0x82: {  	_ = 	snop  }
0x83: {  	p1 =	por $0x0, $0x0  }
0x84: {  	_ = 	snop  }
.LBB2_14:
0x85: {  	_ =	sfence.sel $0x180000  }
0x86: {  	[bflag:$0x0] =	sbarrier.arrive $0xFFFF  }
0x87: {  	_ =	strace $0x9000004A  }
0x88: {  	s0 =	stileid.u32;
	[bflag:$0x2] =	sbarrier.arrive $0xFFFF  }
0x89: {  	p0 =	sne.s32 s0, $0x0;
	s0 =	rddreg [dreg:$0x1]  }
0x8a: {  	s0 =	sadd.s32 @!p0 $0x100000, s0  }
0x8b: {  	[sflag:s0] =	ssyncadd.tile.s32 @!p0 $0x1;
	_ =	shalt  }
.Lfunc_end2:
_tile_overlayer_lowered:
.L_overlay_start_2:
0x8c: {  	(tag) =	ssettag $0x2  }
0x8d: {  	s0 =	rddreg [dreg:$0x0];
	s2 =	stileid.u32  }
0x8e: {  	s1 =	rddreg [dreg:$0x1];
	p0 =	sne.s32 s2, $0x0  }
0x8f: {  	s3 =	rddreg [dreg:$0x2];
	[bflag:$0x3] =	sbarrier.arrive $0xFFFF;
	s2 =	simm.s32 @!p0 $0x1C0A  }
0x90: {  	[timem:s3], [sflag:s2] =	dma.local @!p0 [hbm:s0], s1  }
0x91: {  	s0 =	simm.s32 @!p0 $0xA  }
0x92: {  	_ =	swait.ge @!p0 [sflag:s0], s1  }
0x93: {  	s1 =	ssub.s32 @!p0 $0x0, s1;
	[sflag:s0] =	ssyncset.done @!p0 $0x0  }
0x94: {  	[sflag:s0] =	ssyncadd.s32 @!p0 s1  }
0x95: {  	[bflag:$0x3] =	sbarrier.arrive $0xFFFF  }
0x96: {  	_ =	shalt  }

// kernel: kernel.27.cloned.1.call-start
scs
__scs_entry_jumppad:
0x0: {  	(pc) =	sbr.rel $0x88, $3  }
0x1: {  	(tag) =	ssettag $0x0;
	lr =	simm.s32 $0x1  }
0x2: {  	[smem:$0x3F7E] =	sst lr;
	_ =	strace $0xD0000000  }
0x3: {  	_ = 	snop  }
0x4: {  	_ = 	snop  }
0x5: {  	_ = 	snop  }
0x6: {  	_ = 	snop  }
0x7: {  	_ = 	snop  }
__scs_overlays_trampoline_lowered:
0x8: {  	[smem:$0x3F8D] =	sst s0  }
0x9: {  	[smem:$0x3F8E] =	sst s1  }
0xa: {  	[smem:$0x3F8F] =	sst s2  }
0xb: {  	[smem:$0x3F90] =	sst s3  }
0xc: {  	[smem:$0x3F91] =	sst s4  }
0xd: {  	[smem:$0x3F92] =	sst s5  }
0xe: {  	[smem:$0x3F93] =	sst s6  }
0xf: {  	[smem:$0x3F94] =	sst s7  }
0x10: {  	[smem:$0x3F95] =	sst s8  }
0x11: {  	[smem:$0x3F96] =	sst s9;
	s0 =	simm.s32 @!p0 $0x0  }
0x12: {  	s1 =	sld [smem:$0x3F7C];
	s0 =	simm.s32 @p0 $0x1  }
0x13: {  	[smem:$0x3F97] =	sst s0;
	s0 =	simm.s32 @!p1 $0x0  }
0x14: {  	s2 =	sld [smem:$0x3F7B];
	s0 =	simm.s32 @p1 $0x1  }
0x15: {  	[smem:$0x3F98] =	sst s0;
	s0 =	simm.s32 @!p2 $0x0  }
0x16: {  	s3 =	sld [smem:$0x3FDB];
	s0 =	simm.s32 @p2 $0x1  }
0x17: {  	s4 =	simm.s32 $0x1BF5;
	[smem:$0x3F9A] =	sst s0  }
0x18: {  	s0 =	sld [smem:$0x3F7D];
	_ =	swait.ge [sflag:s4], $0x0  }
0x19: {  	s7 =	sld [smem:$0x3F7E]  }
0x1a: {  	s8 =	sadd.s32 $0xFFFFE003, lr  }
0x1b: {  	s9 =	sadd.s32 $0xFFFFFEF7, lr;
	s5 =	simm.s32 $0xFFFFFFFF;
	p2 =	slt.u32 s8, $0xFFFFF086  }
0x1c: {  	p1 =	slt.u32 s9, $0xF7A;
	s5 =	simm.s32 @!p2 $0x0  }
0x1d: {  	s5 =	simm.s32 @p1 $0x1;
	p0 =	seq.s32 s7, s2  }
0x1e: {  	s7 =	smul.u32 @!p0 $0xF7A, s2;
	p2 =	seq.s32 @!p0 s5, $0x0  }
0x1f: {  	s9 =	smul.u32 $0xF7A, s1;
	s8 =	simm.s32 @!p0 $0x1BF5;
	p2 =	por !p2, p0  }
0x20: {  	[sflag:s8] =	ssyncset.s32 @!p0 $0xFFFFF086;
	s6 =	sadd.s32 @!p0 s3, s7;
	s7 =	simm.s32 @!p0 $0x108  }
0x21: {  	s3 =	sadd.s32 s3, s9;
	s6 =	sadd.s32 @!p0 $0x88, s6;
	s7 =	simm.s32 @p2 $0x1082  }
0x22: {  	[simem:s7], [sflag:s8] =	dma.local @!p0 [hbm:s6], $0xF7A  }
0x23: {  	s9 =	sor.u32 $0xD0000000, s2;
	s6 =	simm.s32 $0x108;
	_ =	swait.ge @!p0 [sflag:s8], $0x0  }
0x24: {  	s3 =	sadd.s32 $0x88, s3;
	s6 =	simm.s32 @!p1 $0x1082;
	[sflag:s4] =	ssyncset.s32 $0xFFFFF086  }
0x25: {  	[simem:s6], [sflag:s4] =	dma.local [hbm:s3], $0xF7A  }
0x26: {  	[smem:$0x3F7E] =	sst s1;
	(tag) =	ssettag s2;
	_ =	strace s9  }
0x27: {  	s1 =	sld [smem:$0x3F8E]  }
0x28: {  	s2 =	sld [smem:$0x3F8F]  }
0x29: {  	s4 =	sld [smem:$0x3F91]  }
0x2a: {  	p0 =	seq.s32 s5, $0x0;
	s5 =	sld [smem:$0x3F92]  }
0x2b: {  	s6 =	sld [smem:$0x3F93]  }
0x2c: {  	s7 =	sld [smem:$0x3F94]  }
0x2d: {  	s3 =	simm.s32 $0x108;
	s8 =	sld [smem:$0x3F95]  }
0x2e: {  	s3 =	simm.s32 @!p0 $0x1082;
	s9 =	sld [smem:$0x3F96]  }
0x2f: {  	lr =	sadd.s32 s0, s3;
	s0 =	sld [smem:$0x3F8D]  }
0x30: {  	s3 =	sld [smem:$0x3F90]  }
0x31: {  	[smem:$0x3F99] =	sst s10  }
0x32: {  	s10 =	sld [smem:$0x3F97];
	_ =	sdelay $0x3  }
0x33: {  	p0 =	seq.s32 s10, $0x1;
	s10 =	sld [smem:$0x3F99];
	_ =	sdelay $0x3  }
0x34: {  	[smem:$0x3F99] =	sst s10  }
0x35: {  	s10 =	sld [smem:$0x3F98];
	_ =	sdelay $0x3  }
0x36: {  	p1 =	seq.s32 s10, $0x1;
	s10 =	sld [smem:$0x3F99];
	_ =	sdelay $0x3  }
0x37: {  	[smem:$0x3F99] =	sst s10  }
0x38: {  	s10 =	sld [smem:$0x3F9A]  }
0x39: {  	_ = 	snop;
	(pc) =	sbr.ind lr, $3  }
0x3a: {  	_ = 	snop  }
0x3b: {  	_ = 	snop  }
0x3c: {  	p2 =	seq.s32 s10, $0x1;
	s10 =	sld [smem:$0x3F99]  }
0x3d: {  	_ =	shalt  }
0x3e: {  	_ =	shalt  }
0x3f: {  	_ =	shalt  }
0x40: {  	_ =	shalt  }
0x41: {  	_ =	shalt  }
0x42: {  	_ =	shalt  }
0x43: {  	_ =	shalt  }
0x44: {  	_ =	shalt  }
0x45: {  	_ =	shalt  }
0x46: {  	_ =	shalt  }
0x47: {  	_ =	shalt  }
0x48: {  	_ =	shalt  }
0x49: {  	_ =	shalt  }
0x4a: {  	_ =	shalt  }
0x4b: {  	_ =	shalt  }
0x4c: {  	_ =	shalt  }
0x4d: {  	_ =	shalt  }
0x4e: {  	_ =	shalt  }
0x4f: {  	_ =	shalt  }
0x50: {  	_ =	shalt  }
0x51: {  	_ =	shalt  }
0x52: {  	_ =	shalt  }
0x53: {  	_ =	shalt  }
0x54: {  	_ =	shalt  }
0x55: {  	_ =	shalt  }
0x56: {  	_ =	shalt  }
0x57: {  	_ =	shalt  }
0x58: {  	_ =	shalt  }
0x59: {  	_ =	shalt  }
0x5a: {  	_ =	shalt  }
0x5b: {  	_ =	shalt  }
0x5c: {  	_ =	shalt  }
0x5d: {  	_ =	shalt  }
0x5e: {  	_ =	shalt  }
0x5f: {  	_ =	shalt  }
0x60: {  	_ =	shalt  }
0x61: {  	_ =	shalt  }
0x62: {  	_ =	shalt  }
0x63: {  	_ =	shalt  }
0x64: {  	_ =	shalt  }
0x65: {  	_ =	shalt  }
0x66: {  	_ =	shalt  }
0x67: {  	_ =	shalt  }
0x68: {  	_ =	shalt  }
0x69: {  	_ =	shalt  }
0x6a: {  	_ =	shalt  }
0x6b: {  	_ =	shalt  }
0x6c: {  	_ =	shalt  }
0x6d: {  	_ =	shalt  }
0x6e: {  	_ =	shalt  }
0x6f: {  	_ =	shalt  }
0x70: {  	_ =	shalt  }
0x71: {  	_ =	shalt  }
0x72: {  	_ =	shalt  }
0x73: {  	_ =	shalt  }
0x74: {  	_ =	shalt  }
0x75: {  	_ =	shalt  }
0x76: {  	_ =	shalt  }
0x77: {  	_ =	shalt  }
0x78: {  	_ =	shalt  }
0x79: {  	_ =	shalt  }
0x7a: {  	_ =	shalt  }
0x7b: {  	_ =	shalt  }
0x7c: {  	_ =	shalt  }
0x7d: {  	_ =	shalt  }
0x7e: {  	_ =	shalt  }
0x7f: {  	_ =	shalt  }
0x80: {  	_ =	shalt  }
0x81: {  	_ =	shalt  }
0x82: {  	_ =	shalt  }
0x83: {  	_ =	shalt  }
0x84: {  	_ =	shalt  }
0x85: {  	_ =	shalt  }
0x86: {  	_ =	shalt  }
0x87: {  	_ =	shalt  }
.Lfunc_end0:
.L_simem_size_0:
called_computation.3_lowered:
.L_overlay_start_0:
0x88: {  	s2 =	sld [smem:$0x3FD9]  }
0x89: {  	s3 =	sld [smem:$0x3FFE];
	_ =	sdelay $0x1  }
0x8a: {  	s1 =	srdreg.scid  }
0x8b: {  	s0 =	sand.u32 $0x1, s1  }
0x8c: {  	s15 =	sshll.u32 s0, $0xA;
	s2 =	sadd.s32 s3, s2  }
0x8d: {  	s2 =	sadd.s32 s2, s15  }
0x8e: {  	[smem:$0x3FA5] =	sst s2  }
0x8f: {  	_ = 	snop  }
0x90: {  	s2 =	sld [smem:$0x3FD0];
	_ =	sdelay $0x2  }
0x91: {  	s16 =	simm.s32 $0xB;
	s4 =	simm.s32 $0x10  }
0x92: {  	[smem:s4], [sflag:s16] =	dma.local [hbm:s2], $0x1  }
0x93: {  	_ =	swait.eq [sflag:s16], $0x1  }
0x94: {  	[sflag:s16] =	ssyncset.done $0x0  }
0x95: {  	[sflag:s16] =	ssyncadd.s32 $0xFFFFFFFF  }
0x96: {  	s17 =	sld [smem:$0x10];
	(tm) =	ssettm $0x1  }
0x97: {  	s18 =	sld [smem:$0x3FFB];
	_ =	sdelay $0x3  }
0x98: {  	_ =	strace s18  }
0x99: {  	s2 =	sld [smem:$0x3FFC];
	_ =	sdelay $0x3  }
0x9a: {  	_ =	strace s2  }
0x9b: {  	s2 =	sld [smem:$0x3FFD];
	_ =	sdelay $0x3  }
0x9c: {  	_ =	strace s2  }
0x9d: {  	_ =	strace $0x8FFFFFFF  }
0x9e: {  	s19 =	sld [smem:$0x3FDB];
	_ =	sdelay $0x1  }
0x9f: {  	s20 =	simm.s32 $_scs_section_size  }
0xa0: {  	s5 =	simm.s32 $_size__tile_overlayer_lowered;
	s6 =	simm.s32 $_tile_overlayer_lowered  }
0xa1: {  	s7 =	simm.s32 $0x1BFF;
	s21 =	sshll.u32 s6, $0x1;
	s4 =	sadd.s32 s20, s19  }
0xa2: {  	s22 =	simm.s32 $0x0;
	s5 =	sshll.u32 s5, $0x1;
	s6 =	sadd.s32 s21, s4  }
0xa3: {  	[timem:s22], [sflag:s7] =	dma.local [hbm:s6], s5  }
0xa4: {  	_ =	swait.ge [sflag:s7], s5  }
0xa5: {  	s5 =	ssub.s32 $0x0, s5;
	[sflag:s7] =	ssyncset.done $0x0  }
0xa6: {  	[sflag:s7] =	ssyncadd.s32 s5;
	_ =	sdelay $0x1  }
0xa7: {  	s23 =	simm.s32 $0x1B8B  }
0xa8: {  	_ =	swait.ge [sflag:s23], $0x1  }
0xa9: {  	[sflag:s23] =	ssyncset.done $0x0  }
0xaa: {  	[sflag:s23] =	ssyncadd.s32 $0xFFFFFFFF  }
0xab: {  	s5 =	sld [smem:$0x0]  }
0xac: {  	s6 =	sand.u32 $0xFFFFFFFE, s1  }
0xad: {  	p0 =	sne.s32 s1, s6  }
0xae: {  	s6 =	sshll.u32 @p0 s6, $0xE  }
0xaf: {  	s6 =	sadd.s32 @p0 $0x11B8D, s6;
	s7 =	sshll.u32 @p0 s5, $0x11  }
0xb0: {  	s6 =	sor.u32 @p0 s7, s6  }
0xb1: {  	[sflag:s6] =	ssyncadd.remote.s32 @p0 $0x1;
	_ =	sdelay $0x1  }
0xb2: {  	s6 =	simm.s32 @p0 $0x1B8D  }
0xb3: {  	_ =	swait.eq @p0 [sflag:s6], $0x1  }
0xb4: {  	[sflag:s6] =	ssyncadd.s32 @p0 $0xFFFFFFFF  }
0xb5: {  	s7 =	sshll.u32 @!p0 s1, $0xE  }
0xb6: {  	s7 =	sor.u32 @!p0 $0x4000, s7;
	s6 =	simm.s32 @!p0 $0x1B8D  }
0xb7: {  	s5 =	sshll.u32 @!p0 s5, $0x11;
	s7 =	sadd.s32 @!p0 $0x11B8D, s7;
	_ =	swait.eq @!p0 [sflag:s6], $0x1  }
0xb8: {  	s5 =	sor.u32 @!p0 s5, s7;
	[sflag:s6] =	ssyncadd.s32 @!p0 $0xFFFFFFFF  }
0xb9: {  	s25 =	simm.s32 $0x1B8E;
	s24 =	sld [smem:$0x3FFE];
	[sflag:s5] =	ssyncadd.remote.s32 @!p0 $0x1  }
0xba: {  	s26 =	simm.s32 $execute0_lowered;
	[smem:$0x3FD2] =	sst s25  }
0xbb: {  	s6 =	sshll.u32 s26, $0x1;
	_ =	strace $0x8000004F;
	[dreg:$0x1] =	wrdreg $0xFFFFFFFF  }
0xbc: {  	s28 =	simm.s32 $_size_execute0_lowered;
	s4 =	sadd.s32 s4, s6;
	[dreg:$0x0] =	wrdreg $0x0  }
0xbd: {  	s6 =	sshll.u32 s28, $0x1;
	[dreg:$0x2] =	wrdreg s4  }
0xbe: {  	[dreg:$0x3] =	wrdreg s6  }
0xbf: {  	[dreg:$0x4] =	wrdreg $0xC0  }
0xc0: {  	_ =	task [dreg:s22], $0x5FFFF  }
0xc1: {  	[dreg:$0x1] =	wrdreg $0xFFFFFFFF  }
0xc2: {  	[dreg:$0x0] =	wrdreg $0x60  }
0xc3: {  	[dreg:$0x2] =	wrdreg s24  }
0xc4: {  	[dreg:$0x3] =	wrdreg s17  }
0xc5: {  	[dreg:$0x4] =	wrdreg $0x66000  }
0xc6: {  	[dreg:$0x5] =	wrdreg $0xA  }
0xc7: {  	_ =	task.clear_ibuf [dreg:s22], $0x6FFFF;
	_ =	strace $0x9000004F  }
0xc8: {  	s29 =	simm.s32 $0xA;
	_ =	strace $0x80000051  }
0xc9: {  	_ =	swait.ge [sflag:s29], $0x1  }
0xca: {  	[sflag:s29] =	ssyncadd.s32 $0xFFFFFFFF  }
0xcb: {  	_ =	strace $0x90000051  }
0xcc: {  	_ =	sfence  }
0xcd: {  	s30 =	sld [smem:$0x0];
	_ =	sdelay $0x2  }
0xce: {  	s31 =	sshll.u32 s1, $0xD;
	s1 =	sshrl.u32 s1, $0x2  }
0xcf: {  	s4 =	sand.u32 $0x4000, s31;
	s1 =	sadd.s32 s1, s30  }
0xd0: {  	s0 =	sor.u32 s4, s0;
	s1 =	sshll.u32 s1, $0x11  }
0xd1: {  	s0 =	sor.u32 s1, s0  }
0xd2: {  	s0 =	sadd.s32 $0x8F2B, s0  }
0xd3: {  	[sflag:s0] =	ssyncadd.remote.s32 $0x1  }
0xd4: {  	_ =	sfence.sel $0xFFFF  }
0xd5: {  	[dreg:$0x0] =	wrdreg $0xFFFFFFFF;
	(pc) =	sbr.abs _section_cstart, $3  }
0xd6: {  	[dreg:$0x1] =	wrdreg $0xFFFFFFFF  }
0xd7: {  	_ =	task.clear_ibuf [dreg:s22], $0x2FFFF;
	_ =	strace $0x9FFFFFFF  }
0xd8: {  	(tm) =	ssettm $0x7FFFFFFF  }
0xd9: {  	_ =	shalt  }
tec
execute0_lowered:
.L_overlay_start_1:
0x0: {  	(tag) =	ssettag $0x1  }
0x1: {  	s5 =	rddreg [dreg:$0x0];
	s0 =	stileid.u32  }
0x2: {  	s7 =	rddreg [dreg:$0x1];
	s8 =	smul.u32 $0x14000, s0  }
0x3: {  	s1 =	srdreg.scid;
	s15 =	smul.u32 $0x50000, s0  }
0x4: {  	s2 =	rddreg [dreg:$0x2];
	s3 =	simm.s32 $0x0;
	s28 =	smul.u32 $0x2710, s0  }
0x5: {  	s12 =	sand.u32 $0x1, s1;
	s1 =	rddreg [dreg:$0x3];
	s29 =	smul.u32 $0x27100, s0  }
0x6: {  	[smem:$0x7FF] =	sst s3;
	s6 =	sshll.u32 s0, $0x1;
	s4 =	smul.u32 $0x140000, s12  }
0x7: {  	s13 =	sadd.s32 $0xDFC00, s5;
	s26 =	sshll.u32 s0, $0x6;
	s17 =	smul.u32 $0x1388, s12  }
0x8: {  	s9 =	sor.u32 s12, s6;
	s20 =	ssub.s32 $0x2, s12;
	s18 =	smul.u32 $0x13880, s12  }
0x9: {  	_ =	strace $0x80000050;
	s10 =	smul.u32 $0x1388, s9;
	s21 =	sshrl.u32 s20, $0x1  }
0xa: {  	s24 =	sshrl.u32 s15, $0x2;
	s25 =	smul.u32 $0x13880, s9;
	s30 =	sadd.s32 s29, s13  }
0xb: {  	s4 =	sadd.s32 s8, s4;
	s16 =	ssub.s32 s20, s21;
	s8 =	sshrl.u32 s8, $0x3  }
0xc: {  	s17 =	sadd.s32 s17, s28;
	s15 =	sadd.s32 s18, s30;
	s18 =	simm.s32 $0x100  }
0xd: {  	s20 =	simm.s32 $0x3;
	s21 =	simm.s32 $0x200;
	s19 =	sshrl.u32 s4, $0x3  }
0xe: {  	s4 =	sadd.s32 $0x8E00, s5;
	s14 =	sadd.s32 $0xC8, s10;
	s22 =	sshrl.u32 s10, $0x3  }
0xf: {  	s7 =	sadd.s32 s7, s8;
	s8 =	sor.u32 $0x1C03, s26;
	s10 =	smax.u32 s16, $0x1  }
0x10: {  	s31 =	sadd.s32 $0x258, s17;
	s15 =	sadd.s32 $0xC80, s15;
	s17 =	sadd.s32 $0x190, s17  }
0x11: {  	s11 =	sadd.s32 s19, s5;
	s23 =	sshrl.u32 s14, $0x3;
	s5 =	sadd.s32 s4, s22  }
0x12: {  	s19 =	sadd.s32 s24, s2;
	s14 =	sadd.s32 s13, s25;
	s16 =	sshrl.u32 s31, $0x3  }
0x13: {  	s22 =	simm.s32 $0x1;
	s24 =	simm.s32 $0x2;
	s25 =	simm.s32 $0x0  }
0x14: {  	s6 =	sadd.s32 s4, s23;
	s9 =	sadd.s32 $0x3FC00, s11;
	s11 =	sadd.s32 $0x12C00, s14  }
0x15: {  	s12 =	sadd.s32 $0x11300, s14;
	s13 =	sadd.s32 $0x258, s5;
	s14 =	sadd.s32 $0x11F80, s14  }
0x16: {  	s16 =	sadd.s32 s16, s4;
	s19 =	sshrl.u32 s19, $0x3;
	s23 =	simm.s32 $0xC8  }
.LBB2_1:
0x17: {  	[tilespmem:s3], [sflag:$0x1] =	stream.linear.gather [hbm4b:s5+s3], $0xC8, $0x38;
	[tilespmem:$0x1A600] =	vst v63  }
0x18: {  	_ = 	snop  }
0x19: {  	[tilespmem:s18], [sflag:$0x2] =	stream.linear.gather [hbm4b:s6+s3], $0xC8, $0x38;
	[tilespmem:$0x1A600] =	vst v63  }
0x1a: {  	[spmem:s19], [sflag:s8] =	dma.local [hbm:s7], $0x2800  }
0x1b: {  	_ =	swait.ge [sflag:s20], $0x2800  }
0x1c: {  	[sflag:s20] =	ssyncset.done $0x0  }
0x1d: {  	[sflag:s20] =	ssyncadd.s32 $0xFFFFD800  }
0x1e: {  	s26 =	sadd.s32 $0xFFFFF380, s15;
	[bflag:$0x0] =	sbarrier.arrive $0xFFFF  }
0x1f: {  	[tilespmem:s21], [sflag:$0x3] =	stream.linear.gather [hbm4b:s26+s3], $0x6400, $0x38;
	[tilespmem:$0x1A600] =	vst v63  }
0x20: {  	_ =	swait.ge [sflag:s20], $0x6400  }
0x21: {  	[sflag:s20] =	ssyncset.done $0x0  }
0x22: {  	[sflag:s20] =	ssyncadd.s32 $0xFFFF9C00  }
0x23: {  	_ =	swait.ge [sflag:s22], $0xC8  }
0x24: {  	[sflag:s22] =	ssyncset.done $0x0  }
0x25: {  	[sflag:s22] =	ssyncadd.s32 $0xFFFFFF38  }
0x26: {  	[spmem:s2] =	stream.indirect.scatter.add.f32 [tilespmem:s21], [sflag:$0x3], $0x80, s3, s23, $0xb8;
	[tilespmem:$0x1A600] =	vst v63  }
0x27: {  	_ =	swait.ge [sflag:s20], $0x6400  }
0x28: {  	s31 =	sshrl.u32 s17, $0x3;
	[sflag:s20] =	ssyncset.done $0x0  }
0x29: {  	s26 =	sadd.s32 s4, s31;
	[sflag:s20] =	ssyncadd.s32 $0xFFFF9C00  }
0x2a: {  	[tilespmem:s3], [sflag:$0x1] =	stream.linear.gather [hbm4b:s26+s3], $0xC8, $0x38;
	[tilespmem:$0x1A600] =	vst v63  }
0x2b: {  	_ = 	snop  }
0x2c: {  	[tilespmem:s21], [sflag:$0x3] =	stream.linear.gather [hbm4b:s15+s3], $0x6400, $0x38;
	[tilespmem:$0x1A600] =	vst v63  }
0x2d: {  	_ =	swait.ge [sflag:s20], $0x6400  }
0x2e: {  	[sflag:s20] =	ssyncset.done $0x0  }
0x2f: {  	[sflag:s20] =	ssyncadd.s32 $0xFFFF9C00  }
0x30: {  	_ =	swait.ge [sflag:s24], $0xC8  }
0x31: {  	[sflag:s24] =	ssyncset.done $0x0  }
0x32: {  	[sflag:s24] =	ssyncadd.s32 $0xFFFFFF38  }
0x33: {  	[spmem:s2] =	stream.indirect.scatter.add.f32 [tilespmem:s21], [sflag:$0x3], $0x80, s18, s23, $0xb8;
	[tilespmem:$0x1A600] =	vst v63  }
0x34: {  	_ =	swait.ge [sflag:s20], $0x6400  }
0x35: {  	s28 =	sadd.s32 $0x190, s17;
	s30 =	sadd.s32 $0x0, s16;
	[sflag:s20] =	ssyncset.done $0x0  }
0x36: {  	s29 =	sadd.s32 $0x1900, s15;
	s26 =	simm.s32 $0x32;
	[sflag:s20] =	ssyncadd.s32 $0xFFFF9C00  }
.LBB2_2:
0x37: {  	[tilespmem:s18], [sflag:$0x2] =	stream.linear.gather [hbm4b:s30+s3], $0xC8, $0x38;
	[tilespmem:$0x1A600] =	vst v63  }
0x38: {  	s30 =	smov.u32 s26  }
0x39: {  	s31 =	sadd.s32 $0xFFFFF380, s29;
	p0 =	sne.s32 s26, $0x1F4;
	s26 =	sadd.s32 $0x32, s26  }
0x3a: {  	[tilespmem:s21], [sflag:$0x3] =	stream.linear.gather [hbm4b:s31+s3], $0x6400, $0x38;
	[tilespmem:$0x1A600] =	vst v63  }
0x3b: {  	_ =	swait.ge [sflag:s20], $0x6400  }
0x3c: {  	[sflag:s20] =	ssyncset.done $0x0  }
0x3d: {  	[sflag:s20] =	ssyncadd.s32 $0xFFFF9C00  }
0x3e: {  	_ =	swait.ge [sflag:s22], $0xC8  }
0x3f: {  	[sflag:s22] =	ssyncset.done $0x0  }
0x40: {  	[sflag:s22] =	ssyncadd.s32 $0xFFFFFF38  }
0x41: {  	[spmem:s2] =	stream.indirect.scatter.add.f32 [tilespmem:s21], [sflag:$0x3], $0x80, s3, s23, $0xb8;
	[tilespmem:$0x1A600] =	vst v63  }
0x42: {  	_ =	swait.ge [sflag:s20], $0x6400  }
0x43: {  	s31 =	sshrl.u32 s28, $0x3;
	[sflag:s20] =	ssyncset.done $0x0  }
0x44: {  	s31 =	sadd.s32 s4, s31;
	[sflag:s20] =	ssyncadd.s32 $0xFFFF9C00  }
0x45: {  	[tilespmem:s3], [sflag:$0x1] =	stream.linear.gather [hbm4b:s31+s3], $0xC8, $0x38;
	[tilespmem:$0x1A600] =	vst v63  }
0x46: {  	_ = 	snop  }
0x47: {  	[tilespmem:s21], [sflag:$0x3] =	stream.linear.gather [hbm4b:s29+s3], $0x6400, $0x38;
	[tilespmem:$0x1A600] =	vst v63  }
0x48: {  	_ =	swait.ge [sflag:s20], $0x6400  }
0x49: {  	[sflag:s20] =	ssyncset.done $0x0  }
0x4a: {  	[sflag:s20] =	ssyncadd.s32 $0xFFFF9C00  }
0x4b: {  	_ =	swait.ge [sflag:s24], $0xC8  }
0x4c: {  	[sflag:s24] =	ssyncset.done $0x0  }
.Ltmp0:
0x4d: {  	[sflag:s24] =	ssyncadd.s32 $0xFFFFFF38;
	(pc) =	sbr.rel @p0 .LBB2_2-.Ltmp0, $4  }
0x4e: {  	[spmem:s2] =	stream.indirect.scatter.add.f32 [tilespmem:s21], [sflag:$0x3], $0x80, s18, s23, $0xb8;
	[tilespmem:$0x1A600] =	vst v63  }
0x4f: {  	_ =	swait.ge [sflag:s20], $0x6400  }
0x50: {  	s28 =	sadd.s32 $0x190, s28;
	[sflag:s20] =	ssyncset.done $0x0  }
0x51: {  	s30 =	sadd.s32 s30, s16;
	s29 =	sadd.s32 $0x1900, s29;
	[sflag:s20] =	ssyncadd.s32 $0xFFFF9C00  }
0x52: {  	[tilespmem:s18], [sflag:$0x2] =	stream.linear.gather [hbm4b:s30+s3], $0xC8, $0x38;
	[tilespmem:$0x1A600] =	vst v63  }
0x53: {  	_ = 	snop  }
0x54: {  	[tilespmem:s21], [sflag:$0x3] =	stream.linear.gather [hbm4b:s12+s3], $0x6400, $0x38;
	[tilespmem:$0x1A600] =	vst v63  }
0x55: {  	_ =	swait.ge [sflag:s20], $0x6400  }
0x56: {  	[sflag:s20] =	ssyncset.done $0x0  }
0x57: {  	[sflag:s20] =	ssyncadd.s32 $0xFFFF9C00  }
0x58: {  	_ =	swait.ge [sflag:s22], $0xC8  }
0x59: {  	[sflag:s22] =	ssyncset.done $0x0  }
0x5a: {  	[sflag:s22] =	ssyncadd.s32 $0xFFFFFF38  }
0x5b: {  	[spmem:s2] =	stream.indirect.scatter.add.f32 [tilespmem:s21], [sflag:$0x3], $0x80, s3, s23, $0xb8;
	[tilespmem:$0x1A600] =	vst v63  }
0x5c: {  	_ =	swait.ge [sflag:s20], $0x6400  }
0x5d: {  	[sflag:s20] =	ssyncset.done $0x0  }
0x5e: {  	[sflag:s20] =	ssyncadd.s32 $0xFFFF9C00  }
0x5f: {  	[tilespmem:s3], [sflag:$0x1] =	stream.linear.gather [hbm4b:s13+s3], $0xC8, $0x38;
	[tilespmem:$0x1A600] =	vst v63  }
0x60: {  	_ = 	snop  }
0x61: {  	[tilespmem:s21], [sflag:$0x3] =	stream.linear.gather [hbm4b:s14+s3], $0x6400, $0x38;
	[tilespmem:$0x1A600] =	vst v63  }
0x62: {  	_ =	swait.ge [sflag:s20], $0x6400  }
0x63: {  	[sflag:s20] =	ssyncset.done $0x0  }
0x64: {  	[sflag:s20] =	ssyncadd.s32 $0xFFFF9C00  }
0x65: {  	_ =	swait.ge [sflag:s24], $0xC8  }
0x66: {  	[sflag:s24] =	ssyncset.done $0x0  }
0x67: {  	[sflag:s24] =	ssyncadd.s32 $0xFFFFFF38  }
0x68: {  	[spmem:s2] =	stream.indirect.scatter.add.f32 [tilespmem:s21], [sflag:$0x3], $0x80, s18, s23, $0xb8;
	[tilespmem:$0x1A600] =	vst v63  }
0x69: {  	_ =	swait.ge [sflag:s20], $0x6400  }
0x6a: {  	[sflag:s20] =	ssyncset.done $0x0  }
0x6b: {  	[sflag:s20] =	ssyncadd.s32 $0xFFFF9C00  }
0x6c: {  	[tilespmem:s21], [sflag:$0x3] =	stream.linear.gather [hbm4b:s11+s3], $0x6400, $0x38;
	[tilespmem:$0x1A600] =	vst v63  }
0x6d: {  	_ =	swait.ge [sflag:s20], $0x6400  }
0x6e: {  	[sflag:s20] =	ssyncset.done $0x0  }
0x6f: {  	[sflag:s20] =	ssyncadd.s32 $0xFFFF9C00  }
0x70: {  	_ =	swait.ge [sflag:s22], $0xC8  }
0x71: {  	[sflag:s22] =	ssyncset.done $0x0  }
0x72: {  	[sflag:s22] =	ssyncadd.s32 $0xFFFFFF38  }
0x73: {  	[spmem:s2] =	stream.indirect.scatter.add.f32 [tilespmem:s21], [sflag:$0x3], $0x80, s3, s23, $0xb8;
	[tilespmem:$0x1A600] =	vst v63  }
0x74: {  	_ =	swait.ge [sflag:s20], $0x6400  }
0x75: {  	s25 =	sadd.s32 $0x1, s25;
	[sflag:s20] =	ssyncset.done $0x0  }
0x76: {  	p0 =	sne.s32 s25, s10;
	[sflag:s20] =	ssyncadd.s32 $0xFFFF9C00  }
.Ltmp1:
0x77: {  	[bflag:$0x0] =	sbarrier.arrive $0xFFFF;
	(pc) =	sbr.rel @p0 .LBB2_1-.Ltmp1, $4  }
0x78: {  	[hbm:s9], [sflag:s8] =	dma.local [spmem:s19], $0x2800  }
0x79: {  	_ =	swait.ge [sflag:s20], $0x2800  }
0x7a: {  	[sflag:s20] =	ssyncset.done $0x0  }
0x7b: {  	[sflag:s20] =	ssyncadd.s32 $0xFFFFD800  }
0x7c: {  	_ =	sfence.sel $0x180000  }
0x7d: {  	[bflag:$0x0] =	sbarrier.arrive $0xFFFF  }
0x7e: {  	p0 =	sne.s32 s0, $0x0;
	_ =	strace $0x90000050  }
0x7f: {  	s0 =	sadd.s32 @!p0 $0x100000, s1;
	[bflag:$0x2] =	sbarrier.arrive $0xFFFF  }
0x80: {  	[sflag:s0] =	ssyncadd.tile.s32 @!p0 $0x1;
	_ =	shalt  }
.Lfunc_end2:
_tile_overlayer_lowered:
.L_overlay_start_2:
0x81: {  	(tag) =	ssettag $0x2  }
0x82: {  	s0 =	rddreg [dreg:$0x0];
	s2 =	stileid.u32  }
0x83: {  	s1 =	rddreg [dreg:$0x1];
	p0 =	sne.s32 s2, $0x0  }
0x84: {  	s3 =	rddreg [dreg:$0x2];
	[bflag:$0x3] =	sbarrier.arrive $0xFFFF;
	s2 =	simm.s32 @!p0 $0x1C03  }
0x85: {  	[timem:s3], [sflag:s2] =	dma.local @!p0 [hbm:s0], s1  }
0x86: {  	s0 =	simm.s32 @!p0 $0x3  }
0x87: {  	_ =	swait.ge @!p0 [sflag:s0], s1  }
0x88: {  	s1 =	ssub.s32 @!p0 $0x0, s1;
	[sflag:s0] =	ssyncset.done @!p0 $0x0  }
0x89: {  	[sflag:s0] =	ssyncadd.s32 @!p0 s1  }
0x8a: {  	[bflag:$0x3] =	sbarrier.arrive $0xFFFF  }
0x8b: {  	_ =	shalt  }

// kernel: kernel.30.cloned.1.call-start
scs
__scs_entry_jumppad:
0x0: {  	(pc) =	sbr.rel $0x88, $3  }
0x1: {  	(tag) =	ssettag $0x0;
	lr =	simm.s32 $0x1  }
0x2: {  	[smem:$0x3F7E] =	sst lr;
	_ =	strace $0xD0000000  }
0x3: {  	_ = 	snop  }
0x4: {  	_ = 	snop  }
0x5: {  	_ = 	snop  }
0x6: {  	_ = 	snop  }
0x7: {  	_ = 	snop  }
__scs_overlays_trampoline_lowered:
0x8: {  	[smem:$0x3F8D] =	sst s0  }
0x9: {  	[smem:$0x3F8E] =	sst s1  }
0xa: {  	[smem:$0x3F8F] =	sst s2  }
0xb: {  	[smem:$0x3F90] =	sst s3  }
0xc: {  	[smem:$0x3F91] =	sst s4  }
0xd: {  	[smem:$0x3F92] =	sst s5  }
0xe: {  	[smem:$0x3F93] =	sst s6  }
0xf: {  	[smem:$0x3F94] =	sst s7  }
0x10: {  	[smem:$0x3F95] =	sst s8  }
0x11: {  	[smem:$0x3F96] =	sst s9;
	s0 =	simm.s32 @!p0 $0x0  }
0x12: {  	s1 =	sld [smem:$0x3F7C];
	s0 =	simm.s32 @p0 $0x1  }
0x13: {  	[smem:$0x3F97] =	sst s0;
	s0 =	simm.s32 @!p1 $0x0  }
0x14: {  	s2 =	sld [smem:$0x3F7B];
	s0 =	simm.s32 @p1 $0x1  }
0x15: {  	[smem:$0x3F98] =	sst s0;
	s0 =	simm.s32 @!p2 $0x0  }
0x16: {  	s3 =	sld [smem:$0x3FDB];
	s0 =	simm.s32 @p2 $0x1  }
0x17: {  	s4 =	simm.s32 $0x1BF5;
	[smem:$0x3F9A] =	sst s0  }
0x18: {  	s0 =	sld [smem:$0x3F7D];
	_ =	swait.ge [sflag:s4], $0x0  }
0x19: {  	s7 =	sld [smem:$0x3F7E]  }
0x1a: {  	s8 =	sadd.s32 $0xFFFFE003, lr  }
0x1b: {  	s9 =	sadd.s32 $0xFFFFFEF7, lr;
	s5 =	simm.s32 $0xFFFFFFFF;
	p2 =	slt.u32 s8, $0xFFFFF086  }
0x1c: {  	p1 =	slt.u32 s9, $0xF7A;
	s5 =	simm.s32 @!p2 $0x0  }
0x1d: {  	s5 =	simm.s32 @p1 $0x1;
	p0 =	seq.s32 s7, s2  }
0x1e: {  	s7 =	smul.u32 @!p0 $0xF7A, s2;
	p2 =	seq.s32 @!p0 s5, $0x0  }
0x1f: {  	s9 =	smul.u32 $0xF7A, s1;
	s8 =	simm.s32 @!p0 $0x1BF5;
	p2 =	por !p2, p0  }
0x20: {  	[sflag:s8] =	ssyncset.s32 @!p0 $0xFFFFF086;
	s6 =	sadd.s32 @!p0 s3, s7;
	s7 =	simm.s32 @!p0 $0x108  }
0x21: {  	s3 =	sadd.s32 s3, s9;
	s6 =	sadd.s32 @!p0 $0x88, s6;
	s7 =	simm.s32 @p2 $0x1082  }
0x22: {  	[simem:s7], [sflag:s8] =	dma.local @!p0 [hbm:s6], $0xF7A  }
0x23: {  	s9 =	sor.u32 $0xD0000000, s2;
	s6 =	simm.s32 $0x108;
	_ =	swait.ge @!p0 [sflag:s8], $0x0  }
0x24: {  	s3 =	sadd.s32 $0x88, s3;
	s6 =	simm.s32 @!p1 $0x1082;
	[sflag:s4] =	ssyncset.s32 $0xFFFFF086  }
0x25: {  	[simem:s6], [sflag:s4] =	dma.local [hbm:s3], $0xF7A  }
0x26: {  	[smem:$0x3F7E] =	sst s1;
	(tag) =	ssettag s2;
	_ =	strace s9  }
0x27: {  	s1 =	sld [smem:$0x3F8E]  }
0x28: {  	s2 =	sld [smem:$0x3F8F]  }
0x29: {  	s4 =	sld [smem:$0x3F91]  }
0x2a: {  	p0 =	seq.s32 s5, $0x0;
	s5 =	sld [smem:$0x3F92]  }
0x2b: {  	s6 =	sld [smem:$0x3F93]  }
0x2c: {  	s7 =	sld [smem:$0x3F94]  }
0x2d: {  	s3 =	simm.s32 $0x108;
	s8 =	sld [smem:$0x3F95]  }
0x2e: {  	s3 =	simm.s32 @!p0 $0x1082;
	s9 =	sld [smem:$0x3F96]  }
0x2f: {  	lr =	sadd.s32 s0, s3;
	s0 =	sld [smem:$0x3F8D]  }
0x30: {  	s3 =	sld [smem:$0x3F90]  }
0x31: {  	[smem:$0x3F99] =	sst s10  }
0x32: {  	s10 =	sld [smem:$0x3F97];
	_ =	sdelay $0x3  }
0x33: {  	p0 =	seq.s32 s10, $0x1;
	s10 =	sld [smem:$0x3F99];
	_ =	sdelay $0x3  }
0x34: {  	[smem:$0x3F99] =	sst s10  }
0x35: {  	s10 =	sld [smem:$0x3F98];
	_ =	sdelay $0x3  }
0x36: {  	p1 =	seq.s32 s10, $0x1;
	s10 =	sld [smem:$0x3F99];
	_ =	sdelay $0x3  }
0x37: {  	[smem:$0x3F99] =	sst s10  }
0x38: {  	s10 =	sld [smem:$0x3F9A]  }
0x39: {  	_ = 	snop;
	(pc) =	sbr.ind lr, $3  }
0x3a: {  	_ = 	snop  }
0x3b: {  	_ = 	snop  }
0x3c: {  	p2 =	seq.s32 s10, $0x1;
	s10 =	sld [smem:$0x3F99]  }
0x3d: {  	_ =	shalt  }
0x3e: {  	_ =	shalt  }
0x3f: {  	_ =	shalt  }
0x40: {  	_ =	shalt  }
0x41: {  	_ =	shalt  }
0x42: {  	_ =	shalt  }
0x43: {  	_ =	shalt  }
0x44: {  	_ =	shalt  }
0x45: {  	_ =	shalt  }
0x46: {  	_ =	shalt  }
0x47: {  	_ =	shalt  }
0x48: {  	_ =	shalt  }
0x49: {  	_ =	shalt  }
0x4a: {  	_ =	shalt  }
0x4b: {  	_ =	shalt  }
0x4c: {  	_ =	shalt  }
0x4d: {  	_ =	shalt  }
0x4e: {  	_ =	shalt  }
0x4f: {  	_ =	shalt  }
0x50: {  	_ =	shalt  }
0x51: {  	_ =	shalt  }
0x52: {  	_ =	shalt  }
0x53: {  	_ =	shalt  }
0x54: {  	_ =	shalt  }
0x55: {  	_ =	shalt  }
0x56: {  	_ =	shalt  }
0x57: {  	_ =	shalt  }
0x58: {  	_ =	shalt  }
0x59: {  	_ =	shalt  }
0x5a: {  	_ =	shalt  }
0x5b: {  	_ =	shalt  }
0x5c: {  	_ =	shalt  }
0x5d: {  	_ =	shalt  }
0x5e: {  	_ =	shalt  }
0x5f: {  	_ =	shalt  }
0x60: {  	_ =	shalt  }
0x61: {  	_ =	shalt  }
0x62: {  	_ =	shalt  }
0x63: {  	_ =	shalt  }
0x64: {  	_ =	shalt  }
0x65: {  	_ =	shalt  }
0x66: {  	_ =	shalt  }
0x67: {  	_ =	shalt  }
0x68: {  	_ =	shalt  }
0x69: {  	_ =	shalt  }
0x6a: {  	_ =	shalt  }
0x6b: {  	_ =	shalt  }
0x6c: {  	_ =	shalt  }
0x6d: {  	_ =	shalt  }
0x6e: {  	_ =	shalt  }
0x6f: {  	_ =	shalt  }
0x70: {  	_ =	shalt  }
0x71: {  	_ =	shalt  }
0x72: {  	_ =	shalt  }
0x73: {  	_ =	shalt  }
0x74: {  	_ =	shalt  }
0x75: {  	_ =	shalt  }
0x76: {  	_ =	shalt  }
0x77: {  	_ =	shalt  }
0x78: {  	_ =	shalt  }
0x79: {  	_ =	shalt  }
0x7a: {  	_ =	shalt  }
0x7b: {  	_ =	shalt  }
0x7c: {  	_ =	shalt  }
0x7d: {  	_ =	shalt  }
0x7e: {  	_ =	shalt  }
0x7f: {  	_ =	shalt  }
0x80: {  	_ =	shalt  }
0x81: {  	_ =	shalt  }
0x82: {  	_ =	shalt  }
0x83: {  	_ =	shalt  }
0x84: {  	_ =	shalt  }
0x85: {  	_ =	shalt  }
0x86: {  	_ =	shalt  }
0x87: {  	_ =	shalt  }
.Lfunc_end0:
.L_simem_size_0:
called_computation.4_lowered:
.L_overlay_start_0:
0x88: {  	s2 =	sld [smem:$0x3FD9]  }
0x89: {  	s3 =	sld [smem:$0x3FFE];
	_ =	sdelay $0x1  }
0x8a: {  	s1 =	srdreg.scid  }
0x8b: {  	s0 =	sand.u32 $0x1, s1  }
0x8c: {  	s14 =	sshll.u32 s0, $0xA;
	s2 =	sadd.s32 s3, s2  }
0x8d: {  	s2 =	sadd.s32 s2, s14  }
0x8e: {  	[smem:$0x3FA5] =	sst s2  }
0x8f: {  	_ = 	snop  }
0x90: {  	s2 =	sld [smem:$0x3FD0];
	_ =	sdelay $0x2  }
0x91: {  	s15 =	simm.s32 $0xB;
	s4 =	simm.s32 $0x10  }
0x92: {  	[smem:s4], [sflag:s15] =	dma.local [hbm:s2], $0x1  }
0x93: {  	_ =	swait.eq [sflag:s15], $0x1  }
0x94: {  	[sflag:s15] =	ssyncset.done $0x0  }
0x95: {  	[sflag:s15] =	ssyncadd.s32 $0xFFFFFFFF  }
0x96: {  	s16 =	sld [smem:$0x12];
	(tm) =	ssettm $0x1  }
0x97: {  	s17 =	sld [smem:$0x3FFB];
	_ =	sdelay $0x3  }
0x98: {  	_ =	strace s17  }
0x99: {  	s3 =	sld [smem:$0x3FFC];
	_ =	sdelay $0x3  }
0x9a: {  	_ =	strace s3  }
0x9b: {  	s3 =	sld [smem:$0x3FFD];
	_ =	sdelay $0x3  }
0x9c: {  	_ =	strace s3  }
0x9d: {  	_ =	strace $0x8FFFFFFF  }
0x9e: {  	s18 =	sld [smem:$0x3FDB];
	_ =	sdelay $0x1  }
0x9f: {  	s19 =	simm.s32 $_scs_section_size  }
0xa0: {  	s5 =	simm.s32 $_size__tile_overlayer_lowered;
	s6 =	simm.s32 $_tile_overlayer_lowered  }
0xa1: {  	s22 =	simm.s32 $0x1BFF;
	s21 =	sshll.u32 s6, $0x1;
	s3 =	sadd.s32 s19, s18  }
0xa2: {  	s7 =	simm.s32 $0x0;
	s20 =	sshll.u32 s5, $0x1;
	s5 =	sadd.s32 s21, s3  }
0xa3: {  	[timem:s7], [sflag:s22] =	dma.local [hbm:s5], s20  }
0xa4: {  	_ =	swait.ge [sflag:s22], s20  }
0xa5: {  	s4 =	ssub.s32 $0x0, s20;
	[sflag:s22] =	ssyncset.done $0x0  }
0xa6: {  	[sflag:s22] =	ssyncadd.s32 s4;
	_ =	sdelay $0x1  }
0xa7: {  	s23 =	simm.s32 $0x1B8B  }
0xa8: {  	_ =	swait.ge [sflag:s23], $0x1  }
0xa9: {  	[sflag:s23] =	ssyncset.done $0x0  }
0xaa: {  	s25 =	simm.s32 $0x1B8E;
	s24 =	sld [smem:$0x3FFE];
	[sflag:s23] =	ssyncadd.s32 $0xFFFFFFFF  }
0xab: {  	s26 =	simm.s32 $execute0_lowered;
	[smem:$0x3FD2] =	sst s25  }
0xac: {  	s5 =	sshll.u32 s26, $0x1;
	_ =	strace $0x80000052;
	[dreg:$0x1] =	wrdreg $0xFFFFFFFF  }
0xad: {  	s28 =	simm.s32 $_size_execute0_lowered;
	s3 =	sadd.s32 s3, s5;
	[dreg:$0x0] =	wrdreg $0x0  }
0xae: {  	s5 =	sshll.u32 s28, $0x1;
	[dreg:$0x2] =	wrdreg s3  }
0xaf: {  	[dreg:$0x3] =	wrdreg s5  }
0xb0: {  	[dreg:$0x4] =	wrdreg $0xC0  }
0xb1: {  	_ =	task [dreg:s7], $0x5FFFF  }
0xb2: {  	[dreg:$0x1] =	wrdreg $0xFFFFFFFF  }
0xb3: {  	[dreg:$0x0] =	wrdreg $0x60  }
0xb4: {  	[dreg:$0x2] =	wrdreg s24  }
0xb5: {  	[dreg:$0x3] =	wrdreg s16  }
0xb6: {  	[dreg:$0x4] =	wrdreg $0x9  }
0xb7: {  	_ =	task.clear_ibuf [dreg:s7], $0x5FFFF;
	_ =	strace $0x90000052  }
0xb8: {  	s29 =	simm.s32 $0x9;
	_ =	strace $0x80000054  }
0xb9: {  	_ =	swait.ge [sflag:s29], $0x1  }
0xba: {  	[sflag:s29] =	ssyncadd.s32 $0xFFFFFFFF  }
0xbb: {  	_ =	strace $0x90000054  }
0xbc: {  	_ =	sfence  }
0xbd: {  	s30 =	sld [smem:$0x0];
	_ =	sdelay $0x2  }
0xbe: {  	s31 =	sshll.u32 s1, $0xD;
	s1 =	sshrl.u32 s1, $0x2  }
0xbf: {  	s3 =	sand.u32 $0x4000, s31;
	s1 =	sadd.s32 s1, s30  }
0xc0: {  	s0 =	sor.u32 s3, s0;
	s1 =	sshll.u32 s1, $0x11  }
0xc1: {  	s0 =	sor.u32 s1, s0  }
0xc2: {  	s0 =	sadd.s32 $0x8F2B, s0  }
0xc3: {  	[sflag:s0] =	ssyncadd.remote.s32 $0x1  }
0xc4: {  	_ =	sfence.sel $0xFFFF  }
0xc5: {  	[dreg:$0x0] =	wrdreg $0xFFFFFFFF;
	(pc) =	sbr.abs _section_cstart, $3  }
0xc6: {  	[dreg:$0x1] =	wrdreg $0xFFFFFFFF  }
0xc7: {  	_ =	task.clear_ibuf [dreg:s7], $0x2FFFF;
	_ =	strace $0x9FFFFFFF  }
0xc8: {  	(tm) =	ssettm $0x7FFFFFFF  }
0xc9: {  	_ =	shalt  }
tec
execute0_lowered:
.L_overlay_start_1:
0x0: {  	(tag) =	ssettag $0x1  }
0x1: {  	s0 =	rddreg [dreg:$0x0]  }
0x2: {  	s2 =	rddreg [dreg:$0x1];
	s3 =	simm.s32 $0x0;
	s1 =	srdreg.scid  }
0x3: {  	s12 =	stileid.u32;
	s15 =	simm.s32 $0x80;
	s16 =	simm.s32 $0x400  }
0x4: {  	s17 =	simm.s32 $0x100;
	s18 =	simm.s32 $0x200;
	s21 =	simm.s32 $0x300  }
0x5: {  	s28 =	simm.s32 $0x5;
	s29 =	simm.s32 $0x7;
	s30 =	simm.s32 $0x8  }
0x6: {  	s31 =	simm.s32 $0x9;
	[smem:$0x7FF] =	sst s3;
	s8 =	smul.u32 $0x27100, s12  }
0x7: {  	s1 =	sand.u32 $0x1, s1;
	s4 =	sadd.s32 $0x5A7C00, s0;
	s23 =	smul.u32 $0x2710, s12  }
0x8: {  	s5 =	sshll.u32 s12, $0x1;
	_ =	strace $0x80000053;
	s11 =	smul.u32 $0x13880, s1  }
0x9: {  	s6 =	sor.u32 s1, s5;
	s22 =	ssub.s32 $0x2, s1;
	s1 =	smul.u32 $0x1388, s1  }
0xa: {  	s7 =	sadd.s32 $0x17C00, s0;
	s5 =	sadd.s32 $0x5F7C00, s0;
	s6 =	smul.u32 $0x3800, s6  }
0xb: {  	s9 =	sshrl.u32 s22, $0x1;
	s25 =	sadd.s32 s8, s7;
	s8 =	sadd.s32 s8, s5  }
0xc: {  	s0 =	ssub.s32 s22, s9;
	s12 =	sadd.s32 s11, s25;
	s13 =	sadd.s32 s11, s8  }
0xd: {  	s26 =	sadd.s32 s1, s23;
	s23 =	simm.s32 $0x6700;
	s10 =	sshrl.u32 s6, $0x3  }
.Ltmp0:
0xe: {  	s0 =	smax.u32 s0, $0x1;
	[dreg:$0x7] =	wrdreg s26;
	(pc) =	sbr.rel .LBB2_1-.Ltmp0, $4  }
0xf: {  	s25 =	simm.s32 $0xCB00;
	s10 =	sadd.s32 s2, s10;
	[dreg:$0x6] =	wrdreg s0  }
0x10: {  	s1 =	simm.s32 $0x0;
	s24 =	sadd.s32 $0x10, s10;
	[dreg:$0x3] =	wrdreg s10  }
0x11: {  	s26 =	simm.s32 $0x4;
	s10 =	sadd.s32 $0x20, s10;
	[dreg:$0x4] =	wrdreg s24  }
0x12: {  	s0 =	simm.s32 $0x6;
	[dreg:$0x5] =	wrdreg s10;
	s24 =	simm.s32 $0x3  }
.LBB2_13:
0x13: {  	_ =	swait.ge [sflag:s29], $0x6400  }
0x14: {  	[sflag:s29] =	ssyncset.done $0x0  }
0x15: {  	[sflag:s29] =	ssyncadd.s32 $0xFFFF9C00  }
0x16: {  	_ =	swait.ge [sflag:s30], $0x6400  }
0x17: {  	[sflag:s30] =	ssyncset.done $0x0  }
0x18: {  	[sflag:s30] =	ssyncadd.s32 $0xFFFF9C00  }
0x19: {  	_ =	swait.ge [sflag:s31], $0x6400  }
0x1a: {  	s1 =	sadd.s32 $0x1, s1;
	s8 =	rddreg [dreg:$0x6]  }
0x1b: {  	p0 =	sne.s32 s1, s8  }
.Ltmp1:
0x1c: {  	_ = 	snop;
	(pc) =	sbr.rel @!p0 .LBB2_14-.Ltmp1, $3  }
0x1d: {  	_ =	sdelay $0x1  }
0x1e: {  	[sflag:s31] =	ssyncset.done $0x0  }
0x1f: {  	[sflag:s31] =	ssyncadd.s32 $0xFFFF9C00  }
.LBB2_1:
0x20: {  	s8 =	rddreg [dreg:$0x3]  }
0x21: {  	[tilespmem:s3], [sflag:$0x1] =	stream.strided.gather [hbm4b:s8+s15], $0x100, s16, s15, $0x38;
	[tilespmem:$0x12F00] =	vst v63  }
0x22: {  	s14 =	rddreg [dreg:$0x4]  }
0x23: {  	[tilespmem:s17], [sflag:$0x2] =	stream.strided.gather [hbm4b:s14+s15], $0x100, s16, s15, $0x38;
	[tilespmem:$0x12F00] =	vst v63  }
0x24: {  	s19 =	rddreg [dreg:$0x5];
	s20 =	simm.s32 $0x1  }
0x25: {  	[tilespmem:s18], [sflag:$0x3] =	stream.strided.gather [hbm4b:s19+s15], $0x100, s16, s15, $0x38;
	[tilespmem:$0x12F00] =	vst v63  }
0x26: {  	_ =	swait.ge [sflag:s20], $0x100  }
0x27: {  	[sflag:s20] =	ssyncset.done $0x0  }
0x28: {  	s22 =	simm.s32 $0xC8;
	s9 =	simm.s32 $0x2;
	[sflag:s20] =	ssyncadd.s32 $0xFFFFFF00  }
0x29: {  	[tilespmem:s21], [sflag:$0x4] =	stream.indirect.gather [hbm4b:s4+s22], $0x80, s3, s22, $0xb8;
	[tilespmem:$0x12F00] =	vst v63  }
0x2a: {  	_ =	swait.ge [sflag:s9], $0x100  }
0x2b: {  	[sflag:s9] =	ssyncset.done $0x0  }
0x2c: {  	[sflag:s9] =	ssyncadd.s32 $0xFFFFFF00  }
0x2d: {  	[tilespmem:s23], [sflag:$0x5] =	stream.indirect.gather [hbm4b:s4+s22], $0x80, s17, s22, $0xb8;
	[tilespmem:$0x12F00] =	vst v63  }
.Ltmp2:
0x2e: {  	_ = 	snop;
	(pc) =	sbr.rel .LBB2_2-.Ltmp2, $4  }
0x2f: {  	s10 =	simm.s32 $0x500;
	_ =	swait.ge [sflag:s24], $0x100  }
0x30: {  	s11 =	simm.s32 $0x0;
	s8 =	simm.s32 $0x0;
	[sflag:s24] =	ssyncset.done $0x0  }
0x31: {  	s9 =	simm.s32 $0x280;
	s14 =	rddreg [dreg:$0x7];
	[sflag:s24] =	ssyncadd.s32 $0xFFFFFF00  }
0x32: {  	[tilespmem:s25], [sflag:$0x6] =	stream.indirect.gather [hbm4b:s4+s22], $0x80, s18, s22, $0xb8;
	[tilespmem:$0x12F00] =	vst v63  }
.LBB2_8:
0x33: {  	s19 =	sadd.s32 s11, s13  }
0x34: {  	s19 =	sadd.s32 $0x1900, s19  }
0x35: {  	[hbm4b:s19+s3] =	stream.linear.scatter [tilespmem:s25], [sflag:$0x9], $0x6400, $0x38;
	[tilespmem:$0x12F00] =	vst v63  }
.LBB2_11:
0x36: {  	s19 =	sand.u32 $0x7800, s10  }
0x37: {  	s20 =	sand.u32 $0x380, s9;
	s19 =	sadd.s32 s6, s19  }
0x38: {  	s19 =	sor.u32 s20, s19  }
0x39: {  	s19 =	sshrl.u32 s19, $0x3  }
0x3a: {  	p1 =	por $0x1, $0x1;
	s19 =	sadd.s32 s2, s19  }
0x3b: {  	[tilespmem:s18], [sflag:$0x3] =	stream.strided.gather [hbm4b:s19+s15], $0x100, s16, s15, $0x38;
	[tilespmem:$0x12F00] =	vst v63  }
.LBB2_12:
0x3c: {  	s19 =	simm.s32 @!p0 $0x7  }
0x3d: {  	_ =	swait.ge @!p0 [sflag:s19], $0x6400  }
0x3e: {  	[sflag:s19] =	ssyncset.done @!p0 $0x0  }
0x3f: {  	[sflag:s19] =	ssyncadd.s32 @!p0 $0xFFFF9C00;
	s19 =	simm.s32 @!p0 $0x1  }
0x40: {  	_ =	swait.ge @!p0 [sflag:s19], $0x100  }
0x41: {  	s20 =	simm.s32 @!p0 $0x0;
	[sflag:s19] =	ssyncset.done @!p0 $0x0  }
0x42: {  	s22 =	simm.s32 @!p0 $0x300;
	[sflag:s19] =	ssyncadd.s32 @!p0 $0xFFFFFF00;
	s19 =	simm.s32 @!p0 $0xC8  }
0x43: {  	[tilespmem:s22], [sflag:$0x4] =	stream.indirect.gather @!p0 [hbm4b:s4+s19], $0x80, s20, s19, $0xb8;
	[tilespmem:$0x12F00] =	vst v63  }
0x44: {  	s20 =	simm.s32 @!p0 $0x8  }
0x45: {  	_ =	swait.ge @!p0 [sflag:s20], $0x6400  }
0x46: {  	[sflag:s20] =	ssyncset.done @!p0 $0x0  }
0x47: {  	[sflag:s20] =	ssyncadd.s32 @!p0 $0xFFFF9C00;
	s20 =	simm.s32 @!p0 $0x2  }
0x48: {  	_ =	swait.ge @!p0 [sflag:s20], $0x100  }
0x49: {  	[sflag:s20] =	ssyncset.done @!p0 $0x0  }
0x4a: {  	s22 =	simm.s32 @!p0 $0x6700;
	[sflag:s20] =	ssyncadd.s32 @!p0 $0xFFFFFF00;
	s20 =	simm.s32 @!p0 $0x100  }
0x4b: {  	[tilespmem:s22], [sflag:$0x5] =	stream.indirect.gather @!p0 [hbm4b:s4+s19], $0x80, s20, s19, $0xb8;
	[tilespmem:$0x12F00] =	vst v63  }
0x4c: {  	s19 =	simm.s32 @p1 $0x9  }
0x4d: {  	s11 =	sadd.s32 $0x2580, s11;
	_ =	swait.ge @p1 [sflag:s19], $0x6400  }
0x4e: {  	s8 =	sadd.s32 $0x1, s8;
	p0 =	sne.s32 s11, $0x27D80;
	[sflag:s19] =	ssyncset.done @p1 $0x0  }
.Ltmp3:
0x4f: {  	[sflag:s19] =	ssyncadd.s32 @p1 $0xFFFF9C00;
	s19 =	simm.s32 @p1 $0x3;
	(pc) =	sbr.rel @!p0 .LBB2_13-.Ltmp3, $4  }
0x50: {  	s14 =	sadd.s32 $0x258, s14;
	s9 =	sadd.s32 $0x180, s9;
	_ =	swait.ge @p1 [sflag:s19], $0x100  }
0x51: {  	s10 =	sadd.s32 $0x300, s10;
	s20 =	simm.s32 @p1 $0x200;
	[sflag:s19] =	ssyncset.done @p1 $0x0  }
0x52: {  	s22 =	simm.s32 @p1 $0xCB00;
	[sflag:s19] =	ssyncadd.s32 @p1 $0xFFFFFF00;
	s19 =	simm.s32 @p1 $0xC8  }
0x53: {  	[tilespmem:s22], [sflag:$0x6] =	stream.indirect.gather @p1 [hbm4b:s4+s19], $0x80, s20, s19, $0xb8;
	[tilespmem:$0x12F00] =	vst v63  }
.LBB2_2:
0x54: {  	p0 =	sgt.u32 s8, $0x8  }
.Ltmp4:
0x55: {  	_ = 	snop;
	(pc) =	sbr.rel @p0 .LBB2_4-.Ltmp4, $4  }
0x56: {  	_ = 	snop  }
0x57: {  	_ =	swait.ge [sflag:s26], $0x6400  }
0x58: {  	[sflag:s26] =	ssyncset.done $0x0  }
0x59: {  	[sflag:s26] =	ssyncadd.s32 $0xFFFF9C00  }
.Ltmp5:
0x5a: {  	(pc) =	sbr.rel .LBB2_5-.Ltmp5, $3  }
0x5b: {  	_ =	sdelay $0x1  }
0x5c: {  	s19 =	sadd.s32 s11, s13  }
0x5d: {  	[hbm4b:s19+s3] =	stream.linear.scatter [tilespmem:s21], [sflag:$0x7], $0x6400, $0x38;
	[tilespmem:$0x12F00] =	vst v63  }
.LBB2_4:
0x5e: {  	p1 =	seq.s32 s11, $0x25800  }
.Ltmp6:
0x5f: {  	_ = 	snop;
	(pc) =	sbr.rel @p1 .LBB2_6-.Ltmp6, $4  }
0x60: {  	_ = 	snop  }
0x61: {  	s19 =	sadd.s32 s11, s12  }
0x62: {  	p0 =	por $0x1, $0x1;
	s19 =	sadd.s32 $0xFFFEC780, s19  }
0x63: {  	[hbm4b:s19+s3] =	stream.linear.scatter [tilespmem:s21], [sflag:$0x7], $0x6400, $0x38;
	[tilespmem:$0x12F00] =	vst v63  }
.LBB2_5:
0x64: {  	s19 =	sadd.s32 $0xFFFFFE00, s10  }
0x65: {  	s20 =	sadd.s32 $0xFFFFFF00, s9;
	s19 =	sand.u32 $0xF800, s19  }
0x66: {  	s20 =	sand.u32 $0x380, s20;
	s19 =	sadd.s32 s6, s19  }
0x67: {  	s19 =	sor.u32 s20, s19  }
0x68: {  	s19 =	sshrl.u32 s19, $0x3  }
0x69: {  	p0 =	por $0x0, $0x0;
	s19 =	sadd.s32 s2, s19  }
0x6a: {  	[tilespmem:s3], [sflag:$0x1] =	stream.strided.gather [hbm4b:s19+s15], $0x100, s16, s15, $0x38;
	[tilespmem:$0x12F00] =	vst v63  }
.LBB2_6:
0x6b: {  	p1 =	sgt.u32 s8, $0x7;
	s19 =	simm.s32 $0xFFFFED40  }
.Ltmp7:
0x6c: {  	s19 =	simm.s32 @!p1 $0xC8;
	(pc) =	sbr.rel @p0 .LBB2_10-.Ltmp7, $4  }
0x6d: {  	_ =	swait.ge [sflag:s28], $0x6400;
	s20 =	smov.u32 s5;
	s19 =	sadd.s32 s14, s19  }
0x6e: {  	[sflag:s28] =	ssyncset.done $0x0;
	s20 =	smov.u32 @p1 s7;
	s19 =	sshll.u32 s19, $0x4  }
0x6f: {  	[sflag:s28] =	ssyncadd.s32 $0xFFFF9C00;
	s19 =	sadd.s32 s20, s19  }
0x70: {  	[hbm4b:s19+s3] =	stream.linear.scatter [tilespmem:s23], [sflag:$0x8], $0x6400, $0x38;
	[tilespmem:$0x12F00] =	vst v63  }
0x71: {  	s19 =	sadd.s32 $0xFFFFFF00, s10  }
0x72: {  	s20 =	sadd.s32 $0xFFFFFF80, s9;
	s19 =	sand.u32 $0xF800, s19  }
0x73: {  	s20 =	sand.u32 $0x380, s20;
	s19 =	sadd.s32 s6, s19  }
0x74: {  	s19 =	sor.u32 s20, s19  }
0x75: {  	s19 =	sshrl.u32 s19, $0x3  }
.Ltmp8:
0x76: {  	s19 =	sadd.s32 s2, s19;
	(pc) =	sbr.rel @!p1 .LBB2_8-.Ltmp8, $4  }
0x77: {  	[tilespmem:s17], [sflag:$0x2] =	stream.strided.gather [hbm4b:s19+s15], $0x100, s16, s15, $0x38;
	[tilespmem:$0x12F00] =	vst v63  }
0x78: {  	_ =	swait.ge [sflag:s0], $0x6400  }
0x79: {  	[sflag:s0] =	ssyncset.done $0x0  }
0x7a: {  	[sflag:s0] =	ssyncadd.s32 $0xFFFF9C00  }
0x7b: {  	s19 =	sadd.s32 s11, s12  }
0x7c: {  	s19 =	sadd.s32 $0xFFFEE080, s19  }
0x7d: {  	[hbm4b:s19+s3] =	stream.linear.scatter [tilespmem:s25], [sflag:$0x9], $0x6400, $0x38;
	[tilespmem:$0x12F00] =	vst v63  }
.LBB2_10:
0x7e: {  	p2 =	sgt.u32 s8, $0xE  }
.Ltmp9:
0x7f: {  	_ = 	snop;
	(pc) =	sbr.rel @p2 .LBB2_12-.Ltmp9, $4  }
.Ltmp10:
0x80: {  	_ = 	snop;
	(pc) =	sbr.rel @!p2 .LBB2_11-.Ltmp10, $4  }
0x81: {  	_ = 	snop  }
0x82: {  	_ = 	snop  }
0x83: {  	p1 =	por $0x0, $0x0  }
0x84: {  	_ = 	snop  }
.LBB2_14:
0x85: {  	_ =	sfence.sel $0x180000  }
0x86: {  	[bflag:$0x0] =	sbarrier.arrive $0xFFFF  }
0x87: {  	_ =	strace $0x90000053  }
0x88: {  	s0 =	stileid.u32;
	[bflag:$0x2] =	sbarrier.arrive $0xFFFF  }
0x89: {  	p0 =	sne.s32 s0, $0x0;
	s0 =	rddreg [dreg:$0x2]  }
0x8a: {  	s0 =	sadd.s32 @!p0 $0x100000, s0  }
0x8b: {  	[sflag:s0] =	ssyncadd.tile.s32 @!p0 $0x1;
	_ =	shalt  }
.Lfunc_end2:
_tile_overlayer_lowered:
.L_overlay_start_2:
0x8c: {  	(tag) =	ssettag $0x2  }
0x8d: {  	s0 =	rddreg [dreg:$0x0];
	s2 =	stileid.u32  }
0x8e: {  	s1 =	rddreg [dreg:$0x1];
	p0 =	sne.s32 s2, $0x0  }
0x8f: {  	s3 =	rddreg [dreg:$0x2];
	[bflag:$0x3] =	sbarrier.arrive $0xFFFF;
	s2 =	simm.s32 @!p0 $0x1C0A  }
0x90: {  	[timem:s3], [sflag:s2] =	dma.local @!p0 [hbm:s0], s1  }
0x91: {  	s0 =	simm.s32 @!p0 $0xA  }
0x92: {  	_ =	swait.ge @!p0 [sflag:s0], s1  }
0x93: {  	s1 =	ssub.s32 @!p0 $0x0, s1;
	[sflag:s0] =	ssyncset.done @!p0 $0x0  }
0x94: {  	[sflag:s0] =	ssyncadd.s32 @!p0 s1  }
0x95: {  	[bflag:$0x3] =	sbarrier.arrive $0xFFFF  }
0x96: {  	_ =	shalt  }

// kernel: kernel.33.cloned.1.call-start
scs
__scs_entry_jumppad:
0x0: {  	(pc) =	sbr.rel $0x88, $3  }
0x1: {  	(tag) =	ssettag $0x0;
	lr =	simm.s32 $0x1  }
0x2: {  	[smem:$0x3F7E] =	sst lr;
	_ =	strace $0xD0000000  }
0x3: {  	_ = 	snop  }
0x4: {  	_ = 	snop  }
0x5: {  	_ = 	snop  }
0x6: {  	_ = 	snop  }
0x7: {  	_ = 	snop  }
__scs_overlays_trampoline_lowered:
0x8: {  	[smem:$0x3F8D] =	sst s0  }
0x9: {  	[smem:$0x3F8E] =	sst s1  }
0xa: {  	[smem:$0x3F8F] =	sst s2  }
0xb: {  	[smem:$0x3F90] =	sst s3  }
0xc: {  	[smem:$0x3F91] =	sst s4  }
0xd: {  	[smem:$0x3F92] =	sst s5  }
0xe: {  	[smem:$0x3F93] =	sst s6  }
0xf: {  	[smem:$0x3F94] =	sst s7  }
0x10: {  	[smem:$0x3F95] =	sst s8  }
0x11: {  	[smem:$0x3F96] =	sst s9;
	s0 =	simm.s32 @!p0 $0x0  }
0x12: {  	s1 =	sld [smem:$0x3F7C];
	s0 =	simm.s32 @p0 $0x1  }
0x13: {  	[smem:$0x3F97] =	sst s0;
	s0 =	simm.s32 @!p1 $0x0  }
0x14: {  	s2 =	sld [smem:$0x3F7B];
	s0 =	simm.s32 @p1 $0x1  }
0x15: {  	[smem:$0x3F98] =	sst s0;
	s0 =	simm.s32 @!p2 $0x0  }
0x16: {  	s3 =	sld [smem:$0x3FDB];
	s0 =	simm.s32 @p2 $0x1  }
0x17: {  	s4 =	simm.s32 $0x1BF5;
	[smem:$0x3F9A] =	sst s0  }
0x18: {  	s0 =	sld [smem:$0x3F7D];
	_ =	swait.ge [sflag:s4], $0x0  }
0x19: {  	s7 =	sld [smem:$0x3F7E]  }
0x1a: {  	s8 =	sadd.s32 $0xFFFFE003, lr  }
0x1b: {  	s9 =	sadd.s32 $0xFFFFFEF7, lr;
	s5 =	simm.s32 $0xFFFFFFFF;
	p2 =	slt.u32 s8, $0xFFFFF086  }
0x1c: {  	p1 =	slt.u32 s9, $0xF7A;
	s5 =	simm.s32 @!p2 $0x0  }
0x1d: {  	s5 =	simm.s32 @p1 $0x1;
	p0 =	seq.s32 s7, s2  }
0x1e: {  	s7 =	smul.u32 @!p0 $0xF7A, s2;
	p2 =	seq.s32 @!p0 s5, $0x0  }
0x1f: {  	s9 =	smul.u32 $0xF7A, s1;
	s8 =	simm.s32 @!p0 $0x1BF5;
	p2 =	por !p2, p0  }
0x20: {  	[sflag:s8] =	ssyncset.s32 @!p0 $0xFFFFF086;
	s6 =	sadd.s32 @!p0 s3, s7;
	s7 =	simm.s32 @!p0 $0x108  }
0x21: {  	s3 =	sadd.s32 s3, s9;
	s6 =	sadd.s32 @!p0 $0x88, s6;
	s7 =	simm.s32 @p2 $0x1082  }
0x22: {  	[simem:s7], [sflag:s8] =	dma.local @!p0 [hbm:s6], $0xF7A  }
0x23: {  	s9 =	sor.u32 $0xD0000000, s2;
	s6 =	simm.s32 $0x108;
	_ =	swait.ge @!p0 [sflag:s8], $0x0  }
0x24: {  	s3 =	sadd.s32 $0x88, s3;
	s6 =	simm.s32 @!p1 $0x1082;
	[sflag:s4] =	ssyncset.s32 $0xFFFFF086  }
0x25: {  	[simem:s6], [sflag:s4] =	dma.local [hbm:s3], $0xF7A  }
0x26: {  	[smem:$0x3F7E] =	sst s1;
	(tag) =	ssettag s2;
	_ =	strace s9  }
0x27: {  	s1 =	sld [smem:$0x3F8E]  }
0x28: {  	s2 =	sld [smem:$0x3F8F]  }
0x29: {  	s4 =	sld [smem:$0x3F91]  }
0x2a: {  	p0 =	seq.s32 s5, $0x0;
	s5 =	sld [smem:$0x3F92]  }
0x2b: {  	s6 =	sld [smem:$0x3F93]  }
0x2c: {  	s7 =	sld [smem:$0x3F94]  }
0x2d: {  	s3 =	simm.s32 $0x108;
	s8 =	sld [smem:$0x3F95]  }
0x2e: {  	s3 =	simm.s32 @!p0 $0x1082;
	s9 =	sld [smem:$0x3F96]  }
0x2f: {  	lr =	sadd.s32 s0, s3;
	s0 =	sld [smem:$0x3F8D]  }
0x30: {  	s3 =	sld [smem:$0x3F90]  }
0x31: {  	[smem:$0x3F99] =	sst s10  }
0x32: {  	s10 =	sld [smem:$0x3F97];
	_ =	sdelay $0x3  }
0x33: {  	p0 =	seq.s32 s10, $0x1;
	s10 =	sld [smem:$0x3F99];
	_ =	sdelay $0x3  }
0x34: {  	[smem:$0x3F99] =	sst s10  }
0x35: {  	s10 =	sld [smem:$0x3F98];
	_ =	sdelay $0x3  }
0x36: {  	p1 =	seq.s32 s10, $0x1;
	s10 =	sld [smem:$0x3F99];
	_ =	sdelay $0x3  }
0x37: {  	[smem:$0x3F99] =	sst s10  }
0x38: {  	s10 =	sld [smem:$0x3F9A]  }
0x39: {  	_ = 	snop;
	(pc) =	sbr.ind lr, $3  }
0x3a: {  	_ = 	snop  }
0x3b: {  	_ = 	snop  }
0x3c: {  	p2 =	seq.s32 s10, $0x1;
	s10 =	sld [smem:$0x3F99]  }
0x3d: {  	_ =	shalt  }
0x3e: {  	_ =	shalt  }
0x3f: {  	_ =	shalt  }
0x40: {  	_ =	shalt  }
0x41: {  	_ =	shalt  }
0x42: {  	_ =	shalt  }
0x43: {  	_ =	shalt  }
0x44: {  	_ =	shalt  }
0x45: {  	_ =	shalt  }
0x46: {  	_ =	shalt  }
0x47: {  	_ =	shalt  }
0x48: {  	_ =	shalt  }
0x49: {  	_ =	shalt  }
0x4a: {  	_ =	shalt  }
0x4b: {  	_ =	shalt  }
0x4c: {  	_ =	shalt  }
0x4d: {  	_ =	shalt  }
0x4e: {  	_ =	shalt  }
0x4f: {  	_ =	shalt  }
0x50: {  	_ =	shalt  }
0x51: {  	_ =	shalt  }
0x52: {  	_ =	shalt  }
0x53: {  	_ =	shalt  }
0x54: {  	_ =	shalt  }
0x55: {  	_ =	shalt  }
0x56: {  	_ =	shalt  }
0x57: {  	_ =	shalt  }
0x58: {  	_ =	shalt  }
0x59: {  	_ =	shalt  }
0x5a: {  	_ =	shalt  }
0x5b: {  	_ =	shalt  }
0x5c: {  	_ =	shalt  }
0x5d: {  	_ =	shalt  }
0x5e: {  	_ =	shalt  }
0x5f: {  	_ =	shalt  }
0x60: {  	_ =	shalt  }
0x61: {  	_ =	shalt  }
0x62: {  	_ =	shalt  }
0x63: {  	_ =	shalt  }
0x64: {  	_ =	shalt  }
0x65: {  	_ =	shalt  }
0x66: {  	_ =	shalt  }
0x67: {  	_ =	shalt  }
0x68: {  	_ =	shalt  }
0x69: {  	_ =	shalt  }
0x6a: {  	_ =	shalt  }
0x6b: {  	_ =	shalt  }
0x6c: {  	_ =	shalt  }
0x6d: {  	_ =	shalt  }
0x6e: {  	_ =	shalt  }
0x6f: {  	_ =	shalt  }
0x70: {  	_ =	shalt  }
0x71: {  	_ =	shalt  }
0x72: {  	_ =	shalt  }
0x73: {  	_ =	shalt  }
0x74: {  	_ =	shalt  }
0x75: {  	_ =	shalt  }
0x76: {  	_ =	shalt  }
0x77: {  	_ =	shalt  }
0x78: {  	_ =	shalt  }
0x79: {  	_ =	shalt  }
0x7a: {  	_ =	shalt  }
0x7b: {  	_ =	shalt  }
0x7c: {  	_ =	shalt  }
0x7d: {  	_ =	shalt  }
0x7e: {  	_ =	shalt  }
0x7f: {  	_ =	shalt  }
0x80: {  	_ =	shalt  }
0x81: {  	_ =	shalt  }
0x82: {  	_ =	shalt  }
0x83: {  	_ =	shalt  }
0x84: {  	_ =	shalt  }
0x85: {  	_ =	shalt  }
0x86: {  	_ =	shalt  }
0x87: {  	_ =	shalt  }
.Lfunc_end0:
.L_simem_size_0:
called_computation.5_lowered:
.L_overlay_start_0:
0x88: {  	s2 =	sld [smem:$0x3FD9]  }
0x89: {  	s3 =	sld [smem:$0x3FFE];
	_ =	sdelay $0x1  }
0x8a: {  	s1 =	srdreg.scid  }
0x8b: {  	s0 =	sand.u32 $0x1, s1  }
0x8c: {  	s15 =	sshll.u32 s0, $0xA;
	s2 =	sadd.s32 s3, s2  }
0x8d: {  	s2 =	sadd.s32 s2, s15  }
0x8e: {  	[smem:$0x3FA5] =	sst s2  }
0x8f: {  	_ = 	snop  }
0x90: {  	s2 =	sld [smem:$0x3FD0];
	_ =	sdelay $0x2  }
0x91: {  	s16 =	simm.s32 $0xB;
	s4 =	simm.s32 $0x10  }
0x92: {  	[smem:s4], [sflag:s16] =	dma.local [hbm:s2], $0x1  }
0x93: {  	_ =	swait.eq [sflag:s16], $0x1  }
0x94: {  	[sflag:s16] =	ssyncset.done $0x0  }
0x95: {  	[sflag:s16] =	ssyncadd.s32 $0xFFFFFFFF  }
0x96: {  	s17 =	sld [smem:$0x10];
	(tm) =	ssettm $0x1  }
0x97: {  	s18 =	sld [smem:$0x3FFB];
	_ =	sdelay $0x3  }
0x98: {  	_ =	strace s18  }
0x99: {  	s2 =	sld [smem:$0x3FFC];
	_ =	sdelay $0x3  }
0x9a: {  	_ =	strace s2  }
0x9b: {  	s2 =	sld [smem:$0x3FFD];
	_ =	sdelay $0x3  }
0x9c: {  	_ =	strace s2  }
0x9d: {  	_ =	strace $0x8FFFFFFF  }
0x9e: {  	s19 =	sld [smem:$0x3FDB];
	_ =	sdelay $0x1  }
0x9f: {  	s20 =	simm.s32 $_scs_section_size  }
0xa0: {  	s5 =	simm.s32 $_size__tile_overlayer_lowered;
	s6 =	simm.s32 $_tile_overlayer_lowered  }
0xa1: {  	s7 =	simm.s32 $0x1BFF;
	s21 =	sshll.u32 s6, $0x1;
	s4 =	sadd.s32 s20, s19  }
0xa2: {  	s22 =	simm.s32 $0x0;
	s5 =	sshll.u32 s5, $0x1;
	s6 =	sadd.s32 s21, s4  }
0xa3: {  	[timem:s22], [sflag:s7] =	dma.local [hbm:s6], s5  }
0xa4: {  	_ =	swait.ge [sflag:s7], s5  }
0xa5: {  	s5 =	ssub.s32 $0x0, s5;
	[sflag:s7] =	ssyncset.done $0x0  }
0xa6: {  	[sflag:s7] =	ssyncadd.s32 s5;
	_ =	sdelay $0x1  }
0xa7: {  	s23 =	simm.s32 $0x1B8B  }
0xa8: {  	_ =	swait.ge [sflag:s23], $0x1  }
0xa9: {  	[sflag:s23] =	ssyncset.done $0x0  }
0xaa: {  	[sflag:s23] =	ssyncadd.s32 $0xFFFFFFFF  }
0xab: {  	s5 =	sld [smem:$0x0]  }
0xac: {  	s6 =	sand.u32 $0xFFFFFFFE, s1  }
0xad: {  	p0 =	sne.s32 s1, s6  }
0xae: {  	s6 =	sshll.u32 @p0 s6, $0xE  }
0xaf: {  	s6 =	sadd.s32 @p0 $0x11B8D, s6;
	s7 =	sshll.u32 @p0 s5, $0x11  }
0xb0: {  	s6 =	sor.u32 @p0 s7, s6  }
0xb1: {  	[sflag:s6] =	ssyncadd.remote.s32 @p0 $0x1;
	_ =	sdelay $0x1  }
0xb2: {  	s6 =	simm.s32 @p0 $0x1B8D  }
0xb3: {  	_ =	swait.eq @p0 [sflag:s6], $0x1  }
0xb4: {  	[sflag:s6] =	ssyncadd.s32 @p0 $0xFFFFFFFF  }
0xb5: {  	s7 =	sshll.u32 @!p0 s1, $0xE  }
0xb6: {  	s7 =	sor.u32 @!p0 $0x4000, s7;
	s6 =	simm.s32 @!p0 $0x1B8D  }
0xb7: {  	s5 =	sshll.u32 @!p0 s5, $0x11;
	s7 =	sadd.s32 @!p0 $0x11B8D, s7;
	_ =	swait.eq @!p0 [sflag:s6], $0x1  }
0xb8: {  	s5 =	sor.u32 @!p0 s5, s7;
	[sflag:s6] =	ssyncadd.s32 @!p0 $0xFFFFFFFF  }
0xb9: {  	s25 =	simm.s32 $0x1B8E;
	s24 =	sld [smem:$0x3FFE];
	[sflag:s5] =	ssyncadd.remote.s32 @!p0 $0x1  }
0xba: {  	s26 =	simm.s32 $execute0_lowered;
	[smem:$0x3FD2] =	sst s25  }
0xbb: {  	s6 =	sshll.u32 s26, $0x1;
	_ =	strace $0x80000058;
	[dreg:$0x1] =	wrdreg $0xFFFFFFFF  }
0xbc: {  	s28 =	simm.s32 $_size_execute0_lowered;
	s4 =	sadd.s32 s4, s6;
	[dreg:$0x0] =	wrdreg $0x0  }
0xbd: {  	s6 =	sshll.u32 s28, $0x1;
	[dreg:$0x2] =	wrdreg s4  }
0xbe: {  	[dreg:$0x3] =	wrdreg s6  }
0xbf: {  	[dreg:$0x4] =	wrdreg $0xC0  }
0xc0: {  	_ =	task [dreg:s22], $0x5FFFF  }
0xc1: {  	[dreg:$0x1] =	wrdreg $0xFFFFFFFF  }
0xc2: {  	[dreg:$0x0] =	wrdreg $0x60  }
0xc3: {  	[dreg:$0x2] =	wrdreg s24  }
0xc4: {  	[dreg:$0x3] =	wrdreg s17  }
0xc5: {  	[dreg:$0x4] =	wrdreg $0x66000  }
0xc6: {  	[dreg:$0x5] =	wrdreg $0x9  }
0xc7: {  	_ =	task.clear_ibuf [dreg:s22], $0x6FFFF;
	_ =	strace $0x90000058  }
0xc8: {  	s29 =	simm.s32 $0x9;
	_ =	strace $0x8000005A  }
0xc9: {  	_ =	swait.ge [sflag:s29], $0x1  }
0xca: {  	[sflag:s29] =	ssyncadd.s32 $0xFFFFFFFF  }
0xcb: {  	_ =	strace $0x9000005A  }
0xcc: {  	_ =	sfence  }
0xcd: {  	s30 =	sld [smem:$0x0];
	_ =	sdelay $0x2  }
0xce: {  	s31 =	sshll.u32 s1, $0xD;
	s1 =	sshrl.u32 s1, $0x2  }
0xcf: {  	s4 =	sand.u32 $0x4000, s31;
	s1 =	sadd.s32 s1, s30  }
0xd0: {  	s0 =	sor.u32 s4, s0;
	s1 =	sshll.u32 s1, $0x11  }
0xd1: {  	s0 =	sor.u32 s1, s0  }
0xd2: {  	s0 =	sadd.s32 $0x8F2B, s0  }
0xd3: {  	[sflag:s0] =	ssyncadd.remote.s32 $0x1  }
0xd4: {  	_ =	sfence.sel $0xFFFF  }
0xd5: {  	[dreg:$0x0] =	wrdreg $0xFFFFFFFF;
	(pc) =	sbr.abs _section_cstart, $3  }
0xd6: {  	[dreg:$0x1] =	wrdreg $0xFFFFFFFF  }
0xd7: {  	_ =	task.clear_ibuf [dreg:s22], $0x2FFFF;
	_ =	strace $0x9FFFFFFF  }
0xd8: {  	(tm) =	ssettm $0x7FFFFFFF  }
0xd9: {  	_ =	shalt  }
tec
execute0_lowered:
.L_overlay_start_1:
0x0: {  	(tag) =	ssettag $0x1  }
0x1: {  	s5 =	rddreg [dreg:$0x0];
	s0 =	stileid.u32  }
0x2: {  	s7 =	rddreg [dreg:$0x1];
	s8 =	smul.u32 $0x14000, s0  }
0x3: {  	s1 =	srdreg.scid;
	s15 =	smul.u32 $0x50000, s0  }
0x4: {  	s2 =	rddreg [dreg:$0x2];
	s3 =	simm.s32 $0x0;
	s28 =	smul.u32 $0x2710, s0  }
0x5: {  	s12 =	sand.u32 $0x1, s1;
	s1 =	rddreg [dreg:$0x3];
	s29 =	smul.u32 $0x27100, s0  }
0x6: {  	[smem:$0x7FF] =	sst s3;
	s6 =	sshll.u32 s0, $0x1;
	s4 =	smul.u32 $0x140000, s12  }
0x7: {  	s13 =	sadd.s32 $0x11B4C00, s5;
	s26 =	sshll.u32 s0, $0x6;
	s17 =	smul.u32 $0x1388, s12  }
0x8: {  	s9 =	sor.u32 s12, s6;
	s20 =	ssub.s32 $0x2, s12;
	s18 =	smul.u32 $0x13880, s12  }
0x9: {  	_ =	strace $0x80000059;
	s10 =	smul.u32 $0x1388, s9;
	s21 =	sshrl.u32 s20, $0x1  }
0xa: {  	s24 =	sshrl.u32 s15, $0x2;
	s25 =	smul.u32 $0x13880, s9;
	s30 =	sadd.s32 s29, s13  }
0xb: {  	s4 =	sadd.s32 s8, s4;
	s16 =	ssub.s32 s20, s21;
	s8 =	sshrl.u32 s8, $0x3  }
0xc: {  	s17 =	sadd.s32 s17, s28;
	s15 =	sadd.s32 s18, s30;
	s18 =	simm.s32 $0x100  }
0xd: {  	s20 =	simm.s32 $0x3;
	s21 =	simm.s32 $0x200;
	s19 =	sshrl.u32 s4, $0x3  }
0xe: {  	s4 =	sadd.s32 $0x12C00, s5;
	s14 =	sadd.s32 $0xC8, s10;
	s22 =	sshrl.u32 s10, $0x3  }
0xf: {  	s7 =	sadd.s32 s7, s8;
	s8 =	sor.u32 $0x1C03, s26;
	s10 =	smax.u32 s16, $0x1  }
0x10: {  	s31 =	sadd.s32 $0x258, s17;
	s15 =	sadd.s32 $0xC80, s15;
	s17 =	sadd.s32 $0x190, s17  }
0x11: {  	s11 =	sadd.s32 s19, s5;
	s23 =	sshrl.u32 s14, $0x3;
	s5 =	sadd.s32 s4, s22  }
0x12: {  	s19 =	sadd.s32 s24, s2;
	s14 =	sadd.s32 s13, s25;
	s16 =	sshrl.u32 s31, $0x3  }
0x13: {  	s22 =	simm.s32 $0x1;
	s24 =	simm.s32 $0x2;
	s25 =	simm.s32 $0x0  }
0x14: {  	s6 =	sadd.s32 s4, s23;
	s9 =	sadd.s32 $0x4F9C00, s11;
	s11 =	sadd.s32 $0x12C00, s14  }
0x15: {  	s12 =	sadd.s32 $0x11300, s14;
	s13 =	sadd.s32 $0x258, s5;
	s14 =	sadd.s32 $0x11F80, s14  }
0x16: {  	s16 =	sadd.s32 s16, s4;
	s19 =	sshrl.u32 s19, $0x3;
	s23 =	simm.s32 $0xC8  }
.LBB2_1:
0x17: {  	[tilespmem:s3], [sflag:$0x1] =	stream.linear.gather [hbm4b:s5+s3], $0xC8, $0x38;
	[tilespmem:$0x1A600] =	vst v63  }
0x18: {  	_ = 	snop  }
0x19: {  	[tilespmem:s18], [sflag:$0x2] =	stream.linear.gather [hbm4b:s6+s3], $0xC8, $0x38;
	[tilespmem:$0x1A600] =	vst v63  }
0x1a: {  	[spmem:s19], [sflag:s8] =	dma.local [hbm:s7], $0x2800  }
0x1b: {  	_ =	swait.ge [sflag:s20], $0x2800  }
0x1c: {  	[sflag:s20] =	ssyncset.done $0x0  }
0x1d: {  	[sflag:s20] =	ssyncadd.s32 $0xFFFFD800  }
0x1e: {  	s26 =	sadd.s32 $0xFFFFF380, s15;
	[bflag:$0x0] =	sbarrier.arrive $0xFFFF  }
0x1f: {  	[tilespmem:s21], [sflag:$0x3] =	stream.linear.gather [hbm4b:s26+s3], $0x6400, $0x38;
	[tilespmem:$0x1A600] =	vst v63  }
0x20: {  	_ =	swait.ge [sflag:s20], $0x6400  }
0x21: {  	[sflag:s20] =	ssyncset.done $0x0  }
0x22: {  	[sflag:s20] =	ssyncadd.s32 $0xFFFF9C00  }
0x23: {  	_ =	swait.ge [sflag:s22], $0xC8  }
0x24: {  	[sflag:s22] =	ssyncset.done $0x0  }
0x25: {  	[sflag:s22] =	ssyncadd.s32 $0xFFFFFF38  }
0x26: {  	[spmem:s2] =	stream.indirect.scatter.add.f32 [tilespmem:s21], [sflag:$0x3], $0x80, s3, s23, $0xb8;
	[tilespmem:$0x1A600] =	vst v63  }
0x27: {  	_ =	swait.ge [sflag:s20], $0x6400  }
0x28: {  	s31 =	sshrl.u32 s17, $0x3;
	[sflag:s20] =	ssyncset.done $0x0  }
0x29: {  	s26 =	sadd.s32 s4, s31;
	[sflag:s20] =	ssyncadd.s32 $0xFFFF9C00  }
0x2a: {  	[tilespmem:s3], [sflag:$0x1] =	stream.linear.gather [hbm4b:s26+s3], $0xC8, $0x38;
	[tilespmem:$0x1A600] =	vst v63  }
0x2b: {  	_ = 	snop  }
0x2c: {  	[tilespmem:s21], [sflag:$0x3] =	stream.linear.gather [hbm4b:s15+s3], $0x6400, $0x38;
	[tilespmem:$0x1A600] =	vst v63  }
0x2d: {  	_ =	swait.ge [sflag:s20], $0x6400  }
0x2e: {  	[sflag:s20] =	ssyncset.done $0x0  }
0x2f: {  	[sflag:s20] =	ssyncadd.s32 $0xFFFF9C00  }
0x30: {  	_ =	swait.ge [sflag:s24], $0xC8  }
0x31: {  	[sflag:s24] =	ssyncset.done $0x0  }
0x32: {  	[sflag:s24] =	ssyncadd.s32 $0xFFFFFF38  }
0x33: {  	[spmem:s2] =	stream.indirect.scatter.add.f32 [tilespmem:s21], [sflag:$0x3], $0x80, s18, s23, $0xb8;
	[tilespmem:$0x1A600] =	vst v63  }
0x34: {  	_ =	swait.ge [sflag:s20], $0x6400  }
0x35: {  	s28 =	sadd.s32 $0x190, s17;
	s30 =	sadd.s32 $0x0, s16;
	[sflag:s20] =	ssyncset.done $0x0  }
0x36: {  	s29 =	sadd.s32 $0x1900, s15;
	s26 =	simm.s32 $0x32;
	[sflag:s20] =	ssyncadd.s32 $0xFFFF9C00  }
.LBB2_2:
0x37: {  	[tilespmem:s18], [sflag:$0x2] =	stream.linear.gather [hbm4b:s30+s3], $0xC8, $0x38;
	[tilespmem:$0x1A600] =	vst v63  }
0x38: {  	s30 =	smov.u32 s26  }
0x39: {  	s31 =	sadd.s32 $0xFFFFF380, s29;
	p0 =	sne.s32 s26, $0x1F4;
	s26 =	sadd.s32 $0x32, s26  }
0x3a: {  	[tilespmem:s21], [sflag:$0x3] =	stream.linear.gather [hbm4b:s31+s3], $0x6400, $0x38;
	[tilespmem:$0x1A600] =	vst v63  }
0x3b: {  	_ =	swait.ge [sflag:s20], $0x6400  }
0x3c: {  	[sflag:s20] =	ssyncset.done $0x0  }
0x3d: {  	[sflag:s20] =	ssyncadd.s32 $0xFFFF9C00  }
0x3e: {  	_ =	swait.ge [sflag:s22], $0xC8  }
0x3f: {  	[sflag:s22] =	ssyncset.done $0x0  }
0x40: {  	[sflag:s22] =	ssyncadd.s32 $0xFFFFFF38  }
0x41: {  	[spmem:s2] =	stream.indirect.scatter.add.f32 [tilespmem:s21], [sflag:$0x3], $0x80, s3, s23, $0xb8;
	[tilespmem:$0x1A600] =	vst v63  }
0x42: {  	_ =	swait.ge [sflag:s20], $0x6400  }
0x43: {  	s31 =	sshrl.u32 s28, $0x3;
	[sflag:s20] =	ssyncset.done $0x0  }
0x44: {  	s31 =	sadd.s32 s4, s31;
	[sflag:s20] =	ssyncadd.s32 $0xFFFF9C00  }
0x45: {  	[tilespmem:s3], [sflag:$0x1] =	stream.linear.gather [hbm4b:s31+s3], $0xC8, $0x38;
	[tilespmem:$0x1A600] =	vst v63  }
0x46: {  	_ = 	snop  }
0x47: {  	[tilespmem:s21], [sflag:$0x3] =	stream.linear.gather [hbm4b:s29+s3], $0x6400, $0x38;
	[tilespmem:$0x1A600] =	vst v63  }
0x48: {  	_ =	swait.ge [sflag:s20], $0x6400  }
0x49: {  	[sflag:s20] =	ssyncset.done $0x0  }
0x4a: {  	[sflag:s20] =	ssyncadd.s32 $0xFFFF9C00  }
0x4b: {  	_ =	swait.ge [sflag:s24], $0xC8  }
0x4c: {  	[sflag:s24] =	ssyncset.done $0x0  }
.Ltmp0:
0x4d: {  	[sflag:s24] =	ssyncadd.s32 $0xFFFFFF38;
	(pc) =	sbr.rel @p0 .LBB2_2-.Ltmp0, $4  }
0x4e: {  	[spmem:s2] =	stream.indirect.scatter.add.f32 [tilespmem:s21], [sflag:$0x3], $0x80, s18, s23, $0xb8;
	[tilespmem:$0x1A600] =	vst v63  }
0x4f: {  	_ =	swait.ge [sflag:s20], $0x6400  }
0x50: {  	s28 =	sadd.s32 $0x190, s28;
	[sflag:s20] =	ssyncset.done $0x0  }
0x51: {  	s30 =	sadd.s32 s30, s16;
	s29 =	sadd.s32 $0x1900, s29;
	[sflag:s20] =	ssyncadd.s32 $0xFFFF9C00  }
0x52: {  	[tilespmem:s18], [sflag:$0x2] =	stream.linear.gather [hbm4b:s30+s3], $0xC8, $0x38;
	[tilespmem:$0x1A600] =	vst v63  }
0x53: {  	_ = 	snop  }
0x54: {  	[tilespmem:s21], [sflag:$0x3] =	stream.linear.gather [hbm4b:s12+s3], $0x6400, $0x38;
	[tilespmem:$0x1A600] =	vst v63  }
0x55: {  	_ =	swait.ge [sflag:s20], $0x6400  }
0x56: {  	[sflag:s20] =	ssyncset.done $0x0  }
0x57: {  	[sflag:s20] =	ssyncadd.s32 $0xFFFF9C00  }
0x58: {  	_ =	swait.ge [sflag:s22], $0xC8  }
0x59: {  	[sflag:s22] =	ssyncset.done $0x0  }
0x5a: {  	[sflag:s22] =	ssyncadd.s32 $0xFFFFFF38  }
0x5b: {  	[spmem:s2] =	stream.indirect.scatter.add.f32 [tilespmem:s21], [sflag:$0x3], $0x80, s3, s23, $0xb8;
	[tilespmem:$0x1A600] =	vst v63  }
0x5c: {  	_ =	swait.ge [sflag:s20], $0x6400  }
0x5d: {  	[sflag:s20] =	ssyncset.done $0x0  }
0x5e: {  	[sflag:s20] =	ssyncadd.s32 $0xFFFF9C00  }
0x5f: {  	[tilespmem:s3], [sflag:$0x1] =	stream.linear.gather [hbm4b:s13+s3], $0xC8, $0x38;
	[tilespmem:$0x1A600] =	vst v63  }
0x60: {  	_ = 	snop  }
0x61: {  	[tilespmem:s21], [sflag:$0x3] =	stream.linear.gather [hbm4b:s14+s3], $0x6400, $0x38;
	[tilespmem:$0x1A600] =	vst v63  }
0x62: {  	_ =	swait.ge [sflag:s20], $0x6400  }
0x63: {  	[sflag:s20] =	ssyncset.done $0x0  }
0x64: {  	[sflag:s20] =	ssyncadd.s32 $0xFFFF9C00  }
0x65: {  	_ =	swait.ge [sflag:s24], $0xC8  }
0x66: {  	[sflag:s24] =	ssyncset.done $0x0  }
0x67: {  	[sflag:s24] =	ssyncadd.s32 $0xFFFFFF38  }
0x68: {  	[spmem:s2] =	stream.indirect.scatter.add.f32 [tilespmem:s21], [sflag:$0x3], $0x80, s18, s23, $0xb8;
	[tilespmem:$0x1A600] =	vst v63  }
0x69: {  	_ =	swait.ge [sflag:s20], $0x6400  }
0x6a: {  	[sflag:s20] =	ssyncset.done $0x0  }
0x6b: {  	[sflag:s20] =	ssyncadd.s32 $0xFFFF9C00  }
0x6c: {  	[tilespmem:s21], [sflag:$0x3] =	stream.linear.gather [hbm4b:s11+s3], $0x6400, $0x38;
	[tilespmem:$0x1A600] =	vst v63  }
0x6d: {  	_ =	swait.ge [sflag:s20], $0x6400  }
0x6e: {  	[sflag:s20] =	ssyncset.done $0x0  }
0x6f: {  	[sflag:s20] =	ssyncadd.s32 $0xFFFF9C00  }
0x70: {  	_ =	swait.ge [sflag:s22], $0xC8  }
0x71: {  	[sflag:s22] =	ssyncset.done $0x0  }
0x72: {  	[sflag:s22] =	ssyncadd.s32 $0xFFFFFF38  }
0x73: {  	[spmem:s2] =	stream.indirect.scatter.add.f32 [tilespmem:s21], [sflag:$0x3], $0x80, s3, s23, $0xb8;
	[tilespmem:$0x1A600] =	vst v63  }
0x74: {  	_ =	swait.ge [sflag:s20], $0x6400  }
0x75: {  	s25 =	sadd.s32 $0x1, s25;
	[sflag:s20] =	ssyncset.done $0x0  }
0x76: {  	p0 =	sne.s32 s25, s10;
	[sflag:s20] =	ssyncadd.s32 $0xFFFF9C00  }
.Ltmp1:
0x77: {  	[bflag:$0x0] =	sbarrier.arrive $0xFFFF;
	(pc) =	sbr.rel @p0 .LBB2_1-.Ltmp1, $4  }
0x78: {  	[hbm:s9], [sflag:s8] =	dma.local [spmem:s19], $0x2800  }
0x79: {  	_ =	swait.ge [sflag:s20], $0x2800  }
0x7a: {  	[sflag:s20] =	ssyncset.done $0x0  }
0x7b: {  	[sflag:s20] =	ssyncadd.s32 $0xFFFFD800  }
0x7c: {  	_ =	sfence.sel $0x180000  }
0x7d: {  	[bflag:$0x0] =	sbarrier.arrive $0xFFFF  }
0x7e: {  	p0 =	sne.s32 s0, $0x0;
	_ =	strace $0x90000059  }
0x7f: {  	s0 =	sadd.s32 @!p0 $0x100000, s1;
	[bflag:$0x2] =	sbarrier.arrive $0xFFFF  }
0x80: {  	[sflag:s0] =	ssyncadd.tile.s32 @!p0 $0x1;
	_ =	shalt  }
.Lfunc_end2:
_tile_overlayer_lowered:
.L_overlay_start_2:
0x81: {  	(tag) =	ssettag $0x2  }
0x82: {  	s0 =	rddreg [dreg:$0x0];
	s2 =	stileid.u32  }
0x83: {  	s1 =	rddreg [dreg:$0x1];
	p0 =	sne.s32 s2, $0x0  }
0x84: {  	s3 =	rddreg [dreg:$0x2];
	[bflag:$0x3] =	sbarrier.arrive $0xFFFF;
	s2 =	simm.s32 @!p0 $0x1C03  }
0x85: {  	[timem:s3], [sflag:s2] =	dma.local @!p0 [hbm:s0], s1  }
0x86: {  	s0 =	simm.s32 @!p0 $0x3  }
0x87: {  	_ =	swait.ge @!p0 [sflag:s0], s1  }
0x88: {  	s1 =	ssub.s32 @!p0 $0x0, s1;
	[sflag:s0] =	ssyncset.done @!p0 $0x0  }
0x89: {  	[sflag:s0] =	ssyncadd.s32 @!p0 s1  }
0x8a: {  	[bflag:$0x3] =	sbarrier.arrive $0xFFFF  }
0x8b: {  	_ =	shalt  }

// kernel: kernel.36.cloned.1.call-start
scs
__scs_entry_jumppad:
0x0: {  	(pc) =	sbr.rel $0x88, $3  }
0x1: {  	(tag) =	ssettag $0x0;
	lr =	simm.s32 $0x1  }
0x2: {  	[smem:$0x3F7E] =	sst lr;
	_ =	strace $0xD0000000  }
0x3: {  	_ = 	snop  }
0x4: {  	_ = 	snop  }
0x5: {  	_ = 	snop  }
0x6: {  	_ = 	snop  }
0x7: {  	_ = 	snop  }
__scs_overlays_trampoline_lowered:
0x8: {  	[smem:$0x3F8D] =	sst s0  }
0x9: {  	[smem:$0x3F8E] =	sst s1  }
0xa: {  	[smem:$0x3F8F] =	sst s2  }
0xb: {  	[smem:$0x3F90] =	sst s3  }
0xc: {  	[smem:$0x3F91] =	sst s4  }
0xd: {  	[smem:$0x3F92] =	sst s5  }
0xe: {  	[smem:$0x3F93] =	sst s6  }
0xf: {  	[smem:$0x3F94] =	sst s7  }
0x10: {  	[smem:$0x3F95] =	sst s8  }
0x11: {  	[smem:$0x3F96] =	sst s9;
	s0 =	simm.s32 @!p0 $0x0  }
0x12: {  	s1 =	sld [smem:$0x3F7C];
	s0 =	simm.s32 @p0 $0x1  }
0x13: {  	[smem:$0x3F97] =	sst s0;
	s0 =	simm.s32 @!p1 $0x0  }
0x14: {  	s2 =	sld [smem:$0x3F7B];
	s0 =	simm.s32 @p1 $0x1  }
0x15: {  	[smem:$0x3F98] =	sst s0;
	s0 =	simm.s32 @!p2 $0x0  }
0x16: {  	s3 =	sld [smem:$0x3FDB];
	s0 =	simm.s32 @p2 $0x1  }
0x17: {  	s4 =	simm.s32 $0x1BF5;
	[smem:$0x3F9A] =	sst s0  }
0x18: {  	s0 =	sld [smem:$0x3F7D];
	_ =	swait.ge [sflag:s4], $0x0  }
0x19: {  	s7 =	sld [smem:$0x3F7E]  }
0x1a: {  	s8 =	sadd.s32 $0xFFFFE003, lr  }
0x1b: {  	s9 =	sadd.s32 $0xFFFFFEF7, lr;
	s5 =	simm.s32 $0xFFFFFFFF;
	p2 =	slt.u32 s8, $0xFFFFF086  }
0x1c: {  	p1 =	slt.u32 s9, $0xF7A;
	s5 =	simm.s32 @!p2 $0x0  }
0x1d: {  	s5 =	simm.s32 @p1 $0x1;
	p0 =	seq.s32 s7, s2  }
0x1e: {  	s7 =	smul.u32 @!p0 $0xF7A, s2;
	p2 =	seq.s32 @!p0 s5, $0x0  }
0x1f: {  	s9 =	smul.u32 $0xF7A, s1;
	s8 =	simm.s32 @!p0 $0x1BF5;
	p2 =	por !p2, p0  }
0x20: {  	[sflag:s8] =	ssyncset.s32 @!p0 $0xFFFFF086;
	s6 =	sadd.s32 @!p0 s3, s7;
	s7 =	simm.s32 @!p0 $0x108  }
0x21: {  	s3 =	sadd.s32 s3, s9;
	s6 =	sadd.s32 @!p0 $0x88, s6;
	s7 =	simm.s32 @p2 $0x1082  }
0x22: {  	[simem:s7], [sflag:s8] =	dma.local @!p0 [hbm:s6], $0xF7A  }
0x23: {  	s9 =	sor.u32 $0xD0000000, s2;
	s6 =	simm.s32 $0x108;
	_ =	swait.ge @!p0 [sflag:s8], $0x0  }
0x24: {  	s3 =	sadd.s32 $0x88, s3;
	s6 =	simm.s32 @!p1 $0x1082;
	[sflag:s4] =	ssyncset.s32 $0xFFFFF086  }
0x25: {  	[simem:s6], [sflag:s4] =	dma.local [hbm:s3], $0xF7A  }
0x26: {  	[smem:$0x3F7E] =	sst s1;
	(tag) =	ssettag s2;
	_ =	strace s9  }
0x27: {  	s1 =	sld [smem:$0x3F8E]  }
0x28: {  	s2 =	sld [smem:$0x3F8F]  }
0x29: {  	s4 =	sld [smem:$0x3F91]  }
0x2a: {  	p0 =	seq.s32 s5, $0x0;
	s5 =	sld [smem:$0x3F92]  }
0x2b: {  	s6 =	sld [smem:$0x3F93]  }
0x2c: {  	s7 =	sld [smem:$0x3F94]  }
0x2d: {  	s3 =	simm.s32 $0x108;
	s8 =	sld [smem:$0x3F95]  }
0x2e: {  	s3 =	simm.s32 @!p0 $0x1082;
	s9 =	sld [smem:$0x3F96]  }
0x2f: {  	lr =	sadd.s32 s0, s3;
	s0 =	sld [smem:$0x3F8D]  }
0x30: {  	s3 =	sld [smem:$0x3F90]  }
0x31: {  	[smem:$0x3F99] =	sst s10  }
0x32: {  	s10 =	sld [smem:$0x3F97];
	_ =	sdelay $0x3  }
0x33: {  	p0 =	seq.s32 s10, $0x1;
	s10 =	sld [smem:$0x3F99];
	_ =	sdelay $0x3  }
0x34: {  	[smem:$0x3F99] =	sst s10  }
0x35: {  	s10 =	sld [smem:$0x3F98];
	_ =	sdelay $0x3  }
0x36: {  	p1 =	seq.s32 s10, $0x1;
	s10 =	sld [smem:$0x3F99];
	_ =	sdelay $0x3  }
0x37: {  	[smem:$0x3F99] =	sst s10  }
0x38: {  	s10 =	sld [smem:$0x3F9A]  }
0x39: {  	_ = 	snop;
	(pc) =	sbr.ind lr, $3  }
0x3a: {  	_ = 	snop  }
0x3b: {  	_ = 	snop  }
0x3c: {  	p2 =	seq.s32 s10, $0x1;
	s10 =	sld [smem:$0x3F99]  }
0x3d: {  	_ =	shalt  }
0x3e: {  	_ =	shalt  }
0x3f: {  	_ =	shalt  }
0x40: {  	_ =	shalt  }
0x41: {  	_ =	shalt  }
0x42: {  	_ =	shalt  }
0x43: {  	_ =	shalt  }
0x44: {  	_ =	shalt  }
0x45: {  	_ =	shalt  }
0x46: {  	_ =	shalt  }
0x47: {  	_ =	shalt  }
0x48: {  	_ =	shalt  }
0x49: {  	_ =	shalt  }
0x4a: {  	_ =	shalt  }
0x4b: {  	_ =	shalt  }
0x4c: {  	_ =	shalt  }
0x4d: {  	_ =	shalt  }
0x4e: {  	_ =	shalt  }
0x4f: {  	_ =	shalt  }
0x50: {  	_ =	shalt  }
0x51: {  	_ =	shalt  }
0x52: {  	_ =	shalt  }
0x53: {  	_ =	shalt  }
0x54: {  	_ =	shalt  }
0x55: {  	_ =	shalt  }
0x56: {  	_ =	shalt  }
0x57: {  	_ =	shalt  }
0x58: {  	_ =	shalt  }
0x59: {  	_ =	shalt  }
0x5a: {  	_ =	shalt  }
0x5b: {  	_ =	shalt  }
0x5c: {  	_ =	shalt  }
0x5d: {  	_ =	shalt  }
0x5e: {  	_ =	shalt  }
0x5f: {  	_ =	shalt  }
0x60: {  	_ =	shalt  }
0x61: {  	_ =	shalt  }
0x62: {  	_ =	shalt  }
0x63: {  	_ =	shalt  }
0x64: {  	_ =	shalt  }
0x65: {  	_ =	shalt  }
0x66: {  	_ =	shalt  }
0x67: {  	_ =	shalt  }
0x68: {  	_ =	shalt  }
0x69: {  	_ =	shalt  }
0x6a: {  	_ =	shalt  }
0x6b: {  	_ =	shalt  }
0x6c: {  	_ =	shalt  }
0x6d: {  	_ =	shalt  }
0x6e: {  	_ =	shalt  }
0x6f: {  	_ =	shalt  }
0x70: {  	_ =	shalt  }
0x71: {  	_ =	shalt  }
0x72: {  	_ =	shalt  }
0x73: {  	_ =	shalt  }
0x74: {  	_ =	shalt  }
0x75: {  	_ =	shalt  }
0x76: {  	_ =	shalt  }
0x77: {  	_ =	shalt  }
0x78: {  	_ =	shalt  }
0x79: {  	_ =	shalt  }
0x7a: {  	_ =	shalt  }
0x7b: {  	_ =	shalt  }
0x7c: {  	_ =	shalt  }
0x7d: {  	_ =	shalt  }
0x7e: {  	_ =	shalt  }
0x7f: {  	_ =	shalt  }
0x80: {  	_ =	shalt  }
0x81: {  	_ =	shalt  }
0x82: {  	_ =	shalt  }
0x83: {  	_ =	shalt  }
0x84: {  	_ =	shalt  }
0x85: {  	_ =	shalt  }
0x86: {  	_ =	shalt  }
0x87: {  	_ =	shalt  }
.Lfunc_end0:
.L_simem_size_0:
called_computation.6_lowered:
.L_overlay_start_0:
0x88: {  	s2 =	sld [smem:$0x3FD9]  }
0x89: {  	s3 =	sld [smem:$0x3FFE];
	_ =	sdelay $0x1  }
0x8a: {  	s1 =	srdreg.scid  }
0x8b: {  	s0 =	sand.u32 $0x1, s1  }
0x8c: {  	s15 =	sshll.u32 s0, $0xA;
	s2 =	sadd.s32 s3, s2  }
0x8d: {  	s2 =	sadd.s32 s2, s15  }
0x8e: {  	[smem:$0x3FA5] =	sst s2  }
0x8f: {  	_ = 	snop  }
0x90: {  	s2 =	sld [smem:$0x3FD0];
	_ =	sdelay $0x2  }
0x91: {  	s16 =	simm.s32 $0xB;
	s4 =	simm.s32 $0x10  }
0x92: {  	[smem:s4], [sflag:s16] =	dma.local [hbm:s2], $0x1  }
0x93: {  	_ =	swait.eq [sflag:s16], $0x1  }
0x94: {  	[sflag:s16] =	ssyncset.done $0x0  }
0x95: {  	[sflag:s16] =	ssyncadd.s32 $0xFFFFFFFF  }
0x96: {  	s17 =	sld [smem:$0x11];
	(tm) =	ssettm $0x1  }
0x97: {  	s18 =	sld [smem:$0x3FFB];
	_ =	sdelay $0x3  }
0x98: {  	_ =	strace s18  }
0x99: {  	s2 =	sld [smem:$0x3FFC];
	_ =	sdelay $0x3  }
0x9a: {  	_ =	strace s2  }
0x9b: {  	s2 =	sld [smem:$0x3FFD];
	_ =	sdelay $0x3  }
0x9c: {  	_ =	strace s2  }
0x9d: {  	_ =	strace $0x8FFFFFFF  }
0x9e: {  	s19 =	sld [smem:$0x3FDB];
	_ =	sdelay $0x1  }
0x9f: {  	s20 =	simm.s32 $_scs_section_size  }
0xa0: {  	s5 =	simm.s32 $_size__tile_overlayer_lowered;
	s6 =	simm.s32 $_tile_overlayer_lowered  }
0xa1: {  	s7 =	simm.s32 $0x1BFF;
	s21 =	sshll.u32 s6, $0x1;
	s4 =	sadd.s32 s20, s19  }
0xa2: {  	s22 =	simm.s32 $0x0;
	s5 =	sshll.u32 s5, $0x1;
	s6 =	sadd.s32 s21, s4  }
0xa3: {  	[timem:s22], [sflag:s7] =	dma.local [hbm:s6], s5  }
0xa4: {  	_ =	swait.ge [sflag:s7], s5  }
0xa5: {  	s5 =	ssub.s32 $0x0, s5;
	[sflag:s7] =	ssyncset.done $0x0  }
0xa6: {  	[sflag:s7] =	ssyncadd.s32 s5;
	_ =	sdelay $0x1  }
0xa7: {  	s23 =	simm.s32 $0x1B8B  }
0xa8: {  	_ =	swait.ge [sflag:s23], $0x1  }
0xa9: {  	[sflag:s23] =	ssyncset.done $0x0  }
0xaa: {  	[sflag:s23] =	ssyncadd.s32 $0xFFFFFFFF  }
0xab: {  	s5 =	sld [smem:$0x0]  }
0xac: {  	s6 =	sand.u32 $0xFFFFFFFE, s1  }
0xad: {  	p0 =	sne.s32 s1, s6  }
0xae: {  	s6 =	sshll.u32 @p0 s6, $0xE  }
0xaf: {  	s6 =	sadd.s32 @p0 $0x11B8D, s6;
	s7 =	sshll.u32 @p0 s5, $0x11  }
0xb0: {  	s6 =	sor.u32 @p0 s7, s6  }
0xb1: {  	[sflag:s6] =	ssyncadd.remote.s32 @p0 $0x1;
	_ =	sdelay $0x1  }
0xb2: {  	s6 =	simm.s32 @p0 $0x1B8D  }
0xb3: {  	_ =	swait.eq @p0 [sflag:s6], $0x1  }
0xb4: {  	[sflag:s6] =	ssyncadd.s32 @p0 $0xFFFFFFFF  }
0xb5: {  	s7 =	sshll.u32 @!p0 s1, $0xE  }
0xb6: {  	s7 =	sor.u32 @!p0 $0x4000, s7;
	s6 =	simm.s32 @!p0 $0x1B8D  }
0xb7: {  	s5 =	sshll.u32 @!p0 s5, $0x11;
	s7 =	sadd.s32 @!p0 $0x11B8D, s7;
	_ =	swait.eq @!p0 [sflag:s6], $0x1  }
0xb8: {  	s5 =	sor.u32 @!p0 s5, s7;
	[sflag:s6] =	ssyncadd.s32 @!p0 $0xFFFFFFFF  }
0xb9: {  	s25 =	simm.s32 $0x1B8E;
	s24 =	sld [smem:$0x3FFE];
	[sflag:s5] =	ssyncadd.remote.s32 @!p0 $0x1  }
0xba: {  	s26 =	simm.s32 $execute0_lowered;
	[smem:$0x3FD2] =	sst s25  }
0xbb: {  	s6 =	sshll.u32 s26, $0x1;
	_ =	strace $0x80000055;
	[dreg:$0x1] =	wrdreg $0xFFFFFFFF  }
0xbc: {  	s28 =	simm.s32 $_size_execute0_lowered;
	s4 =	sadd.s32 s4, s6;
	[dreg:$0x0] =	wrdreg $0x0  }
0xbd: {  	s6 =	sshll.u32 s28, $0x1;
	[dreg:$0x2] =	wrdreg s4  }
0xbe: {  	[dreg:$0x3] =	wrdreg s6  }
0xbf: {  	[dreg:$0x4] =	wrdreg $0xC0  }
0xc0: {  	_ =	task [dreg:s22], $0x5FFFF  }
0xc1: {  	[dreg:$0x1] =	wrdreg $0xFFFFFFFF  }
0xc2: {  	[dreg:$0x0] =	wrdreg $0x60  }
0xc3: {  	[dreg:$0x2] =	wrdreg s24  }
0xc4: {  	[dreg:$0x3] =	wrdreg s17  }
0xc5: {  	[dreg:$0x4] =	wrdreg $0xA  }
0xc6: {  	_ =	task.clear_ibuf [dreg:s22], $0x5FFFF;
	_ =	strace $0x90000055  }
0xc7: {  	s29 =	simm.s32 $0xA;
	_ =	strace $0x80000057  }
0xc8: {  	_ =	swait.ge [sflag:s29], $0x1  }
0xc9: {  	[sflag:s29] =	ssyncadd.s32 $0xFFFFFFFF  }
0xca: {  	_ =	strace $0x90000057  }
0xcb: {  	_ =	sfence  }
0xcc: {  	s30 =	sld [smem:$0x0];
	_ =	sdelay $0x2  }
0xcd: {  	s31 =	sshll.u32 s1, $0xD;
	s1 =	sshrl.u32 s1, $0x2  }
0xce: {  	s4 =	sand.u32 $0x4000, s31;
	s1 =	sadd.s32 s1, s30  }
0xcf: {  	s0 =	sor.u32 s4, s0;
	s1 =	sshll.u32 s1, $0x11  }
0xd0: {  	s0 =	sor.u32 s1, s0  }
0xd1: {  	s0 =	sadd.s32 $0x8F2B, s0  }
0xd2: {  	[sflag:s0] =	ssyncadd.remote.s32 $0x1  }
0xd3: {  	_ =	sfence.sel $0xFFFF  }
0xd4: {  	[dreg:$0x0] =	wrdreg $0xFFFFFFFF;
	(pc) =	sbr.abs _section_cstart, $3  }
0xd5: {  	[dreg:$0x1] =	wrdreg $0xFFFFFFFF  }
0xd6: {  	_ =	task.clear_ibuf [dreg:s22], $0x2FFFF;
	_ =	strace $0x9FFFFFFF  }
0xd7: {  	(tm) =	ssettm $0x7FFFFFFF  }
tec
execute0_lowered:
.L_overlay_start_1:
0x0: {  	(tag) =	ssettag $0x1  }
0x1: {  	s0 =	rddreg [dreg:$0x0]  }
0x2: {  	s2 =	rddreg [dreg:$0x1];
	s3 =	simm.s32 $0x0;
	s1 =	srdreg.scid  }
0x3: {  	s12 =	stileid.u32;
	s15 =	simm.s32 $0x80;
	s16 =	simm.s32 $0x400  }
0x4: {  	s17 =	simm.s32 $0x100;
	s18 =	simm.s32 $0x200;
	s21 =	simm.s32 $0x300  }
0x5: {  	s28 =	simm.s32 $0x5;
	s29 =	simm.s32 $0x7;
	s30 =	simm.s32 $0x8  }
0x6: {  	[smem:$0x7FF] =	sst s3;
	s4 =	sadd.s32 $0x5A7C00, s0;
	s8 =	smul.u32 $0x27100, s12  }
0x7: {  	s1 =	sand.u32 $0x1, s1;
	s7 =	sadd.s32 $0x288C00, s0;
	s23 =	smul.u32 $0x2710, s12  }
0x8: {  	s5 =	sshll.u32 s12, $0x1;
	_ =	strace $0x80000056;
	s11 =	smul.u32 $0x13880, s1  }
0x9: {  	s6 =	sor.u32 s1, s5;
	s22 =	ssub.s32 $0x2, s1;
	s1 =	smul.u32 $0x1388, s1  }
0xa: {  	s31 =	simm.s32 $0x9;
	s5 =	sadd.s32 $0x571C00, s0;
	s6 =	smul.u32 $0x3800, s6  }
0xb: {  	s9 =	sshrl.u32 s22, $0x1;
	s25 =	sadd.s32 s8, s7;
	s8 =	sadd.s32 s8, s2  }
0xc: {  	s0 =	ssub.s32 s22, s9;
	s12 =	sadd.s32 s11, s25;
	s13 =	sadd.s32 s11, s8  }
0xd: {  	s26 =	sadd.s32 s1, s23;
	s23 =	simm.s32 $0x6700;
	s10 =	sshrl.u32 s6, $0x3  }
.Ltmp0:
0xe: {  	s0 =	smax.u32 s0, $0x1;
	[dreg:$0x7] =	wrdreg s26;
	(pc) =	sbr.rel .LBB2_1-.Ltmp0, $4  }
0xf: {  	s25 =	simm.s32 $0xCB00;
	s10 =	sadd.s32 s5, s10;
	[dreg:$0x6] =	wrdreg s0  }
0x10: {  	s1 =	simm.s32 $0x0;
	s24 =	sadd.s32 $0x10, s10;
	[dreg:$0x3] =	wrdreg s10  }
0x11: {  	s26 =	simm.s32 $0x4;
	s10 =	sadd.s32 $0x20, s10;
	[dreg:$0x4] =	wrdreg s24  }
0x12: {  	s0 =	simm.s32 $0x6;
	[dreg:$0x5] =	wrdreg s10;
	s24 =	simm.s32 $0x3  }
.LBB2_13:
0x13: {  	_ =	swait.ge [sflag:s29], $0x6400  }
0x14: {  	[sflag:s29] =	ssyncset.done $0x0  }
0x15: {  	[sflag:s29] =	ssyncadd.s32 $0xFFFF9C00  }
0x16: {  	_ =	swait.ge [sflag:s30], $0x6400  }
0x17: {  	[sflag:s30] =	ssyncset.done $0x0  }
0x18: {  	[sflag:s30] =	ssyncadd.s32 $0xFFFF9C00  }
0x19: {  	_ =	swait.ge [sflag:s31], $0x6400  }
0x1a: {  	s1 =	sadd.s32 $0x1, s1;
	s8 =	rddreg [dreg:$0x6]  }
0x1b: {  	p0 =	sne.s32 s1, s8  }
.Ltmp1:
0x1c: {  	_ = 	snop;
	(pc) =	sbr.rel @!p0 .LBB2_14-.Ltmp1, $3  }
0x1d: {  	_ =	sdelay $0x1  }
0x1e: {  	[sflag:s31] =	ssyncset.done $0x0  }
0x1f: {  	[sflag:s31] =	ssyncadd.s32 $0xFFFF9C00  }
.LBB2_1:
0x20: {  	s8 =	rddreg [dreg:$0x3]  }
0x21: {  	[tilespmem:s3], [sflag:$0x1] =	stream.strided.gather [hbm4b:s8+s15], $0x100, s16, s15, $0x38;
	[tilespmem:$0x12F00] =	vst v63  }
0x22: {  	s14 =	rddreg [dreg:$0x4]  }
0x23: {  	[tilespmem:s17], [sflag:$0x2] =	stream.strided.gather [hbm4b:s14+s15], $0x100, s16, s15, $0x38;
	[tilespmem:$0x12F00] =	vst v63  }
0x24: {  	s19 =	rddreg [dreg:$0x5];
	s20 =	simm.s32 $0x1  }
0x25: {  	[tilespmem:s18], [sflag:$0x3] =	stream.strided.gather [hbm4b:s19+s15], $0x100, s16, s15, $0x38;
	[tilespmem:$0x12F00] =	vst v63  }
0x26: {  	_ =	swait.ge [sflag:s20], $0x100  }
0x27: {  	[sflag:s20] =	ssyncset.done $0x0  }
0x28: {  	s22 =	simm.s32 $0xC8;
	s9 =	simm.s32 $0x2;
	[sflag:s20] =	ssyncadd.s32 $0xFFFFFF00  }
0x29: {  	[tilespmem:s21], [sflag:$0x4] =	stream.indirect.gather [hbm4b:s4+s22], $0x80, s3, s22, $0xb8;
	[tilespmem:$0x12F00] =	vst v63  }
0x2a: {  	_ =	swait.ge [sflag:s9], $0x100  }
0x2b: {  	[sflag:s9] =	ssyncset.done $0x0  }
0x2c: {  	[sflag:s9] =	ssyncadd.s32 $0xFFFFFF00  }
0x2d: {  	[tilespmem:s23], [sflag:$0x5] =	stream.indirect.gather [hbm4b:s4+s22], $0x80, s17, s22, $0xb8;
	[tilespmem:$0x12F00] =	vst v63  }
.Ltmp2:
0x2e: {  	_ = 	snop;
	(pc) =	sbr.rel .LBB2_2-.Ltmp2, $4  }
0x2f: {  	s10 =	simm.s32 $0x500;
	_ =	swait.ge [sflag:s24], $0x100  }
0x30: {  	s11 =	simm.s32 $0x0;
	s8 =	simm.s32 $0x0;
	[sflag:s24] =	ssyncset.done $0x0  }
0x31: {  	s9 =	simm.s32 $0x280;
	s14 =	rddreg [dreg:$0x7];
	[sflag:s24] =	ssyncadd.s32 $0xFFFFFF00  }
0x32: {  	[tilespmem:s25], [sflag:$0x6] =	stream.indirect.gather [hbm4b:s4+s22], $0x80, s18, s22, $0xb8;
	[tilespmem:$0x12F00] =	vst v63  }
.LBB2_8:
0x33: {  	s19 =	sadd.s32 s11, s13  }
0x34: {  	s19 =	sadd.s32 $0x1900, s19  }
0x35: {  	[hbm4b:s19+s3] =	stream.linear.scatter [tilespmem:s25], [sflag:$0x9], $0x6400, $0x38;
	[tilespmem:$0x12F00] =	vst v63  }
.LBB2_11:
0x36: {  	s19 =	sand.u32 $0x7800, s10  }
0x37: {  	s20 =	sand.u32 $0x380, s9;
	s19 =	sadd.s32 s6, s19  }
0x38: {  	s19 =	sor.u32 s20, s19  }
0x39: {  	s19 =	sshrl.u32 s19, $0x3  }
0x3a: {  	p1 =	por $0x1, $0x1;
	s19 =	sadd.s32 s5, s19  }
0x3b: {  	[tilespmem:s18], [sflag:$0x3] =	stream.strided.gather [hbm4b:s19+s15], $0x100, s16, s15, $0x38;
	[tilespmem:$0x12F00] =	vst v63  }
.LBB2_12:
0x3c: {  	s19 =	simm.s32 @!p0 $0x7  }
0x3d: {  	_ =	swait.ge @!p0 [sflag:s19], $0x6400  }
0x3e: {  	[sflag:s19] =	ssyncset.done @!p0 $0x0  }
0x3f: {  	[sflag:s19] =	ssyncadd.s32 @!p0 $0xFFFF9C00;
	s19 =	simm.s32 @!p0 $0x1  }
0x40: {  	_ =	swait.ge @!p0 [sflag:s19], $0x100  }
0x41: {  	s20 =	simm.s32 @!p0 $0x0;
	[sflag:s19] =	ssyncset.done @!p0 $0x0  }
0x42: {  	s22 =	simm.s32 @!p0 $0x300;
	[sflag:s19] =	ssyncadd.s32 @!p0 $0xFFFFFF00;
	s19 =	simm.s32 @!p0 $0xC8  }
0x43: {  	[tilespmem:s22], [sflag:$0x4] =	stream.indirect.gather @!p0 [hbm4b:s4+s19], $0x80, s20, s19, $0xb8;
	[tilespmem:$0x12F00] =	vst v63  }
0x44: {  	s20 =	simm.s32 @!p0 $0x8  }
0x45: {  	_ =	swait.ge @!p0 [sflag:s20], $0x6400  }
0x46: {  	[sflag:s20] =	ssyncset.done @!p0 $0x0  }
0x47: {  	[sflag:s20] =	ssyncadd.s32 @!p0 $0xFFFF9C00;
	s20 =	simm.s32 @!p0 $0x2  }
0x48: {  	_ =	swait.ge @!p0 [sflag:s20], $0x100  }
0x49: {  	[sflag:s20] =	ssyncset.done @!p0 $0x0  }
0x4a: {  	s22 =	simm.s32 @!p0 $0x6700;
	[sflag:s20] =	ssyncadd.s32 @!p0 $0xFFFFFF00;
	s20 =	simm.s32 @!p0 $0x100  }
0x4b: {  	[tilespmem:s22], [sflag:$0x5] =	stream.indirect.gather @!p0 [hbm4b:s4+s19], $0x80, s20, s19, $0xb8;
	[tilespmem:$0x12F00] =	vst v63  }
0x4c: {  	s19 =	simm.s32 @p1 $0x9  }
0x4d: {  	s11 =	sadd.s32 $0x2580, s11;
	_ =	swait.ge @p1 [sflag:s19], $0x6400  }
0x4e: {  	s8 =	sadd.s32 $0x1, s8;
	p0 =	sne.s32 s11, $0x27D80;
	[sflag:s19] =	ssyncset.done @p1 $0x0  }
.Ltmp3:
0x4f: {  	[sflag:s19] =	ssyncadd.s32 @p1 $0xFFFF9C00;
	s19 =	simm.s32 @p1 $0x3;
	(pc) =	sbr.rel @!p0 .LBB2_13-.Ltmp3, $4  }
0x50: {  	s14 =	sadd.s32 $0x258, s14;
	s9 =	sadd.s32 $0x180, s9;
	_ =	swait.ge @p1 [sflag:s19], $0x100  }
0x51: {  	s10 =	sadd.s32 $0x300, s10;
	s20 =	simm.s32 @p1 $0x200;
	[sflag:s19] =	ssyncset.done @p1 $0x0  }
0x52: {  	s22 =	simm.s32 @p1 $0xCB00;
	[sflag:s19] =	ssyncadd.s32 @p1 $0xFFFFFF00;
	s19 =	simm.s32 @p1 $0xC8  }
0x53: {  	[tilespmem:s22], [sflag:$0x6] =	stream.indirect.gather @p1 [hbm4b:s4+s19], $0x80, s20, s19, $0xb8;
	[tilespmem:$0x12F00] =	vst v63  }
.LBB2_2:
0x54: {  	p0 =	sgt.u32 s8, $0x8  }
.Ltmp4:
0x55: {  	_ = 	snop;
	(pc) =	sbr.rel @p0 .LBB2_4-.Ltmp4, $4  }
0x56: {  	_ = 	snop  }
0x57: {  	_ =	swait.ge [sflag:s26], $0x6400  }
0x58: {  	[sflag:s26] =	ssyncset.done $0x0  }
0x59: {  	[sflag:s26] =	ssyncadd.s32 $0xFFFF9C00  }
.Ltmp5:
0x5a: {  	(pc) =	sbr.rel .LBB2_5-.Ltmp5, $3  }
0x5b: {  	_ =	sdelay $0x1  }
0x5c: {  	s19 =	sadd.s32 s11, s13  }
0x5d: {  	[hbm4b:s19+s3] =	stream.linear.scatter [tilespmem:s21], [sflag:$0x7], $0x6400, $0x38;
	[tilespmem:$0x12F00] =	vst v63  }
.LBB2_4:
0x5e: {  	p1 =	seq.s32 s11, $0x25800  }
.Ltmp6:
0x5f: {  	_ = 	snop;
	(pc) =	sbr.rel @p1 .LBB2_6-.Ltmp6, $4  }
0x60: {  	_ = 	snop  }
0x61: {  	s19 =	sadd.s32 s11, s12  }
0x62: {  	p0 =	por $0x1, $0x1;
	s19 =	sadd.s32 $0xFFFEC780, s19  }
0x63: {  	[hbm4b:s19+s3] =	stream.linear.scatter [tilespmem:s21], [sflag:$0x7], $0x6400, $0x38;
	[tilespmem:$0x12F00] =	vst v63  }
.LBB2_5:
0x64: {  	s19 =	sadd.s32 $0xFFFFFE00, s10  }
0x65: {  	s20 =	sadd.s32 $0xFFFFFF00, s9;
	s19 =	sand.u32 $0xF800, s19  }
0x66: {  	s20 =	sand.u32 $0x380, s20;
	s19 =	sadd.s32 s6, s19  }
0x67: {  	s19 =	sor.u32 s20, s19  }
0x68: {  	s19 =	sshrl.u32 s19, $0x3  }
0x69: {  	p0 =	por $0x0, $0x0;
	s19 =	sadd.s32 s5, s19  }
0x6a: {  	[tilespmem:s3], [sflag:$0x1] =	stream.strided.gather [hbm4b:s19+s15], $0x100, s16, s15, $0x38;
	[tilespmem:$0x12F00] =	vst v63  }
.LBB2_6:
0x6b: {  	p1 =	sgt.u32 s8, $0x7;
	s19 =	simm.s32 $0xFFFFED40  }
.Ltmp7:
0x6c: {  	s19 =	simm.s32 @!p1 $0xC8;
	(pc) =	sbr.rel @p0 .LBB2_10-.Ltmp7, $4  }
0x6d: {  	_ =	swait.ge [sflag:s28], $0x6400;
	s20 =	smov.u32 s2;
	s19 =	sadd.s32 s14, s19  }
0x6e: {  	[sflag:s28] =	ssyncset.done $0x0;
	s20 =	smov.u32 @p1 s7;
	s19 =	sshll.u32 s19, $0x4  }
0x6f: {  	[sflag:s28] =	ssyncadd.s32 $0xFFFF9C00;
	s19 =	sadd.s32 s20, s19  }
0x70: {  	[hbm4b:s19+s3] =	stream.linear.scatter [tilespmem:s23], [sflag:$0x8], $0x6400, $0x38;
	[tilespmem:$0x12F00] =	vst v63  }
0x71: {  	s19 =	sadd.s32 $0xFFFFFF00, s10  }
0x72: {  	s20 =	sadd.s32 $0xFFFFFF80, s9;
	s19 =	sand.u32 $0xF800, s19  }
0x73: {  	s20 =	sand.u32 $0x380, s20;
	s19 =	sadd.s32 s6, s19  }
0x74: {  	s19 =	sor.u32 s20, s19  }
0x75: {  	s19 =	sshrl.u32 s19, $0x3  }
.Ltmp8:
0x76: {  	s19 =	sadd.s32 s5, s19;
	(pc) =	sbr.rel @!p1 .LBB2_8-.Ltmp8, $4  }
0x77: {  	[tilespmem:s17], [sflag:$0x2] =	stream.strided.gather [hbm4b:s19+s15], $0x100, s16, s15, $0x38;
	[tilespmem:$0x12F00] =	vst v63  }
0x78: {  	_ =	swait.ge [sflag:s0], $0x6400  }
0x79: {  	[sflag:s0] =	ssyncset.done $0x0  }
0x7a: {  	[sflag:s0] =	ssyncadd.s32 $0xFFFF9C00  }
0x7b: {  	s19 =	sadd.s32 s11, s12  }
0x7c: {  	s19 =	sadd.s32 $0xFFFEE080, s19  }
0x7d: {  	[hbm4b:s19+s3] =	stream.linear.scatter [tilespmem:s25], [sflag:$0x9], $0x6400, $0x38;
	[tilespmem:$0x12F00] =	vst v63  }
.LBB2_10:
0x7e: {  	p2 =	sgt.u32 s8, $0xE  }
.Ltmp9:
0x7f: {  	_ = 	snop;
	(pc) =	sbr.rel @p2 .LBB2_12-.Ltmp9, $4  }
.Ltmp10:
0x80: {  	_ = 	snop;
	(pc) =	sbr.rel @!p2 .LBB2_11-.Ltmp10, $4  }
0x81: {  	_ = 	snop  }
0x82: {  	_ = 	snop  }
0x83: {  	p1 =	por $0x0, $0x0  }
0x84: {  	_ = 	snop  }
.LBB2_14:
0x85: {  	_ =	sfence.sel $0x180000  }
0x86: {  	[bflag:$0x0] =	sbarrier.arrive $0xFFFF  }
0x87: {  	_ =	strace $0x90000056  }
0x88: {  	s0 =	stileid.u32;
	[bflag:$0x2] =	sbarrier.arrive $0xFFFF  }
0x89: {  	p0 =	sne.s32 s0, $0x0;
	s0 =	rddreg [dreg:$0x2]  }
0x8a: {  	s0 =	sadd.s32 @!p0 $0x100000, s0  }
0x8b: {  	[sflag:s0] =	ssyncadd.tile.s32 @!p0 $0x1;
	_ =	shalt  }
.Lfunc_end2:
_tile_overlayer_lowered:
.L_overlay_start_2:
0x8c: {  	(tag) =	ssettag $0x2  }
0x8d: {  	s0 =	rddreg [dreg:$0x0];
	s2 =	stileid.u32  }
0x8e: {  	s1 =	rddreg [dreg:$0x1];
	p0 =	sne.s32 s2, $0x0  }
0x8f: {  	s3 =	rddreg [dreg:$0x2];
	[bflag:$0x3] =	sbarrier.arrive $0xFFFF;
	s2 =	simm.s32 @!p0 $0x1C0A  }
0x90: {  	[timem:s3], [sflag:s2] =	dma.local @!p0 [hbm:s0], s1  }
0x91: {  	s0 =	simm.s32 @!p0 $0xA  }
0x92: {  	_ =	swait.ge @!p0 [sflag:s0], s1  }
0x93: {  	s1 =	ssub.s32 @!p0 $0x0, s1;
	[sflag:s0] =	ssyncset.done @!p0 $0x0  }
0x94: {  	[sflag:s0] =	ssyncadd.s32 @!p0 s1  }
0x95: {  	[bflag:$0x3] =	sbarrier.arrive $0xFFFF  }
0x96: {  	_ =	shalt  }

// kernel: kernel.39.cloned.1.call-start
scs
__scs_entry_jumppad:
0x0: {  	(pc) =	sbr.rel $0x88, $3  }
0x1: {  	(tag) =	ssettag $0x0;
	lr =	simm.s32 $0x1  }
0x2: {  	[smem:$0x3F7E] =	sst lr;
	_ =	strace $0xD0000000  }
0x3: {  	_ = 	snop  }
0x4: {  	_ = 	snop  }
0x5: {  	_ = 	snop  }
0x6: {  	_ = 	snop  }
0x7: {  	_ = 	snop  }
__scs_overlays_trampoline_lowered:
0x8: {  	[smem:$0x3F8D] =	sst s0  }
0x9: {  	[smem:$0x3F8E] =	sst s1  }
0xa: {  	[smem:$0x3F8F] =	sst s2  }
0xb: {  	[smem:$0x3F90] =	sst s3  }
0xc: {  	[smem:$0x3F91] =	sst s4  }
0xd: {  	[smem:$0x3F92] =	sst s5  }
0xe: {  	[smem:$0x3F93] =	sst s6  }
0xf: {  	[smem:$0x3F94] =	sst s7  }
0x10: {  	[smem:$0x3F95] =	sst s8  }
0x11: {  	[smem:$0x3F96] =	sst s9;
	s0 =	simm.s32 @!p0 $0x0  }
0x12: {  	s1 =	sld [smem:$0x3F7C];
	s0 =	simm.s32 @p0 $0x1  }
0x13: {  	[smem:$0x3F97] =	sst s0;
	s0 =	simm.s32 @!p1 $0x0  }
0x14: {  	s2 =	sld [smem:$0x3F7B];
	s0 =	simm.s32 @p1 $0x1  }
0x15: {  	[smem:$0x3F98] =	sst s0;
	s0 =	simm.s32 @!p2 $0x0  }
0x16: {  	s3 =	sld [smem:$0x3FDB];
	s0 =	simm.s32 @p2 $0x1  }
0x17: {  	s4 =	simm.s32 $0x1BF5;
	[smem:$0x3F9A] =	sst s0  }
0x18: {  	s0 =	sld [smem:$0x3F7D];
	_ =	swait.ge [sflag:s4], $0x0  }
0x19: {  	s7 =	sld [smem:$0x3F7E]  }
0x1a: {  	s8 =	sadd.s32 $0xFFFFE003, lr  }
0x1b: {  	s9 =	sadd.s32 $0xFFFFFEF7, lr;
	s5 =	simm.s32 $0xFFFFFFFF;
	p2 =	slt.u32 s8, $0xFFFFF086  }
0x1c: {  	p1 =	slt.u32 s9, $0xF7A;
	s5 =	simm.s32 @!p2 $0x0  }
0x1d: {  	s5 =	simm.s32 @p1 $0x1;
	p0 =	seq.s32 s7, s2  }
0x1e: {  	s7 =	smul.u32 @!p0 $0xF7A, s2;
	p2 =	seq.s32 @!p0 s5, $0x0  }
0x1f: {  	s9 =	smul.u32 $0xF7A, s1;
	s8 =	simm.s32 @!p0 $0x1BF5;
	p2 =	por !p2, p0  }
0x20: {  	[sflag:s8] =	ssyncset.s32 @!p0 $0xFFFFF086;
	s6 =	sadd.s32 @!p0 s3, s7;
	s7 =	simm.s32 @!p0 $0x108  }
0x21: {  	s3 =	sadd.s32 s3, s9;
	s6 =	sadd.s32 @!p0 $0x88, s6;
	s7 =	simm.s32 @p2 $0x1082  }
0x22: {  	[simem:s7], [sflag:s8] =	dma.local @!p0 [hbm:s6], $0xF7A  }
0x23: {  	s9 =	sor.u32 $0xD0000000, s2;
	s6 =	simm.s32 $0x108;
	_ =	swait.ge @!p0 [sflag:s8], $0x0  }
0x24: {  	s3 =	sadd.s32 $0x88, s3;
	s6 =	simm.s32 @!p1 $0x1082;
	[sflag:s4] =	ssyncset.s32 $0xFFFFF086  }
0x25: {  	[simem:s6], [sflag:s4] =	dma.local [hbm:s3], $0xF7A  }
0x26: {  	[smem:$0x3F7E] =	sst s1;
	(tag) =	ssettag s2;
	_ =	strace s9  }
0x27: {  	s1 =	sld [smem:$0x3F8E]  }
0x28: {  	s2 =	sld [smem:$0x3F8F]  }
0x29: {  	s4 =	sld [smem:$0x3F91]  }
0x2a: {  	p0 =	seq.s32 s5, $0x0;
	s5 =	sld [smem:$0x3F92]  }
0x2b: {  	s6 =	sld [smem:$0x3F93]  }
0x2c: {  	s7 =	sld [smem:$0x3F94]  }
0x2d: {  	s3 =	simm.s32 $0x108;
	s8 =	sld [smem:$0x3F95]  }
0x2e: {  	s3 =	simm.s32 @!p0 $0x1082;
	s9 =	sld [smem:$0x3F96]  }
0x2f: {  	lr =	sadd.s32 s0, s3;
	s0 =	sld [smem:$0x3F8D]  }
0x30: {  	s3 =	sld [smem:$0x3F90]  }
0x31: {  	[smem:$0x3F99] =	sst s10  }
0x32: {  	s10 =	sld [smem:$0x3F97];
	_ =	sdelay $0x3  }
0x33: {  	p0 =	seq.s32 s10, $0x1;
	s10 =	sld [smem:$0x3F99];
	_ =	sdelay $0x3  }
0x34: {  	[smem:$0x3F99] =	sst s10  }
0x35: {  	s10 =	sld [smem:$0x3F98];
	_ =	sdelay $0x3  }
0x36: {  	p1 =	seq.s32 s10, $0x1;
	s10 =	sld [smem:$0x3F99];
	_ =	sdelay $0x3  }
0x37: {  	[smem:$0x3F99] =	sst s10  }
0x38: {  	s10 =	sld [smem:$0x3F9A]  }
0x39: {  	_ = 	snop;
	(pc) =	sbr.ind lr, $3  }
0x3a: {  	_ = 	snop  }
0x3b: {  	_ = 	snop  }
0x3c: {  	p2 =	seq.s32 s10, $0x1;
	s10 =	sld [smem:$0x3F99]  }
0x3d: {  	_ =	shalt  }
0x3e: {  	_ =	shalt  }
0x3f: {  	_ =	shalt  }
0x40: {  	_ =	shalt  }
0x41: {  	_ =	shalt  }
0x42: {  	_ =	shalt  }
0x43: {  	_ =	shalt  }
0x44: {  	_ =	shalt  }
0x45: {  	_ =	shalt  }
0x46: {  	_ =	shalt  }
0x47: {  	_ =	shalt  }
0x48: {  	_ =	shalt  }
0x49: {  	_ =	shalt  }
0x4a: {  	_ =	shalt  }
0x4b: {  	_ =	shalt  }
0x4c: {  	_ =	shalt  }
0x4d: {  	_ =	shalt  }
0x4e: {  	_ =	shalt  }
0x4f: {  	_ =	shalt  }
0x50: {  	_ =	shalt  }
0x51: {  	_ =	shalt  }
0x52: {  	_ =	shalt  }
0x53: {  	_ =	shalt  }
0x54: {  	_ =	shalt  }
0x55: {  	_ =	shalt  }
0x56: {  	_ =	shalt  }
0x57: {  	_ =	shalt  }
0x58: {  	_ =	shalt  }
0x59: {  	_ =	shalt  }
0x5a: {  	_ =	shalt  }
0x5b: {  	_ =	shalt  }
0x5c: {  	_ =	shalt  }
0x5d: {  	_ =	shalt  }
0x5e: {  	_ =	shalt  }
0x5f: {  	_ =	shalt  }
0x60: {  	_ =	shalt  }
0x61: {  	_ =	shalt  }
0x62: {  	_ =	shalt  }
0x63: {  	_ =	shalt  }
0x64: {  	_ =	shalt  }
0x65: {  	_ =	shalt  }
0x66: {  	_ =	shalt  }
0x67: {  	_ =	shalt  }
0x68: {  	_ =	shalt  }
0x69: {  	_ =	shalt  }
0x6a: {  	_ =	shalt  }
0x6b: {  	_ =	shalt  }
0x6c: {  	_ =	shalt  }
0x6d: {  	_ =	shalt  }
0x6e: {  	_ =	shalt  }
0x6f: {  	_ =	shalt  }
0x70: {  	_ =	shalt  }
0x71: {  	_ =	shalt  }
0x72: {  	_ =	shalt  }
0x73: {  	_ =	shalt  }
0x74: {  	_ =	shalt  }
0x75: {  	_ =	shalt  }
0x76: {  	_ =	shalt  }
0x77: {  	_ =	shalt  }
0x78: {  	_ =	shalt  }
0x79: {  	_ =	shalt  }
0x7a: {  	_ =	shalt  }
0x7b: {  	_ =	shalt  }
0x7c: {  	_ =	shalt  }
0x7d: {  	_ =	shalt  }
0x7e: {  	_ =	shalt  }
0x7f: {  	_ =	shalt  }
0x80: {  	_ =	shalt  }
0x81: {  	_ =	shalt  }
0x82: {  	_ =	shalt  }
0x83: {  	_ =	shalt  }
0x84: {  	_ =	shalt  }
0x85: {  	_ =	shalt  }
0x86: {  	_ =	shalt  }
0x87: {  	_ =	shalt  }
.Lfunc_end0:
.L_simem_size_0:
called_computation.7_lowered:
.L_overlay_start_0:
0x88: {  	s2 =	sld [smem:$0x3FD9]  }
0x89: {  	s3 =	sld [smem:$0x3FFE];
	_ =	sdelay $0x1  }
0x8a: {  	s1 =	srdreg.scid  }
0x8b: {  	s0 =	sand.u32 $0x1, s1  }
0x8c: {  	s15 =	sshll.u32 s0, $0xA;
	s2 =	sadd.s32 s3, s2  }
0x8d: {  	s2 =	sadd.s32 s2, s15  }
0x8e: {  	[smem:$0x3FA5] =	sst s2  }
0x8f: {  	_ = 	snop  }
0x90: {  	s2 =	sld [smem:$0x3FD0];
	_ =	sdelay $0x2  }
0x91: {  	s16 =	simm.s32 $0xB;
	s4 =	simm.s32 $0x10  }
0x92: {  	[smem:s4], [sflag:s16] =	dma.local [hbm:s2], $0x1  }
0x93: {  	_ =	swait.eq [sflag:s16], $0x1  }
0x94: {  	[sflag:s16] =	ssyncset.done $0x0  }
0x95: {  	[sflag:s16] =	ssyncadd.s32 $0xFFFFFFFF  }
0x96: {  	s17 =	sld [smem:$0x10];
	(tm) =	ssettm $0x1  }
0x97: {  	s18 =	sld [smem:$0x3FFB];
	_ =	sdelay $0x3  }
0x98: {  	_ =	strace s18  }
0x99: {  	s2 =	sld [smem:$0x3FFC];
	_ =	sdelay $0x3  }
0x9a: {  	_ =	strace s2  }
0x9b: {  	s2 =	sld [smem:$0x3FFD];
	_ =	sdelay $0x3  }
0x9c: {  	_ =	strace s2  }
0x9d: {  	_ =	strace $0x8FFFFFFF  }
0x9e: {  	s19 =	sld [smem:$0x3FDB];
	_ =	sdelay $0x1  }
0x9f: {  	s20 =	simm.s32 $_scs_section_size  }
0xa0: {  	s5 =	simm.s32 $_size__tile_overlayer_lowered;
	s6 =	simm.s32 $_tile_overlayer_lowered  }
0xa1: {  	s7 =	simm.s32 $0x1BFF;
	s21 =	sshll.u32 s6, $0x1;
	s4 =	sadd.s32 s20, s19  }
0xa2: {  	s22 =	simm.s32 $0x0;
	s5 =	sshll.u32 s5, $0x1;
	s6 =	sadd.s32 s21, s4  }
0xa3: {  	[timem:s22], [sflag:s7] =	dma.local [hbm:s6], s5  }
0xa4: {  	_ =	swait.ge [sflag:s7], s5  }
0xa5: {  	s5 =	ssub.s32 $0x0, s5;
	[sflag:s7] =	ssyncset.done $0x0  }
0xa6: {  	[sflag:s7] =	ssyncadd.s32 s5;
	_ =	sdelay $0x1  }
0xa7: {  	s23 =	simm.s32 $0x1B8B  }
0xa8: {  	_ =	swait.ge [sflag:s23], $0x1  }
0xa9: {  	[sflag:s23] =	ssyncset.done $0x0  }
0xaa: {  	[sflag:s23] =	ssyncadd.s32 $0xFFFFFFFF  }
0xab: {  	s5 =	sld [smem:$0x0]  }
0xac: {  	s6 =	sand.u32 $0xFFFFFFFE, s1  }
0xad: {  	p0 =	sne.s32 s1, s6  }
0xae: {  	s6 =	sshll.u32 @p0 s6, $0xE  }
0xaf: {  	s6 =	sadd.s32 @p0 $0x11B8D, s6;
	s7 =	sshll.u32 @p0 s5, $0x11  }
0xb0: {  	s6 =	sor.u32 @p0 s7, s6  }
0xb1: {  	[sflag:s6] =	ssyncadd.remote.s32 @p0 $0x1;
	_ =	sdelay $0x1  }
0xb2: {  	s6 =	simm.s32 @p0 $0x1B8D  }
0xb3: {  	_ =	swait.eq @p0 [sflag:s6], $0x1  }
0xb4: {  	[sflag:s6] =	ssyncadd.s32 @p0 $0xFFFFFFFF  }
0xb5: {  	s7 =	sshll.u32 @!p0 s1, $0xE  }
0xb6: {  	s7 =	sor.u32 @!p0 $0x4000, s7;
	s6 =	simm.s32 @!p0 $0x1B8D  }
0xb7: {  	s5 =	sshll.u32 @!p0 s5, $0x11;
	s7 =	sadd.s32 @!p0 $0x11B8D, s7;
	_ =	swait.eq @!p0 [sflag:s6], $0x1  }
0xb8: {  	s5 =	sor.u32 @!p0 s5, s7;
	[sflag:s6] =	ssyncadd.s32 @!p0 $0xFFFFFFFF  }
0xb9: {  	s25 =	simm.s32 $0x1B8E;
	s24 =	sld [smem:$0x3FFE];
	[sflag:s5] =	ssyncadd.remote.s32 @!p0 $0x1  }
0xba: {  	s26 =	simm.s32 $execute0_lowered;
	[smem:$0x3FD2] =	sst s25  }
0xbb: {  	s6 =	sshll.u32 s26, $0x1;
	_ =	strace $0x8000005B;
	[dreg:$0x1] =	wrdreg $0xFFFFFFFF  }
0xbc: {  	s28 =	simm.s32 $_size_execute0_lowered;
	s4 =	sadd.s32 s4, s6;
	[dreg:$0x0] =	wrdreg $0x0  }
0xbd: {  	s6 =	sshll.u32 s28, $0x1;
	[dreg:$0x2] =	wrdreg s4  }
0xbe: {  	[dreg:$0x3] =	wrdreg s6  }
0xbf: {  	[dreg:$0x4] =	wrdreg $0xC0  }
0xc0: {  	_ =	task [dreg:s22], $0x5FFFF  }
0xc1: {  	[dreg:$0x1] =	wrdreg $0xFFFFFFFF  }
0xc2: {  	[dreg:$0x0] =	wrdreg $0x60  }
0xc3: {  	[dreg:$0x2] =	wrdreg s24  }
0xc4: {  	[dreg:$0x3] =	wrdreg s17  }
0xc5: {  	[dreg:$0x4] =	wrdreg $0x66000  }
0xc6: {  	[dreg:$0x5] =	wrdreg $0xA  }
0xc7: {  	_ =	task.clear_ibuf [dreg:s22], $0x6FFFF;
	_ =	strace $0x9000005B  }
0xc8: {  	s29 =	simm.s32 $0xA;
	_ =	strace $0x8000005D  }
0xc9: {  	_ =	swait.ge [sflag:s29], $0x1  }
0xca: {  	[sflag:s29] =	ssyncadd.s32 $0xFFFFFFFF  }
0xcb: {  	_ =	strace $0x9000005D  }
0xcc: {  	_ =	sfence  }
0xcd: {  	s30 =	sld [smem:$0x0];
	_ =	sdelay $0x2  }
0xce: {  	s31 =	sshll.u32 s1, $0xD;
	s1 =	sshrl.u32 s1, $0x2  }
0xcf: {  	s4 =	sand.u32 $0x4000, s31;
	s1 =	sadd.s32 s1, s30  }
0xd0: {  	s0 =	sor.u32 s4, s0;
	s1 =	sshll.u32 s1, $0x11  }
0xd1: {  	s0 =	sor.u32 s1, s0  }
0xd2: {  	s0 =	sadd.s32 $0x8F2B, s0  }
0xd3: {  	[sflag:s0] =	ssyncadd.remote.s32 $0x1  }
0xd4: {  	_ =	sfence.sel $0xFFFF  }
0xd5: {  	[dreg:$0x0] =	wrdreg $0xFFFFFFFF;
	(pc) =	sbr.abs _section_cstart, $3  }
0xd6: {  	[dreg:$0x1] =	wrdreg $0xFFFFFFFF  }
0xd7: {  	_ =	task.clear_ibuf [dreg:s22], $0x2FFFF;
	_ =	strace $0x9FFFFFFF  }
0xd8: {  	(tm) =	ssettm $0x7FFFFFFF  }
0xd9: {  	_ =	shalt  }
tec
execute0_lowered:
.L_overlay_start_1:
0x0: {  	(tag) =	ssettag $0x1  }
0x1: {  	s5 =	rddreg [dreg:$0x0];
	s0 =	stileid.u32  }
0x2: {  	s7 =	rddreg [dreg:$0x1];
	s8 =	smul.u32 $0x14000, s0  }
0x3: {  	s1 =	srdreg.scid;
	s15 =	smul.u32 $0x50000, s0  }
0x4: {  	s2 =	rddreg [dreg:$0x2];
	s3 =	simm.s32 $0x0;
	s28 =	smul.u32 $0x2710, s0  }
0x5: {  	s12 =	sand.u32 $0x1, s1;
	s1 =	rddreg [dreg:$0x3];
	s29 =	smul.u32 $0x27100, s0  }
0x6: {  	[smem:$0x7FF] =	sst s3;
	s6 =	sshll.u32 s0, $0x1;
	s4 =	smul.u32 $0x140000, s12  }
0x7: {  	s13 =	sadd.s32 $0x5A7C00, s5;
	s26 =	sshll.u32 s0, $0x6;
	s17 =	smul.u32 $0x1388, s12  }
0x8: {  	s9 =	sor.u32 s12, s6;
	s20 =	ssub.s32 $0x2, s12;
	s18 =	smul.u32 $0x13880, s12  }
0x9: {  	_ =	strace $0x8000005C;
	s10 =	smul.u32 $0x1388, s9;
	s21 =	sshrl.u32 s20, $0x1  }
0xa: {  	s24 =	sshrl.u32 s15, $0x2;
	s25 =	smul.u32 $0x13880, s9;
	s30 =	sadd.s32 s29, s13  }
0xb: {  	s4 =	sadd.s32 s8, s4;
	s16 =	ssub.s32 s20, s21;
	s8 =	sshrl.u32 s8, $0x3  }
0xc: {  	s17 =	sadd.s32 s17, s28;
	s15 =	sadd.s32 s18, s30;
	s18 =	simm.s32 $0x100  }
0xd: {  	s20 =	simm.s32 $0x3;
	s21 =	simm.s32 $0x200;
	s19 =	sshrl.u32 s4, $0x3  }
0xe: {  	s4 =	sadd.s32 $0x8E00, s5;
	s14 =	sadd.s32 $0xC8, s10;
	s22 =	sshrl.u32 s10, $0x3  }
0xf: {  	s7 =	sadd.s32 s7, s8;
	s8 =	sor.u32 $0x1C03, s26;
	s10 =	smax.u32 s16, $0x1  }
0x10: {  	s31 =	sadd.s32 $0x258, s17;
	s15 =	sadd.s32 $0xC80, s15;
	s17 =	sadd.s32 $0x190, s17  }
0x11: {  	s11 =	sadd.s32 s19, s5;
	s23 =	sshrl.u32 s14, $0x3;
	s5 =	sadd.s32 s4, s22  }
0x12: {  	s19 =	sadd.s32 s24, s2;
	s14 =	sadd.s32 s13, s25;
	s16 =	sshrl.u32 s31, $0x3  }
0x13: {  	s22 =	simm.s32 $0x1;
	s24 =	simm.s32 $0x2;
	s25 =	simm.s32 $0x0  }
0x14: {  	s6 =	sadd.s32 s4, s23;
	s9 =	sadd.s32 $0x288C00, s11;
	s11 =	sadd.s32 $0x12C00, s14  }
0x15: {  	s12 =	sadd.s32 $0x11300, s14;
	s13 =	sadd.s32 $0x258, s5;
	s14 =	sadd.s32 $0x11F80, s14  }
0x16: {  	s16 =	sadd.s32 s16, s4;
	s19 =	sshrl.u32 s19, $0x3;
	s23 =	simm.s32 $0xC8  }
.LBB2_1:
0x17: {  	[tilespmem:s3], [sflag:$0x1] =	stream.linear.gather [hbm4b:s5+s3], $0xC8, $0x38;
	[tilespmem:$0x1A600] =	vst v63  }
0x18: {  	_ = 	snop  }
0x19: {  	[tilespmem:s18], [sflag:$0x2] =	stream.linear.gather [hbm4b:s6+s3], $0xC8, $0x38;
	[tilespmem:$0x1A600] =	vst v63  }
0x1a: {  	[spmem:s19], [sflag:s8] =	dma.local [hbm:s7], $0x2800  }
0x1b: {  	_ =	swait.ge [sflag:s20], $0x2800  }
0x1c: {  	[sflag:s20] =	ssyncset.done $0x0  }
0x1d: {  	[sflag:s20] =	ssyncadd.s32 $0xFFFFD800  }
0x1e: {  	s26 =	sadd.s32 $0xFFFFF380, s15;
	[bflag:$0x0] =	sbarrier.arrive $0xFFFF  }
0x1f: {  	[tilespmem:s21], [sflag:$0x3] =	stream.linear.gather [hbm4b:s26+s3], $0x6400, $0x38;
	[tilespmem:$0x1A600] =	vst v63  }
0x20: {  	_ =	swait.ge [sflag:s20], $0x6400  }
0x21: {  	[sflag:s20] =	ssyncset.done $0x0  }
0x22: {  	[sflag:s20] =	ssyncadd.s32 $0xFFFF9C00  }
0x23: {  	_ =	swait.ge [sflag:s22], $0xC8  }
0x24: {  	[sflag:s22] =	ssyncset.done $0x0  }
0x25: {  	[sflag:s22] =	ssyncadd.s32 $0xFFFFFF38  }
0x26: {  	[spmem:s2] =	stream.indirect.scatter.add.f32 [tilespmem:s21], [sflag:$0x3], $0x80, s3, s23, $0xb8;
	[tilespmem:$0x1A600] =	vst v63  }
0x27: {  	_ =	swait.ge [sflag:s20], $0x6400  }
0x28: {  	s31 =	sshrl.u32 s17, $0x3;
	[sflag:s20] =	ssyncset.done $0x0  }
0x29: {  	s26 =	sadd.s32 s4, s31;
	[sflag:s20] =	ssyncadd.s32 $0xFFFF9C00  }
0x2a: {  	[tilespmem:s3], [sflag:$0x1] =	stream.linear.gather [hbm4b:s26+s3], $0xC8, $0x38;
	[tilespmem:$0x1A600] =	vst v63  }
0x2b: {  	_ = 	snop  }
0x2c: {  	[tilespmem:s21], [sflag:$0x3] =	stream.linear.gather [hbm4b:s15+s3], $0x6400, $0x38;
	[tilespmem:$0x1A600] =	vst v63  }
0x2d: {  	_ =	swait.ge [sflag:s20], $0x6400  }
0x2e: {  	[sflag:s20] =	ssyncset.done $0x0  }
0x2f: {  	[sflag:s20] =	ssyncadd.s32 $0xFFFF9C00  }
0x30: {  	_ =	swait.ge [sflag:s24], $0xC8  }
0x31: {  	[sflag:s24] =	ssyncset.done $0x0  }
0x32: {  	[sflag:s24] =	ssyncadd.s32 $0xFFFFFF38  }
0x33: {  	[spmem:s2] =	stream.indirect.scatter.add.f32 [tilespmem:s21], [sflag:$0x3], $0x80, s18, s23, $0xb8;
	[tilespmem:$0x1A600] =	vst v63  }
0x34: {  	_ =	swait.ge [sflag:s20], $0x6400  }
0x35: {  	s28 =	sadd.s32 $0x190, s17;
	s30 =	sadd.s32 $0x0, s16;
	[sflag:s20] =	ssyncset.done $0x0  }
0x36: {  	s29 =	sadd.s32 $0x1900, s15;
	s26 =	simm.s32 $0x32;
	[sflag:s20] =	ssyncadd.s32 $0xFFFF9C00  }
.LBB2_2:
0x37: {  	[tilespmem:s18], [sflag:$0x2] =	stream.linear.gather [hbm4b:s30+s3], $0xC8, $0x38;
	[tilespmem:$0x1A600] =	vst v63  }
0x38: {  	s30 =	smov.u32 s26  }
0x39: {  	s31 =	sadd.s32 $0xFFFFF380, s29;
	p0 =	sne.s32 s26, $0x1F4;
	s26 =	sadd.s32 $0x32, s26  }
0x3a: {  	[tilespmem:s21], [sflag:$0x3] =	stream.linear.gather [hbm4b:s31+s3], $0x6400, $0x38;
	[tilespmem:$0x1A600] =	vst v63  }
0x3b: {  	_ =	swait.ge [sflag:s20], $0x6400  }
0x3c: {  	[sflag:s20] =	ssyncset.done $0x0  }
0x3d: {  	[sflag:s20] =	ssyncadd.s32 $0xFFFF9C00  }
0x3e: {  	_ =	swait.ge [sflag:s22], $0xC8  }
0x3f: {  	[sflag:s22] =	ssyncset.done $0x0  }
0x40: {  	[sflag:s22] =	ssyncadd.s32 $0xFFFFFF38  }
0x41: {  	[spmem:s2] =	stream.indirect.scatter.add.f32 [tilespmem:s21], [sflag:$0x3], $0x80, s3, s23, $0xb8;
	[tilespmem:$0x1A600] =	vst v63  }
0x42: {  	_ =	swait.ge [sflag:s20], $0x6400  }
0x43: {  	s31 =	sshrl.u32 s28, $0x3;
	[sflag:s20] =	ssyncset.done $0x0  }
0x44: {  	s31 =	sadd.s32 s4, s31;
	[sflag:s20] =	ssyncadd.s32 $0xFFFF9C00  }
0x45: {  	[tilespmem:s3], [sflag:$0x1] =	stream.linear.gather [hbm4b:s31+s3], $0xC8, $0x38;
	[tilespmem:$0x1A600] =	vst v63  }
0x46: {  	_ = 	snop  }
0x47: {  	[tilespmem:s21], [sflag:$0x3] =	stream.linear.gather [hbm4b:s29+s3], $0x6400, $0x38;
	[tilespmem:$0x1A600] =	vst v63  }
0x48: {  	_ =	swait.ge [sflag:s20], $0x6400  }
0x49: {  	[sflag:s20] =	ssyncset.done $0x0  }
0x4a: {  	[sflag:s20] =	ssyncadd.s32 $0xFFFF9C00  }
0x4b: {  	_ =	swait.ge [sflag:s24], $0xC8  }
0x4c: {  	[sflag:s24] =	ssyncset.done $0x0  }
.Ltmp0:
0x4d: {  	[sflag:s24] =	ssyncadd.s32 $0xFFFFFF38;
	(pc) =	sbr.rel @p0 .LBB2_2-.Ltmp0, $4  }
0x4e: {  	[spmem:s2] =	stream.indirect.scatter.add.f32 [tilespmem:s21], [sflag:$0x3], $0x80, s18, s23, $0xb8;
	[tilespmem:$0x1A600] =	vst v63  }
0x4f: {  	_ =	swait.ge [sflag:s20], $0x6400  }
0x50: {  	s28 =	sadd.s32 $0x190, s28;
	[sflag:s20] =	ssyncset.done $0x0  }
0x51: {  	s30 =	sadd.s32 s30, s16;
	s29 =	sadd.s32 $0x1900, s29;
	[sflag:s20] =	ssyncadd.s32 $0xFFFF9C00  }
0x52: {  	[tilespmem:s18], [sflag:$0x2] =	stream.linear.gather [hbm4b:s30+s3], $0xC8, $0x38;
	[tilespmem:$0x1A600] =	vst v63  }
0x53: {  	_ = 	snop  }
0x54: {  	[tilespmem:s21], [sflag:$0x3] =	stream.linear.gather [hbm4b:s12+s3], $0x6400, $0x38;
	[tilespmem:$0x1A600] =	vst v63  }
0x55: {  	_ =	swait.ge [sflag:s20], $0x6400  }
0x56: {  	[sflag:s20] =	ssyncset.done $0x0  }
0x57: {  	[sflag:s20] =	ssyncadd.s32 $0xFFFF9C00  }
0x58: {  	_ =	swait.ge [sflag:s22], $0xC8  }
0x59: {  	[sflag:s22] =	ssyncset.done $0x0  }
0x5a: {  	[sflag:s22] =	ssyncadd.s32 $0xFFFFFF38  }
0x5b: {  	[spmem:s2] =	stream.indirect.scatter.add.f32 [tilespmem:s21], [sflag:$0x3], $0x80, s3, s23, $0xb8;
	[tilespmem:$0x1A600] =	vst v63  }
0x5c: {  	_ =	swait.ge [sflag:s20], $0x6400  }
0x5d: {  	[sflag:s20] =	ssyncset.done $0x0  }
0x5e: {  	[sflag:s20] =	ssyncadd.s32 $0xFFFF9C00  }
0x5f: {  	[tilespmem:s3], [sflag:$0x1] =	stream.linear.gather [hbm4b:s13+s3], $0xC8, $0x38;
	[tilespmem:$0x1A600] =	vst v63  }
0x60: {  	_ = 	snop  }
0x61: {  	[tilespmem:s21], [sflag:$0x3] =	stream.linear.gather [hbm4b:s14+s3], $0x6400, $0x38;
	[tilespmem:$0x1A600] =	vst v63  }
0x62: {  	_ =	swait.ge [sflag:s20], $0x6400  }
0x63: {  	[sflag:s20] =	ssyncset.done $0x0  }
0x64: {  	[sflag:s20] =	ssyncadd.s32 $0xFFFF9C00  }
0x65: {  	_ =	swait.ge [sflag:s24], $0xC8  }
0x66: {  	[sflag:s24] =	ssyncset.done $0x0  }
0x67: {  	[sflag:s24] =	ssyncadd.s32 $0xFFFFFF38  }
0x68: {  	[spmem:s2] =	stream.indirect.scatter.add.f32 [tilespmem:s21], [sflag:$0x3], $0x80, s18, s23, $0xb8;
	[tilespmem:$0x1A600] =	vst v63  }
0x69: {  	_ =	swait.ge [sflag:s20], $0x6400  }
0x6a: {  	[sflag:s20] =	ssyncset.done $0x0  }
0x6b: {  	[sflag:s20] =	ssyncadd.s32 $0xFFFF9C00  }
0x6c: {  	[tilespmem:s21], [sflag:$0x3] =	stream.linear.gather [hbm4b:s11+s3], $0x6400, $0x38;
	[tilespmem:$0x1A600] =	vst v63  }
0x6d: {  	_ =	swait.ge [sflag:s20], $0x6400  }
0x6e: {  	[sflag:s20] =	ssyncset.done $0x0  }
0x6f: {  	[sflag:s20] =	ssyncadd.s32 $0xFFFF9C00  }
0x70: {  	_ =	swait.ge [sflag:s22], $0xC8  }
0x71: {  	[sflag:s22] =	ssyncset.done $0x0  }
0x72: {  	[sflag:s22] =	ssyncadd.s32 $0xFFFFFF38  }
0x73: {  	[spmem:s2] =	stream.indirect.scatter.add.f32 [tilespmem:s21], [sflag:$0x3], $0x80, s3, s23, $0xb8;
	[tilespmem:$0x1A600] =	vst v63  }
0x74: {  	_ =	swait.ge [sflag:s20], $0x6400  }
0x75: {  	s25 =	sadd.s32 $0x1, s25;
	[sflag:s20] =	ssyncset.done $0x0  }
0x76: {  	p0 =	sne.s32 s25, s10;
	[sflag:s20] =	ssyncadd.s32 $0xFFFF9C00  }
.Ltmp1:
0x77: {  	[bflag:$0x0] =	sbarrier.arrive $0xFFFF;
	(pc) =	sbr.rel @p0 .LBB2_1-.Ltmp1, $4  }
0x78: {  	[hbm:s9], [sflag:s8] =	dma.local [spmem:s19], $0x2800  }
0x79: {  	_ =	swait.ge [sflag:s20], $0x2800  }
0x7a: {  	[sflag:s20] =	ssyncset.done $0x0  }
0x7b: {  	[sflag:s20] =	ssyncadd.s32 $0xFFFFD800  }
0x7c: {  	_ =	sfence.sel $0x180000  }
0x7d: {  	[bflag:$0x0] =	sbarrier.arrive $0xFFFF  }
0x7e: {  	p0 =	sne.s32 s0, $0x0;
	_ =	strace $0x9000005C  }
0x7f: {  	s0 =	sadd.s32 @!p0 $0x100000, s1;
	[bflag:$0x2] =	sbarrier.arrive $0xFFFF  }
0x80: {  	[sflag:s0] =	ssyncadd.tile.s32 @!p0 $0x1;
	_ =	shalt  }
.Lfunc_end2:
_tile_overlayer_lowered:
.L_overlay_start_2:
0x81: {  	(tag) =	ssettag $0x2  }
0x82: {  	s0 =	rddreg [dreg:$0x0];
	s2 =	stileid.u32  }
0x83: {  	s1 =	rddreg [dreg:$0x1];
	p0 =	sne.s32 s2, $0x0  }
0x84: {  	s3 =	rddreg [dreg:$0x2];
	[bflag:$0x3] =	sbarrier.arrive $0xFFFF;
	s2 =	simm.s32 @!p0 $0x1C03  }
0x85: {  	[timem:s3], [sflag:s2] =	dma.local @!p0 [hbm:s0], s1  }
0x86: {  	s0 =	simm.s32 @!p0 $0x3  }
0x87: {  	_ =	swait.ge @!p0 [sflag:s0], s1  }
0x88: {  	s1 =	ssub.s32 @!p0 $0x0, s1;
	[sflag:s0] =	ssyncset.done @!p0 $0x0  }
0x89: {  	[sflag:s0] =	ssyncadd.s32 @!p0 s1  }
0x8a: {  	[bflag:$0x3] =	sbarrier.arrive $0xFFFF  }
0x8b: {  	_ =	shalt  }

</sc_bundles>
